<compile_context>
chip_gen: v7x
topology: tpu7x:2x2x1
jax: 0.10.2.dev20260603
libtpu: 0.0.44.dev20260713+nightly
codegen_flags: <defaults>
</compile_context>

<pallas_src>
import jax
import jax.numpy as jnp
from jax import lax
from jax.experimental import pallas as pl
from jax.experimental.pallas import tpu as pltpu
from jax.experimental.pallas import tpu_sc as plsc

D_MODEL = 768
D_SPARSE = 24576
TOPK = 64
N_TOKENS = 1024

ENC_BN = 2048
DEC_BK = 2048

NC, NS, L = 2, 16, 16
NW = NC * NS
GROUPS = N_TOKENS // L
GPW = GROUPS // NW
CH = 512
NCHUNK = D_SPARSE // CH
NB1 = 2048
CAP = 1024



def _encode_body(x_ref, w_ref, b_ref, out_ref):
    acc = jax.lax.dot_general(
        x_ref[...], w_ref[...],
        dimension_numbers=(((1,), (1,)), ((), ())),
        preferred_element_type=jnp.float32,
    )
    out_ref[...] = jnp.maximum(acc + b_ref[...], 0.0) + 0.0


def _encode(x_cent, W_enc, b_enc):
    grid = (D_SPARSE // ENC_BN,)
    return pl.pallas_call(
        _encode_body,
        grid=grid,
        in_specs=[
            pl.BlockSpec((N_TOKENS, D_MODEL), lambda n: (0, 0)),
            pl.BlockSpec((ENC_BN, D_MODEL), lambda n: (n, 0)),
            pl.BlockSpec((1, ENC_BN), lambda n: (0, n)),
        ],
        out_specs=pl.BlockSpec((N_TOKENS, ENC_BN), lambda n: (0, n)),
        out_shape=jax.ShapeDtypeStruct((N_TOKENS, D_SPARSE), jnp.float32),
    )(x_cent, W_enc, b_enc.reshape(1, D_SPARSE))


def _decode_body(z_ref, w_ref, b_ref, out_ref):
    k = pl.program_id(0)

    @pl.when(k == 0)
    def _init():
        out_ref[...] = jnp.broadcast_to(b_ref[...], out_ref.shape)

    out_ref[...] += jax.lax.dot_general(
        z_ref[...], w_ref[...],
        dimension_numbers=(((1,), (1,)), ((), ())),
        preferred_element_type=jnp.float32,
    )


def _decode(z, W_dec, b_dec):
    grid = (D_SPARSE // DEC_BK,)
    return pl.pallas_call(
        _decode_body,
        grid=grid,
        in_specs=[
            pl.BlockSpec((N_TOKENS, DEC_BK), lambda k: (0, k)),
            pl.BlockSpec((D_MODEL, DEC_BK), lambda k: (0, k)),
            pl.BlockSpec((1, D_MODEL), lambda k: (0, 0)),
        ],
        out_specs=pl.BlockSpec((N_TOKENS, D_MODEL), lambda k: (0, 0)),
        out_shape=jax.ShapeDtypeStruct((N_TOKENS, D_MODEL), jnp.float32),
    )(z, W_dec, b_dec.reshape(1, D_MODEL))



def _lane():
    return lax.broadcasted_iota(jnp.int32, (L,), 0)


def _suffix_find(hist_ref, nbins, needed):

    def body(i, carry):
        acc, bsel, above, found = carry
        b = nbins - 1 - i
        c = hist_ref[pl.ds(b * L, L)]
        acc2 = acc + c
        crossed = jnp.logical_and(jnp.logical_not(found), acc2 >= needed)
        bsel = jnp.where(crossed, b, bsel)
        above = jnp.where(crossed, acc, above)
        found = jnp.logical_or(found, crossed)
        return acc2, bsel, above, found

    zeros = jnp.zeros((L,), jnp.int32)
    _, bsel, above, _ = lax.fori_loop(
        0, nbins, body, (zeros, zeros, zeros, jnp.zeros((L,), jnp.bool_)))
    return bsel, above


def _sc_body(f3, z, hist, h2, buf0, buf1, tbuf, cval, cidx, oval, oidx, zbuf,
             sem0, sem1):
    wid = lax.axis_index("s") * NC + lax.axis_index("c")
    lane = _lane()
    ones = jnp.ones((L,), jnp.int32)
    zeros_f = jnp.zeros((L,), jnp.float32)

    def zb(i, _):
        zbuf[pl.ds(i * L, L)] = zeros_f
        return 0
    lax.fori_loop(0, D_SPARSE // L, zb, 0)

    def do_group(g2, _):
        g = wid * GPW + g2

        def hz(i, _):
            hist[pl.ds(i * L, L)] = jnp.zeros((L,), jnp.int32)
            return 0
        lax.fori_loop(0, NB1, hz, 0)

        def oz(i, _):
            oval[pl.ds(i * L, L)] = jnp.zeros((L,), jnp.float32)
            oidx[pl.ds(i * L, L)] = jnp.zeros((L,), jnp.int32)
            return 0
        lax.fori_loop(0, TOPK, oz, 0)

        def stream_pass(process, carry0):
            pltpu.make_async_copy(
                f3.at[g, :, pl.ds(0 * CH, CH)], buf0, sem0).start()
            pltpu.make_async_copy(
                f3.at[g, :, pl.ds(1 * CH, CH)], buf1, sem1).start()

            def chunk(buf, sem, c, carry):
                pltpu.make_async_copy(
                    f3.at[g, :, pl.ds(c * CH, CH)], buf, sem).wait()

                def jb_body(jb, carry):
                    for t in range(L):
                        v = buf[t, pl.ds(jb * L, L)]
                        plsc.store_scatter(tbuf, [lane * L + t], v)
                    for q in range(L):
                        w = tbuf[pl.ds(q * L, L)]
                        carry = process(w, c * CH + jb * L + q, carry)
                    return carry

                carry = lax.fori_loop(0, CH // L, jb_body, carry)

                @pl.when(c + 2 < NCHUNK)
                def _():
                    pltpu.make_async_copy(
                        f3.at[g, :, pl.ds((c + 2) * CH, CH)], buf, sem
                    ).start()

                return carry

            def body(i, carry):
                carry = chunk(buf0, sem0, 2 * i, carry)
                carry = chunk(buf1, sem1, 2 * i + 1, carry)
                return carry

            return lax.fori_loop(0, NCHUNK // 2, body, carry0)

        def hist_elem(w, gi, carry):
            u = lax.bitcast_convert_type(w, jnp.uint32)
            d = lax.convert_element_type(
                lax.shift_right_logical(u, jnp.uint32(21)), jnp.int32)
            plsc.addupdate_scatter(hist, [d * L + lane], ones)
            return carry

        stream_pass(hist_elem, 0)

        needed64 = jnp.full((L,), TOPK, jnp.int32)
        bsel, above1 = _suffix_find(hist, NB1, needed64)

        def compact_elem(w, gi, cnt):
            u = lax.bitcast_convert_type(w, jnp.uint32)
            d = lax.convert_element_type(
                lax.shift_right_logical(u, jnp.uint32(21)), jnp.int32)
            m = jnp.logical_and(d >= bsel, cnt < CAP)
            addr = cnt * L + lane
            plsc.store_scatter(cval, [addr], w, mask=m)
            plsc.store_scatter(cidx, [addr], jnp.full((L,), 0, jnp.int32) + gi,
                               mask=m)
            return cnt + m.astype(jnp.int32)

        ncand = stream_pass(compact_elem, jnp.zeros((L,), jnp.int32))
        maxc = jnp.minimum(lax.reduce_max(ncand, axes=(0,)), CAP)

        needed = needed64 - above1
        tpfx = bsel

        def refine(tpfx, needed, hi_shift, shift, nbins):
            def hz2(i, _):
                h2[pl.ds(i * L, L)] = jnp.zeros((L,), jnp.int32)
                return 0
            lax.fori_loop(0, nbins, hz2, 0)

            def hbody(p, _):
                v = cval[pl.ds(p * L, L)]
                u = lax.bitcast_convert_type(v, jnp.uint32)
                valid = p < ncand
                hi = lax.convert_element_type(
                    lax.shift_right_logical(u, jnp.uint32(hi_shift)),
                    jnp.int32)
                match = jnp.logical_and(hi == tpfx, valid)
                d = lax.convert_element_type(
                    lax.shift_right_logical(u, jnp.uint32(shift)), jnp.int32
                ) & (nbins - 1)
                plsc.addupdate_scatter(h2, [d * L + lane], ones, mask=match)
                return 0
            lax.fori_loop(0, maxc, hbody, 0)

            b2, above = _suffix_find(h2, nbins, needed)
            return (tpfx * nbins + b2), needed - above

        tpfx, needed = refine(tpfx, needed, 21, 13, 256)
        tpfx, needed = refine(tpfx, needed, 13, 5, 256)
        tpfx, needed = refine(tpfx, needed, 5, 0, 32)
        tbits = lax.convert_element_type(tpfx, jnp.uint32)

        def sel_body(p, carry):
            cnt_out, cnt_eq = carry
            v = cval[pl.ds(p * L, L)]
            iv = cidx[pl.ds(p * L, L)]
            u = lax.bitcast_convert_type(v, jnp.uint32)
            valid = p < ncand
            m_gt = jnp.logical_and(u > tbits, valid)
            m_eq = jnp.logical_and(
                jnp.logical_and(u == tbits, valid), cnt_eq < needed)
            m = jnp.logical_and(jnp.logical_or(m_gt, m_eq), cnt_out < TOPK)
            addr = cnt_out * L + lane
            plsc.store_scatter(oval, [addr], v, mask=m)
            plsc.store_scatter(oidx, [addr], iv, mask=m)
            return (cnt_out + m.astype(jnp.int32),
                    cnt_eq + m_eq.astype(jnp.int32))

        lax.fori_loop(0, maxc, sel_body,
                      (jnp.zeros((L,), jnp.int32), jnp.zeros((L,), jnp.int32)))

        def zrow(r, _):
            for kk in range(TOPK // L):
                addr = (kk * L + lane) * L + r
                vals = plsc.load_gather(oval, [addr])
                idxs = plsc.load_gather(oidx, [addr])
                idxs = jnp.clip(idxs, 0, D_SPARSE - 1)
                plsc.store_scatter(zbuf, [idxs], vals)
            tok = g * L + r
            pltpu.sync_copy(zbuf, z.at[pl.ds(tok * D_SPARSE, D_SPARSE)])
            for kk in range(TOPK // L):
                addr = (kk * L + lane) * L + r
                idxs = plsc.load_gather(oidx, [addr])
                idxs = jnp.clip(idxs, 0, D_SPARSE - 1)
                plsc.store_scatter(zbuf, [idxs], zeros_f)
            return 0

        lax.fori_loop(0, L, zrow, 0)
        return 0

    lax.fori_loop(0, GPW, do_group, 0)


def _sc_topk_z(f3):
    mesh = plsc.VectorSubcoreMesh(core_axis_name="c", subcore_axis_name="s",
                                  num_cores=NC, num_subcores=NS)
    return pl.kernel(
        _sc_body,
        out_type=jax.ShapeDtypeStruct((N_TOKENS * D_SPARSE,), jnp.float32),
        mesh=mesh,
        compiler_params=pltpu.CompilerParams(needs_layout_passes=False),
        scratch_types=[
            pltpu.VMEM((NB1 * L,), jnp.int32),
            pltpu.VMEM((256 * L,), jnp.int32),
            pltpu.VMEM((L, CH), jnp.float32),
            pltpu.VMEM((L, CH), jnp.float32),
            pltpu.VMEM((L * L,), jnp.float32),
            pltpu.VMEM((CAP * L,), jnp.float32),
            pltpu.VMEM((CAP * L,), jnp.int32),
            pltpu.VMEM((TOPK * L,), jnp.float32),
            pltpu.VMEM((TOPK * L,), jnp.int32),
            pltpu.VMEM((D_SPARSE,), jnp.float32),
            pltpu.SemaphoreType.DMA,
            pltpu.SemaphoreType.DMA,
        ],
    )(f3)



def kernel(x, W_enc, b_enc, W_dec, b_dec):
    x_cent = x - b_dec
    f = _encode(x_cent, W_enc, b_enc)
    f3 = f.reshape(GROUPS, L, D_SPARSE)
    z = _sc_topk_z(f3).reshape(N_TOKENS, D_SPARSE)
    x_hat = _decode(z, W_dec, b_dec)
    return (x_hat, z)

# --- scband reference (transcript-rebuilt; emitter-appended) ---
"""Pipeline reference for scband-top-ksae-53403623359039 (READ-ONLY COPY).

The authoritative reference and input builder live on the scoring server;
editing this copy changes nothing except your own understanding.
"""

import jax, jax.numpy as jnp
import numpy as np

D_MODEL = 768
D_SPARSE = 24576
K = 64
N_TOKENS = 1024


def setup_inputs(seed: int = 0) -> dict:
    key = jax.random.key(seed)
    k_x, k_we, k_be, k_wd = jax.random.split(key, 4)
    x = jax.random.normal(k_x, (N_TOKENS, D_MODEL), dtype=jnp.float32)
    # encoder: nn.Linear(d_model, d_sparse) -> weight [d_sparse, d_model], bias zeros
    bound_e = 1.0 / np.sqrt(D_MODEL)
    W_enc = jax.random.uniform(k_we, (D_SPARSE, D_MODEL), dtype=jnp.float32, minval=-bound_e, maxval=bound_e)
    b_enc = jnp.zeros((D_SPARSE,), dtype=jnp.float32)
    # decoder: nn.Linear(d_sparse, d_model, bias=False) -> weight [d_model, d_sparse], kaiming uniform
    gain = np.sqrt(2.0 / (1.0 + np.sqrt(5.0) ** 2))
    bound_d = np.sqrt(3.0) * gain / np.sqrt(D_SPARSE)
    W_dec = jax.random.uniform(k_wd, (D_MODEL, D_SPARSE), dtype=jnp.float32, minval=-bound_d, maxval=bound_d)
    b_dec = jnp.zeros((D_MODEL,), dtype=jnp.float32)
    return {"x": x, "W_enc": W_enc, "b_enc": b_enc, "W_dec": W_dec, "b_dec": b_dec}


def reference(x, W_enc, b_enc, W_dec, b_dec):
    x_cent = x - b_dec
    f = jax.nn.relu(x_cent @ W_enc.T + b_enc)
    topk_values, topk_indices = jax.lax.top_k(f, K)
    rows = jnp.arange(f.shape[0])[:, None]
    z = jnp.zeros_like(f).at[rows, topk_indices].set(topk_values)
    x_hat = z @ W_dec.T + b_dec
    return (x_hat, z)

if __name__ == "__main__":
    import jax
    _d = setup_inputs()
    print(jax.jit(kernel)(*tuple(_d.values())))

</pallas_src>

<mosaic_0001>
#map = affine_map<(d0, d1) -> (0, 0, 0)>
#map1 = affine_map<(d0, d1) -> (0)>
module attributes {stable_mosaic.version = 14 : i64} {
  func.func @_sc_body(%arg0: i32, %arg1: i32, %arg2: memref<64x16x24576xf32, #tpu.memory_space<hbm>>, %arg3: memref<25165824xf32, #tpu.memory_space<hbm>>, %arg4: memref<32768xi32, #tpu.memory_space<vmem>>, %arg5: memref<4096xi32, #tpu.memory_space<vmem>>, %arg6: memref<16x512xf32, #tpu.memory_space<vmem>>, %arg7: memref<16x512xf32, #tpu.memory_space<vmem>>, %arg8: memref<256xf32, #tpu.memory_space<vmem>>, %arg9: memref<16384xf32, #tpu.memory_space<vmem>>, %arg10: memref<16384xi32, #tpu.memory_space<vmem>>, %arg11: memref<1024xf32, #tpu.memory_space<vmem>>, %arg12: memref<1024xi32, #tpu.memory_space<vmem>>, %arg13: memref<24576xf32, #tpu.memory_space<vmem>>, %arg14: memref<!tpu.dma_semaphore, #tpu.memory_space<semaphore_mem>>, %arg15: memref<!tpu.dma_semaphore, #tpu.memory_space<semaphore_mem>>) attributes {dimension_semantics = [#tpu.dimension_semantics<core_parallel>, #tpu.dimension_semantics<subcore_parallel>], iteration_bounds = array<i64: 2, 16>, scalar_prefetch = 0 : i64, scratch_operands = 12 : i64, tpu.core_type = #tpu.core_type<sc_vector_subcore>, window_params = [{transform_indices = #map}, {transform_indices = #map1}]} {
    %mul3A = arith.constant 2 : i32
    %mul3A_0 = arith.muli %arg1, %mul3A : i32
    %add3A = arith.addi %mul3A_0, %arg0 : i32
    %iota3A = tpu.iota {dimensions = array<i32: 0>} : vector<16xi32>
    %broadcast_in_dim3A = arith.constant 1 : i32
    %broadcast_in_dim3A_1 = vector.broadcast %broadcast_in_dim3A : i32 to vector<16xi32>
    %broadcast_in_dim3A_2 = arith.constant 0.000000e+00 : f32
    %broadcast_in_dim3A_3 = vector.broadcast %broadcast_in_dim3A_2 : f32 to vector<16xf32>
    %scan3A = arith.constant 0 : i32
    %scan3A_4 = arith.constant 0 : i32
    %scan3A_5 = arith.constant 1536 : i32
    %scan3A_6 = arith.addi %scan3A_4, %scan3A_5 : i32
    %scan3A_7 = arith.constant 1 : i32
    %scan3A_8 = scf.for %scan3A_17 = %scan3A_4 to %scan3A_6 step %scan3A_7 iter_args(%scan3A_18 = %scan3A) -> (i32)  : i32 {
      %mul3A_19 = arith.constant 16 : i32
      %mul3A_20 = arith.muli %scan3A_17, %mul3A_19 : i32
      %swap3A = arith.index_cast %mul3A_20 : i32 to index
      %swap3A_21 = tpu.vector_load %arg13[%swap3A] {strides = array<i32>} : memref<24576xf32, #tpu.memory_space<vmem>>, vector<16xf32>,
      tpu.vector_store %arg13[%swap3A], %broadcast_in_dim3A_3 {strides = array<i32>} : memref<24576xf32, #tpu.memory_space<vmem>>, vector<16xf32>,
      %scan3A_22 = arith.constant 0 : i32
      scf.yield %scan3A_22 : i32
    }
    %scan3A_9 = arith.constant 1536 : i32
    %scan3A_10 = arith.constant 0 : i32
    %scan3A_11 = arith.constant 0 : i32
    %scan3A_12 = arith.constant 2 : i32
    %scan3A_13 = arith.addi %scan3A_11, %scan3A_12 : i32
    %scan3A_14 = arith.constant 1 : i32
    %scan3A_15 = scf.for %scan3A_17 = %scan3A_11 to %scan3A_13 step %scan3A_14 iter_args(%scan3A_18 = %scan3A_10) -> (i32)  : i32 {
      %mul3A_19 = arith.constant 2 : i32
      %mul3A_20 = arith.muli %add3A, %mul3A_19 : i32
      %add3A_21 = arith.addi %mul3A_20, %scan3A_17 : i32
      %scan3A_22 = arith.constant 0 : i32
      %scan3A_23 = arith.constant 0 : i32
      %scan3A_24 = arith.constant 2048 : i32
      %scan3A_25 = arith.addi %scan3A_23, %scan3A_24 : i32
      %scan3A_26 = arith.constant 1 : i32
      %scan3A_27 = scf.for %scan3A_225 = %scan3A_23 to %scan3A_25 step %scan3A_26 iter_args(%scan3A_226 = %scan3A_22) -> (i32)  : i32 {
        %broadcast_in_dim3A_227 = arith.constant 0 : i32
        %broadcast_in_dim3A_228 = vector.broadcast %broadcast_in_dim3A_227 : i32 to vector<16xi32>
        %mul3A_229 = arith.constant 16 : i32
        %mul3A_230 = arith.muli %scan3A_225, %mul3A_229 : i32
        %swap3A = arith.index_cast %mul3A_230 : i32 to index
        %swap3A_231 = tpu.vector_load %arg4[%swap3A] {strides = array<i32>} : memref<32768xi32, #tpu.memory_space<vmem>>, vector<16xi32>,
        tpu.vector_store %arg4[%swap3A], %broadcast_in_dim3A_228 {strides = array<i32>} : memref<32768xi32, #tpu.memory_space<vmem>>, vector<16xi32>,
        %scan3A_232 = arith.constant 0 : i32
        scf.yield %scan3A_232 : i32
      }
      %scan3A_28 = arith.constant 2048 : i32
      %scan3A_29 = arith.constant 0 : i32
      %scan3A_30 = arith.constant 0 : i32
      %scan3A_31 = arith.constant 64 : i32
      %scan3A_32 = arith.addi %scan3A_30, %scan3A_31 : i32
      %scan3A_33 = arith.constant 1 : i32
      %scan3A_34 = scf.for %scan3A_225 = %scan3A_30 to %scan3A_32 step %scan3A_33 iter_args(%scan3A_226 = %scan3A_29) -> (i32)  : i32 {
        %broadcast_in_dim3A_227 = arith.constant 0.000000e+00 : f32
        %broadcast_in_dim3A_228 = vector.broadcast %broadcast_in_dim3A_227 : f32 to vector<16xf32>
        %mul3A_229 = arith.constant 16 : i32
        %mul3A_230 = arith.muli %scan3A_225, %mul3A_229 : i32
        %swap3A = arith.index_cast %mul3A_230 : i32 to index
        %swap3A_231 = tpu.vector_load %arg11[%swap3A] {strides = array<i32>} : memref<1024xf32, #tpu.memory_space<vmem>>, vector<16xf32>,
        tpu.vector_store %arg11[%swap3A], %broadcast_in_dim3A_228 {strides = array<i32>} : memref<1024xf32, #tpu.memory_space<vmem>>, vector<16xf32>,
        %broadcast_in_dim3A_232 = arith.constant 0 : i32
        %broadcast_in_dim3A_233 = vector.broadcast %broadcast_in_dim3A_232 : i32 to vector<16xi32>
        %mul3A_234 = arith.constant 16 : i32
        %mul3A_235 = arith.muli %scan3A_225, %mul3A_234 : i32
        %swap3A_236 = arith.index_cast %mul3A_235 : i32 to index
        %swap3A_237 = tpu.vector_load %arg12[%swap3A_236] {strides = array<i32>} : memref<1024xi32, #tpu.memory_space<vmem>>, vector<16xi32>,
        tpu.vector_store %arg12[%swap3A_236], %broadcast_in_dim3A_233 {strides = array<i32>} : memref<1024xi32, #tpu.memory_space<vmem>>, vector<16xi32>,
        %scan3A_238 = arith.constant 0 : i32
        scf.yield %scan3A_238 : i32
      }
      %scan3A_35 = arith.constant 64 : i32
      %dma_start3A = arith.constant 0 : i32
      %dma_start3A_36 = arith.constant 0 : i32
      %dma_start3A_37 = tpu.memref_slice %arg2[%add3A_21, %dma_start3A, %dma_start3A_36] : memref<64x16x24576xf32, #tpu.memory_space<hbm>> -> memref<1x16x512xf32, #tpu.memory_space<hbm>>
      %dma_start3A_38 = tpu.memref_squeeze %dma_start3A_37 : memref<1x16x512xf32, #tpu.memory_space<hbm>> -> memref<16x512xf32, #tpu.memory_space<hbm>>
      %dma_start3A_39 = arith.constant 0 : i32
      %dma_start3A_40 = arith.constant 0 : i32
      %dma_start3A_41 = tpu.memref_slice %arg2[%add3A_21, %dma_start3A_39, %dma_start3A_40] : memref<64x16x24576xf32, #tpu.memory_space<hbm>> -> memref<1x16x512xf32, #tpu.memory_space<hbm>>
      %dma_start3A_42 = tpu.memref_squeeze %dma_start3A_41 : memref<1x16x512xf32, #tpu.memory_space<hbm>> -> memref<16x512xf32, #tpu.memory_space<hbm>>
      tpu.enqueue_dma source(%dma_start3A_42 : memref<16x512xf32, #tpu.memory_space<hbm>>) target(%arg6 : memref<16x512xf32, #tpu.memory_space<vmem>>) target_semaphore(%arg14 : memref<!tpu.dma_semaphore, #tpu.memory_space<semaphore_mem>>)
      %dma_start3A_43 = arith.constant 0 : i32
      %dma_start3A_44 = arith.constant 512 : i32
      %dma_start3A_45 = tpu.memref_slice %arg2[%add3A_21, %dma_start3A_43, %dma_start3A_44] : memref<64x16x24576xf32, #tpu.memory_space<hbm>> -> memref<1x16x512xf32, #tpu.memory_space<hbm>>
      %dma_start3A_46 = tpu.memref_squeeze %dma_start3A_45 : memref<1x16x512xf32, #tpu.memory_space<hbm>> -> memref<16x512xf32, #tpu.memory_space<hbm>>
      %dma_start3A_47 = arith.constant 0 : i32
      %dma_start3A_48 = arith.constant 512 : i32
      %dma_start3A_49 = tpu.memref_slice %arg2[%add3A_21, %dma_start3A_47, %dma_start3A_48] : memref<64x16x24576xf32, #tpu.memory_space<hbm>> -> memref<1x16x512xf32, #tpu.memory_space<hbm>>
      %dma_start3A_50 = tpu.memref_squeeze %dma_start3A_49 : memref<1x16x512xf32, #tpu.memory_space<hbm>> -> memref<16x512xf32, #tpu.memory_space<hbm>>
      tpu.enqueue_dma source(%dma_start3A_50 : memref<16x512xf32, #tpu.memory_space<hbm>>) target(%arg7 : memref<16x512xf32, #tpu.memory_space<vmem>>) target_semaphore(%arg15 : memref<!tpu.dma_semaphore, #tpu.memory_space<semaphore_mem>>)
      %scan3A_51 = arith.constant 0 : i32
      %scan3A_52 = arith.constant 0 : i32
      %scan3A_53 = arith.constant 24 : i32
      %scan3A_54 = arith.addi %scan3A_52, %scan3A_53 : i32
      %scan3A_55 = arith.constant 1 : i32
      scf.for %scan3A_225 = %scan3A_52 to %scan3A_54 step %scan3A_55  : i32 {
        %mul3A_226 = arith.constant 2 : i32
        %mul3A_227 = arith.muli %mul3A_226, %scan3A_225 : i32
        %mul3A_228 = arith.constant 512 : i32
        %mul3A_229 = arith.muli %mul3A_227, %mul3A_228 : i32
        %dma_wait3A = arith.constant 0 : i32
        %dma_wait3A_230 = tpu.memref_slice %arg2[%add3A_21, %dma_wait3A, %mul3A_229] : memref<64x16x24576xf32, #tpu.memory_space<hbm>> -> memref<1x16x512xf32, #tpu.memory_space<hbm>>
        %dma_wait3A_231 = tpu.memref_squeeze %dma_wait3A_230 : memref<1x16x512xf32, #tpu.memory_space<hbm>> -> memref<16x512xf32, #tpu.memory_space<hbm>>
        %dma_wait3A_232 = arith.constant 0 : i32
        %dma_wait3A_233 = tpu.memref_slice %arg2[%add3A_21, %dma_wait3A_232, %mul3A_229] : memref<64x16x24576xf32, #tpu.memory_space<hbm>> -> memref<1x16x512xf32, #tpu.memory_space<hbm>>
        %dma_wait3A_234 = tpu.memref_squeeze %dma_wait3A_233 : memref<1x16x512xf32, #tpu.memory_space<hbm>> -> memref<16x512xf32, #tpu.memory_space<hbm>>
        tpu.wait_dma2 semaphore(%arg14 : memref<!tpu.dma_semaphore, #tpu.memory_space<semaphore_mem>>) src(%dma_wait3A_234 : memref<16x512xf32, #tpu.memory_space<hbm>>) dst(%arg6 : memref<16x512xf32, #tpu.memory_space<vmem>>)
        %scan3A_235 = arith.constant 0 : i32
        %scan3A_236 = arith.constant 32 : i32
        %scan3A_237 = arith.addi %scan3A_235, %scan3A_236 : i32
        %scan3A_238 = arith.constant 1 : i32
        scf.for %scan3A_268 = %scan3A_235 to %scan3A_237 step %scan3A_238  : i32 {
          %mul3A_269 = arith.constant 16 : i32
          %mul3A_270 = arith.muli %scan3A_268, %mul3A_269 : i32
          %get3A = arith.constant 0 : i32
          %get3A_271 = arith.index_cast %get3A : i32 to index
          %get3A_272 = arith.index_cast %mul3A_270 : i32 to index
          %get3A_273 = tpu.vector_load %arg6[%get3A_271, %get3A_272] {strides = array<i32>} : memref<16x512xf32, #tpu.memory_space<vmem>>, vector<16xf32>,
          %mul3A_274 = arith.constant 16 : i32
          %mul3A_275 = vector.broadcast %mul3A_274 : i32 to vector<16xi32>
          %mul3A_276 = arith.muli %iota3A, %mul3A_275 : vector<16xi32>
          %add3A_277 = arith.constant 0 : i32
          %add3A_278 = vector.broadcast %add3A_277 : i32 to vector<16xi32>
          %add3A_279 = arith.addi %mul3A_276, %add3A_278 : vector<16xi32>
          tpu.vector_store_idx %arg8[%add3A_279], %get3A_273 : memref<256xf32, #tpu.memory_space<vmem>>[vector<16xi32>], vector<16xf32>,
          %mul3A_280 = arith.constant 16 : i32
          %mul3A_281 = arith.muli %scan3A_268, %mul3A_280 : i32
          %get3A_282 = arith.constant 1 : i32
          %get3A_283 = arith.index_cast %get3A_282 : i32 to index
          %get3A_284 = arith.index_cast %mul3A_281 : i32 to index
          %get3A_285 = tpu.vector_load %arg6[%get3A_283, %get3A_284] {strides = array<i32>} : memref<16x512xf32, #tpu.memory_space<vmem>>, vector<16xf32>,
          %mul3A_286 = arith.constant 16 : i32
          %mul3A_287 = vector.broadcast %mul3A_286 : i32 to vector<16xi32>
          %mul3A_288 = arith.muli %iota3A, %mul3A_287 : vector<16xi32>
          %add3A_289 = arith.constant 1 : i32
          %add3A_290 = vector.broadcast %add3A_289 : i32 to vector<16xi32>
          %add3A_291 = arith.addi %mul3A_288, %add3A_290 : vector<16xi32>
          tpu.vector_store_idx %arg8[%add3A_291], %get3A_285 : memref<256xf32, #tpu.memory_space<vmem>>[vector<16xi32>], vector<16xf32>,
          %mul3A_292 = arith.constant 16 : i32
          %mul3A_293 = arith.muli %scan3A_268, %mul3A_292 : i32
          %get3A_294 = arith.constant 2 : i32
          %get3A_295 = arith.index_cast %get3A_294 : i32 to index
          %get3A_296 = arith.index_cast %mul3A_293 : i32 to index
          %get3A_297 = tpu.vector_load %arg6[%get3A_295, %get3A_296] {strides = array<i32>} : memref<16x512xf32, #tpu.memory_space<vmem>>, vector<16xf32>,
          %mul3A_298 = arith.constant 16 : i32
          %mul3A_299 = vector.broadcast %mul3A_298 : i32 to vector<16xi32>
          %mul3A_300 = arith.muli %iota3A, %mul3A_299 : vector<16xi32>
          %add3A_301 = arith.constant 2 : i32
          %add3A_302 = vector.broadcast %add3A_301 : i32 to vector<16xi32>
          %add3A_303 = arith.addi %mul3A_300, %add3A_302 : vector<16xi32>
          tpu.vector_store_idx %arg8[%add3A_303], %get3A_297 : memref<256xf32, #tpu.memory_space<vmem>>[vector<16xi32>], vector<16xf32>,
          %mul3A_304 = arith.constant 16 : i32
          %mul3A_305 = arith.muli %scan3A_268, %mul3A_304 : i32
          %get3A_306 = arith.constant 3 : i32
          %get3A_307 = arith.index_cast %get3A_306 : i32 to index
          %get3A_308 = arith.index_cast %mul3A_305 : i32 to index
          %get3A_309 = tpu.vector_load %arg6[%get3A_307, %get3A_308] {strides = array<i32>} : memref<16x512xf32, #tpu.memory_space<vmem>>, vector<16xf32>,
          %mul3A_310 = arith.constant 16 : i32
          %mul3A_311 = vector.broadcast %mul3A_310 : i32 to vector<16xi32>
          %mul3A_312 = arith.muli %iota3A, %mul3A_311 : vector<16xi32>
          %add3A_313 = arith.constant 3 : i32
          %add3A_314 = vector.broadcast %add3A_313 : i32 to vector<16xi32>
          %add3A_315 = arith.addi %mul3A_312, %add3A_314 : vector<16xi32>
          tpu.vector_store_idx %arg8[%add3A_315], %get3A_309 : memref<256xf32, #tpu.memory_space<vmem>>[vector<16xi32>], vector<16xf32>,
          %mul3A_316 = arith.constant 16 : i32
          %mul3A_317 = arith.muli %scan3A_268, %mul3A_316 : i32
          %get3A_318 = arith.constant 4 : i32
          %get3A_319 = arith.index_cast %get3A_318 : i32 to index
          %get3A_320 = arith.index_cast %mul3A_317 : i32 to index
          %get3A_321 = tpu.vector_load %arg6[%get3A_319, %get3A_320] {strides = array<i32>} : memref<16x512xf32, #tpu.memory_space<vmem>>, vector<16xf32>,
          %mul3A_322 = arith.constant 16 : i32
          %mul3A_323 = vector.broadcast %mul3A_322 : i32 to vector<16xi32>
          %mul3A_324 = arith.muli %iota3A, %mul3A_323 : vector<16xi32>
          %add3A_325 = arith.constant 4 : i32
          %add3A_326 = vector.broadcast %add3A_325 : i32 to vector<16xi32>
          %add3A_327 = arith.addi %mul3A_324, %add3A_326 : vector<16xi32>
          tpu.vector_store_idx %arg8[%add3A_327], %get3A_321 : memref<256xf32, #tpu.memory_space<vmem>>[vector<16xi32>], vector<16xf32>,
          %mul3A_328 = arith.constant 16 : i32
          %mul3A_329 = arith.muli %scan3A_268, %mul3A_328 : i32
          %get3A_330 = arith.constant 5 : i32
          %get3A_331 = arith.index_cast %get3A_330 : i32 to index
          %get3A_332 = arith.index_cast %mul3A_329 : i32 to index
          %get3A_333 = tpu.vector_load %arg6[%get3A_331, %get3A_332] {strides = array<i32>} : memref<16x512xf32, #tpu.memory_space<vmem>>, vector<16xf32>,
          %mul3A_334 = arith.constant 16 : i32
          %mul3A_335 = vector.broadcast %mul3A_334 : i32 to vector<16xi32>
          %mul3A_336 = arith.muli %iota3A, %mul3A_335 : vector<16xi32>
          %add3A_337 = arith.constant 5 : i32
          %add3A_338 = vector.broadcast %add3A_337 : i32 to vector<16xi32>
          %add3A_339 = arith.addi %mul3A_336, %add3A_338 : vector<16xi32>
          tpu.vector_store_idx %arg8[%add3A_339], %get3A_333 : memref<256xf32, #tpu.memory_space<vmem>>[vector<16xi32>], vector<16xf32>,
          %mul3A_340 = arith.constant 16 : i32
          %mul3A_341 = arith.muli %scan3A_268, %mul3A_340 : i32
          %get3A_342 = arith.constant 6 : i32
          %get3A_343 = arith.index_cast %get3A_342 : i32 to index
          %get3A_344 = arith.index_cast %mul3A_341 : i32 to index
          %get3A_345 = tpu.vector_load %arg6[%get3A_343, %get3A_344] {strides = array<i32>} : memref<16x512xf32, #tpu.memory_space<vmem>>, vector<16xf32>,
          %mul3A_346 = arith.constant 16 : i32
          %mul3A_347 = vector.broadcast %mul3A_346 : i32 to vector<16xi32>
          %mul3A_348 = arith.muli %iota3A, %mul3A_347 : vector<16xi32>
          %add3A_349 = arith.constant 6 : i32
          %add3A_350 = vector.broadcast %add3A_349 : i32 to vector<16xi32>
          %add3A_351 = arith.addi %mul3A_348, %add3A_350 : vector<16xi32>
          tpu.vector_store_idx %arg8[%add3A_351], %get3A_345 : memref<256xf32, #tpu.memory_space<vmem>>[vector<16xi32>], vector<16xf32>,
          %mul3A_352 = arith.constant 16 : i32
          %mul3A_353 = arith.muli %scan3A_268, %mul3A_352 : i32
          %get3A_354 = arith.constant 7 : i32
          %get3A_355 = arith.index_cast %get3A_354 : i32 to index
          %get3A_356 = arith.index_cast %mul3A_353 : i32 to index
          %get3A_357 = tpu.vector_load %arg6[%get3A_355, %get3A_356] {strides = array<i32>} : memref<16x512xf32, #tpu.memory_space<vmem>>, vector<16xf32>,
          %mul3A_358 = arith.constant 16 : i32
          %mul3A_359 = vector.broadcast %mul3A_358 : i32 to vector<16xi32>
          %mul3A_360 = arith.muli %iota3A, %mul3A_359 : vector<16xi32>
          %add3A_361 = arith.constant 7 : i32
          %add3A_362 = vector.broadcast %add3A_361 : i32 to vector<16xi32>
          %add3A_363 = arith.addi %mul3A_360, %add3A_362 : vector<16xi32>
          tpu.vector_store_idx %arg8[%add3A_363], %get3A_357 : memref<256xf32, #tpu.memory_space<vmem>>[vector<16xi32>], vector<16xf32>,
          %mul3A_364 = arith.constant 16 : i32
          %mul3A_365 = arith.muli %scan3A_268, %mul3A_364 : i32
          %get3A_366 = arith.constant 8 : i32
          %get3A_367 = arith.index_cast %get3A_366 : i32 to index
          %get3A_368 = arith.index_cast %mul3A_365 : i32 to index
          %get3A_369 = tpu.vector_load %arg6[%get3A_367, %get3A_368] {strides = array<i32>} : memref<16x512xf32, #tpu.memory_space<vmem>>, vector<16xf32>,
          %mul3A_370 = arith.constant 16 : i32
          %mul3A_371 = vector.broadcast %mul3A_370 : i32 to vector<16xi32>
          %mul3A_372 = arith.muli %iota3A, %mul3A_371 : vector<16xi32>
          %add3A_373 = arith.constant 8 : i32
          %add3A_374 = vector.broadcast %add3A_373 : i32 to vector<16xi32>
          %add3A_375 = arith.addi %mul3A_372, %add3A_374 : vector<16xi32>
          tpu.vector_store_idx %arg8[%add3A_375], %get3A_369 : memref<256xf32, #tpu.memory_space<vmem>>[vector<16xi32>], vector<16xf32>,
          %mul3A_376 = arith.constant 16 : i32
          %mul3A_377 = arith.muli %scan3A_268, %mul3A_376 : i32
          %get3A_378 = arith.constant 9 : i32
          %get3A_379 = arith.index_cast %get3A_378 : i32 to index
          %get3A_380 = arith.index_cast %mul3A_377 : i32 to index
          %get3A_381 = tpu.vector_load %arg6[%get3A_379, %get3A_380] {strides = array<i32>} : memref<16x512xf32, #tpu.memory_space<vmem>>, vector<16xf32>,
          %mul3A_382 = arith.constant 16 : i32
          %mul3A_383 = vector.broadcast %mul3A_382 : i32 to vector<16xi32>
          %mul3A_384 = arith.muli %iota3A, %mul3A_383 : vector<16xi32>
          %add3A_385 = arith.constant 9 : i32
          %add3A_386 = vector.broadcast %add3A_385 : i32 to vector<16xi32>
          %add3A_387 = arith.addi %mul3A_384, %add3A_386 : vector<16xi32>
          tpu.vector_store_idx %arg8[%add3A_387], %get3A_381 : memref<256xf32, #tpu.memory_space<vmem>>[vector<16xi32>], vector<16xf32>,
          %mul3A_388 = arith.constant 16 : i32
          %mul3A_389 = arith.muli %scan3A_268, %mul3A_388 : i32
          %get3A_390 = arith.constant 10 : i32
          %get3A_391 = arith.index_cast %get3A_390 : i32 to index
          %get3A_392 = arith.index_cast %mul3A_389 : i32 to index
          %get3A_393 = tpu.vector_load %arg6[%get3A_391, %get3A_392] {strides = array<i32>} : memref<16x512xf32, #tpu.memory_space<vmem>>, vector<16xf32>,
          %mul3A_394 = arith.constant 16 : i32
          %mul3A_395 = vector.broadcast %mul3A_394 : i32 to vector<16xi32>
          %mul3A_396 = arith.muli %iota3A, %mul3A_395 : vector<16xi32>
          %add3A_397 = arith.constant 10 : i32
          %add3A_398 = vector.broadcast %add3A_397 : i32 to vector<16xi32>
          %add3A_399 = arith.addi %mul3A_396, %add3A_398 : vector<16xi32>
          tpu.vector_store_idx %arg8[%add3A_399], %get3A_393 : memref<256xf32, #tpu.memory_space<vmem>>[vector<16xi32>], vector<16xf32>,
          %mul3A_400 = arith.constant 16 : i32
          %mul3A_401 = arith.muli %scan3A_268, %mul3A_400 : i32
          %get3A_402 = arith.constant 11 : i32
          %get3A_403 = arith.index_cast %get3A_402 : i32 to index
          %get3A_404 = arith.index_cast %mul3A_401 : i32 to index
          %get3A_405 = tpu.vector_load %arg6[%get3A_403, %get3A_404] {strides = array<i32>} : memref<16x512xf32, #tpu.memory_space<vmem>>, vector<16xf32>,
          %mul3A_406 = arith.constant 16 : i32
          %mul3A_407 = vector.broadcast %mul3A_406 : i32 to vector<16xi32>
          %mul3A_408 = arith.muli %iota3A, %mul3A_407 : vector<16xi32>
          %add3A_409 = arith.constant 11 : i32
          %add3A_410 = vector.broadcast %add3A_409 : i32 to vector<16xi32>
          %add3A_411 = arith.addi %mul3A_408, %add3A_410 : vector<16xi32>
          tpu.vector_store_idx %arg8[%add3A_411], %get3A_405 : memref<256xf32, #tpu.memory_space<vmem>>[vector<16xi32>], vector<16xf32>,
          %mul3A_412 = arith.constant 16 : i32
          %mul3A_413 = arith.muli %scan3A_268, %mul3A_412 : i32
          %get3A_414 = arith.constant 12 : i32
          %get3A_415 = arith.index_cast %get3A_414 : i32 to index
          %get3A_416 = arith.index_cast %mul3A_413 : i32 to index
          %get3A_417 = tpu.vector_load %arg6[%get3A_415, %get3A_416] {strides = array<i32>} : memref<16x512xf32, #tpu.memory_space<vmem>>, vector<16xf32>,
          %mul3A_418 = arith.constant 16 : i32
          %mul3A_419 = vector.broadcast %mul3A_418 : i32 to vector<16xi32>
          %mul3A_420 = arith.muli %iota3A, %mul3A_419 : vector<16xi32>
          %add3A_421 = arith.constant 12 : i32
          %add3A_422 = vector.broadcast %add3A_421 : i32 to vector<16xi32>
          %add3A_423 = arith.addi %mul3A_420, %add3A_422 : vector<16xi32>
          tpu.vector_store_idx %arg8[%add3A_423], %get3A_417 : memref<256xf32, #tpu.memory_space<vmem>>[vector<16xi32>], vector<16xf32>,
          %mul3A_424 = arith.constant 16 : i32
          %mul3A_425 = arith.muli %scan3A_268, %mul3A_424 : i32
          %get3A_426 = arith.constant 13 : i32
          %get3A_427 = arith.index_cast %get3A_426 : i32 to index
          %get3A_428 = arith.index_cast %mul3A_425 : i32 to index
          %get3A_429 = tpu.vector_load %arg6[%get3A_427, %get3A_428] {strides = array<i32>} : memref<16x512xf32, #tpu.memory_space<vmem>>, vector<16xf32>,
          %mul3A_430 = arith.constant 16 : i32
          %mul3A_431 = vector.broadcast %mul3A_430 : i32 to vector<16xi32>
          %mul3A_432 = arith.muli %iota3A, %mul3A_431 : vector<16xi32>
          %add3A_433 = arith.constant 13 : i32
          %add3A_434 = vector.broadcast %add3A_433 : i32 to vector<16xi32>
          %add3A_435 = arith.addi %mul3A_432, %add3A_434 : vector<16xi32>
          tpu.vector_store_idx %arg8[%add3A_435], %get3A_429 : memref<256xf32, #tpu.memory_space<vmem>>[vector<16xi32>], vector<16xf32>,
          %mul3A_436 = arith.constant 16 : i32
          %mul3A_437 = arith.muli %scan3A_268, %mul3A_436 : i32
          %get3A_438 = arith.constant 14 : i32
          %get3A_439 = arith.index_cast %get3A_438 : i32 to index
          %get3A_440 = arith.index_cast %mul3A_437 : i32 to index
          %get3A_441 = tpu.vector_load %arg6[%get3A_439, %get3A_440] {strides = array<i32>} : memref<16x512xf32, #tpu.memory_space<vmem>>, vector<16xf32>,
          %mul3A_442 = arith.constant 16 : i32
          %mul3A_443 = vector.broadcast %mul3A_442 : i32 to vector<16xi32>
          %mul3A_444 = arith.muli %iota3A, %mul3A_443 : vector<16xi32>
          %add3A_445 = arith.constant 14 : i32
          %add3A_446 = vector.broadcast %add3A_445 : i32 to vector<16xi32>
          %add3A_447 = arith.addi %mul3A_444, %add3A_446 : vector<16xi32>
          tpu.vector_store_idx %arg8[%add3A_447], %get3A_441 : memref<256xf32, #tpu.memory_space<vmem>>[vector<16xi32>], vector<16xf32>,
          %mul3A_448 = arith.constant 16 : i32
          %mul3A_449 = arith.muli %scan3A_268, %mul3A_448 : i32
          %get3A_450 = arith.constant 15 : i32
          %get3A_451 = arith.index_cast %get3A_450 : i32 to index
          %get3A_452 = arith.index_cast %mul3A_449 : i32 to index
          %get3A_453 = tpu.vector_load %arg6[%get3A_451, %get3A_452] {strides = array<i32>} : memref<16x512xf32, #tpu.memory_space<vmem>>, vector<16xf32>,
          %mul3A_454 = arith.constant 16 : i32
          %mul3A_455 = vector.broadcast %mul3A_454 : i32 to vector<16xi32>
          %mul3A_456 = arith.muli %iota3A, %mul3A_455 : vector<16xi32>
          %add3A_457 = arith.constant 15 : i32
          %add3A_458 = vector.broadcast %add3A_457 : i32 to vector<16xi32>
          %add3A_459 = arith.addi %mul3A_456, %add3A_458 : vector<16xi32>
          tpu.vector_store_idx %arg8[%add3A_459], %get3A_453 : memref<256xf32, #tpu.memory_space<vmem>>[vector<16xi32>], vector<16xf32>,
          %get3A_460 = arith.constant 0 : index
          %get3A_461 = tpu.vector_load %arg8[%get3A_460] {strides = array<i32>} : memref<256xf32, #tpu.memory_space<vmem>>, vector<16xf32>,
          %mul3A_462 = arith.constant 512 : i32
          %mul3A_463 = arith.muli %mul3A_227, %mul3A_462 : i32
          %mul3A_464 = arith.constant 16 : i32
          %mul3A_465 = arith.muli %scan3A_268, %mul3A_464 : i32
          %add3A_466 = arith.addi %mul3A_463, %mul3A_465 : i32
          %add3A_467 = arith.constant 0 : i32
          %add3A_468 = arith.addi %add3A_466, %add3A_467 : i32
          %bitcast_convert_type3A = tpu.bitcast %get3A_461 : vector<16xf32> -> vector<16xi32>
          %shift_right_logical3A = arith.constant 21 : i32
          %shift_right_logical3A_469 = vector.broadcast %shift_right_logical3A : i32 to vector<16xi32>
          %shift_right_logical3A_470 = arith.shrui %bitcast_convert_type3A, %shift_right_logical3A_469 : vector<16xi32>
          %mul3A_471 = arith.constant 16 : i32
          %mul3A_472 = vector.broadcast %mul3A_471 : i32 to vector<16xi32>
          %mul3A_473 = arith.muli %shift_right_logical3A_470, %mul3A_472 : vector<16xi32>
          %add3A_474 = arith.addi %mul3A_473, %iota3A : vector<16xi32>
          tpu.vector_store_idx %arg4[%add3A_474], %broadcast_in_dim3A_1 {add = true} : memref<32768xi32, #tpu.memory_space<vmem>>[vector<16xi32>], vector<16xi32>,
          %get3A_475 = arith.constant 16 : index
          %get3A_476 = tpu.vector_load %arg8[%get3A_475] {strides = array<i32>} : memref<256xf32, #tpu.memory_space<vmem>>, vector<16xf32>,
          %mul3A_477 = arith.constant 512 : i32
          %mul3A_478 = arith.muli %mul3A_227, %mul3A_477 : i32
          %mul3A_479 = arith.constant 16 : i32
          %mul3A_480 = arith.muli %scan3A_268, %mul3A_479 : i32
          %add3A_481 = arith.addi %mul3A_478, %mul3A_480 : i32
          %add3A_482 = arith.constant 1 : i32
          %add3A_483 = arith.addi %add3A_481, %add3A_482 : i32
          %bitcast_convert_type3A_484 = tpu.bitcast %get3A_476 : vector<16xf32> -> vector<16xi32>
          %shift_right_logical3A_485 = arith.constant 21 : i32
          %shift_right_logical3A_486 = vector.broadcast %shift_right_logical3A_485 : i32 to vector<16xi32>
          %shift_right_logical3A_487 = arith.shrui %bitcast_convert_type3A_484, %shift_right_logical3A_486 : vector<16xi32>
          %mul3A_488 = arith.constant 16 : i32
          %mul3A_489 = vector.broadcast %mul3A_488 : i32 to vector<16xi32>
          %mul3A_490 = arith.muli %shift_right_logical3A_487, %mul3A_489 : vector<16xi32>
          %add3A_491 = arith.addi %mul3A_490, %iota3A : vector<16xi32>
          tpu.vector_store_idx %arg4[%add3A_491], %broadcast_in_dim3A_1 {add = true} : memref<32768xi32, #tpu.memory_space<vmem>>[vector<16xi32>], vector<16xi32>,
          %get3A_492 = arith.constant 32 : index
          %get3A_493 = tpu.vector_load %arg8[%get3A_492] {strides = array<i32>} : memref<256xf32, #tpu.memory_space<vmem>>, vector<16xf32>,
          %mul3A_494 = arith.constant 512 : i32
          %mul3A_495 = arith.muli %mul3A_227, %mul3A_494 : i32
          %mul3A_496 = arith.constant 16 : i32
          %mul3A_497 = arith.muli %scan3A_268, %mul3A_496 : i32
          %add3A_498 = arith.addi %mul3A_495, %mul3A_497 : i32
          %add3A_499 = arith.constant 2 : i32
          %add3A_500 = arith.addi %add3A_498, %add3A_499 : i32
          %bitcast_convert_type3A_501 = tpu.bitcast %get3A_493 : vector<16xf32> -> vector<16xi32>
          %shift_right_logical3A_502 = arith.constant 21 : i32
          %shift_right_logical3A_503 = vector.broadcast %shift_right_logical3A_502 : i32 to vector<16xi32>
          %shift_right_logical3A_504 = arith.shrui %bitcast_convert_type3A_501, %shift_right_logical3A_503 : vector<16xi32>
          %mul3A_505 = arith.constant 16 : i32
          %mul3A_506 = vector.broadcast %mul3A_505 : i32 to vector<16xi32>
          %mul3A_507 = arith.muli %shift_right_logical3A_504, %mul3A_506 : vector<16xi32>
          %add3A_508 = arith.addi %mul3A_507, %iota3A : vector<16xi32>
          tpu.vector_store_idx %arg4[%add3A_508], %broadcast_in_dim3A_1 {add = true} : memref<32768xi32, #tpu.memory_space<vmem>>[vector<16xi32>], vector<16xi32>,
          %get3A_509 = arith.constant 48 : index
          %get3A_510 = tpu.vector_load %arg8[%get3A_509] {strides = array<i32>} : memref<256xf32, #tpu.memory_space<vmem>>, vector<16xf32>,
          %mul3A_511 = arith.constant 512 : i32
          %mul3A_512 = arith.muli %mul3A_227, %mul3A_511 : i32
          %mul3A_513 = arith.constant 16 : i32
          %mul3A_514 = arith.muli %scan3A_268, %mul3A_513 : i32
          %add3A_515 = arith.addi %mul3A_512, %mul3A_514 : i32
          %add3A_516 = arith.constant 3 : i32
          %add3A_517 = arith.addi %add3A_515, %add3A_516 : i32
          %bitcast_convert_type3A_518 = tpu.bitcast %get3A_510 : vector<16xf32> -> vector<16xi32>
          %shift_right_logical3A_519 = arith.constant 21 : i32
          %shift_right_logical3A_520 = vector.broadcast %shift_right_logical3A_519 : i32 to vector<16xi32>
          %shift_right_logical3A_521 = arith.shrui %bitcast_convert_type3A_518, %shift_right_logical3A_520 : vector<16xi32>
          %mul3A_522 = arith.constant 16 : i32
          %mul3A_523 = vector.broadcast %mul3A_522 : i32 to vector<16xi32>
          %mul3A_524 = arith.muli %shift_right_logical3A_521, %mul3A_523 : vector<16xi32>
          %add3A_525 = arith.addi %mul3A_524, %iota3A : vector<16xi32>
          tpu.vector_store_idx %arg4[%add3A_525], %broadcast_in_dim3A_1 {add = true} : memref<32768xi32, #tpu.memory_space<vmem>>[vector<16xi32>], vector<16xi32>,
          %get3A_526 = arith.constant 64 : index
          %get3A_527 = tpu.vector_load %arg8[%get3A_526] {strides = array<i32>} : memref<256xf32, #tpu.memory_space<vmem>>, vector<16xf32>,
          %mul3A_528 = arith.constant 512 : i32
          %mul3A_529 = arith.muli %mul3A_227, %mul3A_528 : i32
          %mul3A_530 = arith.constant 16 : i32
          %mul3A_531 = arith.muli %scan3A_268, %mul3A_530 : i32
          %add3A_532 = arith.addi %mul3A_529, %mul3A_531 : i32
          %add3A_533 = arith.constant 4 : i32
          %add3A_534 = arith.addi %add3A_532, %add3A_533 : i32
          %bitcast_convert_type3A_535 = tpu.bitcast %get3A_527 : vector<16xf32> -> vector<16xi32>
          %shift_right_logical3A_536 = arith.constant 21 : i32
          %shift_right_logical3A_537 = vector.broadcast %shift_right_logical3A_536 : i32 to vector<16xi32>
          %shift_right_logical3A_538 = arith.shrui %bitcast_convert_type3A_535, %shift_right_logical3A_537 : vector<16xi32>
          %mul3A_539 = arith.constant 16 : i32
          %mul3A_540 = vector.broadcast %mul3A_539 : i32 to vector<16xi32>
          %mul3A_541 = arith.muli %shift_right_logical3A_538, %mul3A_540 : vector<16xi32>
          %add3A_542 = arith.addi %mul3A_541, %iota3A : vector<16xi32>
          tpu.vector_store_idx %arg4[%add3A_542], %broadcast_in_dim3A_1 {add = true} : memref<32768xi32, #tpu.memory_space<vmem>>[vector<16xi32>], vector<16xi32>,
          %get3A_543 = arith.constant 80 : index
          %get3A_544 = tpu.vector_load %arg8[%get3A_543] {strides = array<i32>} : memref<256xf32, #tpu.memory_space<vmem>>, vector<16xf32>,
          %mul3A_545 = arith.constant 512 : i32
          %mul3A_546 = arith.muli %mul3A_227, %mul3A_545 : i32
          %mul3A_547 = arith.constant 16 : i32
          %mul3A_548 = arith.muli %scan3A_268, %mul3A_547 : i32
          %add3A_549 = arith.addi %mul3A_546, %mul3A_548 : i32
          %add3A_550 = arith.constant 5 : i32
          %add3A_551 = arith.addi %add3A_549, %add3A_550 : i32
          %bitcast_convert_type3A_552 = tpu.bitcast %get3A_544 : vector<16xf32> -> vector<16xi32>
          %shift_right_logical3A_553 = arith.constant 21 : i32
          %shift_right_logical3A_554 = vector.broadcast %shift_right_logical3A_553 : i32 to vector<16xi32>
          %shift_right_logical3A_555 = arith.shrui %bitcast_convert_type3A_552, %shift_right_logical3A_554 : vector<16xi32>
          %mul3A_556 = arith.constant 16 : i32
          %mul3A_557 = vector.broadcast %mul3A_556 : i32 to vector<16xi32>
          %mul3A_558 = arith.muli %shift_right_logical3A_555, %mul3A_557 : vector<16xi32>
          %add3A_559 = arith.addi %mul3A_558, %iota3A : vector<16xi32>
          tpu.vector_store_idx %arg4[%add3A_559], %broadcast_in_dim3A_1 {add = true} : memref<32768xi32, #tpu.memory_space<vmem>>[vector<16xi32>], vector<16xi32>,
          %get3A_560 = arith.constant 96 : index
          %get3A_561 = tpu.vector_load %arg8[%get3A_560] {strides = array<i32>} : memref<256xf32, #tpu.memory_space<vmem>>, vector<16xf32>,
          %mul3A_562 = arith.constant 512 : i32
          %mul3A_563 = arith.muli %mul3A_227, %mul3A_562 : i32
          %mul3A_564 = arith.constant 16 : i32
          %mul3A_565 = arith.muli %scan3A_268, %mul3A_564 : i32
          %add3A_566 = arith.addi %mul3A_563, %mul3A_565 : i32
          %add3A_567 = arith.constant 6 : i32
          %add3A_568 = arith.addi %add3A_566, %add3A_567 : i32
          %bitcast_convert_type3A_569 = tpu.bitcast %get3A_561 : vector<16xf32> -> vector<16xi32>
          %shift_right_logical3A_570 = arith.constant 21 : i32
          %shift_right_logical3A_571 = vector.broadcast %shift_right_logical3A_570 : i32 to vector<16xi32>
          %shift_right_logical3A_572 = arith.shrui %bitcast_convert_type3A_569, %shift_right_logical3A_571 : vector<16xi32>
          %mul3A_573 = arith.constant 16 : i32
          %mul3A_574 = vector.broadcast %mul3A_573 : i32 to vector<16xi32>
          %mul3A_575 = arith.muli %shift_right_logical3A_572, %mul3A_574 : vector<16xi32>
          %add3A_576 = arith.addi %mul3A_575, %iota3A : vector<16xi32>
          tpu.vector_store_idx %arg4[%add3A_576], %broadcast_in_dim3A_1 {add = true} : memref<32768xi32, #tpu.memory_space<vmem>>[vector<16xi32>], vector<16xi32>,
          %get3A_577 = arith.constant 112 : index
          %get3A_578 = tpu.vector_load %arg8[%get3A_577] {strides = array<i32>} : memref<256xf32, #tpu.memory_space<vmem>>, vector<16xf32>,
          %mul3A_579 = arith.constant 512 : i32
          %mul3A_580 = arith.muli %mul3A_227, %mul3A_579 : i32
          %mul3A_581 = arith.constant 16 : i32
          %mul3A_582 = arith.muli %scan3A_268, %mul3A_581 : i32
          %add3A_583 = arith.addi %mul3A_580, %mul3A_582 : i32
          %add3A_584 = arith.constant 7 : i32
          %add3A_585 = arith.addi %add3A_583, %add3A_584 : i32
          %bitcast_convert_type3A_586 = tpu.bitcast %get3A_578 : vector<16xf32> -> vector<16xi32>
          %shift_right_logical3A_587 = arith.constant 21 : i32
          %shift_right_logical3A_588 = vector.broadcast %shift_right_logical3A_587 : i32 to vector<16xi32>
          %shift_right_logical3A_589 = arith.shrui %bitcast_convert_type3A_586, %shift_right_logical3A_588 : vector<16xi32>
          %mul3A_590 = arith.constant 16 : i32
          %mul3A_591 = vector.broadcast %mul3A_590 : i32 to vector<16xi32>
          %mul3A_592 = arith.muli %shift_right_logical3A_589, %mul3A_591 : vector<16xi32>
          %add3A_593 = arith.addi %mul3A_592, %iota3A : vector<16xi32>
          tpu.vector_store_idx %arg4[%add3A_593], %broadcast_in_dim3A_1 {add = true} : memref<32768xi32, #tpu.memory_space<vmem>>[vector<16xi32>], vector<16xi32>,
          %get3A_594 = arith.constant 128 : index
          %get3A_595 = tpu.vector_load %arg8[%get3A_594] {strides = array<i32>} : memref<256xf32, #tpu.memory_space<vmem>>, vector<16xf32>,
          %mul3A_596 = arith.constant 512 : i32
          %mul3A_597 = arith.muli %mul3A_227, %mul3A_596 : i32
          %mul3A_598 = arith.constant 16 : i32
          %mul3A_599 = arith.muli %scan3A_268, %mul3A_598 : i32
          %add3A_600 = arith.addi %mul3A_597, %mul3A_599 : i32
          %add3A_601 = arith.constant 8 : i32
          %add3A_602 = arith.addi %add3A_600, %add3A_601 : i32
          %bitcast_convert_type3A_603 = tpu.bitcast %get3A_595 : vector<16xf32> -> vector<16xi32>
          %shift_right_logical3A_604 = arith.constant 21 : i32
          %shift_right_logical3A_605 = vector.broadcast %shift_right_logical3A_604 : i32 to vector<16xi32>
          %shift_right_logical3A_606 = arith.shrui %bitcast_convert_type3A_603, %shift_right_logical3A_605 : vector<16xi32>
          %mul3A_607 = arith.constant 16 : i32
          %mul3A_608 = vector.broadcast %mul3A_607 : i32 to vector<16xi32>
          %mul3A_609 = arith.muli %shift_right_logical3A_606, %mul3A_608 : vector<16xi32>
          %add3A_610 = arith.addi %mul3A_609, %iota3A : vector<16xi32>
          tpu.vector_store_idx %arg4[%add3A_610], %broadcast_in_dim3A_1 {add = true} : memref<32768xi32, #tpu.memory_space<vmem>>[vector<16xi32>], vector<16xi32>,
          %get3A_611 = arith.constant 144 : index
          %get3A_612 = tpu.vector_load %arg8[%get3A_611] {strides = array<i32>} : memref<256xf32, #tpu.memory_space<vmem>>, vector<16xf32>,
          %mul3A_613 = arith.constant 512 : i32
          %mul3A_614 = arith.muli %mul3A_227, %mul3A_613 : i32
          %mul3A_615 = arith.constant 16 : i32
          %mul3A_616 = arith.muli %scan3A_268, %mul3A_615 : i32
          %add3A_617 = arith.addi %mul3A_614, %mul3A_616 : i32
          %add3A_618 = arith.constant 9 : i32
          %add3A_619 = arith.addi %add3A_617, %add3A_618 : i32
          %bitcast_convert_type3A_620 = tpu.bitcast %get3A_612 : vector<16xf32> -> vector<16xi32>
          %shift_right_logical3A_621 = arith.constant 21 : i32
          %shift_right_logical3A_622 = vector.broadcast %shift_right_logical3A_621 : i32 to vector<16xi32>
          %shift_right_logical3A_623 = arith.shrui %bitcast_convert_type3A_620, %shift_right_logical3A_622 : vector<16xi32>
          %mul3A_624 = arith.constant 16 : i32
          %mul3A_625 = vector.broadcast %mul3A_624 : i32 to vector<16xi32>
          %mul3A_626 = arith.muli %shift_right_logical3A_623, %mul3A_625 : vector<16xi32>
          %add3A_627 = arith.addi %mul3A_626, %iota3A : vector<16xi32>
          tpu.vector_store_idx %arg4[%add3A_627], %broadcast_in_dim3A_1 {add = true} : memref<32768xi32, #tpu.memory_space<vmem>>[vector<16xi32>], vector<16xi32>,
          %get3A_628 = arith.constant 160 : index
          %get3A_629 = tpu.vector_load %arg8[%get3A_628] {strides = array<i32>} : memref<256xf32, #tpu.memory_space<vmem>>, vector<16xf32>,
          %mul3A_630 = arith.constant 512 : i32
          %mul3A_631 = arith.muli %mul3A_227, %mul3A_630 : i32
          %mul3A_632 = arith.constant 16 : i32
          %mul3A_633 = arith.muli %scan3A_268, %mul3A_632 : i32
          %add3A_634 = arith.addi %mul3A_631, %mul3A_633 : i32
          %add3A_635 = arith.constant 10 : i32
          %add3A_636 = arith.addi %add3A_634, %add3A_635 : i32
          %bitcast_convert_type3A_637 = tpu.bitcast %get3A_629 : vector<16xf32> -> vector<16xi32>
          %shift_right_logical3A_638 = arith.constant 21 : i32
          %shift_right_logical3A_639 = vector.broadcast %shift_right_logical3A_638 : i32 to vector<16xi32>
          %shift_right_logical3A_640 = arith.shrui %bitcast_convert_type3A_637, %shift_right_logical3A_639 : vector<16xi32>
          %mul3A_641 = arith.constant 16 : i32
          %mul3A_642 = vector.broadcast %mul3A_641 : i32 to vector<16xi32>
          %mul3A_643 = arith.muli %shift_right_logical3A_640, %mul3A_642 : vector<16xi32>
          %add3A_644 = arith.addi %mul3A_643, %iota3A : vector<16xi32>
          tpu.vector_store_idx %arg4[%add3A_644], %broadcast_in_dim3A_1 {add = true} : memref<32768xi32, #tpu.memory_space<vmem>>[vector<16xi32>], vector<16xi32>,
          %get3A_645 = arith.constant 176 : index
          %get3A_646 = tpu.vector_load %arg8[%get3A_645] {strides = array<i32>} : memref<256xf32, #tpu.memory_space<vmem>>, vector<16xf32>,
          %mul3A_647 = arith.constant 512 : i32
          %mul3A_648 = arith.muli %mul3A_227, %mul3A_647 : i32
          %mul3A_649 = arith.constant 16 : i32
          %mul3A_650 = arith.muli %scan3A_268, %mul3A_649 : i32
          %add3A_651 = arith.addi %mul3A_648, %mul3A_650 : i32
          %add3A_652 = arith.constant 11 : i32
          %add3A_653 = arith.addi %add3A_651, %add3A_652 : i32
          %bitcast_convert_type3A_654 = tpu.bitcast %get3A_646 : vector<16xf32> -> vector<16xi32>
          %shift_right_logical3A_655 = arith.constant 21 : i32
          %shift_right_logical3A_656 = vector.broadcast %shift_right_logical3A_655 : i32 to vector<16xi32>
          %shift_right_logical3A_657 = arith.shrui %bitcast_convert_type3A_654, %shift_right_logical3A_656 : vector<16xi32>
          %mul3A_658 = arith.constant 16 : i32
          %mul3A_659 = vector.broadcast %mul3A_658 : i32 to vector<16xi32>
          %mul3A_660 = arith.muli %shift_right_logical3A_657, %mul3A_659 : vector<16xi32>
          %add3A_661 = arith.addi %mul3A_660, %iota3A : vector<16xi32>
          tpu.vector_store_idx %arg4[%add3A_661], %broadcast_in_dim3A_1 {add = true} : memref<32768xi32, #tpu.memory_space<vmem>>[vector<16xi32>], vector<16xi32>,
          %get3A_662 = arith.constant 192 : index
          %get3A_663 = tpu.vector_load %arg8[%get3A_662] {strides = array<i32>} : memref<256xf32, #tpu.memory_space<vmem>>, vector<16xf32>,
          %mul3A_664 = arith.constant 512 : i32
          %mul3A_665 = arith.muli %mul3A_227, %mul3A_664 : i32
          %mul3A_666 = arith.constant 16 : i32
          %mul3A_667 = arith.muli %scan3A_268, %mul3A_666 : i32
          %add3A_668 = arith.addi %mul3A_665, %mul3A_667 : i32
          %add3A_669 = arith.constant 12 : i32
          %add3A_670 = arith.addi %add3A_668, %add3A_669 : i32
          %bitcast_convert_type3A_671 = tpu.bitcast %get3A_663 : vector<16xf32> -> vector<16xi32>
          %shift_right_logical3A_672 = arith.constant 21 : i32
          %shift_right_logical3A_673 = vector.broadcast %shift_right_logical3A_672 : i32 to vector<16xi32>
          %shift_right_logical3A_674 = arith.shrui %bitcast_convert_type3A_671, %shift_right_logical3A_673 : vector<16xi32>
          %mul3A_675 = arith.constant 16 : i32
          %mul3A_676 = vector.broadcast %mul3A_675 : i32 to vector<16xi32>
          %mul3A_677 = arith.muli %shift_right_logical3A_674, %mul3A_676 : vector<16xi32>
          %add3A_678 = arith.addi %mul3A_677, %iota3A : vector<16xi32>
          tpu.vector_store_idx %arg4[%add3A_678], %broadcast_in_dim3A_1 {add = true} : memref<32768xi32, #tpu.memory_space<vmem>>[vector<16xi32>], vector<16xi32>,
          %get3A_679 = arith.constant 208 : index
          %get3A_680 = tpu.vector_load %arg8[%get3A_679] {strides = array<i32>} : memref<256xf32, #tpu.memory_space<vmem>>, vector<16xf32>,
          %mul3A_681 = arith.constant 512 : i32
          %mul3A_682 = arith.muli %mul3A_227, %mul3A_681 : i32
          %mul3A_683 = arith.constant 16 : i32
          %mul3A_684 = arith.muli %scan3A_268, %mul3A_683 : i32
          %add3A_685 = arith.addi %mul3A_682, %mul3A_684 : i32
          %add3A_686 = arith.constant 13 : i32
          %add3A_687 = arith.addi %add3A_685, %add3A_686 : i32
          %bitcast_convert_type3A_688 = tpu.bitcast %get3A_680 : vector<16xf32> -> vector<16xi32>
          %shift_right_logical3A_689 = arith.constant 21 : i32
          %shift_right_logical3A_690 = vector.broadcast %shift_right_logical3A_689 : i32 to vector<16xi32>
          %shift_right_logical3A_691 = arith.shrui %bitcast_convert_type3A_688, %shift_right_logical3A_690 : vector<16xi32>
          %mul3A_692 = arith.constant 16 : i32
          %mul3A_693 = vector.broadcast %mul3A_692 : i32 to vector<16xi32>
          %mul3A_694 = arith.muli %shift_right_logical3A_691, %mul3A_693 : vector<16xi32>
          %add3A_695 = arith.addi %mul3A_694, %iota3A : vector<16xi32>
          tpu.vector_store_idx %arg4[%add3A_695], %broadcast_in_dim3A_1 {add = true} : memref<32768xi32, #tpu.memory_space<vmem>>[vector<16xi32>], vector<16xi32>,
          %get3A_696 = arith.constant 224 : index
          %get3A_697 = tpu.vector_load %arg8[%get3A_696] {strides = array<i32>} : memref<256xf32, #tpu.memory_space<vmem>>, vector<16xf32>,
          %mul3A_698 = arith.constant 512 : i32
          %mul3A_699 = arith.muli %mul3A_227, %mul3A_698 : i32
          %mul3A_700 = arith.constant 16 : i32
          %mul3A_701 = arith.muli %scan3A_268, %mul3A_700 : i32
          %add3A_702 = arith.addi %mul3A_699, %mul3A_701 : i32
          %add3A_703 = arith.constant 14 : i32
          %add3A_704 = arith.addi %add3A_702, %add3A_703 : i32
          %bitcast_convert_type3A_705 = tpu.bitcast %get3A_697 : vector<16xf32> -> vector<16xi32>
          %shift_right_logical3A_706 = arith.constant 21 : i32
          %shift_right_logical3A_707 = vector.broadcast %shift_right_logical3A_706 : i32 to vector<16xi32>
          %shift_right_logical3A_708 = arith.shrui %bitcast_convert_type3A_705, %shift_right_logical3A_707 : vector<16xi32>
          %mul3A_709 = arith.constant 16 : i32
          %mul3A_710 = vector.broadcast %mul3A_709 : i32 to vector<16xi32>
          %mul3A_711 = arith.muli %shift_right_logical3A_708, %mul3A_710 : vector<16xi32>
          %add3A_712 = arith.addi %mul3A_711, %iota3A : vector<16xi32>
          tpu.vector_store_idx %arg4[%add3A_712], %broadcast_in_dim3A_1 {add = true} : memref<32768xi32, #tpu.memory_space<vmem>>[vector<16xi32>], vector<16xi32>,
          %get3A_713 = arith.constant 240 : index
          %get3A_714 = tpu.vector_load %arg8[%get3A_713] {strides = array<i32>} : memref<256xf32, #tpu.memory_space<vmem>>, vector<16xf32>,
          %mul3A_715 = arith.constant 512 : i32
          %mul3A_716 = arith.muli %mul3A_227, %mul3A_715 : i32
          %mul3A_717 = arith.constant 16 : i32
          %mul3A_718 = arith.muli %scan3A_268, %mul3A_717 : i32
          %add3A_719 = arith.addi %mul3A_716, %mul3A_718 : i32
          %add3A_720 = arith.constant 15 : i32
          %add3A_721 = arith.addi %add3A_719, %add3A_720 : i32
          %bitcast_convert_type3A_722 = tpu.bitcast %get3A_714 : vector<16xf32> -> vector<16xi32>
          %shift_right_logical3A_723 = arith.constant 21 : i32
          %shift_right_logical3A_724 = vector.broadcast %shift_right_logical3A_723 : i32 to vector<16xi32>
          %shift_right_logical3A_725 = arith.shrui %bitcast_convert_type3A_722, %shift_right_logical3A_724 : vector<16xi32>
          %mul3A_726 = arith.constant 16 : i32
          %mul3A_727 = vector.broadcast %mul3A_726 : i32 to vector<16xi32>
          %mul3A_728 = arith.muli %shift_right_logical3A_725, %mul3A_727 : vector<16xi32>
          %add3A_729 = arith.addi %mul3A_728, %iota3A : vector<16xi32>
          tpu.vector_store_idx %arg4[%add3A_729], %broadcast_in_dim3A_1 {add = true} : memref<32768xi32, #tpu.memory_space<vmem>>[vector<16xi32>], vector<16xi32>,
        }
        %scan3A_239 = arith.constant 32 : i32
        %add3A_240 = arith.constant 2 : i32
        %add3A_241 = arith.addi %mul3A_227, %add3A_240 : i32
        %lt3A = arith.constant 48 : i32
        %lt3A_242 = arith.cmpi slt, %add3A_241, %lt3A : i32
        %convert_element_type3A = arith.extui %lt3A_242 : i1 to i32
        %cond3A = arith.constant 0 : i32
        %cond3A_243 = arith.cmpi ne, %convert_element_type3A, %cond3A : i32
        scf.if %cond3A_243 {
          %add3A_268 = arith.constant 2 : i32
          %add3A_269 = arith.addi %mul3A_227, %add3A_268 : i32
          %mul3A_270 = arith.constant 512 : i32
          %mul3A_271 = arith.muli %add3A_269, %mul3A_270 : i32
          %dma_start3A_272 = arith.constant 0 : i32
          %dma_start3A_273 = tpu.memref_slice %arg2[%add3A_21, %dma_start3A_272, %mul3A_271] : memref<64x16x24576xf32, #tpu.memory_space<hbm>> -> memref<1x16x512xf32, #tpu.memory_space<hbm>>
          %dma_start3A_274 = tpu.memref_squeeze %dma_start3A_273 : memref<1x16x512xf32, #tpu.memory_space<hbm>> -> memref<16x512xf32, #tpu.memory_space<hbm>>
          %dma_start3A_275 = arith.constant 0 : i32
          %dma_start3A_276 = tpu.memref_slice %arg2[%add3A_21, %dma_start3A_275, %mul3A_271] : memref<64x16x24576xf32, #tpu.memory_space<hbm>> -> memref<1x16x512xf32, #tpu.memory_space<hbm>>
          %dma_start3A_277 = tpu.memref_squeeze %dma_start3A_276 : memref<1x16x512xf32, #tpu.memory_space<hbm>> -> memref<16x512xf32, #tpu.memory_space<hbm>>
          tpu.enqueue_dma source(%dma_start3A_277 : memref<16x512xf32, #tpu.memory_space<hbm>>) target(%arg6 : memref<16x512xf32, #tpu.memory_space<vmem>>) target_semaphore(%arg14 : memref<!tpu.dma_semaphore, #tpu.memory_space<semaphore_mem>>)
        } else {
        }
        %mul3A_244 = arith.constant 2 : i32
        %mul3A_245 = arith.muli %mul3A_244, %scan3A_225 : i32
        %add3A_246 = arith.constant 1 : i32
        %add3A_247 = arith.addi %mul3A_245, %add3A_246 : i32
        %mul3A_248 = arith.constant 512 : i32
        %mul3A_249 = arith.muli %add3A_247, %mul3A_248 : i32
        %dma_wait3A_250 = arith.constant 0 : i32
        %dma_wait3A_251 = tpu.memref_slice %arg2[%add3A_21, %dma_wait3A_250, %mul3A_249] : memref<64x16x24576xf32, #tpu.memory_space<hbm>> -> memref<1x16x512xf32, #tpu.memory_space<hbm>>
        %dma_wait3A_252 = tpu.memref_squeeze %dma_wait3A_251 : memref<1x16x512xf32, #tpu.memory_space<hbm>> -> memref<16x512xf32, #tpu.memory_space<hbm>>
        %dma_wait3A_253 = arith.constant 0 : i32
        %dma_wait3A_254 = tpu.memref_slice %arg2[%add3A_21, %dma_wait3A_253, %mul3A_249] : memref<64x16x24576xf32, #tpu.memory_space<hbm>> -> memref<1x16x512xf32, #tpu.memory_space<hbm>>
        %dma_wait3A_255 = tpu.memref_squeeze %dma_wait3A_254 : memref<1x16x512xf32, #tpu.memory_space<hbm>> -> memref<16x512xf32, #tpu.memory_space<hbm>>
        tpu.wait_dma2 semaphore(%arg15 : memref<!tpu.dma_semaphore, #tpu.memory_space<semaphore_mem>>) src(%dma_wait3A_255 : memref<16x512xf32, #tpu.memory_space<hbm>>) dst(%arg7 : memref<16x512xf32, #tpu.memory_space<vmem>>)
        %scan3A_256 = arith.constant 0 : i32
        %scan3A_257 = arith.constant 32 : i32
        %scan3A_258 = arith.addi %scan3A_256, %scan3A_257 : i32
        %scan3A_259 = arith.constant 1 : i32
        scf.for %scan3A_268 = %scan3A_256 to %scan3A_258 step %scan3A_259  : i32 {
          %mul3A_269 = arith.constant 16 : i32
          %mul3A_270 = arith.muli %scan3A_268, %mul3A_269 : i32
          %get3A = arith.constant 0 : i32
          %get3A_271 = arith.index_cast %get3A : i32 to index
          %get3A_272 = arith.index_cast %mul3A_270 : i32 to index
          %get3A_273 = tpu.vector_load %arg7[%get3A_271, %get3A_272] {strides = array<i32>} : memref<16x512xf32, #tpu.memory_space<vmem>>, vector<16xf32>,
          %mul3A_274 = arith.constant 16 : i32
          %mul3A_275 = vector.broadcast %mul3A_274 : i32 to vector<16xi32>
          %mul3A_276 = arith.muli %iota3A, %mul3A_275 : vector<16xi32>
          %add3A_277 = arith.constant 0 : i32
          %add3A_278 = vector.broadcast %add3A_277 : i32 to vector<16xi32>
          %add3A_279 = arith.addi %mul3A_276, %add3A_278 : vector<16xi32>
          tpu.vector_store_idx %arg8[%add3A_279], %get3A_273 : memref<256xf32, #tpu.memory_space<vmem>>[vector<16xi32>], vector<16xf32>,
          %mul3A_280 = arith.constant 16 : i32
          %mul3A_281 = arith.muli %scan3A_268, %mul3A_280 : i32
          %get3A_282 = arith.constant 1 : i32
          %get3A_283 = arith.index_cast %get3A_282 : i32 to index
          %get3A_284 = arith.index_cast %mul3A_281 : i32 to index
          %get3A_285 = tpu.vector_load %arg7[%get3A_283, %get3A_284] {strides = array<i32>} : memref<16x512xf32, #tpu.memory_space<vmem>>, vector<16xf32>,
          %mul3A_286 = arith.constant 16 : i32
          %mul3A_287 = vector.broadcast %mul3A_286 : i32 to vector<16xi32>
          %mul3A_288 = arith.muli %iota3A, %mul3A_287 : vector<16xi32>
          %add3A_289 = arith.constant 1 : i32
          %add3A_290 = vector.broadcast %add3A_289 : i32 to vector<16xi32>
          %add3A_291 = arith.addi %mul3A_288, %add3A_290 : vector<16xi32>
          tpu.vector_store_idx %arg8[%add3A_291], %get3A_285 : memref<256xf32, #tpu.memory_space<vmem>>[vector<16xi32>], vector<16xf32>,
          %mul3A_292 = arith.constant 16 : i32
          %mul3A_293 = arith.muli %scan3A_268, %mul3A_292 : i32
          %get3A_294 = arith.constant 2 : i32
          %get3A_295 = arith.index_cast %get3A_294 : i32 to index
          %get3A_296 = arith.index_cast %mul3A_293 : i32 to index
          %get3A_297 = tpu.vector_load %arg7[%get3A_295, %get3A_296] {strides = array<i32>} : memref<16x512xf32, #tpu.memory_space<vmem>>, vector<16xf32>,
          %mul3A_298 = arith.constant 16 : i32
          %mul3A_299 = vector.broadcast %mul3A_298 : i32 to vector<16xi32>
          %mul3A_300 = arith.muli %iota3A, %mul3A_299 : vector<16xi32>
          %add3A_301 = arith.constant 2 : i32
          %add3A_302 = vector.broadcast %add3A_301 : i32 to vector<16xi32>
          %add3A_303 = arith.addi %mul3A_300, %add3A_302 : vector<16xi32>
          tpu.vector_store_idx %arg8[%add3A_303], %get3A_297 : memref<256xf32, #tpu.memory_space<vmem>>[vector<16xi32>], vector<16xf32>,
          %mul3A_304 = arith.constant 16 : i32
          %mul3A_305 = arith.muli %scan3A_268, %mul3A_304 : i32
          %get3A_306 = arith.constant 3 : i32
          %get3A_307 = arith.index_cast %get3A_306 : i32 to index
          %get3A_308 = arith.index_cast %mul3A_305 : i32 to index
          %get3A_309 = tpu.vector_load %arg7[%get3A_307, %get3A_308] {strides = array<i32>} : memref<16x512xf32, #tpu.memory_space<vmem>>, vector<16xf32>,
          %mul3A_310 = arith.constant 16 : i32
          %mul3A_311 = vector.broadcast %mul3A_310 : i32 to vector<16xi32>
          %mul3A_312 = arith.muli %iota3A, %mul3A_311 : vector<16xi32>
          %add3A_313 = arith.constant 3 : i32
          %add3A_314 = vector.broadcast %add3A_313 : i32 to vector<16xi32>
          %add3A_315 = arith.addi %mul3A_312, %add3A_314 : vector<16xi32>
          tpu.vector_store_idx %arg8[%add3A_315], %get3A_309 : memref<256xf32, #tpu.memory_space<vmem>>[vector<16xi32>], vector<16xf32>,
          %mul3A_316 = arith.constant 16 : i32
          %mul3A_317 = arith.muli %scan3A_268, %mul3A_316 : i32
          %get3A_318 = arith.constant 4 : i32
          %get3A_319 = arith.index_cast %get3A_318 : i32 to index
          %get3A_320 = arith.index_cast %mul3A_317 : i32 to index
          %get3A_321 = tpu.vector_load %arg7[%get3A_319, %get3A_320] {strides = array<i32>} : memref<16x512xf32, #tpu.memory_space<vmem>>, vector<16xf32>,
          %mul3A_322 = arith.constant 16 : i32
          %mul3A_323 = vector.broadcast %mul3A_322 : i32 to vector<16xi32>
          %mul3A_324 = arith.muli %iota3A, %mul3A_323 : vector<16xi32>
          %add3A_325 = arith.constant 4 : i32
          %add3A_326 = vector.broadcast %add3A_325 : i32 to vector<16xi32>
          %add3A_327 = arith.addi %mul3A_324, %add3A_326 : vector<16xi32>
          tpu.vector_store_idx %arg8[%add3A_327], %get3A_321 : memref<256xf32, #tpu.memory_space<vmem>>[vector<16xi32>], vector<16xf32>,
          %mul3A_328 = arith.constant 16 : i32
          %mul3A_329 = arith.muli %scan3A_268, %mul3A_328 : i32
          %get3A_330 = arith.constant 5 : i32
          %get3A_331 = arith.index_cast %get3A_330 : i32 to index
          %get3A_332 = arith.index_cast %mul3A_329 : i32 to index
          %get3A_333 = tpu.vector_load %arg7[%get3A_331, %get3A_332] {strides = array<i32>} : memref<16x512xf32, #tpu.memory_space<vmem>>, vector<16xf32>,
          %mul3A_334 = arith.constant 16 : i32
          %mul3A_335 = vector.broadcast %mul3A_334 : i32 to vector<16xi32>
          %mul3A_336 = arith.muli %iota3A, %mul3A_335 : vector<16xi32>
          %add3A_337 = arith.constant 5 : i32
          %add3A_338 = vector.broadcast %add3A_337 : i32 to vector<16xi32>
          %add3A_339 = arith.addi %mul3A_336, %add3A_338 : vector<16xi32>
          tpu.vector_store_idx %arg8[%add3A_339], %get3A_333 : memref<256xf32, #tpu.memory_space<vmem>>[vector<16xi32>], vector<16xf32>,
          %mul3A_340 = arith.constant 16 : i32
          %mul3A_341 = arith.muli %scan3A_268, %mul3A_340 : i32
          %get3A_342 = arith.constant 6 : i32
          %get3A_343 = arith.index_cast %get3A_342 : i32 to index
          %get3A_344 = arith.index_cast %mul3A_341 : i32 to index
          %get3A_345 = tpu.vector_load %arg7[%get3A_343, %get3A_344] {strides = array<i32>} : memref<16x512xf32, #tpu.memory_space<vmem>>, vector<16xf32>,
          %mul3A_346 = arith.constant 16 : i32
          %mul3A_347 = vector.broadcast %mul3A_346 : i32 to vector<16xi32>
          %mul3A_348 = arith.muli %iota3A, %mul3A_347 : vector<16xi32>
          %add3A_349 = arith.constant 6 : i32
          %add3A_350 = vector.broadcast %add3A_349 : i32 to vector<16xi32>
          %add3A_351 = arith.addi %mul3A_348, %add3A_350 : vector<16xi32>
          tpu.vector_store_idx %arg8[%add3A_351], %get3A_345 : memref<256xf32, #tpu.memory_space<vmem>>[vector<16xi32>], vector<16xf32>,
          %mul3A_352 = arith.constant 16 : i32
          %mul3A_353 = arith.muli %scan3A_268, %mul3A_352 : i32
          %get3A_354 = arith.constant 7 : i32
          %get3A_355 = arith.index_cast %get3A_354 : i32 to index
          %get3A_356 = arith.index_cast %mul3A_353 : i32 to index
          %get3A_357 = tpu.vector_load %arg7[%get3A_355, %get3A_356] {strides = array<i32>} : memref<16x512xf32, #tpu.memory_space<vmem>>, vector<16xf32>,
          %mul3A_358 = arith.constant 16 : i32
          %mul3A_359 = vector.broadcast %mul3A_358 : i32 to vector<16xi32>
          %mul3A_360 = arith.muli %iota3A, %mul3A_359 : vector<16xi32>
          %add3A_361 = arith.constant 7 : i32
          %add3A_362 = vector.broadcast %add3A_361 : i32 to vector<16xi32>
          %add3A_363 = arith.addi %mul3A_360, %add3A_362 : vector<16xi32>
          tpu.vector_store_idx %arg8[%add3A_363], %get3A_357 : memref<256xf32, #tpu.memory_space<vmem>>[vector<16xi32>], vector<16xf32>,
          %mul3A_364 = arith.constant 16 : i32
          %mul3A_365 = arith.muli %scan3A_268, %mul3A_364 : i32
          %get3A_366 = arith.constant 8 : i32
          %get3A_367 = arith.index_cast %get3A_366 : i32 to index
          %get3A_368 = arith.index_cast %mul3A_365 : i32 to index
          %get3A_369 = tpu.vector_load %arg7[%get3A_367, %get3A_368] {strides = array<i32>} : memref<16x512xf32, #tpu.memory_space<vmem>>, vector<16xf32>,
          %mul3A_370 = arith.constant 16 : i32
          %mul3A_371 = vector.broadcast %mul3A_370 : i32 to vector<16xi32>
          %mul3A_372 = arith.muli %iota3A, %mul3A_371 : vector<16xi32>
          %add3A_373 = arith.constant 8 : i32
          %add3A_374 = vector.broadcast %add3A_373 : i32 to vector<16xi32>
          %add3A_375 = arith.addi %mul3A_372, %add3A_374 : vector<16xi32>
          tpu.vector_store_idx %arg8[%add3A_375], %get3A_369 : memref<256xf32, #tpu.memory_space<vmem>>[vector<16xi32>], vector<16xf32>,
          %mul3A_376 = arith.constant 16 : i32
          %mul3A_377 = arith.muli %scan3A_268, %mul3A_376 : i32
          %get3A_378 = arith.constant 9 : i32
          %get3A_379 = arith.index_cast %get3A_378 : i32 to index
          %get3A_380 = arith.index_cast %mul3A_377 : i32 to index
          %get3A_381 = tpu.vector_load %arg7[%get3A_379, %get3A_380] {strides = array<i32>} : memref<16x512xf32, #tpu.memory_space<vmem>>, vector<16xf32>,
          %mul3A_382 = arith.constant 16 : i32
          %mul3A_383 = vector.broadcast %mul3A_382 : i32 to vector<16xi32>
          %mul3A_384 = arith.muli %iota3A, %mul3A_383 : vector<16xi32>
          %add3A_385 = arith.constant 9 : i32
          %add3A_386 = vector.broadcast %add3A_385 : i32 to vector<16xi32>
          %add3A_387 = arith.addi %mul3A_384, %add3A_386 : vector<16xi32>
          tpu.vector_store_idx %arg8[%add3A_387], %get3A_381 : memref<256xf32, #tpu.memory_space<vmem>>[vector<16xi32>], vector<16xf32>,
          %mul3A_388 = arith.constant 16 : i32
          %mul3A_389 = arith.muli %scan3A_268, %mul3A_388 : i32
          %get3A_390 = arith.constant 10 : i32
          %get3A_391 = arith.index_cast %get3A_390 : i32 to index
          %get3A_392 = arith.index_cast %mul3A_389 : i32 to index
          %get3A_393 = tpu.vector_load %arg7[%get3A_391, %get3A_392] {strides = array<i32>} : memref<16x512xf32, #tpu.memory_space<vmem>>, vector<16xf32>,
          %mul3A_394 = arith.constant 16 : i32
          %mul3A_395 = vector.broadcast %mul3A_394 : i32 to vector<16xi32>
          %mul3A_396 = arith.muli %iota3A, %mul3A_395 : vector<16xi32>
          %add3A_397 = arith.constant 10 : i32
          %add3A_398 = vector.broadcast %add3A_397 : i32 to vector<16xi32>
          %add3A_399 = arith.addi %mul3A_396, %add3A_398 : vector<16xi32>
          tpu.vector_store_idx %arg8[%add3A_399], %get3A_393 : memref<256xf32, #tpu.memory_space<vmem>>[vector<16xi32>], vector<16xf32>,
          %mul3A_400 = arith.constant 16 : i32
          %mul3A_401 = arith.muli %scan3A_268, %mul3A_400 : i32
          %get3A_402 = arith.constant 11 : i32
          %get3A_403 = arith.index_cast %get3A_402 : i32 to index
          %get3A_404 = arith.index_cast %mul3A_401 : i32 to index
          %get3A_405 = tpu.vector_load %arg7[%get3A_403, %get3A_404] {strides = array<i32>} : memref<16x512xf32, #tpu.memory_space<vmem>>, vector<16xf32>,
          %mul3A_406 = arith.constant 16 : i32
          %mul3A_407 = vector.broadcast %mul3A_406 : i32 to vector<16xi32>
          %mul3A_408 = arith.muli %iota3A, %mul3A_407 : vector<16xi32>
          %add3A_409 = arith.constant 11 : i32
          %add3A_410 = vector.broadcast %add3A_409 : i32 to vector<16xi32>
          %add3A_411 = arith.addi %mul3A_408, %add3A_410 : vector<16xi32>
          tpu.vector_store_idx %arg8[%add3A_411], %get3A_405 : memref<256xf32, #tpu.memory_space<vmem>>[vector<16xi32>], vector<16xf32>,
          %mul3A_412 = arith.constant 16 : i32
          %mul3A_413 = arith.muli %scan3A_268, %mul3A_412 : i32
          %get3A_414 = arith.constant 12 : i32
          %get3A_415 = arith.index_cast %get3A_414 : i32 to index
          %get3A_416 = arith.index_cast %mul3A_413 : i32 to index
          %get3A_417 = tpu.vector_load %arg7[%get3A_415, %get3A_416] {strides = array<i32>} : memref<16x512xf32, #tpu.memory_space<vmem>>, vector<16xf32>,
          %mul3A_418 = arith.constant 16 : i32
          %mul3A_419 = vector.broadcast %mul3A_418 : i32 to vector<16xi32>
          %mul3A_420 = arith.muli %iota3A, %mul3A_419 : vector<16xi32>
          %add3A_421 = arith.constant 12 : i32
          %add3A_422 = vector.broadcast %add3A_421 : i32 to vector<16xi32>
          %add3A_423 = arith.addi %mul3A_420, %add3A_422 : vector<16xi32>
          tpu.vector_store_idx %arg8[%add3A_423], %get3A_417 : memref<256xf32, #tpu.memory_space<vmem>>[vector<16xi32>], vector<16xf32>,
          %mul3A_424 = arith.constant 16 : i32
          %mul3A_425 = arith.muli %scan3A_268, %mul3A_424 : i32
          %get3A_426 = arith.constant 13 : i32
          %get3A_427 = arith.index_cast %get3A_426 : i32 to index
          %get3A_428 = arith.index_cast %mul3A_425 : i32 to index
          %get3A_429 = tpu.vector_load %arg7[%get3A_427, %get3A_428] {strides = array<i32>} : memref<16x512xf32, #tpu.memory_space<vmem>>, vector<16xf32>,
          %mul3A_430 = arith.constant 16 : i32
          %mul3A_431 = vector.broadcast %mul3A_430 : i32 to vector<16xi32>
          %mul3A_432 = arith.muli %iota3A, %mul3A_431 : vector<16xi32>
          %add3A_433 = arith.constant 13 : i32
          %add3A_434 = vector.broadcast %add3A_433 : i32 to vector<16xi32>
          %add3A_435 = arith.addi %mul3A_432, %add3A_434 : vector<16xi32>
          tpu.vector_store_idx %arg8[%add3A_435], %get3A_429 : memref<256xf32, #tpu.memory_space<vmem>>[vector<16xi32>], vector<16xf32>,
          %mul3A_436 = arith.constant 16 : i32
          %mul3A_437 = arith.muli %scan3A_268, %mul3A_436 : i32
          %get3A_438 = arith.constant 14 : i32
          %get3A_439 = arith.index_cast %get3A_438 : i32 to index
          %get3A_440 = arith.index_cast %mul3A_437 : i32 to index
          %get3A_441 = tpu.vector_load %arg7[%get3A_439, %get3A_440] {strides = array<i32>} : memref<16x512xf32, #tpu.memory_space<vmem>>, vector<16xf32>,
          %mul3A_442 = arith.constant 16 : i32
          %mul3A_443 = vector.broadcast %mul3A_442 : i32 to vector<16xi32>
          %mul3A_444 = arith.muli %iota3A, %mul3A_443 : vector<16xi32>
          %add3A_445 = arith.constant 14 : i32
          %add3A_446 = vector.broadcast %add3A_445 : i32 to vector<16xi32>
          %add3A_447 = arith.addi %mul3A_444, %add3A_446 : vector<16xi32>
          tpu.vector_store_idx %arg8[%add3A_447], %get3A_441 : memref<256xf32, #tpu.memory_space<vmem>>[vector<16xi32>], vector<16xf32>,
          %mul3A_448 = arith.constant 16 : i32
          %mul3A_449 = arith.muli %scan3A_268, %mul3A_448 : i32
          %get3A_450 = arith.constant 15 : i32
          %get3A_451 = arith.index_cast %get3A_450 : i32 to index
          %get3A_452 = arith.index_cast %mul3A_449 : i32 to index
          %get3A_453 = tpu.vector_load %arg7[%get3A_451, %get3A_452] {strides = array<i32>} : memref<16x512xf32, #tpu.memory_space<vmem>>, vector<16xf32>,
          %mul3A_454 = arith.constant 16 : i32
          %mul3A_455 = vector.broadcast %mul3A_454 : i32 to vector<16xi32>
          %mul3A_456 = arith.muli %iota3A, %mul3A_455 : vector<16xi32>
          %add3A_457 = arith.constant 15 : i32
          %add3A_458 = vector.broadcast %add3A_457 : i32 to vector<16xi32>
          %add3A_459 = arith.addi %mul3A_456, %add3A_458 : vector<16xi32>
          tpu.vector_store_idx %arg8[%add3A_459], %get3A_453 : memref<256xf32, #tpu.memory_space<vmem>>[vector<16xi32>], vector<16xf32>,
          %get3A_460 = arith.constant 0 : index
          %get3A_461 = tpu.vector_load %arg8[%get3A_460] {strides = array<i32>} : memref<256xf32, #tpu.memory_space<vmem>>, vector<16xf32>,
          %mul3A_462 = arith.constant 512 : i32
          %mul3A_463 = arith.muli %add3A_247, %mul3A_462 : i32
          %mul3A_464 = arith.constant 16 : i32
          %mul3A_465 = arith.muli %scan3A_268, %mul3A_464 : i32
          %add3A_466 = arith.addi %mul3A_463, %mul3A_465 : i32
          %add3A_467 = arith.constant 0 : i32
          %add3A_468 = arith.addi %add3A_466, %add3A_467 : i32
          %bitcast_convert_type3A = tpu.bitcast %get3A_461 : vector<16xf32> -> vector<16xi32>
          %shift_right_logical3A = arith.constant 21 : i32
          %shift_right_logical3A_469 = vector.broadcast %shift_right_logical3A : i32 to vector<16xi32>
          %shift_right_logical3A_470 = arith.shrui %bitcast_convert_type3A, %shift_right_logical3A_469 : vector<16xi32>
          %mul3A_471 = arith.constant 16 : i32
          %mul3A_472 = vector.broadcast %mul3A_471 : i32 to vector<16xi32>
          %mul3A_473 = arith.muli %shift_right_logical3A_470, %mul3A_472 : vector<16xi32>
          %add3A_474 = arith.addi %mul3A_473, %iota3A : vector<16xi32>
          tpu.vector_store_idx %arg4[%add3A_474], %broadcast_in_dim3A_1 {add = true} : memref<32768xi32, #tpu.memory_space<vmem>>[vector<16xi32>], vector<16xi32>,
          %get3A_475 = arith.constant 16 : index
          %get3A_476 = tpu.vector_load %arg8[%get3A_475] {strides = array<i32>} : memref<256xf32, #tpu.memory_space<vmem>>, vector<16xf32>,
          %mul3A_477 = arith.constant 512 : i32
          %mul3A_478 = arith.muli %add3A_247, %mul3A_477 : i32
          %mul3A_479 = arith.constant 16 : i32
          %mul3A_480 = arith.muli %scan3A_268, %mul3A_479 : i32
          %add3A_481 = arith.addi %mul3A_478, %mul3A_480 : i32
          %add3A_482 = arith.constant 1 : i32
          %add3A_483 = arith.addi %add3A_481, %add3A_482 : i32
          %bitcast_convert_type3A_484 = tpu.bitcast %get3A_476 : vector<16xf32> -> vector<16xi32>
          %shift_right_logical3A_485 = arith.constant 21 : i32
          %shift_right_logical3A_486 = vector.broadcast %shift_right_logical3A_485 : i32 to vector<16xi32>
          %shift_right_logical3A_487 = arith.shrui %bitcast_convert_type3A_484, %shift_right_logical3A_486 : vector<16xi32>
          %mul3A_488 = arith.constant 16 : i32
          %mul3A_489 = vector.broadcast %mul3A_488 : i32 to vector<16xi32>
          %mul3A_490 = arith.muli %shift_right_logical3A_487, %mul3A_489 : vector<16xi32>
          %add3A_491 = arith.addi %mul3A_490, %iota3A : vector<16xi32>
          tpu.vector_store_idx %arg4[%add3A_491], %broadcast_in_dim3A_1 {add = true} : memref<32768xi32, #tpu.memory_space<vmem>>[vector<16xi32>], vector<16xi32>,
          %get3A_492 = arith.constant 32 : index
          %get3A_493 = tpu.vector_load %arg8[%get3A_492] {strides = array<i32>} : memref<256xf32, #tpu.memory_space<vmem>>, vector<16xf32>,
          %mul3A_494 = arith.constant 512 : i32
          %mul3A_495 = arith.muli %add3A_247, %mul3A_494 : i32
          %mul3A_496 = arith.constant 16 : i32
          %mul3A_497 = arith.muli %scan3A_268, %mul3A_496 : i32
          %add3A_498 = arith.addi %mul3A_495, %mul3A_497 : i32
          %add3A_499 = arith.constant 2 : i32
          %add3A_500 = arith.addi %add3A_498, %add3A_499 : i32
          %bitcast_convert_type3A_501 = tpu.bitcast %get3A_493 : vector<16xf32> -> vector<16xi32>
          %shift_right_logical3A_502 = arith.constant 21 : i32
          %shift_right_logical3A_503 = vector.broadcast %shift_right_logical3A_502 : i32 to vector<16xi32>
          %shift_right_logical3A_504 = arith.shrui %bitcast_convert_type3A_501, %shift_right_logical3A_503 : vector<16xi32>
          %mul3A_505 = arith.constant 16 : i32
          %mul3A_506 = vector.broadcast %mul3A_505 : i32 to vector<16xi32>
          %mul3A_507 = arith.muli %shift_right_logical3A_504, %mul3A_506 : vector<16xi32>
          %add3A_508 = arith.addi %mul3A_507, %iota3A : vector<16xi32>
          tpu.vector_store_idx %arg4[%add3A_508], %broadcast_in_dim3A_1 {add = true} : memref<32768xi32, #tpu.memory_space<vmem>>[vector<16xi32>], vector<16xi32>,
          %get3A_509 = arith.constant 48 : index
          %get3A_510 = tpu.vector_load %arg8[%get3A_509] {strides = array<i32>} : memref<256xf32, #tpu.memory_space<vmem>>, vector<16xf32>,
          %mul3A_511 = arith.constant 512 : i32
          %mul3A_512 = arith.muli %add3A_247, %mul3A_511 : i32
          %mul3A_513 = arith.constant 16 : i32
          %mul3A_514 = arith.muli %scan3A_268, %mul3A_513 : i32
          %add3A_515 = arith.addi %mul3A_512, %mul3A_514 : i32
          %add3A_516 = arith.constant 3 : i32
          %add3A_517 = arith.addi %add3A_515, %add3A_516 : i32
          %bitcast_convert_type3A_518 = tpu.bitcast %get3A_510 : vector<16xf32> -> vector<16xi32>
          %shift_right_logical3A_519 = arith.constant 21 : i32
          %shift_right_logical3A_520 = vector.broadcast %shift_right_logical3A_519 : i32 to vector<16xi32>
          %shift_right_logical3A_521 = arith.shrui %bitcast_convert_type3A_518, %shift_right_logical3A_520 : vector<16xi32>
          %mul3A_522 = arith.constant 16 : i32
          %mul3A_523 = vector.broadcast %mul3A_522 : i32 to vector<16xi32>
          %mul3A_524 = arith.muli %shift_right_logical3A_521, %mul3A_523 : vector<16xi32>
          %add3A_525 = arith.addi %mul3A_524, %iota3A : vector<16xi32>
          tpu.vector_store_idx %arg4[%add3A_525], %broadcast_in_dim3A_1 {add = true} : memref<32768xi32, #tpu.memory_space<vmem>>[vector<16xi32>], vector<16xi32>,
          %get3A_526 = arith.constant 64 : index
          %get3A_527 = tpu.vector_load %arg8[%get3A_526] {strides = array<i32>} : memref<256xf32, #tpu.memory_space<vmem>>, vector<16xf32>,
          %mul3A_528 = arith.constant 512 : i32
          %mul3A_529 = arith.muli %add3A_247, %mul3A_528 : i32
          %mul3A_530 = arith.constant 16 : i32
          %mul3A_531 = arith.muli %scan3A_268, %mul3A_530 : i32
          %add3A_532 = arith.addi %mul3A_529, %mul3A_531 : i32
          %add3A_533 = arith.constant 4 : i32
          %add3A_534 = arith.addi %add3A_532, %add3A_533 : i32
          %bitcast_convert_type3A_535 = tpu.bitcast %get3A_527 : vector<16xf32> -> vector<16xi32>
          %shift_right_logical3A_536 = arith.constant 21 : i32
          %shift_right_logical3A_537 = vector.broadcast %shift_right_logical3A_536 : i32 to vector<16xi32>
          %shift_right_logical3A_538 = arith.shrui %bitcast_convert_type3A_535, %shift_right_logical3A_537 : vector<16xi32>
          %mul3A_539 = arith.constant 16 : i32
          %mul3A_540 = vector.broadcast %mul3A_539 : i32 to vector<16xi32>
          %mul3A_541 = arith.muli %shift_right_logical3A_538, %mul3A_540 : vector<16xi32>
          %add3A_542 = arith.addi %mul3A_541, %iota3A : vector<16xi32>
          tpu.vector_store_idx %arg4[%add3A_542], %broadcast_in_dim3A_1 {add = true} : memref<32768xi32, #tpu.memory_space<vmem>>[vector<16xi32>], vector<16xi32>,
          %get3A_543 = arith.constant 80 : index
          %get3A_544 = tpu.vector_load %arg8[%get3A_543] {strides = array<i32>} : memref<256xf32, #tpu.memory_space<vmem>>, vector<16xf32>,
          %mul3A_545 = arith.constant 512 : i32
          %mul3A_546 = arith.muli %add3A_247, %mul3A_545 : i32
          %mul3A_547 = arith.constant 16 : i32
          %mul3A_548 = arith.muli %scan3A_268, %mul3A_547 : i32
          %add3A_549 = arith.addi %mul3A_546, %mul3A_548 : i32
          %add3A_550 = arith.constant 5 : i32
          %add3A_551 = arith.addi %add3A_549, %add3A_550 : i32
          %bitcast_convert_type3A_552 = tpu.bitcast %get3A_544 : vector<16xf32> -> vector<16xi32>
          %shift_right_logical3A_553 = arith.constant 21 : i32
          %shift_right_logical3A_554 = vector.broadcast %shift_right_logical3A_553 : i32 to vector<16xi32>
          %shift_right_logical3A_555 = arith.shrui %bitcast_convert_type3A_552, %shift_right_logical3A_554 : vector<16xi32>
          %mul3A_556 = arith.constant 16 : i32
          %mul3A_557 = vector.broadcast %mul3A_556 : i32 to vector<16xi32>
          %mul3A_558 = arith.muli %shift_right_logical3A_555, %mul3A_557 : vector<16xi32>
          %add3A_559 = arith.addi %mul3A_558, %iota3A : vector<16xi32>
          tpu.vector_store_idx %arg4[%add3A_559], %broadcast_in_dim3A_1 {add = true} : memref<32768xi32, #tpu.memory_space<vmem>>[vector<16xi32>], vector<16xi32>,
          %get3A_560 = arith.constant 96 : index
          %get3A_561 = tpu.vector_load %arg8[%get3A_560] {strides = array<i32>} : memref<256xf32, #tpu.memory_space<vmem>>, vector<16xf32>,
          %mul3A_562 = arith.constant 512 : i32
          %mul3A_563 = arith.muli %add3A_247, %mul3A_562 : i32
          %mul3A_564 = arith.constant 16 : i32
          %mul3A_565 = arith.muli %scan3A_268, %mul3A_564 : i32
          %add3A_566 = arith.addi %mul3A_563, %mul3A_565 : i32
          %add3A_567 = arith.constant 6 : i32
          %add3A_568 = arith.addi %add3A_566, %add3A_567 : i32
          %bitcast_convert_type3A_569 = tpu.bitcast %get3A_561 : vector<16xf32> -> vector<16xi32>
          %shift_right_logical3A_570 = arith.constant 21 : i32
          %shift_right_logical3A_571 = vector.broadcast %shift_right_logical3A_570 : i32 to vector<16xi32>
          %shift_right_logical3A_572 = arith.shrui %bitcast_convert_type3A_569, %shift_right_logical3A_571 : vector<16xi32>
          %mul3A_573 = arith.constant 16 : i32
          %mul3A_574 = vector.broadcast %mul3A_573 : i32 to vector<16xi32>
          %mul3A_575 = arith.muli %shift_right_logical3A_572, %mul3A_574 : vector<16xi32>
          %add3A_576 = arith.addi %mul3A_575, %iota3A : vector<16xi32>
          tpu.vector_store_idx %arg4[%add3A_576], %broadcast_in_dim3A_1 {add = true} : memref<32768xi32, #tpu.memory_space<vmem>>[vector<16xi32>], vector<16xi32>,
          %get3A_577 = arith.constant 112 : index
          %get3A_578 = tpu.vector_load %arg8[%get3A_577] {strides = array<i32>} : memref<256xf32, #tpu.memory_space<vmem>>, vector<16xf32>,
          %mul3A_579 = arith.constant 512 : i32
          %mul3A_580 = arith.muli %add3A_247, %mul3A_579 : i32
          %mul3A_581 = arith.constant 16 : i32
          %mul3A_582 = arith.muli %scan3A_268, %mul3A_581 : i32
          %add3A_583 = arith.addi %mul3A_580, %mul3A_582 : i32
          %add3A_584 = arith.constant 7 : i32
          %add3A_585 = arith.addi %add3A_583, %add3A_584 : i32
          %bitcast_convert_type3A_586 = tpu.bitcast %get3A_578 : vector<16xf32> -> vector<16xi32>
          %shift_right_logical3A_587 = arith.constant 21 : i32
          %shift_right_logical3A_588 = vector.broadcast %shift_right_logical3A_587 : i32 to vector<16xi32>
          %shift_right_logical3A_589 = arith.shrui %bitcast_convert_type3A_586, %shift_right_logical3A_588 : vector<16xi32>
          %mul3A_590 = arith.constant 16 : i32
          %mul3A_591 = vector.broadcast %mul3A_590 : i32 to vector<16xi32>
          %mul3A_592 = arith.muli %shift_right_logical3A_589, %mul3A_591 : vector<16xi32>
          %add3A_593 = arith.addi %mul3A_592, %iota3A : vector<16xi32>
          tpu.vector_store_idx %arg4[%add3A_593], %broadcast_in_dim3A_1 {add = true} : memref<32768xi32, #tpu.memory_space<vmem>>[vector<16xi32>], vector<16xi32>,
          %get3A_594 = arith.constant 128 : index
          %get3A_595 = tpu.vector_load %arg8[%get3A_594] {strides = array<i32>} : memref<256xf32, #tpu.memory_space<vmem>>, vector<16xf32>,
          %mul3A_596 = arith.constant 512 : i32
          %mul3A_597 = arith.muli %add3A_247, %mul3A_596 : i32
          %mul3A_598 = arith.constant 16 : i32
          %mul3A_599 = arith.muli %scan3A_268, %mul3A_598 : i32
          %add3A_600 = arith.addi %mul3A_597, %mul3A_599 : i32
          %add3A_601 = arith.constant 8 : i32
          %add3A_602 = arith.addi %add3A_600, %add3A_601 : i32
          %bitcast_convert_type3A_603 = tpu.bitcast %get3A_595 : vector<16xf32> -> vector<16xi32>
          %shift_right_logical3A_604 = arith.constant 21 : i32
          %shift_right_logical3A_605 = vector.broadcast %shift_right_logical3A_604 : i32 to vector<16xi32>
          %shift_right_logical3A_606 = arith.shrui %bitcast_convert_type3A_603, %shift_right_logical3A_605 : vector<16xi32>
          %mul3A_607 = arith.constant 16 : i32
          %mul3A_608 = vector.broadcast %mul3A_607 : i32 to vector<16xi32>
          %mul3A_609 = arith.muli %shift_right_logical3A_606, %mul3A_608 : vector<16xi32>
          %add3A_610 = arith.addi %mul3A_609, %iota3A : vector<16xi32>
          tpu.vector_store_idx %arg4[%add3A_610], %broadcast_in_dim3A_1 {add = true} : memref<32768xi32, #tpu.memory_space<vmem>>[vector<16xi32>], vector<16xi32>,
          %get3A_611 = arith.constant 144 : index
          %get3A_612 = tpu.vector_load %arg8[%get3A_611] {strides = array<i32>} : memref<256xf32, #tpu.memory_space<vmem>>, vector<16xf32>,
          %mul3A_613 = arith.constant 512 : i32
          %mul3A_614 = arith.muli %add3A_247, %mul3A_613 : i32
          %mul3A_615 = arith.constant 16 : i32
          %mul3A_616 = arith.muli %scan3A_268, %mul3A_615 : i32
          %add3A_617 = arith.addi %mul3A_614, %mul3A_616 : i32
          %add3A_618 = arith.constant 9 : i32
          %add3A_619 = arith.addi %add3A_617, %add3A_618 : i32
          %bitcast_convert_type3A_620 = tpu.bitcast %get3A_612 : vector<16xf32> -> vector<16xi32>
          %shift_right_logical3A_621 = arith.constant 21 : i32
          %shift_right_logical3A_622 = vector.broadcast %shift_right_logical3A_621 : i32 to vector<16xi32>
          %shift_right_logical3A_623 = arith.shrui %bitcast_convert_type3A_620, %shift_right_logical3A_622 : vector<16xi32>
          %mul3A_624 = arith.constant 16 : i32
          %mul3A_625 = vector.broadcast %mul3A_624 : i32 to vector<16xi32>
          %mul3A_626 = arith.muli %shift_right_logical3A_623, %mul3A_625 : vector<16xi32>
          %add3A_627 = arith.addi %mul3A_626, %iota3A : vector<16xi32>
          tpu.vector_store_idx %arg4[%add3A_627], %broadcast_in_dim3A_1 {add = true} : memref<32768xi32, #tpu.memory_space<vmem>>[vector<16xi32>], vector<16xi32>,
          %get3A_628 = arith.constant 160 : index
          %get3A_629 = tpu.vector_load %arg8[%get3A_628] {strides = array<i32>} : memref<256xf32, #tpu.memory_space<vmem>>, vector<16xf32>,
          %mul3A_630 = arith.constant 512 : i32
          %mul3A_631 = arith.muli %add3A_247, %mul3A_630 : i32
          %mul3A_632 = arith.constant 16 : i32
          %mul3A_633 = arith.muli %scan3A_268, %mul3A_632 : i32
          %add3A_634 = arith.addi %mul3A_631, %mul3A_633 : i32
          %add3A_635 = arith.constant 10 : i32
          %add3A_636 = arith.addi %add3A_634, %add3A_635 : i32
          %bitcast_convert_type3A_637 = tpu.bitcast %get3A_629 : vector<16xf32> -> vector<16xi32>
          %shift_right_logical3A_638 = arith.constant 21 : i32
          %shift_right_logical3A_639 = vector.broadcast %shift_right_logical3A_638 : i32 to vector<16xi32>
          %shift_right_logical3A_640 = arith.shrui %bitcast_convert_type3A_637, %shift_right_logical3A_639 : vector<16xi32>
          %mul3A_641 = arith.constant 16 : i32
          %mul3A_642 = vector.broadcast %mul3A_641 : i32 to vector<16xi32>
          %mul3A_643 = arith.muli %shift_right_logical3A_640, %mul3A_642 : vector<16xi32>
          %add3A_644 = arith.addi %mul3A_643, %iota3A : vector<16xi32>
          tpu.vector_store_idx %arg4[%add3A_644], %broadcast_in_dim3A_1 {add = true} : memref<32768xi32, #tpu.memory_space<vmem>>[vector<16xi32>], vector<16xi32>,
          %get3A_645 = arith.constant 176 : index
          %get3A_646 = tpu.vector_load %arg8[%get3A_645] {strides = array<i32>} : memref<256xf32, #tpu.memory_space<vmem>>, vector<16xf32>,
          %mul3A_647 = arith.constant 512 : i32
          %mul3A_648 = arith.muli %add3A_247, %mul3A_647 : i32
          %mul3A_649 = arith.constant 16 : i32
          %mul3A_650 = arith.muli %scan3A_268, %mul3A_649 : i32
          %add3A_651 = arith.addi %mul3A_648, %mul3A_650 : i32
          %add3A_652 = arith.constant 11 : i32
          %add3A_653 = arith.addi %add3A_651, %add3A_652 : i32
          %bitcast_convert_type3A_654 = tpu.bitcast %get3A_646 : vector<16xf32> -> vector<16xi32>
          %shift_right_logical3A_655 = arith.constant 21 : i32
          %shift_right_logical3A_656 = vector.broadcast %shift_right_logical3A_655 : i32 to vector<16xi32>
          %shift_right_logical3A_657 = arith.shrui %bitcast_convert_type3A_654, %shift_right_logical3A_656 : vector<16xi32>
          %mul3A_658 = arith.constant 16 : i32
          %mul3A_659 = vector.broadcast %mul3A_658 : i32 to vector<16xi32>
          %mul3A_660 = arith.muli %shift_right_logical3A_657, %mul3A_659 : vector<16xi32>
          %add3A_661 = arith.addi %mul3A_660, %iota3A : vector<16xi32>
          tpu.vector_store_idx %arg4[%add3A_661], %broadcast_in_dim3A_1 {add = true} : memref<32768xi32, #tpu.memory_space<vmem>>[vector<16xi32>], vector<16xi32>,
          %get3A_662 = arith.constant 192 : index
          %get3A_663 = tpu.vector_load %arg8[%get3A_662] {strides = array<i32>} : memref<256xf32, #tpu.memory_space<vmem>>, vector<16xf32>,
          %mul3A_664 = arith.constant 512 : i32
          %mul3A_665 = arith.muli %add3A_247, %mul3A_664 : i32
          %mul3A_666 = arith.constant 16 : i32
          %mul3A_667 = arith.muli %scan3A_268, %mul3A_666 : i32
          %add3A_668 = arith.addi %mul3A_665, %mul3A_667 : i32
          %add3A_669 = arith.constant 12 : i32
          %add3A_670 = arith.addi %add3A_668, %add3A_669 : i32
          %bitcast_convert_type3A_671 = tpu.bitcast %get3A_663 : vector<16xf32> -> vector<16xi32>
          %shift_right_logical3A_672 = arith.constant 21 : i32
          %shift_right_logical3A_673 = vector.broadcast %shift_right_logical3A_672 : i32 to vector<16xi32>
          %shift_right_logical3A_674 = arith.shrui %bitcast_convert_type3A_671, %shift_right_logical3A_673 : vector<16xi32>
          %mul3A_675 = arith.constant 16 : i32
          %mul3A_676 = vector.broadcast %mul3A_675 : i32 to vector<16xi32>
          %mul3A_677 = arith.muli %shift_right_logical3A_674, %mul3A_676 : vector<16xi32>
          %add3A_678 = arith.addi %mul3A_677, %iota3A : vector<16xi32>
          tpu.vector_store_idx %arg4[%add3A_678], %broadcast_in_dim3A_1 {add = true} : memref<32768xi32, #tpu.memory_space<vmem>>[vector<16xi32>], vector<16xi32>,
          %get3A_679 = arith.constant 208 : index
          %get3A_680 = tpu.vector_load %arg8[%get3A_679] {strides = array<i32>} : memref<256xf32, #tpu.memory_space<vmem>>, vector<16xf32>,
          %mul3A_681 = arith.constant 512 : i32
          %mul3A_682 = arith.muli %add3A_247, %mul3A_681 : i32
          %mul3A_683 = arith.constant 16 : i32
          %mul3A_684 = arith.muli %scan3A_268, %mul3A_683 : i32
          %add3A_685 = arith.addi %mul3A_682, %mul3A_684 : i32
          %add3A_686 = arith.constant 13 : i32
          %add3A_687 = arith.addi %add3A_685, %add3A_686 : i32
          %bitcast_convert_type3A_688 = tpu.bitcast %get3A_680 : vector<16xf32> -> vector<16xi32>
          %shift_right_logical3A_689 = arith.constant 21 : i32
          %shift_right_logical3A_690 = vector.broadcast %shift_right_logical3A_689 : i32 to vector<16xi32>
          %shift_right_logical3A_691 = arith.shrui %bitcast_convert_type3A_688, %shift_right_logical3A_690 : vector<16xi32>
          %mul3A_692 = arith.constant 16 : i32
          %mul3A_693 = vector.broadcast %mul3A_692 : i32 to vector<16xi32>
          %mul3A_694 = arith.muli %shift_right_logical3A_691, %mul3A_693 : vector<16xi32>
          %add3A_695 = arith.addi %mul3A_694, %iota3A : vector<16xi32>
          tpu.vector_store_idx %arg4[%add3A_695], %broadcast_in_dim3A_1 {add = true} : memref<32768xi32, #tpu.memory_space<vmem>>[vector<16xi32>], vector<16xi32>,
          %get3A_696 = arith.constant 224 : index
          %get3A_697 = tpu.vector_load %arg8[%get3A_696] {strides = array<i32>} : memref<256xf32, #tpu.memory_space<vmem>>, vector<16xf32>,
          %mul3A_698 = arith.constant 512 : i32
          %mul3A_699 = arith.muli %add3A_247, %mul3A_698 : i32
          %mul3A_700 = arith.constant 16 : i32
          %mul3A_701 = arith.muli %scan3A_268, %mul3A_700 : i32
          %add3A_702 = arith.addi %mul3A_699, %mul3A_701 : i32
          %add3A_703 = arith.constant 14 : i32
          %add3A_704 = arith.addi %add3A_702, %add3A_703 : i32
          %bitcast_convert_type3A_705 = tpu.bitcast %get3A_697 : vector<16xf32> -> vector<16xi32>
          %shift_right_logical3A_706 = arith.constant 21 : i32
          %shift_right_logical3A_707 = vector.broadcast %shift_right_logical3A_706 : i32 to vector<16xi32>
          %shift_right_logical3A_708 = arith.shrui %bitcast_convert_type3A_705, %shift_right_logical3A_707 : vector<16xi32>
          %mul3A_709 = arith.constant 16 : i32
          %mul3A_710 = vector.broadcast %mul3A_709 : i32 to vector<16xi32>
          %mul3A_711 = arith.muli %shift_right_logical3A_708, %mul3A_710 : vector<16xi32>
          %add3A_712 = arith.addi %mul3A_711, %iota3A : vector<16xi32>
          tpu.vector_store_idx %arg4[%add3A_712], %broadcast_in_dim3A_1 {add = true} : memref<32768xi32, #tpu.memory_space<vmem>>[vector<16xi32>], vector<16xi32>,
          %get3A_713 = arith.constant 240 : index
          %get3A_714 = tpu.vector_load %arg8[%get3A_713] {strides = array<i32>} : memref<256xf32, #tpu.memory_space<vmem>>, vector<16xf32>,
          %mul3A_715 = arith.constant 512 : i32
          %mul3A_716 = arith.muli %add3A_247, %mul3A_715 : i32
          %mul3A_717 = arith.constant 16 : i32
          %mul3A_718 = arith.muli %scan3A_268, %mul3A_717 : i32
          %add3A_719 = arith.addi %mul3A_716, %mul3A_718 : i32
          %add3A_720 = arith.constant 15 : i32
          %add3A_721 = arith.addi %add3A_719, %add3A_720 : i32
          %bitcast_convert_type3A_722 = tpu.bitcast %get3A_714 : vector<16xf32> -> vector<16xi32>
          %shift_right_logical3A_723 = arith.constant 21 : i32
          %shift_right_logical3A_724 = vector.broadcast %shift_right_logical3A_723 : i32 to vector<16xi32>
          %shift_right_logical3A_725 = arith.shrui %bitcast_convert_type3A_722, %shift_right_logical3A_724 : vector<16xi32>
          %mul3A_726 = arith.constant 16 : i32
          %mul3A_727 = vector.broadcast %mul3A_726 : i32 to vector<16xi32>
          %mul3A_728 = arith.muli %shift_right_logical3A_725, %mul3A_727 : vector<16xi32>
          %add3A_729 = arith.addi %mul3A_728, %iota3A : vector<16xi32>
          tpu.vector_store_idx %arg4[%add3A_729], %broadcast_in_dim3A_1 {add = true} : memref<32768xi32, #tpu.memory_space<vmem>>[vector<16xi32>], vector<16xi32>,
        }
        %scan3A_260 = arith.constant 32 : i32
        %add3A_261 = arith.constant 2 : i32
        %add3A_262 = arith.addi %add3A_247, %add3A_261 : i32
        %lt3A_263 = arith.constant 48 : i32
        %lt3A_264 = arith.cmpi slt, %add3A_262, %lt3A_263 : i32
        %convert_element_type3A_265 = arith.extui %lt3A_264 : i1 to i32
        %cond3A_266 = arith.constant 0 : i32
        %cond3A_267 = arith.cmpi ne, %convert_element_type3A_265, %cond3A_266 : i32
        scf.if %cond3A_267 {
          %add3A_268 = arith.constant 2 : i32
          %add3A_269 = arith.addi %add3A_247, %add3A_268 : i32
          %mul3A_270 = arith.constant 512 : i32
          %mul3A_271 = arith.muli %add3A_269, %mul3A_270 : i32
          %dma_start3A_272 = arith.constant 0 : i32
          %dma_start3A_273 = tpu.memref_slice %arg2[%add3A_21, %dma_start3A_272, %mul3A_271] : memref<64x16x24576xf32, #tpu.memory_space<hbm>> -> memref<1x16x512xf32, #tpu.memory_space<hbm>>
          %dma_start3A_274 = tpu.memref_squeeze %dma_start3A_273 : memref<1x16x512xf32, #tpu.memory_space<hbm>> -> memref<16x512xf32, #tpu.memory_space<hbm>>
          %dma_start3A_275 = arith.constant 0 : i32
          %dma_start3A_276 = tpu.memref_slice %arg2[%add3A_21, %dma_start3A_275, %mul3A_271] : memref<64x16x24576xf32, #tpu.memory_space<hbm>> -> memref<1x16x512xf32, #tpu.memory_space<hbm>>
          %dma_start3A_277 = tpu.memref_squeeze %dma_start3A_276 : memref<1x16x512xf32, #tpu.memory_space<hbm>> -> memref<16x512xf32, #tpu.memory_space<hbm>>
          tpu.enqueue_dma source(%dma_start3A_277 : memref<16x512xf32, #tpu.memory_space<hbm>>) target(%arg7 : memref<16x512xf32, #tpu.memory_space<vmem>>) target_semaphore(%arg15 : memref<!tpu.dma_semaphore, #tpu.memory_space<semaphore_mem>>)
        } else {
        }
      }
      %scan3A_56 = arith.constant 24 : i32
      %broadcast_in_dim3A_57 = arith.constant 64 : i32
      %broadcast_in_dim3A_58 = vector.broadcast %broadcast_in_dim3A_57 : i32 to vector<16xi32>
      %broadcast_in_dim3A_59 = arith.constant 0 : i32
      %broadcast_in_dim3A_60 = vector.broadcast %broadcast_in_dim3A_59 : i32 to vector<16xi32>
      %broadcast_in_dim3A_61 = arith.constant false
      %broadcast_in_dim3A_62 = vector.broadcast %broadcast_in_dim3A_61 : i1 to vector<16xi1>
      %scan3A_63 = arith.constant 0 : i32
      %scan3A_64 = arith.constant 2048 : i32
      %scan3A_65 = arith.addi %scan3A_63, %scan3A_64 : i32
      %scan3A_66 = arith.constant 1 : i32
      %scan3A_67:4 = scf.for %scan3A_225 = %scan3A_63 to %scan3A_65 step %scan3A_66 iter_args(%scan3A_226 = %broadcast_in_dim3A_60, %scan3A_227 = %broadcast_in_dim3A_60, %scan3A_228 = %broadcast_in_dim3A_60, %scan3A_229 = %broadcast_in_dim3A_62) -> (vector<16xi32>, vector<16xi32>, vector<16xi32>, vector<16xi1>)  : i32 {
        %sub3A_230 = arith.constant 2047 : i32
        %sub3A_231 = arith.subi %sub3A_230, %scan3A_225 : i32
        %mul3A_232 = arith.constant 16 : i32
        %mul3A_233 = arith.muli %sub3A_231, %mul3A_232 : i32
        %get3A = arith.index_cast %mul3A_233 : i32 to index
        %get3A_234 = tpu.vector_load %arg4[%get3A] {strides = array<i32>} : memref<32768xi32, #tpu.memory_space<vmem>>, vector<16xi32>,
        %add3A_235 = arith.addi %scan3A_226, %get3A_234 : vector<16xi32>
        %not3A = arith.constant dense<true> : vector<16xi1>
        %not3A_236 = arith.xori %scan3A_229, %not3A : vector<16xi1>
        %ge3A = arith.cmpi sge, %add3A_235, %broadcast_in_dim3A_58 : vector<16xi32>
        %and3A = arith.andi %not3A_236, %ge3A : vector<16xi1>
        %broadcast_in_dim3A_237 = vector.broadcast %sub3A_231 : i32 to vector<16xi32>
        %select_n3A = arith.select %and3A, %broadcast_in_dim3A_237, %scan3A_227 : vector<16xi1>, vector<16xi32>
        %select_n3A_238 = arith.select %and3A, %scan3A_226, %scan3A_228 : vector<16xi1>, vector<16xi32>
        %or3A = arith.ori %scan3A_229, %and3A : vector<16xi1>
        scf.yield %add3A_235, %select_n3A, %select_n3A_238, %or3A : vector<16xi32>, vector<16xi32>, vector<16xi32>, vector<16xi1>
      }
      %scan3A_68 = arith.constant 2048 : i32
      %broadcast_in_dim3A_69 = arith.constant 0 : i32
      %broadcast_in_dim3A_70 = vector.broadcast %broadcast_in_dim3A_69 : i32 to vector<16xi32>
      %dma_start3A_71 = arith.constant 0 : i32
      %dma_start3A_72 = arith.constant 0 : i32
      %dma_start3A_73 = tpu.memref_slice %arg2[%add3A_21, %dma_start3A_71, %dma_start3A_72] : memref<64x16x24576xf32, #tpu.memory_space<hbm>> -> memref<1x16x512xf32, #tpu.memory_space<hbm>>
      %dma_start3A_74 = tpu.memref_squeeze %dma_start3A_73 : memref<1x16x512xf32, #tpu.memory_space<hbm>> -> memref<16x512xf32, #tpu.memory_space<hbm>>
      %dma_start3A_75 = arith.constant 0 : i32
      %dma_start3A_76 = arith.constant 0 : i32
      %dma_start3A_77 = tpu.memref_slice %arg2[%add3A_21, %dma_start3A_75, %dma_start3A_76] : memref<64x16x24576xf32, #tpu.memory_space<hbm>> -> memref<1x16x512xf32, #tpu.memory_space<hbm>>
      %dma_start3A_78 = tpu.memref_squeeze %dma_start3A_77 : memref<1x16x512xf32, #tpu.memory_space<hbm>> -> memref<16x512xf32, #tpu.memory_space<hbm>>
      tpu.enqueue_dma source(%dma_start3A_78 : memref<16x512xf32, #tpu.memory_space<hbm>>) target(%arg6 : memref<16x512xf32, #tpu.memory_space<vmem>>) target_semaphore(%arg14 : memref<!tpu.dma_semaphore, #tpu.memory_space<semaphore_mem>>)
      %dma_start3A_79 = arith.constant 0 : i32
      %dma_start3A_80 = arith.constant 512 : i32
      %dma_start3A_81 = tpu.memref_slice %arg2[%add3A_21, %dma_start3A_79, %dma_start3A_80] : memref<64x16x24576xf32, #tpu.memory_space<hbm>> -> memref<1x16x512xf32, #tpu.memory_space<hbm>>
      %dma_start3A_82 = tpu.memref_squeeze %dma_start3A_81 : memref<1x16x512xf32, #tpu.memory_space<hbm>> -> memref<16x512xf32, #tpu.memory_space<hbm>>
      %dma_start3A_83 = arith.constant 0 : i32
      %dma_start3A_84 = arith.constant 512 : i32
      %dma_start3A_85 = tpu.memref_slice %arg2[%add3A_21, %dma_start3A_83, %dma_start3A_84] : memref<64x16x24576xf32, #tpu.memory_space<hbm>> -> memref<1x16x512xf32, #tpu.memory_space<hbm>>
      %dma_start3A_86 = tpu.memref_squeeze %dma_start3A_85 : memref<1x16x512xf32, #tpu.memory_space<hbm>> -> memref<16x512xf32, #tpu.memory_space<hbm>>
      tpu.enqueue_dma source(%dma_start3A_86 : memref<16x512xf32, #tpu.memory_space<hbm>>) target(%arg7 : memref<16x512xf32, #tpu.memory_space<vmem>>) target_semaphore(%arg15 : memref<!tpu.dma_semaphore, #tpu.memory_space<semaphore_mem>>)
      %scan3A_87 = arith.constant 0 : i32
      %scan3A_88 = arith.constant 24 : i32
      %scan3A_89 = arith.addi %scan3A_87, %scan3A_88 : i32
      %scan3A_90 = arith.constant 1 : i32
      %scan3A_91 = scf.for %scan3A_225 = %scan3A_87 to %scan3A_89 step %scan3A_90 iter_args(%scan3A_226 = %broadcast_in_dim3A_70) -> (vector<16xi32>)  : i32 {
        %mul3A_227 = arith.constant 2 : i32
        %mul3A_228 = arith.muli %mul3A_227, %scan3A_225 : i32
        %mul3A_229 = arith.constant 512 : i32
        %mul3A_230 = arith.muli %mul3A_228, %mul3A_229 : i32
        %dma_wait3A = arith.constant 0 : i32
        %dma_wait3A_231 = tpu.memref_slice %arg2[%add3A_21, %dma_wait3A, %mul3A_230] : memref<64x16x24576xf32, #tpu.memory_space<hbm>> -> memref<1x16x512xf32, #tpu.memory_space<hbm>>
        %dma_wait3A_232 = tpu.memref_squeeze %dma_wait3A_231 : memref<1x16x512xf32, #tpu.memory_space<hbm>> -> memref<16x512xf32, #tpu.memory_space<hbm>>
        %dma_wait3A_233 = arith.constant 0 : i32
        %dma_wait3A_234 = tpu.memref_slice %arg2[%add3A_21, %dma_wait3A_233, %mul3A_230] : memref<64x16x24576xf32, #tpu.memory_space<hbm>> -> memref<1x16x512xf32, #tpu.memory_space<hbm>>
        %dma_wait3A_235 = tpu.memref_squeeze %dma_wait3A_234 : memref<1x16x512xf32, #tpu.memory_space<hbm>> -> memref<16x512xf32, #tpu.memory_space<hbm>>
        tpu.wait_dma2 semaphore(%arg14 : memref<!tpu.dma_semaphore, #tpu.memory_space<semaphore_mem>>) src(%dma_wait3A_235 : memref<16x512xf32, #tpu.memory_space<hbm>>) dst(%arg6 : memref<16x512xf32, #tpu.memory_space<vmem>>)
        %scan3A_236 = arith.constant 0 : i32
        %scan3A_237 = arith.constant 32 : i32
        %scan3A_238 = arith.addi %scan3A_236, %scan3A_237 : i32
        %scan3A_239 = arith.constant 1 : i32
        %scan3A_240 = scf.for %scan3A_271 = %scan3A_236 to %scan3A_238 step %scan3A_239 iter_args(%scan3A_272 = %scan3A_226) -> (vector<16xi32>)  : i32 {
          %mul3A_273 = arith.constant 16 : i32
          %mul3A_274 = arith.muli %scan3A_271, %mul3A_273 : i32
          %get3A = arith.constant 0 : i32
          %get3A_275 = arith.index_cast %get3A : i32 to index
          %get3A_276 = arith.index_cast %mul3A_274 : i32 to index
          %get3A_277 = tpu.vector_load %arg6[%get3A_275, %get3A_276] {strides = array<i32>} : memref<16x512xf32, #tpu.memory_space<vmem>>, vector<16xf32>,
          %mul3A_278 = arith.constant 16 : i32
          %mul3A_279 = vector.broadcast %mul3A_278 : i32 to vector<16xi32>
          %mul3A_280 = arith.muli %iota3A, %mul3A_279 : vector<16xi32>
          %add3A_281 = arith.constant 0 : i32
          %add3A_282 = vector.broadcast %add3A_281 : i32 to vector<16xi32>
          %add3A_283 = arith.addi %mul3A_280, %add3A_282 : vector<16xi32>
          tpu.vector_store_idx %arg8[%add3A_283], %get3A_277 : memref<256xf32, #tpu.memory_space<vmem>>[vector<16xi32>], vector<16xf32>,
          %mul3A_284 = arith.constant 16 : i32
          %mul3A_285 = arith.muli %scan3A_271, %mul3A_284 : i32
          %get3A_286 = arith.constant 1 : i32
          %get3A_287 = arith.index_cast %get3A_286 : i32 to index
          %get3A_288 = arith.index_cast %mul3A_285 : i32 to index
          %get3A_289 = tpu.vector_load %arg6[%get3A_287, %get3A_288] {strides = array<i32>} : memref<16x512xf32, #tpu.memory_space<vmem>>, vector<16xf32>,
          %mul3A_290 = arith.constant 16 : i32
          %mul3A_291 = vector.broadcast %mul3A_290 : i32 to vector<16xi32>
          %mul3A_292 = arith.muli %iota3A, %mul3A_291 : vector<16xi32>
          %add3A_293 = arith.constant 1 : i32
          %add3A_294 = vector.broadcast %add3A_293 : i32 to vector<16xi32>
          %add3A_295 = arith.addi %mul3A_292, %add3A_294 : vector<16xi32>
          tpu.vector_store_idx %arg8[%add3A_295], %get3A_289 : memref<256xf32, #tpu.memory_space<vmem>>[vector<16xi32>], vector<16xf32>,
          %mul3A_296 = arith.constant 16 : i32
          %mul3A_297 = arith.muli %scan3A_271, %mul3A_296 : i32
          %get3A_298 = arith.constant 2 : i32
          %get3A_299 = arith.index_cast %get3A_298 : i32 to index
          %get3A_300 = arith.index_cast %mul3A_297 : i32 to index
          %get3A_301 = tpu.vector_load %arg6[%get3A_299, %get3A_300] {strides = array<i32>} : memref<16x512xf32, #tpu.memory_space<vmem>>, vector<16xf32>,
          %mul3A_302 = arith.constant 16 : i32
          %mul3A_303 = vector.broadcast %mul3A_302 : i32 to vector<16xi32>
          %mul3A_304 = arith.muli %iota3A, %mul3A_303 : vector<16xi32>
          %add3A_305 = arith.constant 2 : i32
          %add3A_306 = vector.broadcast %add3A_305 : i32 to vector<16xi32>
          %add3A_307 = arith.addi %mul3A_304, %add3A_306 : vector<16xi32>
          tpu.vector_store_idx %arg8[%add3A_307], %get3A_301 : memref<256xf32, #tpu.memory_space<vmem>>[vector<16xi32>], vector<16xf32>,
          %mul3A_308 = arith.constant 16 : i32
          %mul3A_309 = arith.muli %scan3A_271, %mul3A_308 : i32
          %get3A_310 = arith.constant 3 : i32
          %get3A_311 = arith.index_cast %get3A_310 : i32 to index
          %get3A_312 = arith.index_cast %mul3A_309 : i32 to index
          %get3A_313 = tpu.vector_load %arg6[%get3A_311, %get3A_312] {strides = array<i32>} : memref<16x512xf32, #tpu.memory_space<vmem>>, vector<16xf32>,
          %mul3A_314 = arith.constant 16 : i32
          %mul3A_315 = vector.broadcast %mul3A_314 : i32 to vector<16xi32>
          %mul3A_316 = arith.muli %iota3A, %mul3A_315 : vector<16xi32>
          %add3A_317 = arith.constant 3 : i32
          %add3A_318 = vector.broadcast %add3A_317 : i32 to vector<16xi32>
          %add3A_319 = arith.addi %mul3A_316, %add3A_318 : vector<16xi32>
          tpu.vector_store_idx %arg8[%add3A_319], %get3A_313 : memref<256xf32, #tpu.memory_space<vmem>>[vector<16xi32>], vector<16xf32>,
          %mul3A_320 = arith.constant 16 : i32
          %mul3A_321 = arith.muli %scan3A_271, %mul3A_320 : i32
          %get3A_322 = arith.constant 4 : i32
          %get3A_323 = arith.index_cast %get3A_322 : i32 to index
          %get3A_324 = arith.index_cast %mul3A_321 : i32 to index
          %get3A_325 = tpu.vector_load %arg6[%get3A_323, %get3A_324] {strides = array<i32>} : memref<16x512xf32, #tpu.memory_space<vmem>>, vector<16xf32>,
          %mul3A_326 = arith.constant 16 : i32
          %mul3A_327 = vector.broadcast %mul3A_326 : i32 to vector<16xi32>
          %mul3A_328 = arith.muli %iota3A, %mul3A_327 : vector<16xi32>
          %add3A_329 = arith.constant 4 : i32
          %add3A_330 = vector.broadcast %add3A_329 : i32 to vector<16xi32>
          %add3A_331 = arith.addi %mul3A_328, %add3A_330 : vector<16xi32>
          tpu.vector_store_idx %arg8[%add3A_331], %get3A_325 : memref<256xf32, #tpu.memory_space<vmem>>[vector<16xi32>], vector<16xf32>,
          %mul3A_332 = arith.constant 16 : i32
          %mul3A_333 = arith.muli %scan3A_271, %mul3A_332 : i32
          %get3A_334 = arith.constant 5 : i32
          %get3A_335 = arith.index_cast %get3A_334 : i32 to index
          %get3A_336 = arith.index_cast %mul3A_333 : i32 to index
          %get3A_337 = tpu.vector_load %arg6[%get3A_335, %get3A_336] {strides = array<i32>} : memref<16x512xf32, #tpu.memory_space<vmem>>, vector<16xf32>,
          %mul3A_338 = arith.constant 16 : i32
          %mul3A_339 = vector.broadcast %mul3A_338 : i32 to vector<16xi32>
          %mul3A_340 = arith.muli %iota3A, %mul3A_339 : vector<16xi32>
          %add3A_341 = arith.constant 5 : i32
          %add3A_342 = vector.broadcast %add3A_341 : i32 to vector<16xi32>
          %add3A_343 = arith.addi %mul3A_340, %add3A_342 : vector<16xi32>
          tpu.vector_store_idx %arg8[%add3A_343], %get3A_337 : memref<256xf32, #tpu.memory_space<vmem>>[vector<16xi32>], vector<16xf32>,
          %mul3A_344 = arith.constant 16 : i32
          %mul3A_345 = arith.muli %scan3A_271, %mul3A_344 : i32
          %get3A_346 = arith.constant 6 : i32
          %get3A_347 = arith.index_cast %get3A_346 : i32 to index
          %get3A_348 = arith.index_cast %mul3A_345 : i32 to index
          %get3A_349 = tpu.vector_load %arg6[%get3A_347, %get3A_348] {strides = array<i32>} : memref<16x512xf32, #tpu.memory_space<vmem>>, vector<16xf32>,
          %mul3A_350 = arith.constant 16 : i32
          %mul3A_351 = vector.broadcast %mul3A_350 : i32 to vector<16xi32>
          %mul3A_352 = arith.muli %iota3A, %mul3A_351 : vector<16xi32>
          %add3A_353 = arith.constant 6 : i32
          %add3A_354 = vector.broadcast %add3A_353 : i32 to vector<16xi32>
          %add3A_355 = arith.addi %mul3A_352, %add3A_354 : vector<16xi32>
          tpu.vector_store_idx %arg8[%add3A_355], %get3A_349 : memref<256xf32, #tpu.memory_space<vmem>>[vector<16xi32>], vector<16xf32>,
          %mul3A_356 = arith.constant 16 : i32
          %mul3A_357 = arith.muli %scan3A_271, %mul3A_356 : i32
          %get3A_358 = arith.constant 7 : i32
          %get3A_359 = arith.index_cast %get3A_358 : i32 to index
          %get3A_360 = arith.index_cast %mul3A_357 : i32 to index
          %get3A_361 = tpu.vector_load %arg6[%get3A_359, %get3A_360] {strides = array<i32>} : memref<16x512xf32, #tpu.memory_space<vmem>>, vector<16xf32>,
          %mul3A_362 = arith.constant 16 : i32
          %mul3A_363 = vector.broadcast %mul3A_362 : i32 to vector<16xi32>
          %mul3A_364 = arith.muli %iota3A, %mul3A_363 : vector<16xi32>
          %add3A_365 = arith.constant 7 : i32
          %add3A_366 = vector.broadcast %add3A_365 : i32 to vector<16xi32>
          %add3A_367 = arith.addi %mul3A_364, %add3A_366 : vector<16xi32>
          tpu.vector_store_idx %arg8[%add3A_367], %get3A_361 : memref<256xf32, #tpu.memory_space<vmem>>[vector<16xi32>], vector<16xf32>,
          %mul3A_368 = arith.constant 16 : i32
          %mul3A_369 = arith.muli %scan3A_271, %mul3A_368 : i32
          %get3A_370 = arith.constant 8 : i32
          %get3A_371 = arith.index_cast %get3A_370 : i32 to index
          %get3A_372 = arith.index_cast %mul3A_369 : i32 to index
          %get3A_373 = tpu.vector_load %arg6[%get3A_371, %get3A_372] {strides = array<i32>} : memref<16x512xf32, #tpu.memory_space<vmem>>, vector<16xf32>,
          %mul3A_374 = arith.constant 16 : i32
          %mul3A_375 = vector.broadcast %mul3A_374 : i32 to vector<16xi32>
          %mul3A_376 = arith.muli %iota3A, %mul3A_375 : vector<16xi32>
          %add3A_377 = arith.constant 8 : i32
          %add3A_378 = vector.broadcast %add3A_377 : i32 to vector<16xi32>
          %add3A_379 = arith.addi %mul3A_376, %add3A_378 : vector<16xi32>
          tpu.vector_store_idx %arg8[%add3A_379], %get3A_373 : memref<256xf32, #tpu.memory_space<vmem>>[vector<16xi32>], vector<16xf32>,
          %mul3A_380 = arith.constant 16 : i32
          %mul3A_381 = arith.muli %scan3A_271, %mul3A_380 : i32
          %get3A_382 = arith.constant 9 : i32
          %get3A_383 = arith.index_cast %get3A_382 : i32 to index
          %get3A_384 = arith.index_cast %mul3A_381 : i32 to index
          %get3A_385 = tpu.vector_load %arg6[%get3A_383, %get3A_384] {strides = array<i32>} : memref<16x512xf32, #tpu.memory_space<vmem>>, vector<16xf32>,
          %mul3A_386 = arith.constant 16 : i32
          %mul3A_387 = vector.broadcast %mul3A_386 : i32 to vector<16xi32>
          %mul3A_388 = arith.muli %iota3A, %mul3A_387 : vector<16xi32>
          %add3A_389 = arith.constant 9 : i32
          %add3A_390 = vector.broadcast %add3A_389 : i32 to vector<16xi32>
          %add3A_391 = arith.addi %mul3A_388, %add3A_390 : vector<16xi32>
          tpu.vector_store_idx %arg8[%add3A_391], %get3A_385 : memref<256xf32, #tpu.memory_space<vmem>>[vector<16xi32>], vector<16xf32>,
          %mul3A_392 = arith.constant 16 : i32
          %mul3A_393 = arith.muli %scan3A_271, %mul3A_392 : i32
          %get3A_394 = arith.constant 10 : i32
          %get3A_395 = arith.index_cast %get3A_394 : i32 to index
          %get3A_396 = arith.index_cast %mul3A_393 : i32 to index
          %get3A_397 = tpu.vector_load %arg6[%get3A_395, %get3A_396] {strides = array<i32>} : memref<16x512xf32, #tpu.memory_space<vmem>>, vector<16xf32>,
          %mul3A_398 = arith.constant 16 : i32
          %mul3A_399 = vector.broadcast %mul3A_398 : i32 to vector<16xi32>
          %mul3A_400 = arith.muli %iota3A, %mul3A_399 : vector<16xi32>
          %add3A_401 = arith.constant 10 : i32
          %add3A_402 = vector.broadcast %add3A_401 : i32 to vector<16xi32>
          %add3A_403 = arith.addi %mul3A_400, %add3A_402 : vector<16xi32>
          tpu.vector_store_idx %arg8[%add3A_403], %get3A_397 : memref<256xf32, #tpu.memory_space<vmem>>[vector<16xi32>], vector<16xf32>,
          %mul3A_404 = arith.constant 16 : i32
          %mul3A_405 = arith.muli %scan3A_271, %mul3A_404 : i32
          %get3A_406 = arith.constant 11 : i32
          %get3A_407 = arith.index_cast %get3A_406 : i32 to index
          %get3A_408 = arith.index_cast %mul3A_405 : i32 to index
          %get3A_409 = tpu.vector_load %arg6[%get3A_407, %get3A_408] {strides = array<i32>} : memref<16x512xf32, #tpu.memory_space<vmem>>, vector<16xf32>,
          %mul3A_410 = arith.constant 16 : i32
          %mul3A_411 = vector.broadcast %mul3A_410 : i32 to vector<16xi32>
          %mul3A_412 = arith.muli %iota3A, %mul3A_411 : vector<16xi32>
          %add3A_413 = arith.constant 11 : i32
          %add3A_414 = vector.broadcast %add3A_413 : i32 to vector<16xi32>
          %add3A_415 = arith.addi %mul3A_412, %add3A_414 : vector<16xi32>
          tpu.vector_store_idx %arg8[%add3A_415], %get3A_409 : memref<256xf32, #tpu.memory_space<vmem>>[vector<16xi32>], vector<16xf32>,
          %mul3A_416 = arith.constant 16 : i32
          %mul3A_417 = arith.muli %scan3A_271, %mul3A_416 : i32
          %get3A_418 = arith.constant 12 : i32
          %get3A_419 = arith.index_cast %get3A_418 : i32 to index
          %get3A_420 = arith.index_cast %mul3A_417 : i32 to index
          %get3A_421 = tpu.vector_load %arg6[%get3A_419, %get3A_420] {strides = array<i32>} : memref<16x512xf32, #tpu.memory_space<vmem>>, vector<16xf32>,
          %mul3A_422 = arith.constant 16 : i32
          %mul3A_423 = vector.broadcast %mul3A_422 : i32 to vector<16xi32>
          %mul3A_424 = arith.muli %iota3A, %mul3A_423 : vector<16xi32>
          %add3A_425 = arith.constant 12 : i32
          %add3A_426 = vector.broadcast %add3A_425 : i32 to vector<16xi32>
          %add3A_427 = arith.addi %mul3A_424, %add3A_426 : vector<16xi32>
          tpu.vector_store_idx %arg8[%add3A_427], %get3A_421 : memref<256xf32, #tpu.memory_space<vmem>>[vector<16xi32>], vector<16xf32>,
          %mul3A_428 = arith.constant 16 : i32
          %mul3A_429 = arith.muli %scan3A_271, %mul3A_428 : i32
          %get3A_430 = arith.constant 13 : i32
          %get3A_431 = arith.index_cast %get3A_430 : i32 to index
          %get3A_432 = arith.index_cast %mul3A_429 : i32 to index
          %get3A_433 = tpu.vector_load %arg6[%get3A_431, %get3A_432] {strides = array<i32>} : memref<16x512xf32, #tpu.memory_space<vmem>>, vector<16xf32>,
          %mul3A_434 = arith.constant 16 : i32
          %mul3A_435 = vector.broadcast %mul3A_434 : i32 to vector<16xi32>
          %mul3A_436 = arith.muli %iota3A, %mul3A_435 : vector<16xi32>
          %add3A_437 = arith.constant 13 : i32
          %add3A_438 = vector.broadcast %add3A_437 : i32 to vector<16xi32>
          %add3A_439 = arith.addi %mul3A_436, %add3A_438 : vector<16xi32>
          tpu.vector_store_idx %arg8[%add3A_439], %get3A_433 : memref<256xf32, #tpu.memory_space<vmem>>[vector<16xi32>], vector<16xf32>,
          %mul3A_440 = arith.constant 16 : i32
          %mul3A_441 = arith.muli %scan3A_271, %mul3A_440 : i32
          %get3A_442 = arith.constant 14 : i32
          %get3A_443 = arith.index_cast %get3A_442 : i32 to index
          %get3A_444 = arith.index_cast %mul3A_441 : i32 to index
          %get3A_445 = tpu.vector_load %arg6[%get3A_443, %get3A_444] {strides = array<i32>} : memref<16x512xf32, #tpu.memory_space<vmem>>, vector<16xf32>,
          %mul3A_446 = arith.constant 16 : i32
          %mul3A_447 = vector.broadcast %mul3A_446 : i32 to vector<16xi32>
          %mul3A_448 = arith.muli %iota3A, %mul3A_447 : vector<16xi32>
          %add3A_449 = arith.constant 14 : i32
          %add3A_450 = vector.broadcast %add3A_449 : i32 to vector<16xi32>
          %add3A_451 = arith.addi %mul3A_448, %add3A_450 : vector<16xi32>
          tpu.vector_store_idx %arg8[%add3A_451], %get3A_445 : memref<256xf32, #tpu.memory_space<vmem>>[vector<16xi32>], vector<16xf32>,
          %mul3A_452 = arith.constant 16 : i32
          %mul3A_453 = arith.muli %scan3A_271, %mul3A_452 : i32
          %get3A_454 = arith.constant 15 : i32
          %get3A_455 = arith.index_cast %get3A_454 : i32 to index
          %get3A_456 = arith.index_cast %mul3A_453 : i32 to index
          %get3A_457 = tpu.vector_load %arg6[%get3A_455, %get3A_456] {strides = array<i32>} : memref<16x512xf32, #tpu.memory_space<vmem>>, vector<16xf32>,
          %mul3A_458 = arith.constant 16 : i32
          %mul3A_459 = vector.broadcast %mul3A_458 : i32 to vector<16xi32>
          %mul3A_460 = arith.muli %iota3A, %mul3A_459 : vector<16xi32>
          %add3A_461 = arith.constant 15 : i32
          %add3A_462 = vector.broadcast %add3A_461 : i32 to vector<16xi32>
          %add3A_463 = arith.addi %mul3A_460, %add3A_462 : vector<16xi32>
          tpu.vector_store_idx %arg8[%add3A_463], %get3A_457 : memref<256xf32, #tpu.memory_space<vmem>>[vector<16xi32>], vector<16xf32>,
          %get3A_464 = arith.constant 0 : index
          %get3A_465 = tpu.vector_load %arg8[%get3A_464] {strides = array<i32>} : memref<256xf32, #tpu.memory_space<vmem>>, vector<16xf32>,
          %mul3A_466 = arith.constant 512 : i32
          %mul3A_467 = arith.muli %mul3A_228, %mul3A_466 : i32
          %mul3A_468 = arith.constant 16 : i32
          %mul3A_469 = arith.muli %scan3A_271, %mul3A_468 : i32
          %add3A_470 = arith.addi %mul3A_467, %mul3A_469 : i32
          %add3A_471 = arith.constant 0 : i32
          %add3A_472 = arith.addi %add3A_470, %add3A_471 : i32
          %bitcast_convert_type3A = tpu.bitcast %get3A_465 : vector<16xf32> -> vector<16xi32>
          %shift_right_logical3A = arith.constant 21 : i32
          %shift_right_logical3A_473 = vector.broadcast %shift_right_logical3A : i32 to vector<16xi32>
          %shift_right_logical3A_474 = arith.shrui %bitcast_convert_type3A, %shift_right_logical3A_473 : vector<16xi32>
          %ge3A = arith.cmpi sge, %shift_right_logical3A_474, %scan3A_67#1 : vector<16xi32>
          %lt3A_475 = arith.constant 1024 : i32
          %lt3A_476 = vector.broadcast %lt3A_475 : i32 to vector<16xi32>
          %lt3A_477 = arith.cmpi slt, %scan3A_272, %lt3A_476 : vector<16xi32>
          %and3A = arith.andi %ge3A, %lt3A_477 : vector<16xi1>
          %mul3A_478 = arith.constant 16 : i32
          %mul3A_479 = vector.broadcast %mul3A_478 : i32 to vector<16xi32>
          %mul3A_480 = arith.muli %scan3A_272, %mul3A_479 : vector<16xi32>
          %add3A_481 = arith.addi %mul3A_480, %iota3A : vector<16xi32>
          tpu.vector_store_idx %arg9[%add3A_481], %get3A_465 masked %and3A : memref<16384xf32, #tpu.memory_space<vmem>>[vector<16xi32>], vector<16xf32>, vector<16xi1>
          %broadcast_in_dim3A_482 = arith.constant 0 : i32
          %broadcast_in_dim3A_483 = vector.broadcast %broadcast_in_dim3A_482 : i32 to vector<16xi32>
          %add3A_484 = vector.broadcast %add3A_472 : i32 to vector<16xi32>
          %add3A_485 = arith.addi %broadcast_in_dim3A_483, %add3A_484 : vector<16xi32>
          tpu.vector_store_idx %arg10[%add3A_481], %add3A_485 masked %and3A : memref<16384xi32, #tpu.memory_space<vmem>>[vector<16xi32>], vector<16xi32>, vector<16xi1>
          %convert_element_type3A_486 = arith.extui %and3A : vector<16xi1> to vector<16xi32>
          %add3A_487 = arith.addi %scan3A_272, %convert_element_type3A_486 : vector<16xi32>
          %get3A_488 = arith.constant 16 : index
          %get3A_489 = tpu.vector_load %arg8[%get3A_488] {strides = array<i32>} : memref<256xf32, #tpu.memory_space<vmem>>, vector<16xf32>,
          %mul3A_490 = arith.constant 512 : i32
          %mul3A_491 = arith.muli %mul3A_228, %mul3A_490 : i32
          %mul3A_492 = arith.constant 16 : i32
          %mul3A_493 = arith.muli %scan3A_271, %mul3A_492 : i32
          %add3A_494 = arith.addi %mul3A_491, %mul3A_493 : i32
          %add3A_495 = arith.constant 1 : i32
          %add3A_496 = arith.addi %add3A_494, %add3A_495 : i32
          %bitcast_convert_type3A_497 = tpu.bitcast %get3A_489 : vector<16xf32> -> vector<16xi32>
          %shift_right_logical3A_498 = arith.constant 21 : i32
          %shift_right_logical3A_499 = vector.broadcast %shift_right_logical3A_498 : i32 to vector<16xi32>
          %shift_right_logical3A_500 = arith.shrui %bitcast_convert_type3A_497, %shift_right_logical3A_499 : vector<16xi32>
          %ge3A_501 = arith.cmpi sge, %shift_right_logical3A_500, %scan3A_67#1 : vector<16xi32>
          %lt3A_502 = arith.constant 1024 : i32
          %lt3A_503 = vector.broadcast %lt3A_502 : i32 to vector<16xi32>
          %lt3A_504 = arith.cmpi slt, %add3A_487, %lt3A_503 : vector<16xi32>
          %and3A_505 = arith.andi %ge3A_501, %lt3A_504 : vector<16xi1>
          %mul3A_506 = arith.constant 16 : i32
          %mul3A_507 = vector.broadcast %mul3A_506 : i32 to vector<16xi32>
          %mul3A_508 = arith.muli %add3A_487, %mul3A_507 : vector<16xi32>
          %add3A_509 = arith.addi %mul3A_508, %iota3A : vector<16xi32>
          tpu.vector_store_idx %arg9[%add3A_509], %get3A_489 masked %and3A_505 : memref<16384xf32, #tpu.memory_space<vmem>>[vector<16xi32>], vector<16xf32>, vector<16xi1>
          %broadcast_in_dim3A_510 = arith.constant 0 : i32
          %broadcast_in_dim3A_511 = vector.broadcast %broadcast_in_dim3A_510 : i32 to vector<16xi32>
          %add3A_512 = vector.broadcast %add3A_496 : i32 to vector<16xi32>
          %add3A_513 = arith.addi %broadcast_in_dim3A_511, %add3A_512 : vector<16xi32>
          tpu.vector_store_idx %arg10[%add3A_509], %add3A_513 masked %and3A_505 : memref<16384xi32, #tpu.memory_space<vmem>>[vector<16xi32>], vector<16xi32>, vector<16xi1>
          %convert_element_type3A_514 = arith.extui %and3A_505 : vector<16xi1> to vector<16xi32>
          %add3A_515 = arith.addi %add3A_487, %convert_element_type3A_514 : vector<16xi32>
          %get3A_516 = arith.constant 32 : index
          %get3A_517 = tpu.vector_load %arg8[%get3A_516] {strides = array<i32>} : memref<256xf32, #tpu.memory_space<vmem>>, vector<16xf32>,
          %mul3A_518 = arith.constant 512 : i32
          %mul3A_519 = arith.muli %mul3A_228, %mul3A_518 : i32
          %mul3A_520 = arith.constant 16 : i32
          %mul3A_521 = arith.muli %scan3A_271, %mul3A_520 : i32
          %add3A_522 = arith.addi %mul3A_519, %mul3A_521 : i32
          %add3A_523 = arith.constant 2 : i32
          %add3A_524 = arith.addi %add3A_522, %add3A_523 : i32
          %bitcast_convert_type3A_525 = tpu.bitcast %get3A_517 : vector<16xf32> -> vector<16xi32>
          %shift_right_logical3A_526 = arith.constant 21 : i32
          %shift_right_logical3A_527 = vector.broadcast %shift_right_logical3A_526 : i32 to vector<16xi32>
          %shift_right_logical3A_528 = arith.shrui %bitcast_convert_type3A_525, %shift_right_logical3A_527 : vector<16xi32>
          %ge3A_529 = arith.cmpi sge, %shift_right_logical3A_528, %scan3A_67#1 : vector<16xi32>
          %lt3A_530 = arith.constant 1024 : i32
          %lt3A_531 = vector.broadcast %lt3A_530 : i32 to vector<16xi32>
          %lt3A_532 = arith.cmpi slt, %add3A_515, %lt3A_531 : vector<16xi32>
          %and3A_533 = arith.andi %ge3A_529, %lt3A_532 : vector<16xi1>
          %mul3A_534 = arith.constant 16 : i32
          %mul3A_535 = vector.broadcast %mul3A_534 : i32 to vector<16xi32>
          %mul3A_536 = arith.muli %add3A_515, %mul3A_535 : vector<16xi32>
          %add3A_537 = arith.addi %mul3A_536, %iota3A : vector<16xi32>
          tpu.vector_store_idx %arg9[%add3A_537], %get3A_517 masked %and3A_533 : memref<16384xf32, #tpu.memory_space<vmem>>[vector<16xi32>], vector<16xf32>, vector<16xi1>
          %broadcast_in_dim3A_538 = arith.constant 0 : i32
          %broadcast_in_dim3A_539 = vector.broadcast %broadcast_in_dim3A_538 : i32 to vector<16xi32>
          %add3A_540 = vector.broadcast %add3A_524 : i32 to vector<16xi32>
          %add3A_541 = arith.addi %broadcast_in_dim3A_539, %add3A_540 : vector<16xi32>
          tpu.vector_store_idx %arg10[%add3A_537], %add3A_541 masked %and3A_533 : memref<16384xi32, #tpu.memory_space<vmem>>[vector<16xi32>], vector<16xi32>, vector<16xi1>
          %convert_element_type3A_542 = arith.extui %and3A_533 : vector<16xi1> to vector<16xi32>
          %add3A_543 = arith.addi %add3A_515, %convert_element_type3A_542 : vector<16xi32>
          %get3A_544 = arith.constant 48 : index
          %get3A_545 = tpu.vector_load %arg8[%get3A_544] {strides = array<i32>} : memref<256xf32, #tpu.memory_space<vmem>>, vector<16xf32>,
          %mul3A_546 = arith.constant 512 : i32
          %mul3A_547 = arith.muli %mul3A_228, %mul3A_546 : i32
          %mul3A_548 = arith.constant 16 : i32
          %mul3A_549 = arith.muli %scan3A_271, %mul3A_548 : i32
          %add3A_550 = arith.addi %mul3A_547, %mul3A_549 : i32
          %add3A_551 = arith.constant 3 : i32
          %add3A_552 = arith.addi %add3A_550, %add3A_551 : i32
          %bitcast_convert_type3A_553 = tpu.bitcast %get3A_545 : vector<16xf32> -> vector<16xi32>
          %shift_right_logical3A_554 = arith.constant 21 : i32
          %shift_right_logical3A_555 = vector.broadcast %shift_right_logical3A_554 : i32 to vector<16xi32>
          %shift_right_logical3A_556 = arith.shrui %bitcast_convert_type3A_553, %shift_right_logical3A_555 : vector<16xi32>
          %ge3A_557 = arith.cmpi sge, %shift_right_logical3A_556, %scan3A_67#1 : vector<16xi32>
          %lt3A_558 = arith.constant 1024 : i32
          %lt3A_559 = vector.broadcast %lt3A_558 : i32 to vector<16xi32>
          %lt3A_560 = arith.cmpi slt, %add3A_543, %lt3A_559 : vector<16xi32>
          %and3A_561 = arith.andi %ge3A_557, %lt3A_560 : vector<16xi1>
          %mul3A_562 = arith.constant 16 : i32
          %mul3A_563 = vector.broadcast %mul3A_562 : i32 to vector<16xi32>
          %mul3A_564 = arith.muli %add3A_543, %mul3A_563 : vector<16xi32>
          %add3A_565 = arith.addi %mul3A_564, %iota3A : vector<16xi32>
          tpu.vector_store_idx %arg9[%add3A_565], %get3A_545 masked %and3A_561 : memref<16384xf32, #tpu.memory_space<vmem>>[vector<16xi32>], vector<16xf32>, vector<16xi1>
          %broadcast_in_dim3A_566 = arith.constant 0 : i32
          %broadcast_in_dim3A_567 = vector.broadcast %broadcast_in_dim3A_566 : i32 to vector<16xi32>
          %add3A_568 = vector.broadcast %add3A_552 : i32 to vector<16xi32>
          %add3A_569 = arith.addi %broadcast_in_dim3A_567, %add3A_568 : vector<16xi32>
          tpu.vector_store_idx %arg10[%add3A_565], %add3A_569 masked %and3A_561 : memref<16384xi32, #tpu.memory_space<vmem>>[vector<16xi32>], vector<16xi32>, vector<16xi1>
          %convert_element_type3A_570 = arith.extui %and3A_561 : vector<16xi1> to vector<16xi32>
          %add3A_571 = arith.addi %add3A_543, %convert_element_type3A_570 : vector<16xi32>
          %get3A_572 = arith.constant 64 : index
          %get3A_573 = tpu.vector_load %arg8[%get3A_572] {strides = array<i32>} : memref<256xf32, #tpu.memory_space<vmem>>, vector<16xf32>,
          %mul3A_574 = arith.constant 512 : i32
          %mul3A_575 = arith.muli %mul3A_228, %mul3A_574 : i32
          %mul3A_576 = arith.constant 16 : i32
          %mul3A_577 = arith.muli %scan3A_271, %mul3A_576 : i32
          %add3A_578 = arith.addi %mul3A_575, %mul3A_577 : i32
          %add3A_579 = arith.constant 4 : i32
          %add3A_580 = arith.addi %add3A_578, %add3A_579 : i32
          %bitcast_convert_type3A_581 = tpu.bitcast %get3A_573 : vector<16xf32> -> vector<16xi32>
          %shift_right_logical3A_582 = arith.constant 21 : i32
          %shift_right_logical3A_583 = vector.broadcast %shift_right_logical3A_582 : i32 to vector<16xi32>
          %shift_right_logical3A_584 = arith.shrui %bitcast_convert_type3A_581, %shift_right_logical3A_583 : vector<16xi32>
          %ge3A_585 = arith.cmpi sge, %shift_right_logical3A_584, %scan3A_67#1 : vector<16xi32>
          %lt3A_586 = arith.constant 1024 : i32
          %lt3A_587 = vector.broadcast %lt3A_586 : i32 to vector<16xi32>
          %lt3A_588 = arith.cmpi slt, %add3A_571, %lt3A_587 : vector<16xi32>
          %and3A_589 = arith.andi %ge3A_585, %lt3A_588 : vector<16xi1>
          %mul3A_590 = arith.constant 16 : i32
          %mul3A_591 = vector.broadcast %mul3A_590 : i32 to vector<16xi32>
          %mul3A_592 = arith.muli %add3A_571, %mul3A_591 : vector<16xi32>
          %add3A_593 = arith.addi %mul3A_592, %iota3A : vector<16xi32>
          tpu.vector_store_idx %arg9[%add3A_593], %get3A_573 masked %and3A_589 : memref<16384xf32, #tpu.memory_space<vmem>>[vector<16xi32>], vector<16xf32>, vector<16xi1>
          %broadcast_in_dim3A_594 = arith.constant 0 : i32
          %broadcast_in_dim3A_595 = vector.broadcast %broadcast_in_dim3A_594 : i32 to vector<16xi32>
          %add3A_596 = vector.broadcast %add3A_580 : i32 to vector<16xi32>
          %add3A_597 = arith.addi %broadcast_in_dim3A_595, %add3A_596 : vector<16xi32>
          tpu.vector_store_idx %arg10[%add3A_593], %add3A_597 masked %and3A_589 : memref<16384xi32, #tpu.memory_space<vmem>>[vector<16xi32>], vector<16xi32>, vector<16xi1>
          %convert_element_type3A_598 = arith.extui %and3A_589 : vector<16xi1> to vector<16xi32>
          %add3A_599 = arith.addi %add3A_571, %convert_element_type3A_598 : vector<16xi32>
          %get3A_600 = arith.constant 80 : index
          %get3A_601 = tpu.vector_load %arg8[%get3A_600] {strides = array<i32>} : memref<256xf32, #tpu.memory_space<vmem>>, vector<16xf32>,
          %mul3A_602 = arith.constant 512 : i32
          %mul3A_603 = arith.muli %mul3A_228, %mul3A_602 : i32
          %mul3A_604 = arith.constant 16 : i32
          %mul3A_605 = arith.muli %scan3A_271, %mul3A_604 : i32
          %add3A_606 = arith.addi %mul3A_603, %mul3A_605 : i32
          %add3A_607 = arith.constant 5 : i32
          %add3A_608 = arith.addi %add3A_606, %add3A_607 : i32
          %bitcast_convert_type3A_609 = tpu.bitcast %get3A_601 : vector<16xf32> -> vector<16xi32>
          %shift_right_logical3A_610 = arith.constant 21 : i32
          %shift_right_logical3A_611 = vector.broadcast %shift_right_logical3A_610 : i32 to vector<16xi32>
          %shift_right_logical3A_612 = arith.shrui %bitcast_convert_type3A_609, %shift_right_logical3A_611 : vector<16xi32>
          %ge3A_613 = arith.cmpi sge, %shift_right_logical3A_612, %scan3A_67#1 : vector<16xi32>
          %lt3A_614 = arith.constant 1024 : i32
          %lt3A_615 = vector.broadcast %lt3A_614 : i32 to vector<16xi32>
          %lt3A_616 = arith.cmpi slt, %add3A_599, %lt3A_615 : vector<16xi32>
          %and3A_617 = arith.andi %ge3A_613, %lt3A_616 : vector<16xi1>
          %mul3A_618 = arith.constant 16 : i32
          %mul3A_619 = vector.broadcast %mul3A_618 : i32 to vector<16xi32>
          %mul3A_620 = arith.muli %add3A_599, %mul3A_619 : vector<16xi32>
          %add3A_621 = arith.addi %mul3A_620, %iota3A : vector<16xi32>
          tpu.vector_store_idx %arg9[%add3A_621], %get3A_601 masked %and3A_617 : memref<16384xf32, #tpu.memory_space<vmem>>[vector<16xi32>], vector<16xf32>, vector<16xi1>
          %broadcast_in_dim3A_622 = arith.constant 0 : i32
          %broadcast_in_dim3A_623 = vector.broadcast %broadcast_in_dim3A_622 : i32 to vector<16xi32>
          %add3A_624 = vector.broadcast %add3A_608 : i32 to vector<16xi32>
          %add3A_625 = arith.addi %broadcast_in_dim3A_623, %add3A_624 : vector<16xi32>
          tpu.vector_store_idx %arg10[%add3A_621], %add3A_625 masked %and3A_617 : memref<16384xi32, #tpu.memory_space<vmem>>[vector<16xi32>], vector<16xi32>, vector<16xi1>
          %convert_element_type3A_626 = arith.extui %and3A_617 : vector<16xi1> to vector<16xi32>
          %add3A_627 = arith.addi %add3A_599, %convert_element_type3A_626 : vector<16xi32>
          %get3A_628 = arith.constant 96 : index
          %get3A_629 = tpu.vector_load %arg8[%get3A_628] {strides = array<i32>} : memref<256xf32, #tpu.memory_space<vmem>>, vector<16xf32>,
          %mul3A_630 = arith.constant 512 : i32
          %mul3A_631 = arith.muli %mul3A_228, %mul3A_630 : i32
          %mul3A_632 = arith.constant 16 : i32
          %mul3A_633 = arith.muli %scan3A_271, %mul3A_632 : i32
          %add3A_634 = arith.addi %mul3A_631, %mul3A_633 : i32
          %add3A_635 = arith.constant 6 : i32
          %add3A_636 = arith.addi %add3A_634, %add3A_635 : i32
          %bitcast_convert_type3A_637 = tpu.bitcast %get3A_629 : vector<16xf32> -> vector<16xi32>
          %shift_right_logical3A_638 = arith.constant 21 : i32
          %shift_right_logical3A_639 = vector.broadcast %shift_right_logical3A_638 : i32 to vector<16xi32>
          %shift_right_logical3A_640 = arith.shrui %bitcast_convert_type3A_637, %shift_right_logical3A_639 : vector<16xi32>
          %ge3A_641 = arith.cmpi sge, %shift_right_logical3A_640, %scan3A_67#1 : vector<16xi32>
          %lt3A_642 = arith.constant 1024 : i32
          %lt3A_643 = vector.broadcast %lt3A_642 : i32 to vector<16xi32>
          %lt3A_644 = arith.cmpi slt, %add3A_627, %lt3A_643 : vector<16xi32>
          %and3A_645 = arith.andi %ge3A_641, %lt3A_644 : vector<16xi1>
          %mul3A_646 = arith.constant 16 : i32
          %mul3A_647 = vector.broadcast %mul3A_646 : i32 to vector<16xi32>
          %mul3A_648 = arith.muli %add3A_627, %mul3A_647 : vector<16xi32>
          %add3A_649 = arith.addi %mul3A_648, %iota3A : vector<16xi32>
          tpu.vector_store_idx %arg9[%add3A_649], %get3A_629 masked %and3A_645 : memref<16384xf32, #tpu.memory_space<vmem>>[vector<16xi32>], vector<16xf32>, vector<16xi1>
          %broadcast_in_dim3A_650 = arith.constant 0 : i32
          %broadcast_in_dim3A_651 = vector.broadcast %broadcast_in_dim3A_650 : i32 to vector<16xi32>
          %add3A_652 = vector.broadcast %add3A_636 : i32 to vector<16xi32>
          %add3A_653 = arith.addi %broadcast_in_dim3A_651, %add3A_652 : vector<16xi32>
          tpu.vector_store_idx %arg10[%add3A_649], %add3A_653 masked %and3A_645 : memref<16384xi32, #tpu.memory_space<vmem>>[vector<16xi32>], vector<16xi32>, vector<16xi1>
          %convert_element_type3A_654 = arith.extui %and3A_645 : vector<16xi1> to vector<16xi32>
          %add3A_655 = arith.addi %add3A_627, %convert_element_type3A_654 : vector<16xi32>
          %get3A_656 = arith.constant 112 : index
          %get3A_657 = tpu.vector_load %arg8[%get3A_656] {strides = array<i32>} : memref<256xf32, #tpu.memory_space<vmem>>, vector<16xf32>,
          %mul3A_658 = arith.constant 512 : i32
          %mul3A_659 = arith.muli %mul3A_228, %mul3A_658 : i32
          %mul3A_660 = arith.constant 16 : i32
          %mul3A_661 = arith.muli %scan3A_271, %mul3A_660 : i32
          %add3A_662 = arith.addi %mul3A_659, %mul3A_661 : i32
          %add3A_663 = arith.constant 7 : i32
          %add3A_664 = arith.addi %add3A_662, %add3A_663 : i32
          %bitcast_convert_type3A_665 = tpu.bitcast %get3A_657 : vector<16xf32> -> vector<16xi32>
          %shift_right_logical3A_666 = arith.constant 21 : i32
          %shift_right_logical3A_667 = vector.broadcast %shift_right_logical3A_666 : i32 to vector<16xi32>
          %shift_right_logical3A_668 = arith.shrui %bitcast_convert_type3A_665, %shift_right_logical3A_667 : vector<16xi32>
          %ge3A_669 = arith.cmpi sge, %shift_right_logical3A_668, %scan3A_67#1 : vector<16xi32>
          %lt3A_670 = arith.constant 1024 : i32
          %lt3A_671 = vector.broadcast %lt3A_670 : i32 to vector<16xi32>
          %lt3A_672 = arith.cmpi slt, %add3A_655, %lt3A_671 : vector<16xi32>
          %and3A_673 = arith.andi %ge3A_669, %lt3A_672 : vector<16xi1>
          %mul3A_674 = arith.constant 16 : i32
          %mul3A_675 = vector.broadcast %mul3A_674 : i32 to vector<16xi32>
          %mul3A_676 = arith.muli %add3A_655, %mul3A_675 : vector<16xi32>
          %add3A_677 = arith.addi %mul3A_676, %iota3A : vector<16xi32>
          tpu.vector_store_idx %arg9[%add3A_677], %get3A_657 masked %and3A_673 : memref<16384xf32, #tpu.memory_space<vmem>>[vector<16xi32>], vector<16xf32>, vector<16xi1>
          %broadcast_in_dim3A_678 = arith.constant 0 : i32
          %broadcast_in_dim3A_679 = vector.broadcast %broadcast_in_dim3A_678 : i32 to vector<16xi32>
          %add3A_680 = vector.broadcast %add3A_664 : i32 to vector<16xi32>
          %add3A_681 = arith.addi %broadcast_in_dim3A_679, %add3A_680 : vector<16xi32>
          tpu.vector_store_idx %arg10[%add3A_677], %add3A_681 masked %and3A_673 : memref<16384xi32, #tpu.memory_space<vmem>>[vector<16xi32>], vector<16xi32>, vector<16xi1>
          %convert_element_type3A_682 = arith.extui %and3A_673 : vector<16xi1> to vector<16xi32>
          %add3A_683 = arith.addi %add3A_655, %convert_element_type3A_682 : vector<16xi32>
          %get3A_684 = arith.constant 128 : index
          %get3A_685 = tpu.vector_load %arg8[%get3A_684] {strides = array<i32>} : memref<256xf32, #tpu.memory_space<vmem>>, vector<16xf32>,
          %mul3A_686 = arith.constant 512 : i32
          %mul3A_687 = arith.muli %mul3A_228, %mul3A_686 : i32
          %mul3A_688 = arith.constant 16 : i32
          %mul3A_689 = arith.muli %scan3A_271, %mul3A_688 : i32
          %add3A_690 = arith.addi %mul3A_687, %mul3A_689 : i32
          %add3A_691 = arith.constant 8 : i32
          %add3A_692 = arith.addi %add3A_690, %add3A_691 : i32
          %bitcast_convert_type3A_693 = tpu.bitcast %get3A_685 : vector<16xf32> -> vector<16xi32>
          %shift_right_logical3A_694 = arith.constant 21 : i32
          %shift_right_logical3A_695 = vector.broadcast %shift_right_logical3A_694 : i32 to vector<16xi32>
          %shift_right_logical3A_696 = arith.shrui %bitcast_convert_type3A_693, %shift_right_logical3A_695 : vector<16xi32>
          %ge3A_697 = arith.cmpi sge, %shift_right_logical3A_696, %scan3A_67#1 : vector<16xi32>
          %lt3A_698 = arith.constant 1024 : i32
          %lt3A_699 = vector.broadcast %lt3A_698 : i32 to vector<16xi32>
          %lt3A_700 = arith.cmpi slt, %add3A_683, %lt3A_699 : vector<16xi32>
          %and3A_701 = arith.andi %ge3A_697, %lt3A_700 : vector<16xi1>
          %mul3A_702 = arith.constant 16 : i32
          %mul3A_703 = vector.broadcast %mul3A_702 : i32 to vector<16xi32>
          %mul3A_704 = arith.muli %add3A_683, %mul3A_703 : vector<16xi32>
          %add3A_705 = arith.addi %mul3A_704, %iota3A : vector<16xi32>
          tpu.vector_store_idx %arg9[%add3A_705], %get3A_685 masked %and3A_701 : memref<16384xf32, #tpu.memory_space<vmem>>[vector<16xi32>], vector<16xf32>, vector<16xi1>
          %broadcast_in_dim3A_706 = arith.constant 0 : i32
          %broadcast_in_dim3A_707 = vector.broadcast %broadcast_in_dim3A_706 : i32 to vector<16xi32>
          %add3A_708 = vector.broadcast %add3A_692 : i32 to vector<16xi32>
          %add3A_709 = arith.addi %broadcast_in_dim3A_707, %add3A_708 : vector<16xi32>
          tpu.vector_store_idx %arg10[%add3A_705], %add3A_709 masked %and3A_701 : memref<16384xi32, #tpu.memory_space<vmem>>[vector<16xi32>], vector<16xi32>, vector<16xi1>
          %convert_element_type3A_710 = arith.extui %and3A_701 : vector<16xi1> to vector<16xi32>
          %add3A_711 = arith.addi %add3A_683, %convert_element_type3A_710 : vector<16xi32>
          %get3A_712 = arith.constant 144 : index
          %get3A_713 = tpu.vector_load %arg8[%get3A_712] {strides = array<i32>} : memref<256xf32, #tpu.memory_space<vmem>>, vector<16xf32>,
          %mul3A_714 = arith.constant 512 : i32
          %mul3A_715 = arith.muli %mul3A_228, %mul3A_714 : i32
          %mul3A_716 = arith.constant 16 : i32
          %mul3A_717 = arith.muli %scan3A_271, %mul3A_716 : i32
          %add3A_718 = arith.addi %mul3A_715, %mul3A_717 : i32
          %add3A_719 = arith.constant 9 : i32
          %add3A_720 = arith.addi %add3A_718, %add3A_719 : i32
          %bitcast_convert_type3A_721 = tpu.bitcast %get3A_713 : vector<16xf32> -> vector<16xi32>
          %shift_right_logical3A_722 = arith.constant 21 : i32
          %shift_right_logical3A_723 = vector.broadcast %shift_right_logical3A_722 : i32 to vector<16xi32>
          %shift_right_logical3A_724 = arith.shrui %bitcast_convert_type3A_721, %shift_right_logical3A_723 : vector<16xi32>
          %ge3A_725 = arith.cmpi sge, %shift_right_logical3A_724, %scan3A_67#1 : vector<16xi32>
          %lt3A_726 = arith.constant 1024 : i32
          %lt3A_727 = vector.broadcast %lt3A_726 : i32 to vector<16xi32>
          %lt3A_728 = arith.cmpi slt, %add3A_711, %lt3A_727 : vector<16xi32>
          %and3A_729 = arith.andi %ge3A_725, %lt3A_728 : vector<16xi1>
          %mul3A_730 = arith.constant 16 : i32
          %mul3A_731 = vector.broadcast %mul3A_730 : i32 to vector<16xi32>
          %mul3A_732 = arith.muli %add3A_711, %mul3A_731 : vector<16xi32>
          %add3A_733 = arith.addi %mul3A_732, %iota3A : vector<16xi32>
          tpu.vector_store_idx %arg9[%add3A_733], %get3A_713 masked %and3A_729 : memref<16384xf32, #tpu.memory_space<vmem>>[vector<16xi32>], vector<16xf32>, vector<16xi1>
          %broadcast_in_dim3A_734 = arith.constant 0 : i32
          %broadcast_in_dim3A_735 = vector.broadcast %broadcast_in_dim3A_734 : i32 to vector<16xi32>
          %add3A_736 = vector.broadcast %add3A_720 : i32 to vector<16xi32>
          %add3A_737 = arith.addi %broadcast_in_dim3A_735, %add3A_736 : vector<16xi32>
          tpu.vector_store_idx %arg10[%add3A_733], %add3A_737 masked %and3A_729 : memref<16384xi32, #tpu.memory_space<vmem>>[vector<16xi32>], vector<16xi32>, vector<16xi1>
          %convert_element_type3A_738 = arith.extui %and3A_729 : vector<16xi1> to vector<16xi32>
          %add3A_739 = arith.addi %add3A_711, %convert_element_type3A_738 : vector<16xi32>
          %get3A_740 = arith.constant 160 : index
          %get3A_741 = tpu.vector_load %arg8[%get3A_740] {strides = array<i32>} : memref<256xf32, #tpu.memory_space<vmem>>, vector<16xf32>,
          %mul3A_742 = arith.constant 512 : i32
          %mul3A_743 = arith.muli %mul3A_228, %mul3A_742 : i32
          %mul3A_744 = arith.constant 16 : i32
          %mul3A_745 = arith.muli %scan3A_271, %mul3A_744 : i32
          %add3A_746 = arith.addi %mul3A_743, %mul3A_745 : i32
          %add3A_747 = arith.constant 10 : i32
          %add3A_748 = arith.addi %add3A_746, %add3A_747 : i32
          %bitcast_convert_type3A_749 = tpu.bitcast %get3A_741 : vector<16xf32> -> vector<16xi32>
          %shift_right_logical3A_750 = arith.constant 21 : i32
          %shift_right_logical3A_751 = vector.broadcast %shift_right_logical3A_750 : i32 to vector<16xi32>
          %shift_right_logical3A_752 = arith.shrui %bitcast_convert_type3A_749, %shift_right_logical3A_751 : vector<16xi32>
          %ge3A_753 = arith.cmpi sge, %shift_right_logical3A_752, %scan3A_67#1 : vector<16xi32>
          %lt3A_754 = arith.constant 1024 : i32
          %lt3A_755 = vector.broadcast %lt3A_754 : i32 to vector<16xi32>
          %lt3A_756 = arith.cmpi slt, %add3A_739, %lt3A_755 : vector<16xi32>
          %and3A_757 = arith.andi %ge3A_753, %lt3A_756 : vector<16xi1>
          %mul3A_758 = arith.constant 16 : i32
          %mul3A_759 = vector.broadcast %mul3A_758 : i32 to vector<16xi32>
          %mul3A_760 = arith.muli %add3A_739, %mul3A_759 : vector<16xi32>
          %add3A_761 = arith.addi %mul3A_760, %iota3A : vector<16xi32>
          tpu.vector_store_idx %arg9[%add3A_761], %get3A_741 masked %and3A_757 : memref<16384xf32, #tpu.memory_space<vmem>>[vector<16xi32>], vector<16xf32>, vector<16xi1>
          %broadcast_in_dim3A_762 = arith.constant 0 : i32
          %broadcast_in_dim3A_763 = vector.broadcast %broadcast_in_dim3A_762 : i32 to vector<16xi32>
          %add3A_764 = vector.broadcast %add3A_748 : i32 to vector<16xi32>
          %add3A_765 = arith.addi %broadcast_in_dim3A_763, %add3A_764 : vector<16xi32>
          tpu.vector_store_idx %arg10[%add3A_761], %add3A_765 masked %and3A_757 : memref<16384xi32, #tpu.memory_space<vmem>>[vector<16xi32>], vector<16xi32>, vector<16xi1>
          %convert_element_type3A_766 = arith.extui %and3A_757 : vector<16xi1> to vector<16xi32>
          %add3A_767 = arith.addi %add3A_739, %convert_element_type3A_766 : vector<16xi32>
          %get3A_768 = arith.constant 176 : index
          %get3A_769 = tpu.vector_load %arg8[%get3A_768] {strides = array<i32>} : memref<256xf32, #tpu.memory_space<vmem>>, vector<16xf32>,
          %mul3A_770 = arith.constant 512 : i32
          %mul3A_771 = arith.muli %mul3A_228, %mul3A_770 : i32
          %mul3A_772 = arith.constant 16 : i32
          %mul3A_773 = arith.muli %scan3A_271, %mul3A_772 : i32
          %add3A_774 = arith.addi %mul3A_771, %mul3A_773 : i32
          %add3A_775 = arith.constant 11 : i32
          %add3A_776 = arith.addi %add3A_774, %add3A_775 : i32
          %bitcast_convert_type3A_777 = tpu.bitcast %get3A_769 : vector<16xf32> -> vector<16xi32>
          %shift_right_logical3A_778 = arith.constant 21 : i32
          %shift_right_logical3A_779 = vector.broadcast %shift_right_logical3A_778 : i32 to vector<16xi32>
          %shift_right_logical3A_780 = arith.shrui %bitcast_convert_type3A_777, %shift_right_logical3A_779 : vector<16xi32>
          %ge3A_781 = arith.cmpi sge, %shift_right_logical3A_780, %scan3A_67#1 : vector<16xi32>
          %lt3A_782 = arith.constant 1024 : i32
          %lt3A_783 = vector.broadcast %lt3A_782 : i32 to vector<16xi32>
          %lt3A_784 = arith.cmpi slt, %add3A_767, %lt3A_783 : vector<16xi32>
          %and3A_785 = arith.andi %ge3A_781, %lt3A_784 : vector<16xi1>
          %mul3A_786 = arith.constant 16 : i32
          %mul3A_787 = vector.broadcast %mul3A_786 : i32 to vector<16xi32>
          %mul3A_788 = arith.muli %add3A_767, %mul3A_787 : vector<16xi32>
          %add3A_789 = arith.addi %mul3A_788, %iota3A : vector<16xi32>
          tpu.vector_store_idx %arg9[%add3A_789], %get3A_769 masked %and3A_785 : memref<16384xf32, #tpu.memory_space<vmem>>[vector<16xi32>], vector<16xf32>, vector<16xi1>
          %broadcast_in_dim3A_790 = arith.constant 0 : i32
          %broadcast_in_dim3A_791 = vector.broadcast %broadcast_in_dim3A_790 : i32 to vector<16xi32>
          %add3A_792 = vector.broadcast %add3A_776 : i32 to vector<16xi32>
          %add3A_793 = arith.addi %broadcast_in_dim3A_791, %add3A_792 : vector<16xi32>
          tpu.vector_store_idx %arg10[%add3A_789], %add3A_793 masked %and3A_785 : memref<16384xi32, #tpu.memory_space<vmem>>[vector<16xi32>], vector<16xi32>, vector<16xi1>
          %convert_element_type3A_794 = arith.extui %and3A_785 : vector<16xi1> to vector<16xi32>
          %add3A_795 = arith.addi %add3A_767, %convert_element_type3A_794 : vector<16xi32>
          %get3A_796 = arith.constant 192 : index
          %get3A_797 = tpu.vector_load %arg8[%get3A_796] {strides = array<i32>} : memref<256xf32, #tpu.memory_space<vmem>>, vector<16xf32>,
          %mul3A_798 = arith.constant 512 : i32
          %mul3A_799 = arith.muli %mul3A_228, %mul3A_798 : i32
          %mul3A_800 = arith.constant 16 : i32
          %mul3A_801 = arith.muli %scan3A_271, %mul3A_800 : i32
          %add3A_802 = arith.addi %mul3A_799, %mul3A_801 : i32
          %add3A_803 = arith.constant 12 : i32
          %add3A_804 = arith.addi %add3A_802, %add3A_803 : i32
          %bitcast_convert_type3A_805 = tpu.bitcast %get3A_797 : vector<16xf32> -> vector<16xi32>
          %shift_right_logical3A_806 = arith.constant 21 : i32
          %shift_right_logical3A_807 = vector.broadcast %shift_right_logical3A_806 : i32 to vector<16xi32>
          %shift_right_logical3A_808 = arith.shrui %bitcast_convert_type3A_805, %shift_right_logical3A_807 : vector<16xi32>
          %ge3A_809 = arith.cmpi sge, %shift_right_logical3A_808, %scan3A_67#1 : vector<16xi32>
          %lt3A_810 = arith.constant 1024 : i32
          %lt3A_811 = vector.broadcast %lt3A_810 : i32 to vector<16xi32>
          %lt3A_812 = arith.cmpi slt, %add3A_795, %lt3A_811 : vector<16xi32>
          %and3A_813 = arith.andi %ge3A_809, %lt3A_812 : vector<16xi1>
          %mul3A_814 = arith.constant 16 : i32
          %mul3A_815 = vector.broadcast %mul3A_814 : i32 to vector<16xi32>
          %mul3A_816 = arith.muli %add3A_795, %mul3A_815 : vector<16xi32>
          %add3A_817 = arith.addi %mul3A_816, %iota3A : vector<16xi32>
          tpu.vector_store_idx %arg9[%add3A_817], %get3A_797 masked %and3A_813 : memref<16384xf32, #tpu.memory_space<vmem>>[vector<16xi32>], vector<16xf32>, vector<16xi1>
          %broadcast_in_dim3A_818 = arith.constant 0 : i32
          %broadcast_in_dim3A_819 = vector.broadcast %broadcast_in_dim3A_818 : i32 to vector<16xi32>
          %add3A_820 = vector.broadcast %add3A_804 : i32 to vector<16xi32>
          %add3A_821 = arith.addi %broadcast_in_dim3A_819, %add3A_820 : vector<16xi32>
          tpu.vector_store_idx %arg10[%add3A_817], %add3A_821 masked %and3A_813 : memref<16384xi32, #tpu.memory_space<vmem>>[vector<16xi32>], vector<16xi32>, vector<16xi1>
          %convert_element_type3A_822 = arith.extui %and3A_813 : vector<16xi1> to vector<16xi32>
          %add3A_823 = arith.addi %add3A_795, %convert_element_type3A_822 : vector<16xi32>
          %get3A_824 = arith.constant 208 : index
          %get3A_825 = tpu.vector_load %arg8[%get3A_824] {strides = array<i32>} : memref<256xf32, #tpu.memory_space<vmem>>, vector<16xf32>,
          %mul3A_826 = arith.constant 512 : i32
          %mul3A_827 = arith.muli %mul3A_228, %mul3A_826 : i32
          %mul3A_828 = arith.constant 16 : i32
          %mul3A_829 = arith.muli %scan3A_271, %mul3A_828 : i32
          %add3A_830 = arith.addi %mul3A_827, %mul3A_829 : i32
          %add3A_831 = arith.constant 13 : i32
          %add3A_832 = arith.addi %add3A_830, %add3A_831 : i32
          %bitcast_convert_type3A_833 = tpu.bitcast %get3A_825 : vector<16xf32> -> vector<16xi32>
          %shift_right_logical3A_834 = arith.constant 21 : i32
          %shift_right_logical3A_835 = vector.broadcast %shift_right_logical3A_834 : i32 to vector<16xi32>
          %shift_right_logical3A_836 = arith.shrui %bitcast_convert_type3A_833, %shift_right_logical3A_835 : vector<16xi32>
          %ge3A_837 = arith.cmpi sge, %shift_right_logical3A_836, %scan3A_67#1 : vector<16xi32>
          %lt3A_838 = arith.constant 1024 : i32
          %lt3A_839 = vector.broadcast %lt3A_838 : i32 to vector<16xi32>
          %lt3A_840 = arith.cmpi slt, %add3A_823, %lt3A_839 : vector<16xi32>
          %and3A_841 = arith.andi %ge3A_837, %lt3A_840 : vector<16xi1>
          %mul3A_842 = arith.constant 16 : i32
          %mul3A_843 = vector.broadcast %mul3A_842 : i32 to vector<16xi32>
          %mul3A_844 = arith.muli %add3A_823, %mul3A_843 : vector<16xi32>
          %add3A_845 = arith.addi %mul3A_844, %iota3A : vector<16xi32>
          tpu.vector_store_idx %arg9[%add3A_845], %get3A_825 masked %and3A_841 : memref<16384xf32, #tpu.memory_space<vmem>>[vector<16xi32>], vector<16xf32>, vector<16xi1>
          %broadcast_in_dim3A_846 = arith.constant 0 : i32
          %broadcast_in_dim3A_847 = vector.broadcast %broadcast_in_dim3A_846 : i32 to vector<16xi32>
          %add3A_848 = vector.broadcast %add3A_832 : i32 to vector<16xi32>
          %add3A_849 = arith.addi %broadcast_in_dim3A_847, %add3A_848 : vector<16xi32>
          tpu.vector_store_idx %arg10[%add3A_845], %add3A_849 masked %and3A_841 : memref<16384xi32, #tpu.memory_space<vmem>>[vector<16xi32>], vector<16xi32>, vector<16xi1>
          %convert_element_type3A_850 = arith.extui %and3A_841 : vector<16xi1> to vector<16xi32>
          %add3A_851 = arith.addi %add3A_823, %convert_element_type3A_850 : vector<16xi32>
          %get3A_852 = arith.constant 224 : index
          %get3A_853 = tpu.vector_load %arg8[%get3A_852] {strides = array<i32>} : memref<256xf32, #tpu.memory_space<vmem>>, vector<16xf32>,
          %mul3A_854 = arith.constant 512 : i32
          %mul3A_855 = arith.muli %mul3A_228, %mul3A_854 : i32
          %mul3A_856 = arith.constant 16 : i32
          %mul3A_857 = arith.muli %scan3A_271, %mul3A_856 : i32
          %add3A_858 = arith.addi %mul3A_855, %mul3A_857 : i32
          %add3A_859 = arith.constant 14 : i32
          %add3A_860 = arith.addi %add3A_858, %add3A_859 : i32
          %bitcast_convert_type3A_861 = tpu.bitcast %get3A_853 : vector<16xf32> -> vector<16xi32>
          %shift_right_logical3A_862 = arith.constant 21 : i32
          %shift_right_logical3A_863 = vector.broadcast %shift_right_logical3A_862 : i32 to vector<16xi32>
          %shift_right_logical3A_864 = arith.shrui %bitcast_convert_type3A_861, %shift_right_logical3A_863 : vector<16xi32>
          %ge3A_865 = arith.cmpi sge, %shift_right_logical3A_864, %scan3A_67#1 : vector<16xi32>
          %lt3A_866 = arith.constant 1024 : i32
          %lt3A_867 = vector.broadcast %lt3A_866 : i32 to vector<16xi32>
          %lt3A_868 = arith.cmpi slt, %add3A_851, %lt3A_867 : vector<16xi32>
          %and3A_869 = arith.andi %ge3A_865, %lt3A_868 : vector<16xi1>
          %mul3A_870 = arith.constant 16 : i32
          %mul3A_871 = vector.broadcast %mul3A_870 : i32 to vector<16xi32>
          %mul3A_872 = arith.muli %add3A_851, %mul3A_871 : vector<16xi32>
          %add3A_873 = arith.addi %mul3A_872, %iota3A : vector<16xi32>
          tpu.vector_store_idx %arg9[%add3A_873], %get3A_853 masked %and3A_869 : memref<16384xf32, #tpu.memory_space<vmem>>[vector<16xi32>], vector<16xf32>, vector<16xi1>
          %broadcast_in_dim3A_874 = arith.constant 0 : i32
          %broadcast_in_dim3A_875 = vector.broadcast %broadcast_in_dim3A_874 : i32 to vector<16xi32>
          %add3A_876 = vector.broadcast %add3A_860 : i32 to vector<16xi32>
          %add3A_877 = arith.addi %broadcast_in_dim3A_875, %add3A_876 : vector<16xi32>
          tpu.vector_store_idx %arg10[%add3A_873], %add3A_877 masked %and3A_869 : memref<16384xi32, #tpu.memory_space<vmem>>[vector<16xi32>], vector<16xi32>, vector<16xi1>
          %convert_element_type3A_878 = arith.extui %and3A_869 : vector<16xi1> to vector<16xi32>
          %add3A_879 = arith.addi %add3A_851, %convert_element_type3A_878 : vector<16xi32>
          %get3A_880 = arith.constant 240 : index
          %get3A_881 = tpu.vector_load %arg8[%get3A_880] {strides = array<i32>} : memref<256xf32, #tpu.memory_space<vmem>>, vector<16xf32>,
          %mul3A_882 = arith.constant 512 : i32
          %mul3A_883 = arith.muli %mul3A_228, %mul3A_882 : i32
          %mul3A_884 = arith.constant 16 : i32
          %mul3A_885 = arith.muli %scan3A_271, %mul3A_884 : i32
          %add3A_886 = arith.addi %mul3A_883, %mul3A_885 : i32
          %add3A_887 = arith.constant 15 : i32
          %add3A_888 = arith.addi %add3A_886, %add3A_887 : i32
          %bitcast_convert_type3A_889 = tpu.bitcast %get3A_881 : vector<16xf32> -> vector<16xi32>
          %shift_right_logical3A_890 = arith.constant 21 : i32
          %shift_right_logical3A_891 = vector.broadcast %shift_right_logical3A_890 : i32 to vector<16xi32>
          %shift_right_logical3A_892 = arith.shrui %bitcast_convert_type3A_889, %shift_right_logical3A_891 : vector<16xi32>
          %ge3A_893 = arith.cmpi sge, %shift_right_logical3A_892, %scan3A_67#1 : vector<16xi32>
          %lt3A_894 = arith.constant 1024 : i32
          %lt3A_895 = vector.broadcast %lt3A_894 : i32 to vector<16xi32>
          %lt3A_896 = arith.cmpi slt, %add3A_879, %lt3A_895 : vector<16xi32>
          %and3A_897 = arith.andi %ge3A_893, %lt3A_896 : vector<16xi1>
          %mul3A_898 = arith.constant 16 : i32
          %mul3A_899 = vector.broadcast %mul3A_898 : i32 to vector<16xi32>
          %mul3A_900 = arith.muli %add3A_879, %mul3A_899 : vector<16xi32>
          %add3A_901 = arith.addi %mul3A_900, %iota3A : vector<16xi32>
          tpu.vector_store_idx %arg9[%add3A_901], %get3A_881 masked %and3A_897 : memref<16384xf32, #tpu.memory_space<vmem>>[vector<16xi32>], vector<16xf32>, vector<16xi1>
          %broadcast_in_dim3A_902 = arith.constant 0 : i32
          %broadcast_in_dim3A_903 = vector.broadcast %broadcast_in_dim3A_902 : i32 to vector<16xi32>
          %add3A_904 = vector.broadcast %add3A_888 : i32 to vector<16xi32>
          %add3A_905 = arith.addi %broadcast_in_dim3A_903, %add3A_904 : vector<16xi32>
          tpu.vector_store_idx %arg10[%add3A_901], %add3A_905 masked %and3A_897 : memref<16384xi32, #tpu.memory_space<vmem>>[vector<16xi32>], vector<16xi32>, vector<16xi1>
          %convert_element_type3A_906 = arith.extui %and3A_897 : vector<16xi1> to vector<16xi32>
          %add3A_907 = arith.addi %add3A_879, %convert_element_type3A_906 : vector<16xi32>
          scf.yield %add3A_907 : vector<16xi32>
        }
        %scan3A_241 = arith.constant 32 : i32
        %add3A_242 = arith.constant 2 : i32
        %add3A_243 = arith.addi %mul3A_228, %add3A_242 : i32
        %lt3A = arith.constant 48 : i32
        %lt3A_244 = arith.cmpi slt, %add3A_243, %lt3A : i32
        %convert_element_type3A = arith.extui %lt3A_244 : i1 to i32
        %cond3A = arith.constant 0 : i32
        %cond3A_245 = arith.cmpi ne, %convert_element_type3A, %cond3A : i32
        scf.if %cond3A_245 {
          %add3A_271 = arith.constant 2 : i32
          %add3A_272 = arith.addi %mul3A_228, %add3A_271 : i32
          %mul3A_273 = arith.constant 512 : i32
          %mul3A_274 = arith.muli %add3A_272, %mul3A_273 : i32
          %dma_start3A_275 = arith.constant 0 : i32
          %dma_start3A_276 = tpu.memref_slice %arg2[%add3A_21, %dma_start3A_275, %mul3A_274] : memref<64x16x24576xf32, #tpu.memory_space<hbm>> -> memref<1x16x512xf32, #tpu.memory_space<hbm>>
          %dma_start3A_277 = tpu.memref_squeeze %dma_start3A_276 : memref<1x16x512xf32, #tpu.memory_space<hbm>> -> memref<16x512xf32, #tpu.memory_space<hbm>>
          %dma_start3A_278 = arith.constant 0 : i32
          %dma_start3A_279 = tpu.memref_slice %arg2[%add3A_21, %dma_start3A_278, %mul3A_274] : memref<64x16x24576xf32, #tpu.memory_space<hbm>> -> memref<1x16x512xf32, #tpu.memory_space<hbm>>
          %dma_start3A_280 = tpu.memref_squeeze %dma_start3A_279 : memref<1x16x512xf32, #tpu.memory_space<hbm>> -> memref<16x512xf32, #tpu.memory_space<hbm>>
          tpu.enqueue_dma source(%dma_start3A_280 : memref<16x512xf32, #tpu.memory_space<hbm>>) target(%arg6 : memref<16x512xf32, #tpu.memory_space<vmem>>) target_semaphore(%arg14 : memref<!tpu.dma_semaphore, #tpu.memory_space<semaphore_mem>>)
        } else {
        }
        %mul3A_246 = arith.constant 2 : i32
        %mul3A_247 = arith.muli %mul3A_246, %scan3A_225 : i32
        %add3A_248 = arith.constant 1 : i32
        %add3A_249 = arith.addi %mul3A_247, %add3A_248 : i32
        %mul3A_250 = arith.constant 512 : i32
        %mul3A_251 = arith.muli %add3A_249, %mul3A_250 : i32
        %dma_wait3A_252 = arith.constant 0 : i32
        %dma_wait3A_253 = tpu.memref_slice %arg2[%add3A_21, %dma_wait3A_252, %mul3A_251] : memref<64x16x24576xf32, #tpu.memory_space<hbm>> -> memref<1x16x512xf32, #tpu.memory_space<hbm>>
        %dma_wait3A_254 = tpu.memref_squeeze %dma_wait3A_253 : memref<1x16x512xf32, #tpu.memory_space<hbm>> -> memref<16x512xf32, #tpu.memory_space<hbm>>
        %dma_wait3A_255 = arith.constant 0 : i32
        %dma_wait3A_256 = tpu.memref_slice %arg2[%add3A_21, %dma_wait3A_255, %mul3A_251] : memref<64x16x24576xf32, #tpu.memory_space<hbm>> -> memref<1x16x512xf32, #tpu.memory_space<hbm>>
        %dma_wait3A_257 = tpu.memref_squeeze %dma_wait3A_256 : memref<1x16x512xf32, #tpu.memory_space<hbm>> -> memref<16x512xf32, #tpu.memory_space<hbm>>
        tpu.wait_dma2 semaphore(%arg15 : memref<!tpu.dma_semaphore, #tpu.memory_space<semaphore_mem>>) src(%dma_wait3A_257 : memref<16x512xf32, #tpu.memory_space<hbm>>) dst(%arg7 : memref<16x512xf32, #tpu.memory_space<vmem>>)
        %scan3A_258 = arith.constant 0 : i32
        %scan3A_259 = arith.constant 32 : i32
        %scan3A_260 = arith.addi %scan3A_258, %scan3A_259 : i32
        %scan3A_261 = arith.constant 1 : i32
        %scan3A_262 = scf.for %scan3A_271 = %scan3A_258 to %scan3A_260 step %scan3A_261 iter_args(%scan3A_272 = %scan3A_240) -> (vector<16xi32>)  : i32 {
          %mul3A_273 = arith.constant 16 : i32
          %mul3A_274 = arith.muli %scan3A_271, %mul3A_273 : i32
          %get3A = arith.constant 0 : i32
          %get3A_275 = arith.index_cast %get3A : i32 to index
          %get3A_276 = arith.index_cast %mul3A_274 : i32 to index
          %get3A_277 = tpu.vector_load %arg7[%get3A_275, %get3A_276] {strides = array<i32>} : memref<16x512xf32, #tpu.memory_space<vmem>>, vector<16xf32>,
          %mul3A_278 = arith.constant 16 : i32
          %mul3A_279 = vector.broadcast %mul3A_278 : i32 to vector<16xi32>
          %mul3A_280 = arith.muli %iota3A, %mul3A_279 : vector<16xi32>
          %add3A_281 = arith.constant 0 : i32
          %add3A_282 = vector.broadcast %add3A_281 : i32 to vector<16xi32>
          %add3A_283 = arith.addi %mul3A_280, %add3A_282 : vector<16xi32>
          tpu.vector_store_idx %arg8[%add3A_283], %get3A_277 : memref<256xf32, #tpu.memory_space<vmem>>[vector<16xi32>], vector<16xf32>,
          %mul3A_284 = arith.constant 16 : i32
          %mul3A_285 = arith.muli %scan3A_271, %mul3A_284 : i32
          %get3A_286 = arith.constant 1 : i32
          %get3A_287 = arith.index_cast %get3A_286 : i32 to index
          %get3A_288 = arith.index_cast %mul3A_285 : i32 to index
          %get3A_289 = tpu.vector_load %arg7[%get3A_287, %get3A_288] {strides = array<i32>} : memref<16x512xf32, #tpu.memory_space<vmem>>, vector<16xf32>,
          %mul3A_290 = arith.constant 16 : i32
          %mul3A_291 = vector.broadcast %mul3A_290 : i32 to vector<16xi32>
          %mul3A_292 = arith.muli %iota3A, %mul3A_291 : vector<16xi32>
          %add3A_293 = arith.constant 1 : i32
          %add3A_294 = vector.broadcast %add3A_293 : i32 to vector<16xi32>
          %add3A_295 = arith.addi %mul3A_292, %add3A_294 : vector<16xi32>
          tpu.vector_store_idx %arg8[%add3A_295], %get3A_289 : memref<256xf32, #tpu.memory_space<vmem>>[vector<16xi32>], vector<16xf32>,
          %mul3A_296 = arith.constant 16 : i32
          %mul3A_297 = arith.muli %scan3A_271, %mul3A_296 : i32
          %get3A_298 = arith.constant 2 : i32
          %get3A_299 = arith.index_cast %get3A_298 : i32 to index
          %get3A_300 = arith.index_cast %mul3A_297 : i32 to index
          %get3A_301 = tpu.vector_load %arg7[%get3A_299, %get3A_300] {strides = array<i32>} : memref<16x512xf32, #tpu.memory_space<vmem>>, vector<16xf32>,
          %mul3A_302 = arith.constant 16 : i32
          %mul3A_303 = vector.broadcast %mul3A_302 : i32 to vector<16xi32>
          %mul3A_304 = arith.muli %iota3A, %mul3A_303 : vector<16xi32>
          %add3A_305 = arith.constant 2 : i32
          %add3A_306 = vector.broadcast %add3A_305 : i32 to vector<16xi32>
          %add3A_307 = arith.addi %mul3A_304, %add3A_306 : vector<16xi32>
          tpu.vector_store_idx %arg8[%add3A_307], %get3A_301 : memref<256xf32, #tpu.memory_space<vmem>>[vector<16xi32>], vector<16xf32>,
          %mul3A_308 = arith.constant 16 : i32
          %mul3A_309 = arith.muli %scan3A_271, %mul3A_308 : i32
          %get3A_310 = arith.constant 3 : i32
          %get3A_311 = arith.index_cast %get3A_310 : i32 to index
          %get3A_312 = arith.index_cast %mul3A_309 : i32 to index
          %get3A_313 = tpu.vector_load %arg7[%get3A_311, %get3A_312] {strides = array<i32>} : memref<16x512xf32, #tpu.memory_space<vmem>>, vector<16xf32>,
          %mul3A_314 = arith.constant 16 : i32
          %mul3A_315 = vector.broadcast %mul3A_314 : i32 to vector<16xi32>
          %mul3A_316 = arith.muli %iota3A, %mul3A_315 : vector<16xi32>
          %add3A_317 = arith.constant 3 : i32
          %add3A_318 = vector.broadcast %add3A_317 : i32 to vector<16xi32>
          %add3A_319 = arith.addi %mul3A_316, %add3A_318 : vector<16xi32>
          tpu.vector_store_idx %arg8[%add3A_319], %get3A_313 : memref<256xf32, #tpu.memory_space<vmem>>[vector<16xi32>], vector<16xf32>,
          %mul3A_320 = arith.constant 16 : i32
          %mul3A_321 = arith.muli %scan3A_271, %mul3A_320 : i32
          %get3A_322 = arith.constant 4 : i32
          %get3A_323 = arith.index_cast %get3A_322 : i32 to index
          %get3A_324 = arith.index_cast %mul3A_321 : i32 to index
          %get3A_325 = tpu.vector_load %arg7[%get3A_323, %get3A_324] {strides = array<i32>} : memref<16x512xf32, #tpu.memory_space<vmem>>, vector<16xf32>,
          %mul3A_326 = arith.constant 16 : i32
          %mul3A_327 = vector.broadcast %mul3A_326 : i32 to vector<16xi32>
          %mul3A_328 = arith.muli %iota3A, %mul3A_327 : vector<16xi32>
          %add3A_329 = arith.constant 4 : i32
          %add3A_330 = vector.broadcast %add3A_329 : i32 to vector<16xi32>
          %add3A_331 = arith.addi %mul3A_328, %add3A_330 : vector<16xi32>
          tpu.vector_store_idx %arg8[%add3A_331], %get3A_325 : memref<256xf32, #tpu.memory_space<vmem>>[vector<16xi32>], vector<16xf32>,
          %mul3A_332 = arith.constant 16 : i32
          %mul3A_333 = arith.muli %scan3A_271, %mul3A_332 : i32
          %get3A_334 = arith.constant 5 : i32
          %get3A_335 = arith.index_cast %get3A_334 : i32 to index
          %get3A_336 = arith.index_cast %mul3A_333 : i32 to index
          %get3A_337 = tpu.vector_load %arg7[%get3A_335, %get3A_336] {strides = array<i32>} : memref<16x512xf32, #tpu.memory_space<vmem>>, vector<16xf32>,
          %mul3A_338 = arith.constant 16 : i32
          %mul3A_339 = vector.broadcast %mul3A_338 : i32 to vector<16xi32>
          %mul3A_340 = arith.muli %iota3A, %mul3A_339 : vector<16xi32>
          %add3A_341 = arith.constant 5 : i32
          %add3A_342 = vector.broadcast %add3A_341 : i32 to vector<16xi32>
          %add3A_343 = arith.addi %mul3A_340, %add3A_342 : vector<16xi32>
          tpu.vector_store_idx %arg8[%add3A_343], %get3A_337 : memref<256xf32, #tpu.memory_space<vmem>>[vector<16xi32>], vector<16xf32>,
          %mul3A_344 = arith.constant 16 : i32
          %mul3A_345 = arith.muli %scan3A_271, %mul3A_344 : i32
          %get3A_346 = arith.constant 6 : i32
          %get3A_347 = arith.index_cast %get3A_346 : i32 to index
          %get3A_348 = arith.index_cast %mul3A_345 : i32 to index
          %get3A_349 = tpu.vector_load %arg7[%get3A_347, %get3A_348] {strides = array<i32>} : memref<16x512xf32, #tpu.memory_space<vmem>>, vector<16xf32>,
          %mul3A_350 = arith.constant 16 : i32
          %mul3A_351 = vector.broadcast %mul3A_350 : i32 to vector<16xi32>
          %mul3A_352 = arith.muli %iota3A, %mul3A_351 : vector<16xi32>
          %add3A_353 = arith.constant 6 : i32
          %add3A_354 = vector.broadcast %add3A_353 : i32 to vector<16xi32>
          %add3A_355 = arith.addi %mul3A_352, %add3A_354 : vector<16xi32>
          tpu.vector_store_idx %arg8[%add3A_355], %get3A_349 : memref<256xf32, #tpu.memory_space<vmem>>[vector<16xi32>], vector<16xf32>,
          %mul3A_356 = arith.constant 16 : i32
          %mul3A_357 = arith.muli %scan3A_271, %mul3A_356 : i32
          %get3A_358 = arith.constant 7 : i32
          %get3A_359 = arith.index_cast %get3A_358 : i32 to index
          %get3A_360 = arith.index_cast %mul3A_357 : i32 to index
          %get3A_361 = tpu.vector_load %arg7[%get3A_359, %get3A_360] {strides = array<i32>} : memref<16x512xf32, #tpu.memory_space<vmem>>, vector<16xf32>,
          %mul3A_362 = arith.constant 16 : i32
          %mul3A_363 = vector.broadcast %mul3A_362 : i32 to vector<16xi32>
          %mul3A_364 = arith.muli %iota3A, %mul3A_363 : vector<16xi32>
          %add3A_365 = arith.constant 7 : i32
          %add3A_366 = vector.broadcast %add3A_365 : i32 to vector<16xi32>
          %add3A_367 = arith.addi %mul3A_364, %add3A_366 : vector<16xi32>
          tpu.vector_store_idx %arg8[%add3A_367], %get3A_361 : memref<256xf32, #tpu.memory_space<vmem>>[vector<16xi32>], vector<16xf32>,
          %mul3A_368 = arith.constant 16 : i32
          %mul3A_369 = arith.muli %scan3A_271, %mul3A_368 : i32
          %get3A_370 = arith.constant 8 : i32
          %get3A_371 = arith.index_cast %get3A_370 : i32 to index
          %get3A_372 = arith.index_cast %mul3A_369 : i32 to index
          %get3A_373 = tpu.vector_load %arg7[%get3A_371, %get3A_372] {strides = array<i32>} : memref<16x512xf32, #tpu.memory_space<vmem>>, vector<16xf32>,
          %mul3A_374 = arith.constant 16 : i32
          %mul3A_375 = vector.broadcast %mul3A_374 : i32 to vector<16xi32>
          %mul3A_376 = arith.muli %iota3A, %mul3A_375 : vector<16xi32>
          %add3A_377 = arith.constant 8 : i32
          %add3A_378 = vector.broadcast %add3A_377 : i32 to vector<16xi32>
          %add3A_379 = arith.addi %mul3A_376, %add3A_378 : vector<16xi32>
          tpu.vector_store_idx %arg8[%add3A_379], %get3A_373 : memref<256xf32, #tpu.memory_space<vmem>>[vector<16xi32>], vector<16xf32>,
          %mul3A_380 = arith.constant 16 : i32
          %mul3A_381 = arith.muli %scan3A_271, %mul3A_380 : i32
          %get3A_382 = arith.constant 9 : i32
          %get3A_383 = arith.index_cast %get3A_382 : i32 to index
          %get3A_384 = arith.index_cast %mul3A_381 : i32 to index
          %get3A_385 = tpu.vector_load %arg7[%get3A_383, %get3A_384] {strides = array<i32>} : memref<16x512xf32, #tpu.memory_space<vmem>>, vector<16xf32>,
          %mul3A_386 = arith.constant 16 : i32
          %mul3A_387 = vector.broadcast %mul3A_386 : i32 to vector<16xi32>
          %mul3A_388 = arith.muli %iota3A, %mul3A_387 : vector<16xi32>
          %add3A_389 = arith.constant 9 : i32
          %add3A_390 = vector.broadcast %add3A_389 : i32 to vector<16xi32>
          %add3A_391 = arith.addi %mul3A_388, %add3A_390 : vector<16xi32>
          tpu.vector_store_idx %arg8[%add3A_391], %get3A_385 : memref<256xf32, #tpu.memory_space<vmem>>[vector<16xi32>], vector<16xf32>,
          %mul3A_392 = arith.constant 16 : i32
          %mul3A_393 = arith.muli %scan3A_271, %mul3A_392 : i32
          %get3A_394 = arith.constant 10 : i32
          %get3A_395 = arith.index_cast %get3A_394 : i32 to index
          %get3A_396 = arith.index_cast %mul3A_393 : i32 to index
          %get3A_397 = tpu.vector_load %arg7[%get3A_395, %get3A_396] {strides = array<i32>} : memref<16x512xf32, #tpu.memory_space<vmem>>, vector<16xf32>,
          %mul3A_398 = arith.constant 16 : i32
          %mul3A_399 = vector.broadcast %mul3A_398 : i32 to vector<16xi32>
          %mul3A_400 = arith.muli %iota3A, %mul3A_399 : vector<16xi32>
          %add3A_401 = arith.constant 10 : i32
          %add3A_402 = vector.broadcast %add3A_401 : i32 to vector<16xi32>
          %add3A_403 = arith.addi %mul3A_400, %add3A_402 : vector<16xi32>
          tpu.vector_store_idx %arg8[%add3A_403], %get3A_397 : memref<256xf32, #tpu.memory_space<vmem>>[vector<16xi32>], vector<16xf32>,
          %mul3A_404 = arith.constant 16 : i32
          %mul3A_405 = arith.muli %scan3A_271, %mul3A_404 : i32
          %get3A_406 = arith.constant 11 : i32
          %get3A_407 = arith.index_cast %get3A_406 : i32 to index
          %get3A_408 = arith.index_cast %mul3A_405 : i32 to index
          %get3A_409 = tpu.vector_load %arg7[%get3A_407, %get3A_408] {strides = array<i32>} : memref<16x512xf32, #tpu.memory_space<vmem>>, vector<16xf32>,
          %mul3A_410 = arith.constant 16 : i32
          %mul3A_411 = vector.broadcast %mul3A_410 : i32 to vector<16xi32>
          %mul3A_412 = arith.muli %iota3A, %mul3A_411 : vector<16xi32>
          %add3A_413 = arith.constant 11 : i32
          %add3A_414 = vector.broadcast %add3A_413 : i32 to vector<16xi32>
          %add3A_415 = arith.addi %mul3A_412, %add3A_414 : vector<16xi32>
          tpu.vector_store_idx %arg8[%add3A_415], %get3A_409 : memref<256xf32, #tpu.memory_space<vmem>>[vector<16xi32>], vector<16xf32>,
          %mul3A_416 = arith.constant 16 : i32
          %mul3A_417 = arith.muli %scan3A_271, %mul3A_416 : i32
          %get3A_418 = arith.constant 12 : i32
          %get3A_419 = arith.index_cast %get3A_418 : i32 to index
          %get3A_420 = arith.index_cast %mul3A_417 : i32 to index
          %get3A_421 = tpu.vector_load %arg7[%get3A_419, %get3A_420] {strides = array<i32>} : memref<16x512xf32, #tpu.memory_space<vmem>>, vector<16xf32>,
          %mul3A_422 = arith.constant 16 : i32
          %mul3A_423 = vector.broadcast %mul3A_422 : i32 to vector<16xi32>
          %mul3A_424 = arith.muli %iota3A, %mul3A_423 : vector<16xi32>
          %add3A_425 = arith.constant 12 : i32
          %add3A_426 = vector.broadcast %add3A_425 : i32 to vector<16xi32>
          %add3A_427 = arith.addi %mul3A_424, %add3A_426 : vector<16xi32>
          tpu.vector_store_idx %arg8[%add3A_427], %get3A_421 : memref<256xf32, #tpu.memory_space<vmem>>[vector<16xi32>], vector<16xf32>,
          %mul3A_428 = arith.constant 16 : i32
          %mul3A_429 = arith.muli %scan3A_271, %mul3A_428 : i32
          %get3A_430 = arith.constant 13 : i32
          %get3A_431 = arith.index_cast %get3A_430 : i32 to index
          %get3A_432 = arith.index_cast %mul3A_429 : i32 to index
          %get3A_433 = tpu.vector_load %arg7[%get3A_431, %get3A_432] {strides = array<i32>} : memref<16x512xf32, #tpu.memory_space<vmem>>, vector<16xf32>,
          %mul3A_434 = arith.constant 16 : i32
          %mul3A_435 = vector.broadcast %mul3A_434 : i32 to vector<16xi32>
          %mul3A_436 = arith.muli %iota3A, %mul3A_435 : vector<16xi32>
          %add3A_437 = arith.constant 13 : i32
          %add3A_438 = vector.broadcast %add3A_437 : i32 to vector<16xi32>
          %add3A_439 = arith.addi %mul3A_436, %add3A_438 : vector<16xi32>
          tpu.vector_store_idx %arg8[%add3A_439], %get3A_433 : memref<256xf32, #tpu.memory_space<vmem>>[vector<16xi32>], vector<16xf32>,
          %mul3A_440 = arith.constant 16 : i32
          %mul3A_441 = arith.muli %scan3A_271, %mul3A_440 : i32
          %get3A_442 = arith.constant 14 : i32
          %get3A_443 = arith.index_cast %get3A_442 : i32 to index
          %get3A_444 = arith.index_cast %mul3A_441 : i32 to index
          %get3A_445 = tpu.vector_load %arg7[%get3A_443, %get3A_444] {strides = array<i32>} : memref<16x512xf32, #tpu.memory_space<vmem>>, vector<16xf32>,
          %mul3A_446 = arith.constant 16 : i32
          %mul3A_447 = vector.broadcast %mul3A_446 : i32 to vector<16xi32>
          %mul3A_448 = arith.muli %iota3A, %mul3A_447 : vector<16xi32>
          %add3A_449 = arith.constant 14 : i32
          %add3A_450 = vector.broadcast %add3A_449 : i32 to vector<16xi32>
          %add3A_451 = arith.addi %mul3A_448, %add3A_450 : vector<16xi32>
          tpu.vector_store_idx %arg8[%add3A_451], %get3A_445 : memref<256xf32, #tpu.memory_space<vmem>>[vector<16xi32>], vector<16xf32>,
          %mul3A_452 = arith.constant 16 : i32
          %mul3A_453 = arith.muli %scan3A_271, %mul3A_452 : i32
          %get3A_454 = arith.constant 15 : i32
          %get3A_455 = arith.index_cast %get3A_454 : i32 to index
          %get3A_456 = arith.index_cast %mul3A_453 : i32 to index
          %get3A_457 = tpu.vector_load %arg7[%get3A_455, %get3A_456] {strides = array<i32>} : memref<16x512xf32, #tpu.memory_space<vmem>>, vector<16xf32>,
          %mul3A_458 = arith.constant 16 : i32
          %mul3A_459 = vector.broadcast %mul3A_458 : i32 to vector<16xi32>
          %mul3A_460 = arith.muli %iota3A, %mul3A_459 : vector<16xi32>
          %add3A_461 = arith.constant 15 : i32
          %add3A_462 = vector.broadcast %add3A_461 : i32 to vector<16xi32>
          %add3A_463 = arith.addi %mul3A_460, %add3A_462 : vector<16xi32>
          tpu.vector_store_idx %arg8[%add3A_463], %get3A_457 : memref<256xf32, #tpu.memory_space<vmem>>[vector<16xi32>], vector<16xf32>,
          %get3A_464 = arith.constant 0 : index
          %get3A_465 = tpu.vector_load %arg8[%get3A_464] {strides = array<i32>} : memref<256xf32, #tpu.memory_space<vmem>>, vector<16xf32>,
          %mul3A_466 = arith.constant 512 : i32
          %mul3A_467 = arith.muli %add3A_249, %mul3A_466 : i32
          %mul3A_468 = arith.constant 16 : i32
          %mul3A_469 = arith.muli %scan3A_271, %mul3A_468 : i32
          %add3A_470 = arith.addi %mul3A_467, %mul3A_469 : i32
          %add3A_471 = arith.constant 0 : i32
          %add3A_472 = arith.addi %add3A_470, %add3A_471 : i32
          %bitcast_convert_type3A = tpu.bitcast %get3A_465 : vector<16xf32> -> vector<16xi32>
          %shift_right_logical3A = arith.constant 21 : i32
          %shift_right_logical3A_473 = vector.broadcast %shift_right_logical3A : i32 to vector<16xi32>
          %shift_right_logical3A_474 = arith.shrui %bitcast_convert_type3A, %shift_right_logical3A_473 : vector<16xi32>
          %ge3A = arith.cmpi sge, %shift_right_logical3A_474, %scan3A_67#1 : vector<16xi32>
          %lt3A_475 = arith.constant 1024 : i32
          %lt3A_476 = vector.broadcast %lt3A_475 : i32 to vector<16xi32>
          %lt3A_477 = arith.cmpi slt, %scan3A_272, %lt3A_476 : vector<16xi32>
          %and3A = arith.andi %ge3A, %lt3A_477 : vector<16xi1>
          %mul3A_478 = arith.constant 16 : i32
          %mul3A_479 = vector.broadcast %mul3A_478 : i32 to vector<16xi32>
          %mul3A_480 = arith.muli %scan3A_272, %mul3A_479 : vector<16xi32>
          %add3A_481 = arith.addi %mul3A_480, %iota3A : vector<16xi32>
          tpu.vector_store_idx %arg9[%add3A_481], %get3A_465 masked %and3A : memref<16384xf32, #tpu.memory_space<vmem>>[vector<16xi32>], vector<16xf32>, vector<16xi1>
          %broadcast_in_dim3A_482 = arith.constant 0 : i32
          %broadcast_in_dim3A_483 = vector.broadcast %broadcast_in_dim3A_482 : i32 to vector<16xi32>
          %add3A_484 = vector.broadcast %add3A_472 : i32 to vector<16xi32>
          %add3A_485 = arith.addi %broadcast_in_dim3A_483, %add3A_484 : vector<16xi32>
          tpu.vector_store_idx %arg10[%add3A_481], %add3A_485 masked %and3A : memref<16384xi32, #tpu.memory_space<vmem>>[vector<16xi32>], vector<16xi32>, vector<16xi1>
          %convert_element_type3A_486 = arith.extui %and3A : vector<16xi1> to vector<16xi32>
          %add3A_487 = arith.addi %scan3A_272, %convert_element_type3A_486 : vector<16xi32>
          %get3A_488 = arith.constant 16 : index
          %get3A_489 = tpu.vector_load %arg8[%get3A_488] {strides = array<i32>} : memref<256xf32, #tpu.memory_space<vmem>>, vector<16xf32>,
          %mul3A_490 = arith.constant 512 : i32
          %mul3A_491 = arith.muli %add3A_249, %mul3A_490 : i32
          %mul3A_492 = arith.constant 16 : i32
          %mul3A_493 = arith.muli %scan3A_271, %mul3A_492 : i32
          %add3A_494 = arith.addi %mul3A_491, %mul3A_493 : i32
          %add3A_495 = arith.constant 1 : i32
          %add3A_496 = arith.addi %add3A_494, %add3A_495 : i32
          %bitcast_convert_type3A_497 = tpu.bitcast %get3A_489 : vector<16xf32> -> vector<16xi32>
          %shift_right_logical3A_498 = arith.constant 21 : i32
          %shift_right_logical3A_499 = vector.broadcast %shift_right_logical3A_498 : i32 to vector<16xi32>
          %shift_right_logical3A_500 = arith.shrui %bitcast_convert_type3A_497, %shift_right_logical3A_499 : vector<16xi32>
          %ge3A_501 = arith.cmpi sge, %shift_right_logical3A_500, %scan3A_67#1 : vector<16xi32>
          %lt3A_502 = arith.constant 1024 : i32
          %lt3A_503 = vector.broadcast %lt3A_502 : i32 to vector<16xi32>
          %lt3A_504 = arith.cmpi slt, %add3A_487, %lt3A_503 : vector<16xi32>
          %and3A_505 = arith.andi %ge3A_501, %lt3A_504 : vector<16xi1>
          %mul3A_506 = arith.constant 16 : i32
          %mul3A_507 = vector.broadcast %mul3A_506 : i32 to vector<16xi32>
          %mul3A_508 = arith.muli %add3A_487, %mul3A_507 : vector<16xi32>
          %add3A_509 = arith.addi %mul3A_508, %iota3A : vector<16xi32>
          tpu.vector_store_idx %arg9[%add3A_509], %get3A_489 masked %and3A_505 : memref<16384xf32, #tpu.memory_space<vmem>>[vector<16xi32>], vector<16xf32>, vector<16xi1>
          %broadcast_in_dim3A_510 = arith.constant 0 : i32
          %broadcast_in_dim3A_511 = vector.broadcast %broadcast_in_dim3A_510 : i32 to vector<16xi32>
          %add3A_512 = vector.broadcast %add3A_496 : i32 to vector<16xi32>
          %add3A_513 = arith.addi %broadcast_in_dim3A_511, %add3A_512 : vector<16xi32>
          tpu.vector_store_idx %arg10[%add3A_509], %add3A_513 masked %and3A_505 : memref<16384xi32, #tpu.memory_space<vmem>>[vector<16xi32>], vector<16xi32>, vector<16xi1>
          %convert_element_type3A_514 = arith.extui %and3A_505 : vector<16xi1> to vector<16xi32>
          %add3A_515 = arith.addi %add3A_487, %convert_element_type3A_514 : vector<16xi32>
          %get3A_516 = arith.constant 32 : index
          %get3A_517 = tpu.vector_load %arg8[%get3A_516] {strides = array<i32>} : memref<256xf32, #tpu.memory_space<vmem>>, vector<16xf32>,
          %mul3A_518 = arith.constant 512 : i32
          %mul3A_519 = arith.muli %add3A_249, %mul3A_518 : i32
          %mul3A_520 = arith.constant 16 : i32
          %mul3A_521 = arith.muli %scan3A_271, %mul3A_520 : i32
          %add3A_522 = arith.addi %mul3A_519, %mul3A_521 : i32
          %add3A_523 = arith.constant 2 : i32
          %add3A_524 = arith.addi %add3A_522, %add3A_523 : i32
          %bitcast_convert_type3A_525 = tpu.bitcast %get3A_517 : vector<16xf32> -> vector<16xi32>
          %shift_right_logical3A_526 = arith.constant 21 : i32
          %shift_right_logical3A_527 = vector.broadcast %shift_right_logical3A_526 : i32 to vector<16xi32>
          %shift_right_logical3A_528 = arith.shrui %bitcast_convert_type3A_525, %shift_right_logical3A_527 : vector<16xi32>
          %ge3A_529 = arith.cmpi sge, %shift_right_logical3A_528, %scan3A_67#1 : vector<16xi32>
          %lt3A_530 = arith.constant 1024 : i32
          %lt3A_531 = vector.broadcast %lt3A_530 : i32 to vector<16xi32>
          %lt3A_532 = arith.cmpi slt, %add3A_515, %lt3A_531 : vector<16xi32>
          %and3A_533 = arith.andi %ge3A_529, %lt3A_532 : vector<16xi1>
          %mul3A_534 = arith.constant 16 : i32
          %mul3A_535 = vector.broadcast %mul3A_534 : i32 to vector<16xi32>
          %mul3A_536 = arith.muli %add3A_515, %mul3A_535 : vector<16xi32>
          %add3A_537 = arith.addi %mul3A_536, %iota3A : vector<16xi32>
          tpu.vector_store_idx %arg9[%add3A_537], %get3A_517 masked %and3A_533 : memref<16384xf32, #tpu.memory_space<vmem>>[vector<16xi32>], vector<16xf32>, vector<16xi1>
          %broadcast_in_dim3A_538 = arith.constant 0 : i32
          %broadcast_in_dim3A_539 = vector.broadcast %broadcast_in_dim3A_538 : i32 to vector<16xi32>
          %add3A_540 = vector.broadcast %add3A_524 : i32 to vector<16xi32>
          %add3A_541 = arith.addi %broadcast_in_dim3A_539, %add3A_540 : vector<16xi32>
          tpu.vector_store_idx %arg10[%add3A_537], %add3A_541 masked %and3A_533 : memref<16384xi32, #tpu.memory_space<vmem>>[vector<16xi32>], vector<16xi32>, vector<16xi1>
          %convert_element_type3A_542 = arith.extui %and3A_533 : vector<16xi1> to vector<16xi32>
          %add3A_543 = arith.addi %add3A_515, %convert_element_type3A_542 : vector<16xi32>
          %get3A_544 = arith.constant 48 : index
          %get3A_545 = tpu.vector_load %arg8[%get3A_544] {strides = array<i32>} : memref<256xf32, #tpu.memory_space<vmem>>, vector<16xf32>,
          %mul3A_546 = arith.constant 512 : i32
          %mul3A_547 = arith.muli %add3A_249, %mul3A_546 : i32
          %mul3A_548 = arith.constant 16 : i32
          %mul3A_549 = arith.muli %scan3A_271, %mul3A_548 : i32
          %add3A_550 = arith.addi %mul3A_547, %mul3A_549 : i32
          %add3A_551 = arith.constant 3 : i32
          %add3A_552 = arith.addi %add3A_550, %add3A_551 : i32
          %bitcast_convert_type3A_553 = tpu.bitcast %get3A_545 : vector<16xf32> -> vector<16xi32>
          %shift_right_logical3A_554 = arith.constant 21 : i32
          %shift_right_logical3A_555 = vector.broadcast %shift_right_logical3A_554 : i32 to vector<16xi32>
          %shift_right_logical3A_556 = arith.shrui %bitcast_convert_type3A_553, %shift_right_logical3A_555 : vector<16xi32>
          %ge3A_557 = arith.cmpi sge, %shift_right_logical3A_556, %scan3A_67#1 : vector<16xi32>
          %lt3A_558 = arith.constant 1024 : i32
          %lt3A_559 = vector.broadcast %lt3A_558 : i32 to vector<16xi32>
          %lt3A_560 = arith.cmpi slt, %add3A_543, %lt3A_559 : vector<16xi32>
          %and3A_561 = arith.andi %ge3A_557, %lt3A_560 : vector<16xi1>
          %mul3A_562 = arith.constant 16 : i32
          %mul3A_563 = vector.broadcast %mul3A_562 : i32 to vector<16xi32>
          %mul3A_564 = arith.muli %add3A_543, %mul3A_563 : vector<16xi32>
          %add3A_565 = arith.addi %mul3A_564, %iota3A : vector<16xi32>
          tpu.vector_store_idx %arg9[%add3A_565], %get3A_545 masked %and3A_561 : memref<16384xf32, #tpu.memory_space<vmem>>[vector<16xi32>], vector<16xf32>, vector<16xi1>
          %broadcast_in_dim3A_566 = arith.constant 0 : i32
          %broadcast_in_dim3A_567 = vector.broadcast %broadcast_in_dim3A_566 : i32 to vector<16xi32>
          %add3A_568 = vector.broadcast %add3A_552 : i32 to vector<16xi32>
          %add3A_569 = arith.addi %broadcast_in_dim3A_567, %add3A_568 : vector<16xi32>
          tpu.vector_store_idx %arg10[%add3A_565], %add3A_569 masked %and3A_561 : memref<16384xi32, #tpu.memory_space<vmem>>[vector<16xi32>], vector<16xi32>, vector<16xi1>
          %convert_element_type3A_570 = arith.extui %and3A_561 : vector<16xi1> to vector<16xi32>
          %add3A_571 = arith.addi %add3A_543, %convert_element_type3A_570 : vector<16xi32>
          %get3A_572 = arith.constant 64 : index
          %get3A_573 = tpu.vector_load %arg8[%get3A_572] {strides = array<i32>} : memref<256xf32, #tpu.memory_space<vmem>>, vector<16xf32>,
          %mul3A_574 = arith.constant 512 : i32
          %mul3A_575 = arith.muli %add3A_249, %mul3A_574 : i32
          %mul3A_576 = arith.constant 16 : i32
          %mul3A_577 = arith.muli %scan3A_271, %mul3A_576 : i32
          %add3A_578 = arith.addi %mul3A_575, %mul3A_577 : i32
          %add3A_579 = arith.constant 4 : i32
          %add3A_580 = arith.addi %add3A_578, %add3A_579 : i32
          %bitcast_convert_type3A_581 = tpu.bitcast %get3A_573 : vector<16xf32> -> vector<16xi32>
          %shift_right_logical3A_582 = arith.constant 21 : i32
          %shift_right_logical3A_583 = vector.broadcast %shift_right_logical3A_582 : i32 to vector<16xi32>
          %shift_right_logical3A_584 = arith.shrui %bitcast_convert_type3A_581, %shift_right_logical3A_583 : vector<16xi32>
          %ge3A_585 = arith.cmpi sge, %shift_right_logical3A_584, %scan3A_67#1 : vector<16xi32>
          %lt3A_586 = arith.constant 1024 : i32
          %lt3A_587 = vector.broadcast %lt3A_586 : i32 to vector<16xi32>
          %lt3A_588 = arith.cmpi slt, %add3A_571, %lt3A_587 : vector<16xi32>
          %and3A_589 = arith.andi %ge3A_585, %lt3A_588 : vector<16xi1>
          %mul3A_590 = arith.constant 16 : i32
          %mul3A_591 = vector.broadcast %mul3A_590 : i32 to vector<16xi32>
          %mul3A_592 = arith.muli %add3A_571, %mul3A_591 : vector<16xi32>
          %add3A_593 = arith.addi %mul3A_592, %iota3A : vector<16xi32>
          tpu.vector_store_idx %arg9[%add3A_593], %get3A_573 masked %and3A_589 : memref<16384xf32, #tpu.memory_space<vmem>>[vector<16xi32>], vector<16xf32>, vector<16xi1>
          %broadcast_in_dim3A_594 = arith.constant 0 : i32
          %broadcast_in_dim3A_595 = vector.broadcast %broadcast_in_dim3A_594 : i32 to vector<16xi32>
          %add3A_596 = vector.broadcast %add3A_580 : i32 to vector<16xi32>
          %add3A_597 = arith.addi %broadcast_in_dim3A_595, %add3A_596 : vector<16xi32>
          tpu.vector_store_idx %arg10[%add3A_593], %add3A_597 masked %and3A_589 : memref<16384xi32, #tpu.memory_space<vmem>>[vector<16xi32>], vector<16xi32>, vector<16xi1>
          %convert_element_type3A_598 = arith.extui %and3A_589 : vector<16xi1> to vector<16xi32>
          %add3A_599 = arith.addi %add3A_571, %convert_element_type3A_598 : vector<16xi32>
          %get3A_600 = arith.constant 80 : index
          %get3A_601 = tpu.vector_load %arg8[%get3A_600] {strides = array<i32>} : memref<256xf32, #tpu.memory_space<vmem>>, vector<16xf32>,
          %mul3A_602 = arith.constant 512 : i32
          %mul3A_603 = arith.muli %add3A_249, %mul3A_602 : i32
          %mul3A_604 = arith.constant 16 : i32
          %mul3A_605 = arith.muli %scan3A_271, %mul3A_604 : i32
          %add3A_606 = arith.addi %mul3A_603, %mul3A_605 : i32
          %add3A_607 = arith.constant 5 : i32
          %add3A_608 = arith.addi %add3A_606, %add3A_607 : i32
          %bitcast_convert_type3A_609 = tpu.bitcast %get3A_601 : vector<16xf32> -> vector<16xi32>
          %shift_right_logical3A_610 = arith.constant 21 : i32
          %shift_right_logical3A_611 = vector.broadcast %shift_right_logical3A_610 : i32 to vector<16xi32>
          %shift_right_logical3A_612 = arith.shrui %bitcast_convert_type3A_609, %shift_right_logical3A_611 : vector<16xi32>
          %ge3A_613 = arith.cmpi sge, %shift_right_logical3A_612, %scan3A_67#1 : vector<16xi32>
          %lt3A_614 = arith.constant 1024 : i32
          %lt3A_615 = vector.broadcast %lt3A_614 : i32 to vector<16xi32>
          %lt3A_616 = arith.cmpi slt, %add3A_599, %lt3A_615 : vector<16xi32>
          %and3A_617 = arith.andi %ge3A_613, %lt3A_616 : vector<16xi1>
          %mul3A_618 = arith.constant 16 : i32
          %mul3A_619 = vector.broadcast %mul3A_618 : i32 to vector<16xi32>
          %mul3A_620 = arith.muli %add3A_599, %mul3A_619 : vector<16xi32>
          %add3A_621 = arith.addi %mul3A_620, %iota3A : vector<16xi32>
          tpu.vector_store_idx %arg9[%add3A_621], %get3A_601 masked %and3A_617 : memref<16384xf32, #tpu.memory_space<vmem>>[vector<16xi32>], vector<16xf32>, vector<16xi1>
          %broadcast_in_dim3A_622 = arith.constant 0 : i32
          %broadcast_in_dim3A_623 = vector.broadcast %broadcast_in_dim3A_622 : i32 to vector<16xi32>
          %add3A_624 = vector.broadcast %add3A_608 : i32 to vector<16xi32>
          %add3A_625 = arith.addi %broadcast_in_dim3A_623, %add3A_624 : vector<16xi32>
          tpu.vector_store_idx %arg10[%add3A_621], %add3A_625 masked %and3A_617 : memref<16384xi32, #tpu.memory_space<vmem>>[vector<16xi32>], vector<16xi32>, vector<16xi1>
          %convert_element_type3A_626 = arith.extui %and3A_617 : vector<16xi1> to vector<16xi32>
          %add3A_627 = arith.addi %add3A_599, %convert_element_type3A_626 : vector<16xi32>
          %get3A_628 = arith.constant 96 : index
          %get3A_629 = tpu.vector_load %arg8[%get3A_628] {strides = array<i32>} : memref<256xf32, #tpu.memory_space<vmem>>, vector<16xf32>,
          %mul3A_630 = arith.constant 512 : i32
          %mul3A_631 = arith.muli %add3A_249, %mul3A_630 : i32
          %mul3A_632 = arith.constant 16 : i32
          %mul3A_633 = arith.muli %scan3A_271, %mul3A_632 : i32
          %add3A_634 = arith.addi %mul3A_631, %mul3A_633 : i32
          %add3A_635 = arith.constant 6 : i32
          %add3A_636 = arith.addi %add3A_634, %add3A_635 : i32
          %bitcast_convert_type3A_637 = tpu.bitcast %get3A_629 : vector<16xf32> -> vector<16xi32>
          %shift_right_logical3A_638 = arith.constant 21 : i32
          %shift_right_logical3A_639 = vector.broadcast %shift_right_logical3A_638 : i32 to vector<16xi32>
          %shift_right_logical3A_640 = arith.shrui %bitcast_convert_type3A_637, %shift_right_logical3A_639 : vector<16xi32>
          %ge3A_641 = arith.cmpi sge, %shift_right_logical3A_640, %scan3A_67#1 : vector<16xi32>
          %lt3A_642 = arith.constant 1024 : i32
          %lt3A_643 = vector.broadcast %lt3A_642 : i32 to vector<16xi32>
          %lt3A_644 = arith.cmpi slt, %add3A_627, %lt3A_643 : vector<16xi32>
          %and3A_645 = arith.andi %ge3A_641, %lt3A_644 : vector<16xi1>
          %mul3A_646 = arith.constant 16 : i32
          %mul3A_647 = vector.broadcast %mul3A_646 : i32 to vector<16xi32>
          %mul3A_648 = arith.muli %add3A_627, %mul3A_647 : vector<16xi32>
          %add3A_649 = arith.addi %mul3A_648, %iota3A : vector<16xi32>
          tpu.vector_store_idx %arg9[%add3A_649], %get3A_629 masked %and3A_645 : memref<16384xf32, #tpu.memory_space<vmem>>[vector<16xi32>], vector<16xf32>, vector<16xi1>
          %broadcast_in_dim3A_650 = arith.constant 0 : i32
          %broadcast_in_dim3A_651 = vector.broadcast %broadcast_in_dim3A_650 : i32 to vector<16xi32>
          %add3A_652 = vector.broadcast %add3A_636 : i32 to vector<16xi32>
          %add3A_653 = arith.addi %broadcast_in_dim3A_651, %add3A_652 : vector<16xi32>
          tpu.vector_store_idx %arg10[%add3A_649], %add3A_653 masked %and3A_645 : memref<16384xi32, #tpu.memory_space<vmem>>[vector<16xi32>], vector<16xi32>, vector<16xi1>
          %convert_element_type3A_654 = arith.extui %and3A_645 : vector<16xi1> to vector<16xi32>
          %add3A_655 = arith.addi %add3A_627, %convert_element_type3A_654 : vector<16xi32>
          %get3A_656 = arith.constant 112 : index
          %get3A_657 = tpu.vector_load %arg8[%get3A_656] {strides = array<i32>} : memref<256xf32, #tpu.memory_space<vmem>>, vector<16xf32>,
          %mul3A_658 = arith.constant 512 : i32
          %mul3A_659 = arith.muli %add3A_249, %mul3A_658 : i32
          %mul3A_660 = arith.constant 16 : i32
          %mul3A_661 = arith.muli %scan3A_271, %mul3A_660 : i32
          %add3A_662 = arith.addi %mul3A_659, %mul3A_661 : i32
          %add3A_663 = arith.constant 7 : i32
          %add3A_664 = arith.addi %add3A_662, %add3A_663 : i32
          %bitcast_convert_type3A_665 = tpu.bitcast %get3A_657 : vector<16xf32> -> vector<16xi32>
          %shift_right_logical3A_666 = arith.constant 21 : i32
          %shift_right_logical3A_667 = vector.broadcast %shift_right_logical3A_666 : i32 to vector<16xi32>
          %shift_right_logical3A_668 = arith.shrui %bitcast_convert_type3A_665, %shift_right_logical3A_667 : vector<16xi32>
          %ge3A_669 = arith.cmpi sge, %shift_right_logical3A_668, %scan3A_67#1 : vector<16xi32>
          %lt3A_670 = arith.constant 1024 : i32
          %lt3A_671 = vector.broadcast %lt3A_670 : i32 to vector<16xi32>
          %lt3A_672 = arith.cmpi slt, %add3A_655, %lt3A_671 : vector<16xi32>
          %and3A_673 = arith.andi %ge3A_669, %lt3A_672 : vector<16xi1>
          %mul3A_674 = arith.constant 16 : i32
          %mul3A_675 = vector.broadcast %mul3A_674 : i32 to vector<16xi32>
          %mul3A_676 = arith.muli %add3A_655, %mul3A_675 : vector<16xi32>
          %add3A_677 = arith.addi %mul3A_676, %iota3A : vector<16xi32>
          tpu.vector_store_idx %arg9[%add3A_677], %get3A_657 masked %and3A_673 : memref<16384xf32, #tpu.memory_space<vmem>>[vector<16xi32>], vector<16xf32>, vector<16xi1>
          %broadcast_in_dim3A_678 = arith.constant 0 : i32
          %broadcast_in_dim3A_679 = vector.broadcast %broadcast_in_dim3A_678 : i32 to vector<16xi32>
          %add3A_680 = vector.broadcast %add3A_664 : i32 to vector<16xi32>
          %add3A_681 = arith.addi %broadcast_in_dim3A_679, %add3A_680 : vector<16xi32>
          tpu.vector_store_idx %arg10[%add3A_677], %add3A_681 masked %and3A_673 : memref<16384xi32, #tpu.memory_space<vmem>>[vector<16xi32>], vector<16xi32>, vector<16xi1>
          %convert_element_type3A_682 = arith.extui %and3A_673 : vector<16xi1> to vector<16xi32>
          %add3A_683 = arith.addi %add3A_655, %convert_element_type3A_682 : vector<16xi32>
          %get3A_684 = arith.constant 128 : index
          %get3A_685 = tpu.vector_load %arg8[%get3A_684] {strides = array<i32>} : memref<256xf32, #tpu.memory_space<vmem>>, vector<16xf32>,
          %mul3A_686 = arith.constant 512 : i32
          %mul3A_687 = arith.muli %add3A_249, %mul3A_686 : i32
          %mul3A_688 = arith.constant 16 : i32
          %mul3A_689 = arith.muli %scan3A_271, %mul3A_688 : i32
          %add3A_690 = arith.addi %mul3A_687, %mul3A_689 : i32
          %add3A_691 = arith.constant 8 : i32
          %add3A_692 = arith.addi %add3A_690, %add3A_691 : i32
          %bitcast_convert_type3A_693 = tpu.bitcast %get3A_685 : vector<16xf32> -> vector<16xi32>
          %shift_right_logical3A_694 = arith.constant 21 : i32
          %shift_right_logical3A_695 = vector.broadcast %shift_right_logical3A_694 : i32 to vector<16xi32>
          %shift_right_logical3A_696 = arith.shrui %bitcast_convert_type3A_693, %shift_right_logical3A_695 : vector<16xi32>
          %ge3A_697 = arith.cmpi sge, %shift_right_logical3A_696, %scan3A_67#1 : vector<16xi32>
          %lt3A_698 = arith.constant 1024 : i32
          %lt3A_699 = vector.broadcast %lt3A_698 : i32 to vector<16xi32>
          %lt3A_700 = arith.cmpi slt, %add3A_683, %lt3A_699 : vector<16xi32>
          %and3A_701 = arith.andi %ge3A_697, %lt3A_700 : vector<16xi1>
          %mul3A_702 = arith.constant 16 : i32
          %mul3A_703 = vector.broadcast %mul3A_702 : i32 to vector<16xi32>
          %mul3A_704 = arith.muli %add3A_683, %mul3A_703 : vector<16xi32>
          %add3A_705 = arith.addi %mul3A_704, %iota3A : vector<16xi32>
          tpu.vector_store_idx %arg9[%add3A_705], %get3A_685 masked %and3A_701 : memref<16384xf32, #tpu.memory_space<vmem>>[vector<16xi32>], vector<16xf32>, vector<16xi1>
          %broadcast_in_dim3A_706 = arith.constant 0 : i32
          %broadcast_in_dim3A_707 = vector.broadcast %broadcast_in_dim3A_706 : i32 to vector<16xi32>
          %add3A_708 = vector.broadcast %add3A_692 : i32 to vector<16xi32>
          %add3A_709 = arith.addi %broadcast_in_dim3A_707, %add3A_708 : vector<16xi32>
          tpu.vector_store_idx %arg10[%add3A_705], %add3A_709 masked %and3A_701 : memref<16384xi32, #tpu.memory_space<vmem>>[vector<16xi32>], vector<16xi32>, vector<16xi1>
          %convert_element_type3A_710 = arith.extui %and3A_701 : vector<16xi1> to vector<16xi32>
          %add3A_711 = arith.addi %add3A_683, %convert_element_type3A_710 : vector<16xi32>
          %get3A_712 = arith.constant 144 : index
          %get3A_713 = tpu.vector_load %arg8[%get3A_712] {strides = array<i32>} : memref<256xf32, #tpu.memory_space<vmem>>, vector<16xf32>,
          %mul3A_714 = arith.constant 512 : i32
          %mul3A_715 = arith.muli %add3A_249, %mul3A_714 : i32
          %mul3A_716 = arith.constant 16 : i32
          %mul3A_717 = arith.muli %scan3A_271, %mul3A_716 : i32
          %add3A_718 = arith.addi %mul3A_715, %mul3A_717 : i32
          %add3A_719 = arith.constant 9 : i32
          %add3A_720 = arith.addi %add3A_718, %add3A_719 : i32
          %bitcast_convert_type3A_721 = tpu.bitcast %get3A_713 : vector<16xf32> -> vector<16xi32>
          %shift_right_logical3A_722 = arith.constant 21 : i32
          %shift_right_logical3A_723 = vector.broadcast %shift_right_logical3A_722 : i32 to vector<16xi32>
          %shift_right_logical3A_724 = arith.shrui %bitcast_convert_type3A_721, %shift_right_logical3A_723 : vector<16xi32>
          %ge3A_725 = arith.cmpi sge, %shift_right_logical3A_724, %scan3A_67#1 : vector<16xi32>
          %lt3A_726 = arith.constant 1024 : i32
          %lt3A_727 = vector.broadcast %lt3A_726 : i32 to vector<16xi32>
          %lt3A_728 = arith.cmpi slt, %add3A_711, %lt3A_727 : vector<16xi32>
          %and3A_729 = arith.andi %ge3A_725, %lt3A_728 : vector<16xi1>
          %mul3A_730 = arith.constant 16 : i32
          %mul3A_731 = vector.broadcast %mul3A_730 : i32 to vector<16xi32>
          %mul3A_732 = arith.muli %add3A_711, %mul3A_731 : vector<16xi32>
          %add3A_733 = arith.addi %mul3A_732, %iota3A : vector<16xi32>
          tpu.vector_store_idx %arg9[%add3A_733], %get3A_713 masked %and3A_729 : memref<16384xf32, #tpu.memory_space<vmem>>[vector<16xi32>], vector<16xf32>, vector<16xi1>
          %broadcast_in_dim3A_734 = arith.constant 0 : i32
          %broadcast_in_dim3A_735 = vector.broadcast %broadcast_in_dim3A_734 : i32 to vector<16xi32>
          %add3A_736 = vector.broadcast %add3A_720 : i32 to vector<16xi32>
          %add3A_737 = arith.addi %broadcast_in_dim3A_735, %add3A_736 : vector<16xi32>
          tpu.vector_store_idx %arg10[%add3A_733], %add3A_737 masked %and3A_729 : memref<16384xi32, #tpu.memory_space<vmem>>[vector<16xi32>], vector<16xi32>, vector<16xi1>
          %convert_element_type3A_738 = arith.extui %and3A_729 : vector<16xi1> to vector<16xi32>
          %add3A_739 = arith.addi %add3A_711, %convert_element_type3A_738 : vector<16xi32>
          %get3A_740 = arith.constant 160 : index
          %get3A_741 = tpu.vector_load %arg8[%get3A_740] {strides = array<i32>} : memref<256xf32, #tpu.memory_space<vmem>>, vector<16xf32>,
          %mul3A_742 = arith.constant 512 : i32
          %mul3A_743 = arith.muli %add3A_249, %mul3A_742 : i32
          %mul3A_744 = arith.constant 16 : i32
          %mul3A_745 = arith.muli %scan3A_271, %mul3A_744 : i32
          %add3A_746 = arith.addi %mul3A_743, %mul3A_745 : i32
          %add3A_747 = arith.constant 10 : i32
          %add3A_748 = arith.addi %add3A_746, %add3A_747 : i32
          %bitcast_convert_type3A_749 = tpu.bitcast %get3A_741 : vector<16xf32> -> vector<16xi32>
          %shift_right_logical3A_750 = arith.constant 21 : i32
          %shift_right_logical3A_751 = vector.broadcast %shift_right_logical3A_750 : i32 to vector<16xi32>
          %shift_right_logical3A_752 = arith.shrui %bitcast_convert_type3A_749, %shift_right_logical3A_751 : vector<16xi32>
          %ge3A_753 = arith.cmpi sge, %shift_right_logical3A_752, %scan3A_67#1 : vector<16xi32>
          %lt3A_754 = arith.constant 1024 : i32
          %lt3A_755 = vector.broadcast %lt3A_754 : i32 to vector<16xi32>
          %lt3A_756 = arith.cmpi slt, %add3A_739, %lt3A_755 : vector<16xi32>
          %and3A_757 = arith.andi %ge3A_753, %lt3A_756 : vector<16xi1>
          %mul3A_758 = arith.constant 16 : i32
          %mul3A_759 = vector.broadcast %mul3A_758 : i32 to vector<16xi32>
          %mul3A_760 = arith.muli %add3A_739, %mul3A_759 : vector<16xi32>
          %add3A_761 = arith.addi %mul3A_760, %iota3A : vector<16xi32>
          tpu.vector_store_idx %arg9[%add3A_761], %get3A_741 masked %and3A_757 : memref<16384xf32, #tpu.memory_space<vmem>>[vector<16xi32>], vector<16xf32>, vector<16xi1>
          %broadcast_in_dim3A_762 = arith.constant 0 : i32
          %broadcast_in_dim3A_763 = vector.broadcast %broadcast_in_dim3A_762 : i32 to vector<16xi32>
          %add3A_764 = vector.broadcast %add3A_748 : i32 to vector<16xi32>
          %add3A_765 = arith.addi %broadcast_in_dim3A_763, %add3A_764 : vector<16xi32>
          tpu.vector_store_idx %arg10[%add3A_761], %add3A_765 masked %and3A_757 : memref<16384xi32, #tpu.memory_space<vmem>>[vector<16xi32>], vector<16xi32>, vector<16xi1>
          %convert_element_type3A_766 = arith.extui %and3A_757 : vector<16xi1> to vector<16xi32>
          %add3A_767 = arith.addi %add3A_739, %convert_element_type3A_766 : vector<16xi32>
          %get3A_768 = arith.constant 176 : index
          %get3A_769 = tpu.vector_load %arg8[%get3A_768] {strides = array<i32>} : memref<256xf32, #tpu.memory_space<vmem>>, vector<16xf32>,
          %mul3A_770 = arith.constant 512 : i32
          %mul3A_771 = arith.muli %add3A_249, %mul3A_770 : i32
          %mul3A_772 = arith.constant 16 : i32
          %mul3A_773 = arith.muli %scan3A_271, %mul3A_772 : i32
          %add3A_774 = arith.addi %mul3A_771, %mul3A_773 : i32
          %add3A_775 = arith.constant 11 : i32
          %add3A_776 = arith.addi %add3A_774, %add3A_775 : i32
          %bitcast_convert_type3A_777 = tpu.bitcast %get3A_769 : vector<16xf32> -> vector<16xi32>
          %shift_right_logical3A_778 = arith.constant 21 : i32
          %shift_right_logical3A_779 = vector.broadcast %shift_right_logical3A_778 : i32 to vector<16xi32>
          %shift_right_logical3A_780 = arith.shrui %bitcast_convert_type3A_777, %shift_right_logical3A_779 : vector<16xi32>
          %ge3A_781 = arith.cmpi sge, %shift_right_logical3A_780, %scan3A_67#1 : vector<16xi32>
          %lt3A_782 = arith.constant 1024 : i32
          %lt3A_783 = vector.broadcast %lt3A_782 : i32 to vector<16xi32>
          %lt3A_784 = arith.cmpi slt, %add3A_767, %lt3A_783 : vector<16xi32>
          %and3A_785 = arith.andi %ge3A_781, %lt3A_784 : vector<16xi1>
          %mul3A_786 = arith.constant 16 : i32
          %mul3A_787 = vector.broadcast %mul3A_786 : i32 to vector<16xi32>
          %mul3A_788 = arith.muli %add3A_767, %mul3A_787 : vector<16xi32>
          %add3A_789 = arith.addi %mul3A_788, %iota3A : vector<16xi32>
          tpu.vector_store_idx %arg9[%add3A_789], %get3A_769 masked %and3A_785 : memref<16384xf32, #tpu.memory_space<vmem>>[vector<16xi32>], vector<16xf32>, vector<16xi1>
          %broadcast_in_dim3A_790 = arith.constant 0 : i32
          %broadcast_in_dim3A_791 = vector.broadcast %broadcast_in_dim3A_790 : i32 to vector<16xi32>
          %add3A_792 = vector.broadcast %add3A_776 : i32 to vector<16xi32>
          %add3A_793 = arith.addi %broadcast_in_dim3A_791, %add3A_792 : vector<16xi32>
          tpu.vector_store_idx %arg10[%add3A_789], %add3A_793 masked %and3A_785 : memref<16384xi32, #tpu.memory_space<vmem>>[vector<16xi32>], vector<16xi32>, vector<16xi1>
          %convert_element_type3A_794 = arith.extui %and3A_785 : vector<16xi1> to vector<16xi32>
          %add3A_795 = arith.addi %add3A_767, %convert_element_type3A_794 : vector<16xi32>
          %get3A_796 = arith.constant 192 : index
          %get3A_797 = tpu.vector_load %arg8[%get3A_796] {strides = array<i32>} : memref<256xf32, #tpu.memory_space<vmem>>, vector<16xf32>,
          %mul3A_798 = arith.constant 512 : i32
          %mul3A_799 = arith.muli %add3A_249, %mul3A_798 : i32
          %mul3A_800 = arith.constant 16 : i32
          %mul3A_801 = arith.muli %scan3A_271, %mul3A_800 : i32
          %add3A_802 = arith.addi %mul3A_799, %mul3A_801 : i32
          %add3A_803 = arith.constant 12 : i32
          %add3A_804 = arith.addi %add3A_802, %add3A_803 : i32
          %bitcast_convert_type3A_805 = tpu.bitcast %get3A_797 : vector<16xf32> -> vector<16xi32>
          %shift_right_logical3A_806 = arith.constant 21 : i32
          %shift_right_logical3A_807 = vector.broadcast %shift_right_logical3A_806 : i32 to vector<16xi32>
          %shift_right_logical3A_808 = arith.shrui %bitcast_convert_type3A_805, %shift_right_logical3A_807 : vector<16xi32>
          %ge3A_809 = arith.cmpi sge, %shift_right_logical3A_808, %scan3A_67#1 : vector<16xi32>
          %lt3A_810 = arith.constant 1024 : i32
          %lt3A_811 = vector.broadcast %lt3A_810 : i32 to vector<16xi32>
          %lt3A_812 = arith.cmpi slt, %add3A_795, %lt3A_811 : vector<16xi32>
          %and3A_813 = arith.andi %ge3A_809, %lt3A_812 : vector<16xi1>
          %mul3A_814 = arith.constant 16 : i32
          %mul3A_815 = vector.broadcast %mul3A_814 : i32 to vector<16xi32>
          %mul3A_816 = arith.muli %add3A_795, %mul3A_815 : vector<16xi32>
          %add3A_817 = arith.addi %mul3A_816, %iota3A : vector<16xi32>
          tpu.vector_store_idx %arg9[%add3A_817], %get3A_797 masked %and3A_813 : memref<16384xf32, #tpu.memory_space<vmem>>[vector<16xi32>], vector<16xf32>, vector<16xi1>
          %broadcast_in_dim3A_818 = arith.constant 0 : i32
          %broadcast_in_dim3A_819 = vector.broadcast %broadcast_in_dim3A_818 : i32 to vector<16xi32>
          %add3A_820 = vector.broadcast %add3A_804 : i32 to vector<16xi32>
          %add3A_821 = arith.addi %broadcast_in_dim3A_819, %add3A_820 : vector<16xi32>
          tpu.vector_store_idx %arg10[%add3A_817], %add3A_821 masked %and3A_813 : memref<16384xi32, #tpu.memory_space<vmem>>[vector<16xi32>], vector<16xi32>, vector<16xi1>
          %convert_element_type3A_822 = arith.extui %and3A_813 : vector<16xi1> to vector<16xi32>
          %add3A_823 = arith.addi %add3A_795, %convert_element_type3A_822 : vector<16xi32>
          %get3A_824 = arith.constant 208 : index
          %get3A_825 = tpu.vector_load %arg8[%get3A_824] {strides = array<i32>} : memref<256xf32, #tpu.memory_space<vmem>>, vector<16xf32>,
          %mul3A_826 = arith.constant 512 : i32
          %mul3A_827 = arith.muli %add3A_249, %mul3A_826 : i32
          %mul3A_828 = arith.constant 16 : i32
          %mul3A_829 = arith.muli %scan3A_271, %mul3A_828 : i32
          %add3A_830 = arith.addi %mul3A_827, %mul3A_829 : i32
          %add3A_831 = arith.constant 13 : i32
          %add3A_832 = arith.addi %add3A_830, %add3A_831 : i32
          %bitcast_convert_type3A_833 = tpu.bitcast %get3A_825 : vector<16xf32> -> vector<16xi32>
          %shift_right_logical3A_834 = arith.constant 21 : i32
          %shift_right_logical3A_835 = vector.broadcast %shift_right_logical3A_834 : i32 to vector<16xi32>
          %shift_right_logical3A_836 = arith.shrui %bitcast_convert_type3A_833, %shift_right_logical3A_835 : vector<16xi32>
          %ge3A_837 = arith.cmpi sge, %shift_right_logical3A_836, %scan3A_67#1 : vector<16xi32>
          %lt3A_838 = arith.constant 1024 : i32
          %lt3A_839 = vector.broadcast %lt3A_838 : i32 to vector<16xi32>
          %lt3A_840 = arith.cmpi slt, %add3A_823, %lt3A_839 : vector<16xi32>
          %and3A_841 = arith.andi %ge3A_837, %lt3A_840 : vector<16xi1>
          %mul3A_842 = arith.constant 16 : i32
          %mul3A_843 = vector.broadcast %mul3A_842 : i32 to vector<16xi32>
          %mul3A_844 = arith.muli %add3A_823, %mul3A_843 : vector<16xi32>
          %add3A_845 = arith.addi %mul3A_844, %iota3A : vector<16xi32>
          tpu.vector_store_idx %arg9[%add3A_845], %get3A_825 masked %and3A_841 : memref<16384xf32, #tpu.memory_space<vmem>>[vector<16xi32>], vector<16xf32>, vector<16xi1>
          %broadcast_in_dim3A_846 = arith.constant 0 : i32
          %broadcast_in_dim3A_847 = vector.broadcast %broadcast_in_dim3A_846 : i32 to vector<16xi32>
          %add3A_848 = vector.broadcast %add3A_832 : i32 to vector<16xi32>
          %add3A_849 = arith.addi %broadcast_in_dim3A_847, %add3A_848 : vector<16xi32>
          tpu.vector_store_idx %arg10[%add3A_845], %add3A_849 masked %and3A_841 : memref<16384xi32, #tpu.memory_space<vmem>>[vector<16xi32>], vector<16xi32>, vector<16xi1>
          %convert_element_type3A_850 = arith.extui %and3A_841 : vector<16xi1> to vector<16xi32>
          %add3A_851 = arith.addi %add3A_823, %convert_element_type3A_850 : vector<16xi32>
          %get3A_852 = arith.constant 224 : index
          %get3A_853 = tpu.vector_load %arg8[%get3A_852] {strides = array<i32>} : memref<256xf32, #tpu.memory_space<vmem>>, vector<16xf32>,
          %mul3A_854 = arith.constant 512 : i32
          %mul3A_855 = arith.muli %add3A_249, %mul3A_854 : i32
          %mul3A_856 = arith.constant 16 : i32
          %mul3A_857 = arith.muli %scan3A_271, %mul3A_856 : i32
          %add3A_858 = arith.addi %mul3A_855, %mul3A_857 : i32
          %add3A_859 = arith.constant 14 : i32
          %add3A_860 = arith.addi %add3A_858, %add3A_859 : i32
          %bitcast_convert_type3A_861 = tpu.bitcast %get3A_853 : vector<16xf32> -> vector<16xi32>
          %shift_right_logical3A_862 = arith.constant 21 : i32
          %shift_right_logical3A_863 = vector.broadcast %shift_right_logical3A_862 : i32 to vector<16xi32>
          %shift_right_logical3A_864 = arith.shrui %bitcast_convert_type3A_861, %shift_right_logical3A_863 : vector<16xi32>
          %ge3A_865 = arith.cmpi sge, %shift_right_logical3A_864, %scan3A_67#1 : vector<16xi32>
          %lt3A_866 = arith.constant 1024 : i32
          %lt3A_867 = vector.broadcast %lt3A_866 : i32 to vector<16xi32>
          %lt3A_868 = arith.cmpi slt, %add3A_851, %lt3A_867 : vector<16xi32>
          %and3A_869 = arith.andi %ge3A_865, %lt3A_868 : vector<16xi1>
          %mul3A_870 = arith.constant 16 : i32
          %mul3A_871 = vector.broadcast %mul3A_870 : i32 to vector<16xi32>
          %mul3A_872 = arith.muli %add3A_851, %mul3A_871 : vector<16xi32>
          %add3A_873 = arith.addi %mul3A_872, %iota3A : vector<16xi32>
          tpu.vector_store_idx %arg9[%add3A_873], %get3A_853 masked %and3A_869 : memref<16384xf32, #tpu.memory_space<vmem>>[vector<16xi32>], vector<16xf32>, vector<16xi1>
          %broadcast_in_dim3A_874 = arith.constant 0 : i32
          %broadcast_in_dim3A_875 = vector.broadcast %broadcast_in_dim3A_874 : i32 to vector<16xi32>
          %add3A_876 = vector.broadcast %add3A_860 : i32 to vector<16xi32>
          %add3A_877 = arith.addi %broadcast_in_dim3A_875, %add3A_876 : vector<16xi32>
          tpu.vector_store_idx %arg10[%add3A_873], %add3A_877 masked %and3A_869 : memref<16384xi32, #tpu.memory_space<vmem>>[vector<16xi32>], vector<16xi32>, vector<16xi1>
          %convert_element_type3A_878 = arith.extui %and3A_869 : vector<16xi1> to vector<16xi32>
          %add3A_879 = arith.addi %add3A_851, %convert_element_type3A_878 : vector<16xi32>
          %get3A_880 = arith.constant 240 : index
          %get3A_881 = tpu.vector_load %arg8[%get3A_880] {strides = array<i32>} : memref<256xf32, #tpu.memory_space<vmem>>, vector<16xf32>,
          %mul3A_882 = arith.constant 512 : i32
          %mul3A_883 = arith.muli %add3A_249, %mul3A_882 : i32
          %mul3A_884 = arith.constant 16 : i32
          %mul3A_885 = arith.muli %scan3A_271, %mul3A_884 : i32
          %add3A_886 = arith.addi %mul3A_883, %mul3A_885 : i32
          %add3A_887 = arith.constant 15 : i32
          %add3A_888 = arith.addi %add3A_886, %add3A_887 : i32
          %bitcast_convert_type3A_889 = tpu.bitcast %get3A_881 : vector<16xf32> -> vector<16xi32>
          %shift_right_logical3A_890 = arith.constant 21 : i32
          %shift_right_logical3A_891 = vector.broadcast %shift_right_logical3A_890 : i32 to vector<16xi32>
          %shift_right_logical3A_892 = arith.shrui %bitcast_convert_type3A_889, %shift_right_logical3A_891 : vector<16xi32>
          %ge3A_893 = arith.cmpi sge, %shift_right_logical3A_892, %scan3A_67#1 : vector<16xi32>
          %lt3A_894 = arith.constant 1024 : i32
          %lt3A_895 = vector.broadcast %lt3A_894 : i32 to vector<16xi32>
          %lt3A_896 = arith.cmpi slt, %add3A_879, %lt3A_895 : vector<16xi32>
          %and3A_897 = arith.andi %ge3A_893, %lt3A_896 : vector<16xi1>
          %mul3A_898 = arith.constant 16 : i32
          %mul3A_899 = vector.broadcast %mul3A_898 : i32 to vector<16xi32>
          %mul3A_900 = arith.muli %add3A_879, %mul3A_899 : vector<16xi32>
          %add3A_901 = arith.addi %mul3A_900, %iota3A : vector<16xi32>
          tpu.vector_store_idx %arg9[%add3A_901], %get3A_881 masked %and3A_897 : memref<16384xf32, #tpu.memory_space<vmem>>[vector<16xi32>], vector<16xf32>, vector<16xi1>
          %broadcast_in_dim3A_902 = arith.constant 0 : i32
          %broadcast_in_dim3A_903 = vector.broadcast %broadcast_in_dim3A_902 : i32 to vector<16xi32>
          %add3A_904 = vector.broadcast %add3A_888 : i32 to vector<16xi32>
          %add3A_905 = arith.addi %broadcast_in_dim3A_903, %add3A_904 : vector<16xi32>
          tpu.vector_store_idx %arg10[%add3A_901], %add3A_905 masked %and3A_897 : memref<16384xi32, #tpu.memory_space<vmem>>[vector<16xi32>], vector<16xi32>, vector<16xi1>
          %convert_element_type3A_906 = arith.extui %and3A_897 : vector<16xi1> to vector<16xi32>
          %add3A_907 = arith.addi %add3A_879, %convert_element_type3A_906 : vector<16xi32>
          scf.yield %add3A_907 : vector<16xi32>
        }
        %scan3A_263 = arith.constant 32 : i32
        %add3A_264 = arith.constant 2 : i32
        %add3A_265 = arith.addi %add3A_249, %add3A_264 : i32
        %lt3A_266 = arith.constant 48 : i32
        %lt3A_267 = arith.cmpi slt, %add3A_265, %lt3A_266 : i32
        %convert_element_type3A_268 = arith.extui %lt3A_267 : i1 to i32
        %cond3A_269 = arith.constant 0 : i32
        %cond3A_270 = arith.cmpi ne, %convert_element_type3A_268, %cond3A_269 : i32
        scf.if %cond3A_270 {
          %add3A_271 = arith.constant 2 : i32
          %add3A_272 = arith.addi %add3A_249, %add3A_271 : i32
          %mul3A_273 = arith.constant 512 : i32
          %mul3A_274 = arith.muli %add3A_272, %mul3A_273 : i32
          %dma_start3A_275 = arith.constant 0 : i32
          %dma_start3A_276 = tpu.memref_slice %arg2[%add3A_21, %dma_start3A_275, %mul3A_274] : memref<64x16x24576xf32, #tpu.memory_space<hbm>> -> memref<1x16x512xf32, #tpu.memory_space<hbm>>
          %dma_start3A_277 = tpu.memref_squeeze %dma_start3A_276 : memref<1x16x512xf32, #tpu.memory_space<hbm>> -> memref<16x512xf32, #tpu.memory_space<hbm>>
          %dma_start3A_278 = arith.constant 0 : i32
          %dma_start3A_279 = tpu.memref_slice %arg2[%add3A_21, %dma_start3A_278, %mul3A_274] : memref<64x16x24576xf32, #tpu.memory_space<hbm>> -> memref<1x16x512xf32, #tpu.memory_space<hbm>>
          %dma_start3A_280 = tpu.memref_squeeze %dma_start3A_279 : memref<1x16x512xf32, #tpu.memory_space<hbm>> -> memref<16x512xf32, #tpu.memory_space<hbm>>
          tpu.enqueue_dma source(%dma_start3A_280 : memref<16x512xf32, #tpu.memory_space<hbm>>) target(%arg7 : memref<16x512xf32, #tpu.memory_space<vmem>>) target_semaphore(%arg15 : memref<!tpu.dma_semaphore, #tpu.memory_space<semaphore_mem>>)
        } else {
        }
        scf.yield %scan3A_262 : vector<16xi32>
      }
      %scan3A_92 = arith.constant 24 : i32
      %reduce_max3A = arith.constant true
      %reduce_max3A_93 = vector.broadcast %reduce_max3A : i1 to vector<16xi1>
      %reduce_max3A_94 = arith.constant -2147483648 : i32
      %reduce_max3A_95 = vector.broadcast %reduce_max3A_94 : i32 to vector<16xi32>
      %reduce_max3A_96 = arith.xori %scan3A_91, %reduce_max3A_95 : vector<16xi32>
      %reduce_max3A_97 = tpu.scan <max>, %reduce_max3A_96 masked %reduce_max3A_93 : vector<16xi32>, vector<16xi1> -> vector<16xi32>
      %reduce_max3A_98 = arith.xori %reduce_max3A_97, %reduce_max3A_95 : vector<16xi32>
      %reduce_max3A_99 = vector.extract %reduce_max3A_98[15] : i32 from vector<16xi32>
      %min3A = arith.constant 1024 : i32
      %min3A_100 = arith.minsi %reduce_max3A_99, %min3A : i32
      %sub3A = arith.subi %broadcast_in_dim3A_58, %scan3A_67#2 : vector<16xi32>
      %scan3A_101 = arith.constant 0 : i32
      %scan3A_102 = arith.constant 0 : i32
      %scan3A_103 = arith.constant 256 : i32
      %scan3A_104 = arith.addi %scan3A_102, %scan3A_103 : i32
      %scan3A_105 = arith.constant 1 : i32
      %scan3A_106 = scf.for %scan3A_225 = %scan3A_102 to %scan3A_104 step %scan3A_105 iter_args(%scan3A_226 = %scan3A_101) -> (i32)  : i32 {
        %broadcast_in_dim3A_227 = arith.constant 0 : i32
        %broadcast_in_dim3A_228 = vector.broadcast %broadcast_in_dim3A_227 : i32 to vector<16xi32>
        %mul3A_229 = arith.constant 16 : i32
        %mul3A_230 = arith.muli %scan3A_225, %mul3A_229 : i32
        %swap3A = arith.index_cast %mul3A_230 : i32 to index
        %swap3A_231 = tpu.vector_load %arg5[%swap3A] {strides = array<i32>} : memref<4096xi32, #tpu.memory_space<vmem>>, vector<16xi32>,
        tpu.vector_store %arg5[%swap3A], %broadcast_in_dim3A_228 {strides = array<i32>} : memref<4096xi32, #tpu.memory_space<vmem>>, vector<16xi32>,
        %scan3A_232 = arith.constant 0 : i32
        scf.yield %scan3A_232 : i32
      }
      %scan3A_107 = arith.constant 256 : i32
      %while3A = arith.constant 0 : i32
      %while3A_108 = arith.constant 0 : i32
      %while3A_109 = arith.subi %min3A_100, %while3A : i32
      %while3A_110 = arith.addi %while3A, %while3A_109 : i32
      %while3A_111 = arith.constant 1 : i32
      %while3A_112 = arith.divsi %while3A_109, %while3A_111 : i32
      %while3A_113 = arith.muli %while3A_112, %while3A_111 : i32
      %while3A_114 = arith.addi %while3A, %while3A_113 : i32
      %while3A_115 = arith.constant 1 : i32
      %while3A_116 = scf.for %while3A_225 = %while3A to %while3A_114 step %while3A_115 iter_args(%while3A_226 = %while3A_108) -> (i32)  : i32 {
        %mul3A_227 = arith.constant 16 : i32
        %mul3A_228 = arith.muli %while3A_225, %mul3A_227 : i32
        %get3A = arith.index_cast %mul3A_228 : i32 to index
        %get3A_229 = tpu.vector_load %arg9[%get3A] {strides = array<i32>} : memref<16384xf32, #tpu.memory_space<vmem>>, vector<16xf32>,
        %bitcast_convert_type3A = tpu.bitcast %get3A_229 : vector<16xf32> -> vector<16xi32>
        %lt3A = vector.broadcast %while3A_225 : i32 to vector<16xi32>
        %lt3A_230 = arith.cmpi slt, %lt3A, %scan3A_91 : vector<16xi32>
        %shift_right_logical3A = arith.constant 21 : i32
        %shift_right_logical3A_231 = vector.broadcast %shift_right_logical3A : i32 to vector<16xi32>
        %shift_right_logical3A_232 = arith.shrui %bitcast_convert_type3A, %shift_right_logical3A_231 : vector<16xi32>
        %eq3A = arith.cmpi eq, %shift_right_logical3A_232, %scan3A_67#1 : vector<16xi32>
        %and3A = arith.andi %eq3A, %lt3A_230 : vector<16xi1>
        %shift_right_logical3A_233 = arith.constant 13 : i32
        %shift_right_logical3A_234 = vector.broadcast %shift_right_logical3A_233 : i32 to vector<16xi32>
        %shift_right_logical3A_235 = arith.shrui %bitcast_convert_type3A, %shift_right_logical3A_234 : vector<16xi32>
        %and3A_236 = arith.constant 255 : i32
        %and3A_237 = vector.broadcast %and3A_236 : i32 to vector<16xi32>
        %and3A_238 = arith.andi %shift_right_logical3A_235, %and3A_237 : vector<16xi32>
        %mul3A_239 = arith.constant 16 : i32
        %mul3A_240 = vector.broadcast %mul3A_239 : i32 to vector<16xi32>
        %mul3A_241 = arith.muli %and3A_238, %mul3A_240 : vector<16xi32>
        %add3A_242 = arith.addi %mul3A_241, %iota3A : vector<16xi32>
        tpu.vector_store_idx %arg5[%add3A_242], %broadcast_in_dim3A_1 masked %and3A {add = true} : memref<4096xi32, #tpu.memory_space<vmem>>[vector<16xi32>], vector<16xi32>, vector<16xi1>
        %while3A_243 = arith.constant 0 : i32
        scf.yield %while3A_243 : i32
      }
      %while3A_117 = arith.constant 1 : i32
      %while3A_118 = scf.for %while3A_225 = %while3A_114 to %while3A_110 step %while3A_117 iter_args(%while3A_226 = %while3A_116) -> (i32)  : i32 {
        %mul3A_227 = arith.constant 16 : i32
        %mul3A_228 = arith.muli %while3A_225, %mul3A_227 : i32
        %get3A = arith.index_cast %mul3A_228 : i32 to index
        %get3A_229 = tpu.vector_load %arg9[%get3A] {strides = array<i32>} : memref<16384xf32, #tpu.memory_space<vmem>>, vector<16xf32>,
        %bitcast_convert_type3A = tpu.bitcast %get3A_229 : vector<16xf32> -> vector<16xi32>
        %lt3A = vector.broadcast %while3A_225 : i32 to vector<16xi32>
        %lt3A_230 = arith.cmpi slt, %lt3A, %scan3A_91 : vector<16xi32>
        %shift_right_logical3A = arith.constant 21 : i32
        %shift_right_logical3A_231 = vector.broadcast %shift_right_logical3A : i32 to vector<16xi32>
        %shift_right_logical3A_232 = arith.shrui %bitcast_convert_type3A, %shift_right_logical3A_231 : vector<16xi32>
        %eq3A = arith.cmpi eq, %shift_right_logical3A_232, %scan3A_67#1 : vector<16xi32>
        %and3A = arith.andi %eq3A, %lt3A_230 : vector<16xi1>
        %shift_right_logical3A_233 = arith.constant 13 : i32
        %shift_right_logical3A_234 = vector.broadcast %shift_right_logical3A_233 : i32 to vector<16xi32>
        %shift_right_logical3A_235 = arith.shrui %bitcast_convert_type3A, %shift_right_logical3A_234 : vector<16xi32>
        %and3A_236 = arith.constant 255 : i32
        %and3A_237 = vector.broadcast %and3A_236 : i32 to vector<16xi32>
        %and3A_238 = arith.andi %shift_right_logical3A_235, %and3A_237 : vector<16xi32>
        %mul3A_239 = arith.constant 16 : i32
        %mul3A_240 = vector.broadcast %mul3A_239 : i32 to vector<16xi32>
        %mul3A_241 = arith.muli %and3A_238, %mul3A_240 : vector<16xi32>
        %add3A_242 = arith.addi %mul3A_241, %iota3A : vector<16xi32>
        tpu.vector_store_idx %arg5[%add3A_242], %broadcast_in_dim3A_1 masked %and3A {add = true} : memref<4096xi32, #tpu.memory_space<vmem>>[vector<16xi32>], vector<16xi32>, vector<16xi1>
        %while3A_243 = arith.constant 0 : i32
        scf.yield %while3A_243 : i32
      }
      %broadcast_in_dim3A_119 = arith.constant 0 : i32
      %broadcast_in_dim3A_120 = vector.broadcast %broadcast_in_dim3A_119 : i32 to vector<16xi32>
      %broadcast_in_dim3A_121 = arith.constant false
      %broadcast_in_dim3A_122 = vector.broadcast %broadcast_in_dim3A_121 : i1 to vector<16xi1>
      %scan3A_123 = arith.constant 0 : i32
      %scan3A_124 = arith.constant 256 : i32
      %scan3A_125 = arith.addi %scan3A_123, %scan3A_124 : i32
      %scan3A_126 = arith.constant 1 : i32
      %scan3A_127:4 = scf.for %scan3A_225 = %scan3A_123 to %scan3A_125 step %scan3A_126 iter_args(%scan3A_226 = %broadcast_in_dim3A_120, %scan3A_227 = %broadcast_in_dim3A_120, %scan3A_228 = %broadcast_in_dim3A_120, %scan3A_229 = %broadcast_in_dim3A_122) -> (vector<16xi32>, vector<16xi32>, vector<16xi32>, vector<16xi1>)  : i32 {
        %sub3A_230 = arith.constant 255 : i32
        %sub3A_231 = arith.subi %sub3A_230, %scan3A_225 : i32
        %mul3A_232 = arith.constant 16 : i32
        %mul3A_233 = arith.muli %sub3A_231, %mul3A_232 : i32
        %get3A = arith.index_cast %mul3A_233 : i32 to index
        %get3A_234 = tpu.vector_load %arg5[%get3A] {strides = array<i32>} : memref<4096xi32, #tpu.memory_space<vmem>>, vector<16xi32>,
        %add3A_235 = arith.addi %scan3A_226, %get3A_234 : vector<16xi32>
        %not3A = arith.constant dense<true> : vector<16xi1>
        %not3A_236 = arith.xori %scan3A_229, %not3A : vector<16xi1>
        %ge3A = arith.cmpi sge, %add3A_235, %sub3A : vector<16xi32>
        %and3A = arith.andi %not3A_236, %ge3A : vector<16xi1>
        %broadcast_in_dim3A_237 = vector.broadcast %sub3A_231 : i32 to vector<16xi32>
        %select_n3A = arith.select %and3A, %broadcast_in_dim3A_237, %scan3A_227 : vector<16xi1>, vector<16xi32>
        %select_n3A_238 = arith.select %and3A, %scan3A_226, %scan3A_228 : vector<16xi1>, vector<16xi32>
        %or3A = arith.ori %scan3A_229, %and3A : vector<16xi1>
        scf.yield %add3A_235, %select_n3A, %select_n3A_238, %or3A : vector<16xi32>, vector<16xi32>, vector<16xi32>, vector<16xi1>
      }
      %scan3A_128 = arith.constant 256 : i32
      %mul3A_129 = arith.constant 256 : i32
      %mul3A_130 = vector.broadcast %mul3A_129 : i32 to vector<16xi32>
      %mul3A_131 = arith.muli %scan3A_67#1, %mul3A_130 : vector<16xi32>
      %add3A_132 = arith.addi %mul3A_131, %scan3A_127#1 : vector<16xi32>
      %sub3A_133 = arith.subi %sub3A, %scan3A_127#2 : vector<16xi32>
      %scan3A_134 = arith.constant 0 : i32
      %scan3A_135 = arith.constant 0 : i32
      %scan3A_136 = arith.constant 256 : i32
      %scan3A_137 = arith.addi %scan3A_135, %scan3A_136 : i32
      %scan3A_138 = arith.constant 1 : i32
      %scan3A_139 = scf.for %scan3A_225 = %scan3A_135 to %scan3A_137 step %scan3A_138 iter_args(%scan3A_226 = %scan3A_134) -> (i32)  : i32 {
        %broadcast_in_dim3A_227 = arith.constant 0 : i32
        %broadcast_in_dim3A_228 = vector.broadcast %broadcast_in_dim3A_227 : i32 to vector<16xi32>
        %mul3A_229 = arith.constant 16 : i32
        %mul3A_230 = arith.muli %scan3A_225, %mul3A_229 : i32
        %swap3A = arith.index_cast %mul3A_230 : i32 to index
        %swap3A_231 = tpu.vector_load %arg5[%swap3A] {strides = array<i32>} : memref<4096xi32, #tpu.memory_space<vmem>>, vector<16xi32>,
        tpu.vector_store %arg5[%swap3A], %broadcast_in_dim3A_228 {strides = array<i32>} : memref<4096xi32, #tpu.memory_space<vmem>>, vector<16xi32>,
        %scan3A_232 = arith.constant 0 : i32
        scf.yield %scan3A_232 : i32
      }
      %scan3A_140 = arith.constant 256 : i32
      %while3A_141 = arith.constant 0 : i32
      %while3A_142 = arith.constant 0 : i32
      %while3A_143 = arith.subi %min3A_100, %while3A_141 : i32
      %while3A_144 = arith.addi %while3A_141, %while3A_143 : i32
      %while3A_145 = arith.constant 1 : i32
      %while3A_146 = arith.divsi %while3A_143, %while3A_145 : i32
      %while3A_147 = arith.muli %while3A_146, %while3A_145 : i32
      %while3A_148 = arith.addi %while3A_141, %while3A_147 : i32
      %while3A_149 = arith.constant 1 : i32
      %while3A_150 = scf.for %while3A_225 = %while3A_141 to %while3A_148 step %while3A_149 iter_args(%while3A_226 = %while3A_142) -> (i32)  : i32 {
        %mul3A_227 = arith.constant 16 : i32
        %mul3A_228 = arith.muli %while3A_225, %mul3A_227 : i32
        %get3A = arith.index_cast %mul3A_228 : i32 to index
        %get3A_229 = tpu.vector_load %arg9[%get3A] {strides = array<i32>} : memref<16384xf32, #tpu.memory_space<vmem>>, vector<16xf32>,
        %bitcast_convert_type3A = tpu.bitcast %get3A_229 : vector<16xf32> -> vector<16xi32>
        %lt3A = vector.broadcast %while3A_225 : i32 to vector<16xi32>
        %lt3A_230 = arith.cmpi slt, %lt3A, %scan3A_91 : vector<16xi32>
        %shift_right_logical3A = arith.constant 13 : i32
        %shift_right_logical3A_231 = vector.broadcast %shift_right_logical3A : i32 to vector<16xi32>
        %shift_right_logical3A_232 = arith.shrui %bitcast_convert_type3A, %shift_right_logical3A_231 : vector<16xi32>
        %eq3A = arith.cmpi eq, %shift_right_logical3A_232, %add3A_132 : vector<16xi32>
        %and3A = arith.andi %eq3A, %lt3A_230 : vector<16xi1>
        %shift_right_logical3A_233 = arith.constant 5 : i32
        %shift_right_logical3A_234 = vector.broadcast %shift_right_logical3A_233 : i32 to vector<16xi32>
        %shift_right_logical3A_235 = arith.shrui %bitcast_convert_type3A, %shift_right_logical3A_234 : vector<16xi32>
        %and3A_236 = arith.constant 255 : i32
        %and3A_237 = vector.broadcast %and3A_236 : i32 to vector<16xi32>
        %and3A_238 = arith.andi %shift_right_logical3A_235, %and3A_237 : vector<16xi32>
        %mul3A_239 = arith.constant 16 : i32
        %mul3A_240 = vector.broadcast %mul3A_239 : i32 to vector<16xi32>
        %mul3A_241 = arith.muli %and3A_238, %mul3A_240 : vector<16xi32>
        %add3A_242 = arith.addi %mul3A_241, %iota3A : vector<16xi32>
        tpu.vector_store_idx %arg5[%add3A_242], %broadcast_in_dim3A_1 masked %and3A {add = true} : memref<4096xi32, #tpu.memory_space<vmem>>[vector<16xi32>], vector<16xi32>, vector<16xi1>
        %while3A_243 = arith.constant 0 : i32
        scf.yield %while3A_243 : i32
      }
      %while3A_151 = arith.constant 1 : i32
      %while3A_152 = scf.for %while3A_225 = %while3A_148 to %while3A_144 step %while3A_151 iter_args(%while3A_226 = %while3A_150) -> (i32)  : i32 {
        %mul3A_227 = arith.constant 16 : i32
        %mul3A_228 = arith.muli %while3A_225, %mul3A_227 : i32
        %get3A = arith.index_cast %mul3A_228 : i32 to index
        %get3A_229 = tpu.vector_load %arg9[%get3A] {strides = array<i32>} : memref<16384xf32, #tpu.memory_space<vmem>>, vector<16xf32>,
        %bitcast_convert_type3A = tpu.bitcast %get3A_229 : vector<16xf32> -> vector<16xi32>
        %lt3A = vector.broadcast %while3A_225 : i32 to vector<16xi32>
        %lt3A_230 = arith.cmpi slt, %lt3A, %scan3A_91 : vector<16xi32>
        %shift_right_logical3A = arith.constant 13 : i32
        %shift_right_logical3A_231 = vector.broadcast %shift_right_logical3A : i32 to vector<16xi32>
        %shift_right_logical3A_232 = arith.shrui %bitcast_convert_type3A, %shift_right_logical3A_231 : vector<16xi32>
        %eq3A = arith.cmpi eq, %shift_right_logical3A_232, %add3A_132 : vector<16xi32>
        %and3A = arith.andi %eq3A, %lt3A_230 : vector<16xi1>
        %shift_right_logical3A_233 = arith.constant 5 : i32
        %shift_right_logical3A_234 = vector.broadcast %shift_right_logical3A_233 : i32 to vector<16xi32>
        %shift_right_logical3A_235 = arith.shrui %bitcast_convert_type3A, %shift_right_logical3A_234 : vector<16xi32>
        %and3A_236 = arith.constant 255 : i32
        %and3A_237 = vector.broadcast %and3A_236 : i32 to vector<16xi32>
        %and3A_238 = arith.andi %shift_right_logical3A_235, %and3A_237 : vector<16xi32>
        %mul3A_239 = arith.constant 16 : i32
        %mul3A_240 = vector.broadcast %mul3A_239 : i32 to vector<16xi32>
        %mul3A_241 = arith.muli %and3A_238, %mul3A_240 : vector<16xi32>
        %add3A_242 = arith.addi %mul3A_241, %iota3A : vector<16xi32>
        tpu.vector_store_idx %arg5[%add3A_242], %broadcast_in_dim3A_1 masked %and3A {add = true} : memref<4096xi32, #tpu.memory_space<vmem>>[vector<16xi32>], vector<16xi32>, vector<16xi1>
        %while3A_243 = arith.constant 0 : i32
        scf.yield %while3A_243 : i32
      }
      %broadcast_in_dim3A_153 = arith.constant 0 : i32
      %broadcast_in_dim3A_154 = vector.broadcast %broadcast_in_dim3A_153 : i32 to vector<16xi32>
      %broadcast_in_dim3A_155 = arith.constant false
      %broadcast_in_dim3A_156 = vector.broadcast %broadcast_in_dim3A_155 : i1 to vector<16xi1>
      %scan3A_157 = arith.constant 0 : i32
      %scan3A_158 = arith.constant 256 : i32
      %scan3A_159 = arith.addi %scan3A_157, %scan3A_158 : i32
      %scan3A_160 = arith.constant 1 : i32
      %scan3A_161:4 = scf.for %scan3A_225 = %scan3A_157 to %scan3A_159 step %scan3A_160 iter_args(%scan3A_226 = %broadcast_in_dim3A_154, %scan3A_227 = %broadcast_in_dim3A_154, %scan3A_228 = %broadcast_in_dim3A_154, %scan3A_229 = %broadcast_in_dim3A_156) -> (vector<16xi32>, vector<16xi32>, vector<16xi32>, vector<16xi1>)  : i32 {
        %sub3A_230 = arith.constant 255 : i32
        %sub3A_231 = arith.subi %sub3A_230, %scan3A_225 : i32
        %mul3A_232 = arith.constant 16 : i32
        %mul3A_233 = arith.muli %sub3A_231, %mul3A_232 : i32
        %get3A = arith.index_cast %mul3A_233 : i32 to index
        %get3A_234 = tpu.vector_load %arg5[%get3A] {strides = array<i32>} : memref<4096xi32, #tpu.memory_space<vmem>>, vector<16xi32>,
        %add3A_235 = arith.addi %scan3A_226, %get3A_234 : vector<16xi32>
        %not3A = arith.constant dense<true> : vector<16xi1>
        %not3A_236 = arith.xori %scan3A_229, %not3A : vector<16xi1>
        %ge3A = arith.cmpi sge, %add3A_235, %sub3A_133 : vector<16xi32>
        %and3A = arith.andi %not3A_236, %ge3A : vector<16xi1>
        %broadcast_in_dim3A_237 = vector.broadcast %sub3A_231 : i32 to vector<16xi32>
        %select_n3A = arith.select %and3A, %broadcast_in_dim3A_237, %scan3A_227 : vector<16xi1>, vector<16xi32>
        %select_n3A_238 = arith.select %and3A, %scan3A_226, %scan3A_228 : vector<16xi1>, vector<16xi32>
        %or3A = arith.ori %scan3A_229, %and3A : vector<16xi1>
        scf.yield %add3A_235, %select_n3A, %select_n3A_238, %or3A : vector<16xi32>, vector<16xi32>, vector<16xi32>, vector<16xi1>
      }
      %scan3A_162 = arith.constant 256 : i32
      %mul3A_163 = arith.constant 256 : i32
      %mul3A_164 = vector.broadcast %mul3A_163 : i32 to vector<16xi32>
      %mul3A_165 = arith.muli %add3A_132, %mul3A_164 : vector<16xi32>
      %add3A_166 = arith.addi %mul3A_165, %scan3A_161#1 : vector<16xi32>
      %sub3A_167 = arith.subi %sub3A_133, %scan3A_161#2 : vector<16xi32>
      %scan3A_168 = arith.constant 0 : i32
      %scan3A_169 = arith.constant 0 : i32
      %scan3A_170 = arith.constant 32 : i32
      %scan3A_171 = arith.addi %scan3A_169, %scan3A_170 : i32
      %scan3A_172 = arith.constant 1 : i32
      %scan3A_173 = scf.for %scan3A_225 = %scan3A_169 to %scan3A_171 step %scan3A_172 iter_args(%scan3A_226 = %scan3A_168) -> (i32)  : i32 {
        %broadcast_in_dim3A_227 = arith.constant 0 : i32
        %broadcast_in_dim3A_228 = vector.broadcast %broadcast_in_dim3A_227 : i32 to vector<16xi32>
        %mul3A_229 = arith.constant 16 : i32
        %mul3A_230 = arith.muli %scan3A_225, %mul3A_229 : i32
        %swap3A = arith.index_cast %mul3A_230 : i32 to index
        %swap3A_231 = tpu.vector_load %arg5[%swap3A] {strides = array<i32>} : memref<4096xi32, #tpu.memory_space<vmem>>, vector<16xi32>,
        tpu.vector_store %arg5[%swap3A], %broadcast_in_dim3A_228 {strides = array<i32>} : memref<4096xi32, #tpu.memory_space<vmem>>, vector<16xi32>,
        %scan3A_232 = arith.constant 0 : i32
        scf.yield %scan3A_232 : i32
      }
      %scan3A_174 = arith.constant 32 : i32
      %while3A_175 = arith.constant 0 : i32
      %while3A_176 = arith.constant 0 : i32
      %while3A_177 = arith.subi %min3A_100, %while3A_175 : i32
      %while3A_178 = arith.addi %while3A_175, %while3A_177 : i32
      %while3A_179 = arith.constant 1 : i32
      %while3A_180 = arith.divsi %while3A_177, %while3A_179 : i32
      %while3A_181 = arith.muli %while3A_180, %while3A_179 : i32
      %while3A_182 = arith.addi %while3A_175, %while3A_181 : i32
      %while3A_183 = arith.constant 1 : i32
      %while3A_184 = scf.for %while3A_225 = %while3A_175 to %while3A_182 step %while3A_183 iter_args(%while3A_226 = %while3A_176) -> (i32)  : i32 {
        %mul3A_227 = arith.constant 16 : i32
        %mul3A_228 = arith.muli %while3A_225, %mul3A_227 : i32
        %get3A = arith.index_cast %mul3A_228 : i32 to index
        %get3A_229 = tpu.vector_load %arg9[%get3A] {strides = array<i32>} : memref<16384xf32, #tpu.memory_space<vmem>>, vector<16xf32>,
        %bitcast_convert_type3A = tpu.bitcast %get3A_229 : vector<16xf32> -> vector<16xi32>
        %lt3A = vector.broadcast %while3A_225 : i32 to vector<16xi32>
        %lt3A_230 = arith.cmpi slt, %lt3A, %scan3A_91 : vector<16xi32>
        %shift_right_logical3A = arith.constant 5 : i32
        %shift_right_logical3A_231 = vector.broadcast %shift_right_logical3A : i32 to vector<16xi32>
        %shift_right_logical3A_232 = arith.shrui %bitcast_convert_type3A, %shift_right_logical3A_231 : vector<16xi32>
        %eq3A = arith.cmpi eq, %shift_right_logical3A_232, %add3A_166 : vector<16xi32>
        %and3A = arith.andi %eq3A, %lt3A_230 : vector<16xi1>
        %shift_right_logical3A_233 = arith.constant 0 : i32
        %shift_right_logical3A_234 = vector.broadcast %shift_right_logical3A_233 : i32 to vector<16xi32>
        %shift_right_logical3A_235 = arith.shrui %bitcast_convert_type3A, %shift_right_logical3A_234 : vector<16xi32>
        %and3A_236 = arith.constant 31 : i32
        %and3A_237 = vector.broadcast %and3A_236 : i32 to vector<16xi32>
        %and3A_238 = arith.andi %shift_right_logical3A_235, %and3A_237 : vector<16xi32>
        %mul3A_239 = arith.constant 16 : i32
        %mul3A_240 = vector.broadcast %mul3A_239 : i32 to vector<16xi32>
        %mul3A_241 = arith.muli %and3A_238, %mul3A_240 : vector<16xi32>
        %add3A_242 = arith.addi %mul3A_241, %iota3A : vector<16xi32>
        tpu.vector_store_idx %arg5[%add3A_242], %broadcast_in_dim3A_1 masked %and3A {add = true} : memref<4096xi32, #tpu.memory_space<vmem>>[vector<16xi32>], vector<16xi32>, vector<16xi1>
        %while3A_243 = arith.constant 0 : i32
        scf.yield %while3A_243 : i32
      }
      %while3A_185 = arith.constant 1 : i32
      %while3A_186 = scf.for %while3A_225 = %while3A_182 to %while3A_178 step %while3A_185 iter_args(%while3A_226 = %while3A_184) -> (i32)  : i32 {
        %mul3A_227 = arith.constant 16 : i32
        %mul3A_228 = arith.muli %while3A_225, %mul3A_227 : i32
        %get3A = arith.index_cast %mul3A_228 : i32 to index
        %get3A_229 = tpu.vector_load %arg9[%get3A] {strides = array<i32>} : memref<16384xf32, #tpu.memory_space<vmem>>, vector<16xf32>,
        %bitcast_convert_type3A = tpu.bitcast %get3A_229 : vector<16xf32> -> vector<16xi32>
        %lt3A = vector.broadcast %while3A_225 : i32 to vector<16xi32>
        %lt3A_230 = arith.cmpi slt, %lt3A, %scan3A_91 : vector<16xi32>
        %shift_right_logical3A = arith.constant 5 : i32
        %shift_right_logical3A_231 = vector.broadcast %shift_right_logical3A : i32 to vector<16xi32>
        %shift_right_logical3A_232 = arith.shrui %bitcast_convert_type3A, %shift_right_logical3A_231 : vector<16xi32>
        %eq3A = arith.cmpi eq, %shift_right_logical3A_232, %add3A_166 : vector<16xi32>
        %and3A = arith.andi %eq3A, %lt3A_230 : vector<16xi1>
        %shift_right_logical3A_233 = arith.constant 0 : i32
        %shift_right_logical3A_234 = vector.broadcast %shift_right_logical3A_233 : i32 to vector<16xi32>
        %shift_right_logical3A_235 = arith.shrui %bitcast_convert_type3A, %shift_right_logical3A_234 : vector<16xi32>
        %and3A_236 = arith.constant 31 : i32
        %and3A_237 = vector.broadcast %and3A_236 : i32 to vector<16xi32>
        %and3A_238 = arith.andi %shift_right_logical3A_235, %and3A_237 : vector<16xi32>
        %mul3A_239 = arith.constant 16 : i32
        %mul3A_240 = vector.broadcast %mul3A_239 : i32 to vector<16xi32>
        %mul3A_241 = arith.muli %and3A_238, %mul3A_240 : vector<16xi32>
        %add3A_242 = arith.addi %mul3A_241, %iota3A : vector<16xi32>
        tpu.vector_store_idx %arg5[%add3A_242], %broadcast_in_dim3A_1 masked %and3A {add = true} : memref<4096xi32, #tpu.memory_space<vmem>>[vector<16xi32>], vector<16xi32>, vector<16xi1>
        %while3A_243 = arith.constant 0 : i32
        scf.yield %while3A_243 : i32
      }
      %broadcast_in_dim3A_187 = arith.constant 0 : i32
      %broadcast_in_dim3A_188 = vector.broadcast %broadcast_in_dim3A_187 : i32 to vector<16xi32>
      %broadcast_in_dim3A_189 = arith.constant false
      %broadcast_in_dim3A_190 = vector.broadcast %broadcast_in_dim3A_189 : i1 to vector<16xi1>
      %scan3A_191 = arith.constant 0 : i32
      %scan3A_192 = arith.constant 32 : i32
      %scan3A_193 = arith.addi %scan3A_191, %scan3A_192 : i32
      %scan3A_194 = arith.constant 1 : i32
      %scan3A_195:4 = scf.for %scan3A_225 = %scan3A_191 to %scan3A_193 step %scan3A_194 iter_args(%scan3A_226 = %broadcast_in_dim3A_188, %scan3A_227 = %broadcast_in_dim3A_188, %scan3A_228 = %broadcast_in_dim3A_188, %scan3A_229 = %broadcast_in_dim3A_190) -> (vector<16xi32>, vector<16xi32>, vector<16xi32>, vector<16xi1>)  : i32 {
        %sub3A_230 = arith.constant 31 : i32
        %sub3A_231 = arith.subi %sub3A_230, %scan3A_225 : i32
        %mul3A_232 = arith.constant 16 : i32
        %mul3A_233 = arith.muli %sub3A_231, %mul3A_232 : i32
        %get3A = arith.index_cast %mul3A_233 : i32 to index
        %get3A_234 = tpu.vector_load %arg5[%get3A] {strides = array<i32>} : memref<4096xi32, #tpu.memory_space<vmem>>, vector<16xi32>,
        %add3A_235 = arith.addi %scan3A_226, %get3A_234 : vector<16xi32>
        %not3A = arith.constant dense<true> : vector<16xi1>
        %not3A_236 = arith.xori %scan3A_229, %not3A : vector<16xi1>
        %ge3A = arith.cmpi sge, %add3A_235, %sub3A_167 : vector<16xi32>
        %and3A = arith.andi %not3A_236, %ge3A : vector<16xi1>
        %broadcast_in_dim3A_237 = vector.broadcast %sub3A_231 : i32 to vector<16xi32>
        %select_n3A = arith.select %and3A, %broadcast_in_dim3A_237, %scan3A_227 : vector<16xi1>, vector<16xi32>
        %select_n3A_238 = arith.select %and3A, %scan3A_226, %scan3A_228 : vector<16xi1>, vector<16xi32>
        %or3A = arith.ori %scan3A_229, %and3A : vector<16xi1>
        scf.yield %add3A_235, %select_n3A, %select_n3A_238, %or3A : vector<16xi32>, vector<16xi32>, vector<16xi32>, vector<16xi1>
      }
      %scan3A_196 = arith.constant 32 : i32
      %mul3A_197 = arith.constant 32 : i32
      %mul3A_198 = vector.broadcast %mul3A_197 : i32 to vector<16xi32>
      %mul3A_199 = arith.muli %add3A_166, %mul3A_198 : vector<16xi32>
      %add3A_200 = arith.addi %mul3A_199, %scan3A_195#1 : vector<16xi32>
      %sub3A_201 = arith.subi %sub3A_167, %scan3A_195#2 : vector<16xi32>
      %broadcast_in_dim3A_202 = arith.constant 0 : i32
      %broadcast_in_dim3A_203 = vector.broadcast %broadcast_in_dim3A_202 : i32 to vector<16xi32>
      %broadcast_in_dim3A_204 = arith.constant 0 : i32
      %broadcast_in_dim3A_205 = vector.broadcast %broadcast_in_dim3A_204 : i32 to vector<16xi32>
      %while3A_206 = arith.constant 0 : i32
      %while3A_207 = arith.subi %min3A_100, %while3A_206 : i32
      %while3A_208 = arith.addi %while3A_206, %while3A_207 : i32
      %while3A_209 = arith.constant 1 : i32
      %while3A_210 = arith.divsi %while3A_207, %while3A_209 : i32
      %while3A_211 = arith.muli %while3A_210, %while3A_209 : i32
      %while3A_212 = arith.addi %while3A_206, %while3A_211 : i32
      %while3A_213 = arith.constant 1 : i32
      %while3A_214:2 = scf.for %while3A_225 = %while3A_206 to %while3A_212 step %while3A_213 iter_args(%while3A_226 = %broadcast_in_dim3A_203, %while3A_227 = %broadcast_in_dim3A_205) -> (vector<16xi32>, vector<16xi32>)  : i32 {
        %mul3A_228 = arith.constant 16 : i32
        %mul3A_229 = arith.muli %while3A_225, %mul3A_228 : i32
        %get3A = arith.index_cast %mul3A_229 : i32 to index
        %get3A_230 = tpu.vector_load %arg9[%get3A] {strides = array<i32>} : memref<16384xf32, #tpu.memory_space<vmem>>, vector<16xf32>,
        %mul3A_231 = arith.constant 16 : i32
        %mul3A_232 = arith.muli %while3A_225, %mul3A_231 : i32
        %get3A_233 = arith.index_cast %mul3A_232 : i32 to index
        %get3A_234 = tpu.vector_load %arg10[%get3A_233] {strides = array<i32>} : memref<16384xi32, #tpu.memory_space<vmem>>, vector<16xi32>,
        %bitcast_convert_type3A = tpu.bitcast %get3A_230 : vector<16xf32> -> vector<16xi32>
        %lt3A = vector.broadcast %while3A_225 : i32 to vector<16xi32>
        %lt3A_235 = arith.cmpi slt, %lt3A, %scan3A_91 : vector<16xi32>
        %gt3A = arith.cmpi ugt, %bitcast_convert_type3A, %add3A_200 : vector<16xi32>
        %and3A = arith.andi %gt3A, %lt3A_235 : vector<16xi1>
        %eq3A = arith.cmpi eq, %bitcast_convert_type3A, %add3A_200 : vector<16xi32>
        %and3A_236 = arith.andi %eq3A, %lt3A_235 : vector<16xi1>
        %lt3A_237 = arith.cmpi slt, %while3A_227, %sub3A_201 : vector<16xi32>
        %and3A_238 = arith.andi %and3A_236, %lt3A_237 : vector<16xi1>
        %or3A = arith.ori %and3A, %and3A_238 : vector<16xi1>
        %lt3A_239 = arith.constant 64 : i32
        %lt3A_240 = vector.broadcast %lt3A_239 : i32 to vector<16xi32>
        %lt3A_241 = arith.cmpi slt, %while3A_226, %lt3A_240 : vector<16xi32>
        %and3A_242 = arith.andi %or3A, %lt3A_241 : vector<16xi1>
        %mul3A_243 = arith.constant 16 : i32
        %mul3A_244 = vector.broadcast %mul3A_243 : i32 to vector<16xi32>
        %mul3A_245 = arith.muli %while3A_226, %mul3A_244 : vector<16xi32>
        %add3A_246 = arith.addi %mul3A_245, %iota3A : vector<16xi32>
        tpu.vector_store_idx %arg11[%add3A_246], %get3A_230 masked %and3A_242 : memref<1024xf32, #tpu.memory_space<vmem>>[vector<16xi32>], vector<16xf32>, vector<16xi1>
        tpu.vector_store_idx %arg12[%add3A_246], %get3A_234 masked %and3A_242 : memref<1024xi32, #tpu.memory_space<vmem>>[vector<16xi32>], vector<16xi32>, vector<16xi1>
        %convert_element_type3A = arith.extui %and3A_242 : vector<16xi1> to vector<16xi32>
        %add3A_247 = arith.addi %while3A_226, %convert_element_type3A : vector<16xi32>
        %convert_element_type3A_248 = arith.extui %and3A_238 : vector<16xi1> to vector<16xi32>
        %add3A_249 = arith.addi %while3A_227, %convert_element_type3A_248 : vector<16xi32>
        scf.yield %add3A_247, %add3A_249 : vector<16xi32>, vector<16xi32>
      }
      %while3A_215 = arith.constant 1 : i32
      %while3A_216:2 = scf.for %while3A_225 = %while3A_212 to %while3A_208 step %while3A_215 iter_args(%while3A_226 = %while3A_214#0, %while3A_227 = %while3A_214#1) -> (vector<16xi32>, vector<16xi32>)  : i32 {
        %mul3A_228 = arith.constant 16 : i32
        %mul3A_229 = arith.muli %while3A_225, %mul3A_228 : i32
        %get3A = arith.index_cast %mul3A_229 : i32 to index
        %get3A_230 = tpu.vector_load %arg9[%get3A] {strides = array<i32>} : memref<16384xf32, #tpu.memory_space<vmem>>, vector<16xf32>,
        %mul3A_231 = arith.constant 16 : i32
        %mul3A_232 = arith.muli %while3A_225, %mul3A_231 : i32
        %get3A_233 = arith.index_cast %mul3A_232 : i32 to index
        %get3A_234 = tpu.vector_load %arg10[%get3A_233] {strides = array<i32>} : memref<16384xi32, #tpu.memory_space<vmem>>, vector<16xi32>,
        %bitcast_convert_type3A = tpu.bitcast %get3A_230 : vector<16xf32> -> vector<16xi32>
        %lt3A = vector.broadcast %while3A_225 : i32 to vector<16xi32>
        %lt3A_235 = arith.cmpi slt, %lt3A, %scan3A_91 : vector<16xi32>
        %gt3A = arith.cmpi ugt, %bitcast_convert_type3A, %add3A_200 : vector<16xi32>
        %and3A = arith.andi %gt3A, %lt3A_235 : vector<16xi1>
        %eq3A = arith.cmpi eq, %bitcast_convert_type3A, %add3A_200 : vector<16xi32>
        %and3A_236 = arith.andi %eq3A, %lt3A_235 : vector<16xi1>
        %lt3A_237 = arith.cmpi slt, %while3A_227, %sub3A_201 : vector<16xi32>
        %and3A_238 = arith.andi %and3A_236, %lt3A_237 : vector<16xi1>
        %or3A = arith.ori %and3A, %and3A_238 : vector<16xi1>
        %lt3A_239 = arith.constant 64 : i32
        %lt3A_240 = vector.broadcast %lt3A_239 : i32 to vector<16xi32>
        %lt3A_241 = arith.cmpi slt, %while3A_226, %lt3A_240 : vector<16xi32>
        %and3A_242 = arith.andi %or3A, %lt3A_241 : vector<16xi1>
        %mul3A_243 = arith.constant 16 : i32
        %mul3A_244 = vector.broadcast %mul3A_243 : i32 to vector<16xi32>
        %mul3A_245 = arith.muli %while3A_226, %mul3A_244 : vector<16xi32>
        %add3A_246 = arith.addi %mul3A_245, %iota3A : vector<16xi32>
        tpu.vector_store_idx %arg11[%add3A_246], %get3A_230 masked %and3A_242 : memref<1024xf32, #tpu.memory_space<vmem>>[vector<16xi32>], vector<16xf32>, vector<16xi1>
        tpu.vector_store_idx %arg12[%add3A_246], %get3A_234 masked %and3A_242 : memref<1024xi32, #tpu.memory_space<vmem>>[vector<16xi32>], vector<16xi32>, vector<16xi1>
        %convert_element_type3A = arith.extui %and3A_242 : vector<16xi1> to vector<16xi32>
        %add3A_247 = arith.addi %while3A_226, %convert_element_type3A : vector<16xi32>
        %convert_element_type3A_248 = arith.extui %and3A_238 : vector<16xi1> to vector<16xi32>
        %add3A_249 = arith.addi %while3A_227, %convert_element_type3A_248 : vector<16xi32>
        scf.yield %add3A_247, %add3A_249 : vector<16xi32>, vector<16xi32>
      }
      %scan3A_217 = arith.constant 0 : i32
      %scan3A_218 = arith.constant 0 : i32
      %scan3A_219 = arith.constant 16 : i32
      %scan3A_220 = arith.addi %scan3A_218, %scan3A_219 : i32
      %scan3A_221 = arith.constant 1 : i32
      %scan3A_222 = scf.for %scan3A_225 = %scan3A_218 to %scan3A_220 step %scan3A_221 iter_args(%scan3A_226 = %scan3A_217) -> (i32)  : i32 {
        %add3A_227 = arith.constant 0 : i32
        %add3A_228 = vector.broadcast %add3A_227 : i32 to vector<16xi32>
        %add3A_229 = arith.addi %add3A_228, %iota3A : vector<16xi32>
        %mul3A_230 = arith.constant 16 : i32
        %mul3A_231 = vector.broadcast %mul3A_230 : i32 to vector<16xi32>
        %mul3A_232 = arith.muli %add3A_229, %mul3A_231 : vector<16xi32>
        %add3A_233 = vector.broadcast %scan3A_225 : i32 to vector<16xi32>
        %add3A_234 = arith.addi %mul3A_232, %add3A_233 : vector<16xi32>
        %gather3A = tpu.vector_load_idx %arg11[%add3A_234] : memref<1024xf32, #tpu.memory_space<vmem>>[vector<16xi32>], vector<16xf32>,
        %gather3A_235 = tpu.vector_load_idx %arg12[%add3A_234] : memref<1024xi32, #tpu.memory_space<vmem>>[vector<16xi32>], vector<16xi32>,
        %jit3A = arith.constant 0 : i32
        %jit3A_236 = arith.constant 24575 : i32
        %max3A = vector.broadcast %jit3A : i32 to vector<16xi32>
        %max3A_237 = arith.maxsi %max3A, %gather3A_235 : vector<16xi32>
        %min3A_238 = vector.broadcast %jit3A_236 : i32 to vector<16xi32>
        %min3A_239 = arith.minsi %min3A_238, %max3A_237 : vector<16xi32>
        tpu.vector_store_idx %arg13[%min3A_239], %gather3A : memref<24576xf32, #tpu.memory_space<vmem>>[vector<16xi32>], vector<16xf32>,
        %add3A_240 = arith.constant 16 : i32
        %add3A_241 = vector.broadcast %add3A_240 : i32 to vector<16xi32>
        %add3A_242 = arith.addi %add3A_241, %iota3A : vector<16xi32>
        %mul3A_243 = arith.constant 16 : i32
        %mul3A_244 = vector.broadcast %mul3A_243 : i32 to vector<16xi32>
        %mul3A_245 = arith.muli %add3A_242, %mul3A_244 : vector<16xi32>
        %add3A_246 = vector.broadcast %scan3A_225 : i32 to vector<16xi32>
        %add3A_247 = arith.addi %mul3A_245, %add3A_246 : vector<16xi32>
        %gather3A_248 = tpu.vector_load_idx %arg11[%add3A_247] : memref<1024xf32, #tpu.memory_space<vmem>>[vector<16xi32>], vector<16xf32>,
        %gather3A_249 = tpu.vector_load_idx %arg12[%add3A_247] : memref<1024xi32, #tpu.memory_space<vmem>>[vector<16xi32>], vector<16xi32>,
        %jit3A_250 = arith.constant 0 : i32
        %jit3A_251 = arith.constant 24575 : i32
        %max3A_252 = vector.broadcast %jit3A_250 : i32 to vector<16xi32>
        %max3A_253 = arith.maxsi %max3A_252, %gather3A_249 : vector<16xi32>
        %min3A_254 = vector.broadcast %jit3A_251 : i32 to vector<16xi32>
        %min3A_255 = arith.minsi %min3A_254, %max3A_253 : vector<16xi32>
        tpu.vector_store_idx %arg13[%min3A_255], %gather3A_248 : memref<24576xf32, #tpu.memory_space<vmem>>[vector<16xi32>], vector<16xf32>,
        %add3A_256 = arith.constant 32 : i32
        %add3A_257 = vector.broadcast %add3A_256 : i32 to vector<16xi32>
        %add3A_258 = arith.addi %add3A_257, %iota3A : vector<16xi32>
        %mul3A_259 = arith.constant 16 : i32
        %mul3A_260 = vector.broadcast %mul3A_259 : i32 to vector<16xi32>
        %mul3A_261 = arith.muli %add3A_258, %mul3A_260 : vector<16xi32>
        %add3A_262 = vector.broadcast %scan3A_225 : i32 to vector<16xi32>
        %add3A_263 = arith.addi %mul3A_261, %add3A_262 : vector<16xi32>
        %gather3A_264 = tpu.vector_load_idx %arg11[%add3A_263] : memref<1024xf32, #tpu.memory_space<vmem>>[vector<16xi32>], vector<16xf32>,
        %gather3A_265 = tpu.vector_load_idx %arg12[%add3A_263] : memref<1024xi32, #tpu.memory_space<vmem>>[vector<16xi32>], vector<16xi32>,
        %jit3A_266 = arith.constant 0 : i32
        %jit3A_267 = arith.constant 24575 : i32
        %max3A_268 = vector.broadcast %jit3A_266 : i32 to vector<16xi32>
        %max3A_269 = arith.maxsi %max3A_268, %gather3A_265 : vector<16xi32>
        %min3A_270 = vector.broadcast %jit3A_267 : i32 to vector<16xi32>
        %min3A_271 = arith.minsi %min3A_270, %max3A_269 : vector<16xi32>
        tpu.vector_store_idx %arg13[%min3A_271], %gather3A_264 : memref<24576xf32, #tpu.memory_space<vmem>>[vector<16xi32>], vector<16xf32>,
        %add3A_272 = arith.constant 48 : i32
        %add3A_273 = vector.broadcast %add3A_272 : i32 to vector<16xi32>
        %add3A_274 = arith.addi %add3A_273, %iota3A : vector<16xi32>
        %mul3A_275 = arith.constant 16 : i32
        %mul3A_276 = vector.broadcast %mul3A_275 : i32 to vector<16xi32>
        %mul3A_277 = arith.muli %add3A_274, %mul3A_276 : vector<16xi32>
        %add3A_278 = vector.broadcast %scan3A_225 : i32 to vector<16xi32>
        %add3A_279 = arith.addi %mul3A_277, %add3A_278 : vector<16xi32>
        %gather3A_280 = tpu.vector_load_idx %arg11[%add3A_279] : memref<1024xf32, #tpu.memory_space<vmem>>[vector<16xi32>], vector<16xf32>,
        %gather3A_281 = tpu.vector_load_idx %arg12[%add3A_279] : memref<1024xi32, #tpu.memory_space<vmem>>[vector<16xi32>], vector<16xi32>,
        %jit3A_282 = arith.constant 0 : i32
        %jit3A_283 = arith.constant 24575 : i32
        %max3A_284 = vector.broadcast %jit3A_282 : i32 to vector<16xi32>
        %max3A_285 = arith.maxsi %max3A_284, %gather3A_281 : vector<16xi32>
        %min3A_286 = vector.broadcast %jit3A_283 : i32 to vector<16xi32>
        %min3A_287 = arith.minsi %min3A_286, %max3A_285 : vector<16xi32>
        tpu.vector_store_idx %arg13[%min3A_287], %gather3A_280 : memref<24576xf32, #tpu.memory_space<vmem>>[vector<16xi32>], vector<16xf32>,
        %mul3A_288 = arith.constant 16 : i32
        %mul3A_289 = arith.muli %add3A_21, %mul3A_288 : i32
        %add3A_290 = arith.addi %mul3A_289, %scan3A_225 : i32
        %mul3A_291 = arith.constant 24576 : i32
        %mul3A_292 = arith.muli %add3A_290, %mul3A_291 : i32
        "tpu.region"() ({
          %run_scoped3A = tpu.sem_alloc : memref<!tpu.dma_semaphore, #tpu.memory_space<semaphore_mem>>
          %dma_start3A_354 = tpu.memref_slice %arg3[%mul3A_292] : memref<25165824xf32, #tpu.memory_space<hbm>> -> memref<24576xf32, #tpu.memory_space<hbm>>
          %dma_start3A_355 = tpu.memref_slice %arg3[%mul3A_292] : memref<25165824xf32, #tpu.memory_space<hbm>> -> memref<24576xf32, #tpu.memory_space<hbm>>
          tpu.enqueue_dma source(%arg13 : memref<24576xf32, #tpu.memory_space<vmem>>) target(%dma_start3A_355 : memref<24576xf32, #tpu.memory_space<hbm>>) target_semaphore(%run_scoped3A : memref<!tpu.dma_semaphore, #tpu.memory_space<semaphore_mem>>)
          %dma_wait3A = tpu.memref_slice %arg3[%mul3A_292] : memref<25165824xf32, #tpu.memory_space<hbm>> -> memref<24576xf32, #tpu.memory_space<hbm>>
          %dma_wait3A_356 = tpu.memref_slice %arg3[%mul3A_292] : memref<25165824xf32, #tpu.memory_space<hbm>> -> memref<24576xf32, #tpu.memory_space<hbm>>
          tpu.wait_dma2 semaphore(%run_scoped3A : memref<!tpu.dma_semaphore, #tpu.memory_space<semaphore_mem>>) src(%arg13 : memref<24576xf32, #tpu.memory_space<vmem>>) dst(%dma_wait3A_356 : memref<24576xf32, #tpu.memory_space<hbm>>)
          tpu.yield
        }) : () -> ()
        %add3A_293 = arith.constant 0 : i32
        %add3A_294 = vector.broadcast %add3A_293 : i32 to vector<16xi32>
        %add3A_295 = arith.addi %add3A_294, %iota3A : vector<16xi32>
        %mul3A_296 = arith.constant 16 : i32
        %mul3A_297 = vector.broadcast %mul3A_296 : i32 to vector<16xi32>
        %mul3A_298 = arith.muli %add3A_295, %mul3A_297 : vector<16xi32>
        %add3A_299 = vector.broadcast %scan3A_225 : i32 to vector<16xi32>
        %add3A_300 = arith.addi %mul3A_298, %add3A_299 : vector<16xi32>
        %gather3A_301 = tpu.vector_load_idx %arg12[%add3A_300] : memref<1024xi32, #tpu.memory_space<vmem>>[vector<16xi32>], vector<16xi32>,
        %jit3A_302 = arith.constant 0 : i32
        %jit3A_303 = arith.constant 24575 : i32
        %max3A_304 = vector.broadcast %jit3A_302 : i32 to vector<16xi32>
        %max3A_305 = arith.maxsi %max3A_304, %gather3A_301 : vector<16xi32>
        %min3A_306 = vector.broadcast %jit3A_303 : i32 to vector<16xi32>
        %min3A_307 = arith.minsi %min3A_306, %max3A_305 : vector<16xi32>
        tpu.vector_store_idx %arg13[%min3A_307], %broadcast_in_dim3A_3 : memref<24576xf32, #tpu.memory_space<vmem>>[vector<16xi32>], vector<16xf32>,
        %add3A_308 = arith.constant 16 : i32
        %add3A_309 = vector.broadcast %add3A_308 : i32 to vector<16xi32>
        %add3A_310 = arith.addi %add3A_309, %iota3A : vector<16xi32>
        %mul3A_311 = arith.constant 16 : i32
        %mul3A_312 = vector.broadcast %mul3A_311 : i32 to vector<16xi32>
        %mul3A_313 = arith.muli %add3A_310, %mul3A_312 : vector<16xi32>
        %add3A_314 = vector.broadcast %scan3A_225 : i32 to vector<16xi32>
        %add3A_315 = arith.addi %mul3A_313, %add3A_314 : vector<16xi32>
        %gather3A_316 = tpu.vector_load_idx %arg12[%add3A_315] : memref<1024xi32, #tpu.memory_space<vmem>>[vector<16xi32>], vector<16xi32>,
        %jit3A_317 = arith.constant 0 : i32
        %jit3A_318 = arith.constant 24575 : i32
        %max3A_319 = vector.broadcast %jit3A_317 : i32 to vector<16xi32>
        %max3A_320 = arith.maxsi %max3A_319, %gather3A_316 : vector<16xi32>
        %min3A_321 = vector.broadcast %jit3A_318 : i32 to vector<16xi32>
        %min3A_322 = arith.minsi %min3A_321, %max3A_320 : vector<16xi32>
        tpu.vector_store_idx %arg13[%min3A_322], %broadcast_in_dim3A_3 : memref<24576xf32, #tpu.memory_space<vmem>>[vector<16xi32>], vector<16xf32>,
        %add3A_323 = arith.constant 32 : i32
        %add3A_324 = vector.broadcast %add3A_323 : i32 to vector<16xi32>
        %add3A_325 = arith.addi %add3A_324, %iota3A : vector<16xi32>
        %mul3A_326 = arith.constant 16 : i32
        %mul3A_327 = vector.broadcast %mul3A_326 : i32 to vector<16xi32>
        %mul3A_328 = arith.muli %add3A_325, %mul3A_327 : vector<16xi32>
        %add3A_329 = vector.broadcast %scan3A_225 : i32 to vector<16xi32>
        %add3A_330 = arith.addi %mul3A_328, %add3A_329 : vector<16xi32>
        %gather3A_331 = tpu.vector_load_idx %arg12[%add3A_330] : memref<1024xi32, #tpu.memory_space<vmem>>[vector<16xi32>], vector<16xi32>,
        %jit3A_332 = arith.constant 0 : i32
        %jit3A_333 = arith.constant 24575 : i32
        %max3A_334 = vector.broadcast %jit3A_332 : i32 to vector<16xi32>
        %max3A_335 = arith.maxsi %max3A_334, %gather3A_331 : vector<16xi32>
        %min3A_336 = vector.broadcast %jit3A_333 : i32 to vector<16xi32>
        %min3A_337 = arith.minsi %min3A_336, %max3A_335 : vector<16xi32>
        tpu.vector_store_idx %arg13[%min3A_337], %broadcast_in_dim3A_3 : memref<24576xf32, #tpu.memory_space<vmem>>[vector<16xi32>], vector<16xf32>,
        %add3A_338 = arith.constant 48 : i32
        %add3A_339 = vector.broadcast %add3A_338 : i32 to vector<16xi32>
        %add3A_340 = arith.addi %add3A_339, %iota3A : vector<16xi32>
        %mul3A_341 = arith.constant 16 : i32
        %mul3A_342 = vector.broadcast %mul3A_341 : i32 to vector<16xi32>
        %mul3A_343 = arith.muli %add3A_340, %mul3A_342 : vector<16xi32>
        %add3A_344 = vector.broadcast %scan3A_225 : i32 to vector<16xi32>
        %add3A_345 = arith.addi %mul3A_343, %add3A_344 : vector<16xi32>
        %gather3A_346 = tpu.vector_load_idx %arg12[%add3A_345] : memref<1024xi32, #tpu.memory_space<vmem>>[vector<16xi32>], vector<16xi32>,
        %jit3A_347 = arith.constant 0 : i32
        %jit3A_348 = arith.constant 24575 : i32
        %max3A_349 = vector.broadcast %jit3A_347 : i32 to vector<16xi32>
        %max3A_350 = arith.maxsi %max3A_349, %gather3A_346 : vector<16xi32>
        %min3A_351 = vector.broadcast %jit3A_348 : i32 to vector<16xi32>
        %min3A_352 = arith.minsi %min3A_351, %max3A_350 : vector<16xi32>
        tpu.vector_store_idx %arg13[%min3A_352], %broadcast_in_dim3A_3 : memref<24576xf32, #tpu.memory_space<vmem>>[vector<16xi32>], vector<16xf32>,
        %scan3A_353 = arith.constant 0 : i32
        scf.yield %scan3A_353 : i32
      }
      %scan3A_223 = arith.constant 16 : i32
      %scan3A_224 = arith.constant 0 : i32
      scf.yield %scan3A_224 : i32
    }
    %scan3A_16 = arith.constant 2 : i32
    return
  }
}

module attributes {stable_mosaic.version = 14 : i64} {
  func.func @_encode_body(%arg0: i32, %arg1: memref<1024x768xf32, #tpu.memory_space<vmem>>, %arg2: memref<2048x768xf32, #tpu.memory_space<vmem>>, %arg3: memref<1x2048xf32, #tpu.memory_space<vmem>>, %arg4: memref<1024x2048xf32, #tpu.memory_space<vmem>>) attributes {dimension_semantics = [#tpu.dimension_semantics<arbitrary>], iteration_bounds = array<i64: 12>, scalar_prefetch = 0 : i64, scratch_operands = 0 : i64, tpu.core_type = #tpu.core_type<tc>, window_params = [{pipeline_mode = #tpu.pipeline_mode<synchronous>, transform_indices = @transform_0, window_bounds = array<i64: 1024, 768>}, {transform_indices = @transform_1, window_bounds = array<i64: 2048, 768>}, {transform_indices = @transform_2, window_bounds = array<i64: 1, 2048>}, {transform_indices = @transform_3, window_bounds = array<i64: 1024, 2048>}]} {
    %get3A = arith.constant 0 : index
    %get3A_0 = arith.constant 0 : index
    %get3A_1 = vector.load %arg1[%get3A, %get3A_0] : memref<1024x768xf32, #tpu.memory_space<vmem>>, vector<1024x768xf32>
    %get3A_2 = arith.constant 0 : index
    %get3A_3 = arith.constant 0 : index
    %get3A_4 = vector.load %arg2[%get3A_2, %get3A_3] : memref<2048x768xf32, #tpu.memory_space<vmem>>, vector<2048x768xf32>
    %dot_general3A = arith.constant dense<0.000000e+00> : vector<1024x2048xf32>
    %dot_general3A_5 = tpu.matmul %get3A_1, %get3A_4, %dot_general3A {dimension_numbers = #tpu.dot_dimension_numbers<[1], [1], [0], [0], [0, 0, 1, 0], [], []>, transpose_lhs_hint = false} : vector<1024x768xf32>, vector<2048x768xf32>, vector<1024x2048xf32> -> vector<1024x2048xf32>
    %get3A_6 = arith.constant 0 : index
    %get3A_7 = arith.constant 0 : index
    %get3A_8 = vector.load %arg3[%get3A_6, %get3A_7] : memref<1x2048xf32, #tpu.memory_space<vmem>>, vector<1x2048xf32>
    %add3A = vector.broadcast %get3A_8 : vector<1x2048xf32> to vector<1024x2048xf32>
    %add3A_9 = arith.addf %dot_general3A_5, %add3A : vector<1024x2048xf32>
    %max3A = arith.constant 0.000000e+00 : f32
    %max3A_10 = vector.broadcast %max3A : f32 to vector<1024x2048xf32>
    %max3A_11 = arith.maximumf %add3A_9, %max3A_10 : vector<1024x2048xf32>
    %add3A_12 = arith.constant 0.000000e+00 : f32
    %add3A_13 = vector.broadcast %add3A_12 : f32 to vector<1024x2048xf32>
    %add3A_14 = arith.addf %max3A_11, %add3A_13 : vector<1024x2048xf32>
    %swap3A = arith.constant 0 : index
    %swap3A_15 = arith.constant 0 : index
    %swap3A_16 = vector.load %arg4[%swap3A, %swap3A_15] : memref<1024x2048xf32, #tpu.memory_space<vmem>>, vector<1024x2048xf32>
    tpu.vector_store %arg4[%swap3A, %swap3A_15], %add3A_14 {strides = array<i32>} : memref<1024x2048xf32, #tpu.memory_space<vmem>>, vector<1024x2048xf32>,
    return
  }
  func.func @transform_0(%arg0: i32) -> (i32, i32) {
    %c0_i32 = arith.constant 0 : i32
    %c0_i32_0 = arith.constant 0 : i32
    %c0_i32_1 = arith.constant 0 : i32
    return %c0_i32, %c0_i32_0 : i32, i32
  }
  func.func @transform_1(%arg0: i32) -> (i32, i32) {
    %c0_i32 = arith.constant 0 : i32
    %c0_i32_0 = arith.constant 0 : i32
    return %arg0, %c0_i32 : i32, i32
  }
  func.func @transform_2(%arg0: i32) -> (i32, i32) {
    %c0_i32 = arith.constant 0 : i32
    %c0_i32_0 = arith.constant 0 : i32
    return %c0_i32, %arg0 : i32, i32
  }
  func.func @transform_3(%arg0: i32) -> (i32, i32) {
    %c0_i32 = arith.constant 0 : i32
    %c0_i32_0 = arith.constant 0 : i32
    return %c0_i32, %arg0 : i32, i32
  }
}

module attributes {stable_mosaic.version = 14 : i64} {
  func.func @_decode_body(%arg0: i32, %arg1: memref<1024x2048xf32, #tpu.memory_space<vmem>>, %arg2: memref<768x2048xf32, #tpu.memory_space<vmem>>, %arg3: memref<1x768xf32, #tpu.memory_space<vmem>>, %arg4: memref<1024x768xf32, #tpu.memory_space<vmem>>) attributes {dimension_semantics = [#tpu.dimension_semantics<arbitrary>], iteration_bounds = array<i64: 12>, scalar_prefetch = 0 : i64, scratch_operands = 0 : i64, tpu.core_type = #tpu.core_type<tc>, window_params = [{transform_indices = @transform_0, window_bounds = array<i64: 1024, 2048>}, {transform_indices = @transform_1, window_bounds = array<i64: 768, 2048>}, {pipeline_mode = #tpu.pipeline_mode<synchronous>, transform_indices = @transform_2, window_bounds = array<i64: 1, 768>}, {pipeline_mode = #tpu.pipeline_mode<synchronous>, transform_indices = @transform_3, window_bounds = array<i64: 1024, 768>}]} {
    %eq3A = arith.constant 0 : i32
    %eq3A_0 = arith.cmpi eq, %arg0, %eq3A : i32
    %convert_element_type3A = arith.extui %eq3A_0 : i1 to i32
    %cond3A = arith.constant 0 : i32
    %cond3A_1 = arith.cmpi ne, %convert_element_type3A, %cond3A : i32
    scf.if %cond3A_1 {
      %get3A_13 = arith.constant 0 : index
      %get3A_14 = arith.constant 0 : index
      %get3A_15 = vector.load %arg3[%get3A_13, %get3A_14] : memref<1x768xf32, #tpu.memory_space<vmem>>, vector<1x768xf32>
      %broadcast_in_dim3A = vector.shape_cast %get3A_15 : vector<1x768xf32> to vector<1x768xf32>
      %broadcast_in_dim3A_16 = vector.broadcast %broadcast_in_dim3A : vector<1x768xf32> to vector<1024x768xf32>
      %swap3A_17 = arith.constant 0 : index
      %swap3A_18 = arith.constant 0 : index
      %swap3A_19 = vector.load %arg4[%swap3A_17, %swap3A_18] : memref<1024x768xf32, #tpu.memory_space<vmem>>, vector<1024x768xf32>
      tpu.vector_store %arg4[%swap3A_17, %swap3A_18], %broadcast_in_dim3A_16 {strides = array<i32>} : memref<1024x768xf32, #tpu.memory_space<vmem>>, vector<1024x768xf32>,
    } else {
    }
    %get3A = arith.constant 0 : index
    %get3A_2 = arith.constant 0 : index
    %get3A_3 = vector.load %arg4[%get3A, %get3A_2] : memref<1024x768xf32, #tpu.memory_space<vmem>>, vector<1024x768xf32>
    %get3A_4 = arith.constant 0 : index
    %get3A_5 = arith.constant 0 : index
    %get3A_6 = vector.load %arg1[%get3A_4, %get3A_5] : memref<1024x2048xf32, #tpu.memory_space<vmem>>, vector<1024x2048xf32>
    %get3A_7 = arith.constant 0 : index
    %get3A_8 = arith.constant 0 : index
    %get3A_9 = vector.load %arg2[%get3A_7, %get3A_8] : memref<768x2048xf32, #tpu.memory_space<vmem>>, vector<768x2048xf32>
    %dot_general3A = arith.constant dense<0.000000e+00> : vector<1024x768xf32>
    %dot_general3A_10 = tpu.matmul %get3A_6, %get3A_9, %dot_general3A {dimension_numbers = #tpu.dot_dimension_numbers<[1], [1], [0], [0], [0, 0, 1, 0], [], []>, transpose_lhs_hint = false} : vector<1024x2048xf32>, vector<768x2048xf32>, vector<1024x768xf32> -> vector<1024x768xf32>
    %add3A = arith.addf %get3A_3, %dot_general3A_10 : vector<1024x768xf32>
    %swap3A = arith.constant 0 : index
    %swap3A_11 = arith.constant 0 : index
    %swap3A_12 = vector.load %arg4[%swap3A, %swap3A_11] : memref<1024x768xf32, #tpu.memory_space<vmem>>, vector<1024x768xf32>
    tpu.vector_store %arg4[%swap3A, %swap3A_11], %add3A {strides = array<i32>} : memref<1024x768xf32, #tpu.memory_space<vmem>>, vector<1024x768xf32>,
    return
  }
  func.func @transform_0(%arg0: i32) -> (i32, i32) {
    %c0_i32 = arith.constant 0 : i32
    %c0_i32_0 = arith.constant 0 : i32
    return %c0_i32, %arg0 : i32, i32
  }
  func.func @transform_1(%arg0: i32) -> (i32, i32) {
    %c0_i32 = arith.constant 0 : i32
    %c0_i32_0 = arith.constant 0 : i32
    return %c0_i32, %arg0 : i32, i32
  }
  func.func @transform_2(%arg0: i32) -> (i32, i32) {
    %c0_i32 = arith.constant 0 : i32
    %c0_i32_0 = arith.constant 0 : i32
    %c0_i32_1 = arith.constant 0 : i32
    return %c0_i32, %c0_i32_0 : i32, i32
  }
  func.func @transform_3(%arg0: i32) -> (i32, i32) {
    %c0_i32 = arith.constant 0 : i32
    %c0_i32_0 = arith.constant 0 : i32
    %c0_i32_1 = arith.constant 0 : i32
    return %c0_i32, %c0_i32_0 : i32, i32
  }
}

</mosaic_0001>

<sc_bundles>
// kernel: kernel.5.cloned.1.call-start
scs
__scs_entry_jumppad:
0x0: {  	(pc) =	sbr.rel $0x88, $3  }
0x1: {  	(tag) =	ssettag $0x0;
	lr =	simm.s32 $0x1  }
0x2: {  	[smem:$0x3F9C] =	sst lr;
	_ =	strace $0xD0000000  }
0x3: {  	_ = 	snop  }
0x4: {  	_ = 	snop  }
0x5: {  	_ = 	snop  }
0x6: {  	_ = 	snop  }
0x7: {  	_ = 	snop  }
__scs_overlays_trampoline_lowered:
0x8: {  	[smem:$0x3FAB] =	sst s0  }
0x9: {  	[smem:$0x3FAC] =	sst s1  }
0xa: {  	[smem:$0x3FAD] =	sst s2  }
0xb: {  	[smem:$0x3FAE] =	sst s3  }
0xc: {  	[smem:$0x3FAF] =	sst s4  }
0xd: {  	[smem:$0x3FB0] =	sst s5  }
0xe: {  	[smem:$0x3FB1] =	sst s6  }
0xf: {  	[smem:$0x3FB2] =	sst s7  }
0x10: {  	[smem:$0x3FB3] =	sst s8  }
0x11: {  	[smem:$0x3FB4] =	sst s9;
	s0 =	simm.s32 @!p0 $0x0  }
0x12: {  	s1 =	sld [smem:$0x3F9A];
	s0 =	simm.s32 @p0 $0x1  }
0x13: {  	[smem:$0x3FB5] =	sst s0;
	s0 =	simm.s32 @!p1 $0x0  }
0x14: {  	s2 =	sld [smem:$0x3F99];
	s0 =	simm.s32 @p1 $0x1  }
0x15: {  	[smem:$0x3FB6] =	sst s0;
	s0 =	simm.s32 @!p2 $0x0  }
0x16: {  	s3 =	sld [smem:$0x3FDB];
	s0 =	simm.s32 @p2 $0x1  }
0x17: {  	s4 =	simm.s32 $0x1BF5;
	[smem:$0x3FB8] =	sst s0  }
0x18: {  	s0 =	sld [smem:$0x3F9B];
	_ =	swait.ge [sflag:s4], $0x0  }
0x19: {  	s7 =	sld [smem:$0x3F9C]  }
0x1a: {  	s8 =	sadd.s32 $0xFFFFE003, lr  }
0x1b: {  	s9 =	sadd.s32 $0xFFFFFEF7, lr;
	s5 =	simm.s32 $0xFFFFFFFF;
	p2 =	slt.u32 s8, $0xFFFFF086  }
0x1c: {  	p1 =	slt.u32 s9, $0xF7A;
	s5 =	simm.s32 @!p2 $0x0  }
0x1d: {  	s5 =	simm.s32 @p1 $0x1;
	p0 =	seq.s32 s7, s2  }
0x1e: {  	s7 =	smul.u32 @!p0 $0xF7A, s2;
	p2 =	seq.s32 @!p0 s5, $0x0  }
0x1f: {  	s9 =	smul.u32 $0xF7A, s1;
	s8 =	simm.s32 @!p0 $0x1BF5;
	p2 =	por !p2, p0  }
0x20: {  	[sflag:s8] =	ssyncset.s32 @!p0 $0xFFFFF086;
	s6 =	sadd.s32 @!p0 s3, s7;
	s7 =	simm.s32 @!p0 $0x108  }
0x21: {  	s3 =	sadd.s32 s3, s9;
	s6 =	sadd.s32 @!p0 $0x88, s6;
	s7 =	simm.s32 @p2 $0x1082  }
0x22: {  	[simem:s7], [sflag:s8] =	dma.local @!p0 [hbm:s6], $0xF7A  }
0x23: {  	s9 =	sor.u32 $0xD0000000, s2;
	s6 =	simm.s32 $0x108;
	_ =	swait.ge @!p0 [sflag:s8], $0x0  }
0x24: {  	s3 =	sadd.s32 $0x88, s3;
	s6 =	simm.s32 @!p1 $0x1082;
	[sflag:s4] =	ssyncset.s32 $0xFFFFF086  }
0x25: {  	[simem:s6], [sflag:s4] =	dma.local [hbm:s3], $0xF7A  }
0x26: {  	[smem:$0x3F9C] =	sst s1;
	(tag) =	ssettag s2;
	_ =	strace s9  }
0x27: {  	s1 =	sld [smem:$0x3FAC]  }
0x28: {  	s2 =	sld [smem:$0x3FAD]  }
0x29: {  	s4 =	sld [smem:$0x3FAF]  }
0x2a: {  	p0 =	seq.s32 s5, $0x0;
	s5 =	sld [smem:$0x3FB0]  }
0x2b: {  	s6 =	sld [smem:$0x3FB1]  }
0x2c: {  	s7 =	sld [smem:$0x3FB2]  }
0x2d: {  	s3 =	simm.s32 $0x108;
	s8 =	sld [smem:$0x3FB3]  }
0x2e: {  	s3 =	simm.s32 @!p0 $0x1082;
	s9 =	sld [smem:$0x3FB4]  }
0x2f: {  	lr =	sadd.s32 s0, s3;
	s0 =	sld [smem:$0x3FAB]  }
0x30: {  	s3 =	sld [smem:$0x3FAE]  }
0x31: {  	[smem:$0x3FB7] =	sst s10  }
0x32: {  	s10 =	sld [smem:$0x3FB5];
	_ =	sdelay $0x3  }
0x33: {  	p0 =	seq.s32 s10, $0x1;
	s10 =	sld [smem:$0x3FB7];
	_ =	sdelay $0x3  }
0x34: {  	[smem:$0x3FB7] =	sst s10  }
0x35: {  	s10 =	sld [smem:$0x3FB6];
	_ =	sdelay $0x3  }
0x36: {  	p1 =	seq.s32 s10, $0x1;
	s10 =	sld [smem:$0x3FB7];
	_ =	sdelay $0x3  }
0x37: {  	[smem:$0x3FB7] =	sst s10  }
0x38: {  	s10 =	sld [smem:$0x3FB8]  }
0x39: {  	_ = 	snop;
	(pc) =	sbr.ind lr, $3  }
0x3a: {  	_ = 	snop  }
0x3b: {  	_ = 	snop  }
0x3c: {  	p2 =	seq.s32 s10, $0x1;
	s10 =	sld [smem:$0x3FB7]  }
0x3d: {  	_ =	shalt  }
0x3e: {  	_ =	shalt  }
0x3f: {  	_ =	shalt  }
0x40: {  	_ =	shalt  }
0x41: {  	_ =	shalt  }
0x42: {  	_ =	shalt  }
0x43: {  	_ =	shalt  }
0x44: {  	_ =	shalt  }
0x45: {  	_ =	shalt  }
0x46: {  	_ =	shalt  }
0x47: {  	_ =	shalt  }
0x48: {  	_ =	shalt  }
0x49: {  	_ =	shalt  }
0x4a: {  	_ =	shalt  }
0x4b: {  	_ =	shalt  }
0x4c: {  	_ =	shalt  }
0x4d: {  	_ =	shalt  }
0x4e: {  	_ =	shalt  }
0x4f: {  	_ =	shalt  }
0x50: {  	_ =	shalt  }
0x51: {  	_ =	shalt  }
0x52: {  	_ =	shalt  }
0x53: {  	_ =	shalt  }
0x54: {  	_ =	shalt  }
0x55: {  	_ =	shalt  }
0x56: {  	_ =	shalt  }
0x57: {  	_ =	shalt  }
0x58: {  	_ =	shalt  }
0x59: {  	_ =	shalt  }
0x5a: {  	_ =	shalt  }
0x5b: {  	_ =	shalt  }
0x5c: {  	_ =	shalt  }
0x5d: {  	_ =	shalt  }
0x5e: {  	_ =	shalt  }
0x5f: {  	_ =	shalt  }
0x60: {  	_ =	shalt  }
0x61: {  	_ =	shalt  }
0x62: {  	_ =	shalt  }
0x63: {  	_ =	shalt  }
0x64: {  	_ =	shalt  }
0x65: {  	_ =	shalt  }
0x66: {  	_ =	shalt  }
0x67: {  	_ =	shalt  }
0x68: {  	_ =	shalt  }
0x69: {  	_ =	shalt  }
0x6a: {  	_ =	shalt  }
0x6b: {  	_ =	shalt  }
0x6c: {  	_ =	shalt  }
0x6d: {  	_ =	shalt  }
0x6e: {  	_ =	shalt  }
0x6f: {  	_ =	shalt  }
0x70: {  	_ =	shalt  }
0x71: {  	_ =	shalt  }
0x72: {  	_ =	shalt  }
0x73: {  	_ =	shalt  }
0x74: {  	_ =	shalt  }
0x75: {  	_ =	shalt  }
0x76: {  	_ =	shalt  }
0x77: {  	_ =	shalt  }
0x78: {  	_ =	shalt  }
0x79: {  	_ =	shalt  }
0x7a: {  	_ =	shalt  }
0x7b: {  	_ =	shalt  }
0x7c: {  	_ =	shalt  }
0x7d: {  	_ =	shalt  }
0x7e: {  	_ =	shalt  }
0x7f: {  	_ =	shalt  }
0x80: {  	_ =	shalt  }
0x81: {  	_ =	shalt  }
0x82: {  	_ =	shalt  }
0x83: {  	_ =	shalt  }
0x84: {  	_ =	shalt  }
0x85: {  	_ =	shalt  }
0x86: {  	_ =	shalt  }
0x87: {  	_ =	shalt  }
.Lfunc_end0:
.L_simem_size_0:
called_computation_lowered:
.L_overlay_start_0:
0x88: {  	s2 =	sld [smem:$0x3FD9]  }
0x89: {  	s3 =	sld [smem:$0x3FFE];
	_ =	sdelay $0x1  }
0x8a: {  	s1 =	srdreg.scid  }
0x8b: {  	s0 =	sand.u32 $0x1, s1  }
0x8c: {  	s14 =	sshll.u32 s0, $0xA;
	s2 =	sadd.s32 s3, s2  }
0x8d: {  	s2 =	sadd.s32 s2, s14  }
0x8e: {  	[smem:$0x3FC3] =	sst s2  }
0x8f: {  	_ = 	snop  }
0x90: {  	s2 =	sld [smem:$0x3FD0];
	_ =	sdelay $0x2  }
0x91: {  	s15 =	simm.s32 $0xA;
	s4 =	simm.s32 $0x10  }
0x92: {  	[smem:s4], [sflag:s15] =	dma.local [hbm:s2], $0x1  }
0x93: {  	_ =	swait.eq [sflag:s15], $0x1  }
0x94: {  	[sflag:s15] =	ssyncset.done $0x0  }
0x95: {  	[sflag:s15] =	ssyncadd.s32 $0xFFFFFFFF  }
0x96: {  	s16 =	sld [smem:$0x11];
	(tm) =	ssettm $0x1  }
0x97: {  	s17 =	sld [smem:$0x3FFB];
	_ =	sdelay $0x3  }
0x98: {  	_ =	strace s17  }
0x99: {  	s3 =	sld [smem:$0x3FFC];
	_ =	sdelay $0x3  }
0x9a: {  	_ =	strace s3  }
0x9b: {  	s3 =	sld [smem:$0x3FFD];
	_ =	sdelay $0x3  }
0x9c: {  	_ =	strace s3  }
0x9d: {  	_ =	strace $0x8FFFFFFF  }
0x9e: {  	s18 =	sld [smem:$0x3FDB];
	_ =	sdelay $0x1  }
0x9f: {  	s19 =	simm.s32 $_scs_section_size  }
0xa0: {  	s5 =	simm.s32 $_size__tile_overlayer_lowered;
	s6 =	simm.s32 $_tile_overlayer_lowered  }
0xa1: {  	s22 =	simm.s32 $0x1BFF;
	s21 =	sshll.u32 s6, $0x1;
	s3 =	sadd.s32 s19, s18  }
0xa2: {  	s7 =	simm.s32 $0x0;
	s20 =	sshll.u32 s5, $0x1;
	s5 =	sadd.s32 s21, s3  }
0xa3: {  	[timem:s7], [sflag:s22] =	dma.local [hbm:s5], s20  }
0xa4: {  	_ =	swait.ge [sflag:s22], s20  }
0xa5: {  	s4 =	ssub.s32 $0x0, s20;
	[sflag:s22] =	ssyncset.done $0x0  }
0xa6: {  	[sflag:s22] =	ssyncadd.s32 s4;
	_ =	sdelay $0x1  }
0xa7: {  	s23 =	simm.s32 $0x1B8B  }
0xa8: {  	_ =	swait.ge [sflag:s23], $0x1  }
0xa9: {  	[sflag:s23] =	ssyncset.done $0x0  }
0xaa: {  	s25 =	simm.s32 $0x1B8E;
	s24 =	sld [smem:$0x3FFE];
	[sflag:s23] =	ssyncadd.s32 $0xFFFFFFFF  }
0xab: {  	s26 =	simm.s32 $execute0_lowered;
	[smem:$0x3FD2] =	sst s25  }
0xac: {  	s5 =	sshll.u32 s26, $0x1;
	_ =	strace $0x80000046;
	[dreg:$0x1] =	wrdreg $0xFFFFFFFF  }
0xad: {  	s28 =	simm.s32 $_size_execute0_lowered;
	s3 =	sadd.s32 s3, s5;
	[dreg:$0x0] =	wrdreg $0x0  }
0xae: {  	s5 =	sshll.u32 s28, $0x1;
	[dreg:$0x2] =	wrdreg s3  }
0xaf: {  	[dreg:$0x3] =	wrdreg s5  }
0xb0: {  	[dreg:$0x4] =	wrdreg $0xC0  }
0xb1: {  	_ =	task [dreg:s7], $0x5FFFF  }
0xb2: {  	[dreg:$0x1] =	wrdreg $0xFFFFFFFF  }
0xb3: {  	[dreg:$0x0] =	wrdreg $0x60  }
0xb4: {  	[dreg:$0x2] =	wrdreg s16  }
0xb5: {  	[dreg:$0x3] =	wrdreg s24  }
0xb6: {  	[dreg:$0x4] =	wrdreg $0x9  }
0xb7: {  	_ =	task.clear_ibuf [dreg:s7], $0x5FFFF;
	_ =	strace $0x90000046  }
0xb8: {  	s29 =	simm.s32 $0x9;
	_ =	strace $0x80000048  }
0xb9: {  	_ =	swait.ge [sflag:s29], $0x1  }
0xba: {  	[sflag:s29] =	ssyncadd.s32 $0xFFFFFFFF  }
0xbb: {  	_ =	strace $0x90000048  }
0xbc: {  	_ =	sfence  }
0xbd: {  	s30 =	sld [smem:$0x0];
	_ =	sdelay $0x2  }
0xbe: {  	s31 =	sshll.u32 s1, $0xD;
	s1 =	sshrl.u32 s1, $0x2  }
0xbf: {  	s3 =	sand.u32 $0x4000, s31;
	s1 =	sadd.s32 s1, s30  }
0xc0: {  	s0 =	sor.u32 s3, s0;
	s1 =	sshll.u32 s1, $0x11  }
0xc1: {  	s0 =	sor.u32 s1, s0  }
0xc2: {  	s0 =	sadd.s32 $0x8F2B, s0  }
0xc3: {  	[sflag:s0] =	ssyncadd.remote.s32 $0x1  }
0xc4: {  	_ =	sfence.sel $0xFFFF  }
0xc5: {  	[dreg:$0x0] =	wrdreg $0xFFFFFFFF;
	(pc) =	sbr.abs _section_cstart, $3  }
0xc6: {  	[dreg:$0x1] =	wrdreg $0xFFFFFFFF  }
0xc7: {  	_ =	task.clear_ibuf [dreg:s7], $0x2FFFF;
	_ =	strace $0x9FFFFFFF  }
0xc8: {  	(tm) =	ssettm $0x7FFFFFFF  }
0xc9: {  	_ =	shalt  }
tec
execute0_lowered:
.L_overlay_start_1:
0x0: {  	(tag) =	ssettag $0x1  }
0x1: {  	s1 =	rddreg [dreg:$0x0]  }
0x2: {  	s0 =	rddreg [dreg:$0x1];
	s2 =	simm.s32 $0x0  }
0x3: {  	s3 =	srdreg.scid;
	s29 =	stileid.u32;
	s8 =	simm.s32 $0x1000  }
0x4: {  	s9 =	simm.s32 $0x30000;
	s10 =	simm.s32 $0x9000;
	s11 =	simm.s32 $0xB000  }
0x5: {  	v0 =	vlaneseq.u32;
	s12 =	simm.s32 $0x1;
	s13 =	simm.s32 $0xD000;
	s14 =	simm.s32 $0x2  }
0x6: {  	v2 =	vimm.f32 $0.0e+00;
	s15 =	simm.s32 $0xD100;
	s16 =	simm.s32 $0x11100;
	s17 =	simm.s32 $0x8000;
	v1 =	vmul.u32 $0x10, v0  }
0x7: {  	v3 =	vimm.s32 $0x0;
	s18 =	simm.s32 $0x15100;
	s19 =	simm.s32 $0x15500;
	v19 =	vimm.s32 $0x1;
	vm0 =	vmxor vm0, vm0;
	s5 =	sand.u32 $0x1, s3  }
0x8: {  	s20 =	simm.s32 $0x15900;
	s21 =	simm.s32 $0x3;
	s6 =	ssub.s32 $0x2, s5;
	v4 =	vor.u32 $0x1, v1;
	v5 =	vor.u32 $0x2, v1;
	v6 =	vor.u32 $0x3, v1  }
0x9: {  	s22 =	simm.s32 $0x0;
	[smem:$0x7FF] =	sst s2;
	s30 =	sshrl.u32 s6, $0x1;
	v7 =	vor.u32 $0x4, v1;
	v8 =	vor.u32 $0x5, v1;
	v9 =	vor.u32 $0x6, v1  }
0xa: {  	s4 =	sadd.s32 $0x800, s0;
	s31 =	sshll.u32 s29, $0x2;
	v10 =	vor.u32 $0x7, v1;
	v11 =	vor.u32 $0x8, v1;
	v12 =	vor.u32 $0x9, v1;
	s0 =	ssub.s32 s6, s30  }
0xb: {  	_ =	strace $0x80000047;
	s5 =	sshll.u32 s5, $0x1;
	v13 =	vor.u32 $0xA, v1;
	v14 =	vor.u32 $0xB, v1;
	v15 =	vor.u32 $0xC, v1;
	s0 =	smax.u32 s0, $0x1  }
0xc: {  	s5 =	sor.u32 s5, s31;
	v16 =	vor.u32 $0xD, v1;
	v17 =	vor.u32 $0xE, v1;
	v18 =	vor.u32 $0xF, v1;
	s6 =	sadd.s32 $0x200, s1;
	[dreg:$0x3] =	wrdreg s0  }
.LBB2_1:
0xd: {  	s0 =	simm.s32 $0x0  }
.LBB2_2:
0xe: {  	p0 =	sne.s32 s0, $0x17FC0  }
.Ltmp0:
0xf: {  	_ = 	snop;
	(pc) =	sbr.rel @p0 .LBB2_2-.Ltmp0, $3  }
0x10: {  	_ =	sdelay $0x1  }
0x11: {  	s23 =	sshra.s32 s0, $0x2  }
0x12: {  	s0 =	sadd.s32 $0x40, s0;
	[tilespmem:s23+$0x15900] =	vst v2  }
0x13: {  	s23 =	simm.s32 $0x0;
	p1 =	por $0x1, $0x1  }
.LBB2_4:
0x14: {  	p0 =	por p1, p1;
	s0 =	simm.s32 $0x0  }
.LBB2_5:
0x15: {  	p1 =	sne.s32 s0, $0x1FFC0  }
.Ltmp1:
0x16: {  	_ = 	snop;
	(pc) =	sbr.rel @p1 .LBB2_5-.Ltmp1, $3  }
0x17: {  	_ =	sdelay $0x1  }
0x18: {  	s24 =	sshra.s32 s0, $0x2  }
0x19: {  	s0 =	sadd.s32 $0x40, s0;
	[tilespmem:s24+$0x0] =	vst v3  }
0x1a: {  	s0 =	simm.s32 $0x40;
	s24 =	simm.s32 $0x0  }
.LBB2_7:
0x1b: {  	p1 =	sne.s32 s0, $0xFC0;
	[tilespmem:s24+$0x15100] =	vst v2;
	s25 =	smov.u32 s0;
	s0 =	sadd.s32 $0x40, s0  }
.Ltmp2:
0x1c: {  	[tilespmem:s24+$0x15500] =	vst v3;
	(pc) =	sbr.rel @p1 .LBB2_7-.Ltmp2, $2  }
0x1d: {  	_ =	sdelay $0x2  }
0x1e: {  	s24 =	sshra.s32 s25, $0x2  }
0x1f: {  	s0 =	sor.u32 s5, s23  }
0x20: {  	s0 =	smul.u32 $0x60000, s0;
	_ =	sdelay $0x1  }
0x21: {  	[tilespmem:s24+$0x15100] =	vst v2;
	s25 =	sshrl.u32 s0, $0x3  }
0x22: {  	[tilespmem:s24+$0x15500] =	vst v3;
	s29 =	simm.s32 $0x0;
	s28 =	sadd.s32 s1, s25  }
0x23: {  	[tilespmem:s10], [sflag:$0x1] =	stream.strided.gather [hbm4b:s28+s8], $0x2000, s9, s8, $0x38;
	[tilespmem:$0x1B900] =	vst v63  }
0x24: {  	s24 =	sor.u32 $0x2000, s0;
	s26 =	sadd.s32 s25, s6;
	s25 =	sor.u32 $0x3000, s0  }
0x25: {  	[tilespmem:s11], [sflag:$0x2] =	stream.strided.gather [hbm4b:s26+s8], $0x2000, s9, s8, $0x38;
	[tilespmem:$0x1B900] =	vst v63  }
.LBB2_9:
0x26: {  	_ =	swait.ge [sflag:s12], $0x2000  }
0x27: {  	[sflag:s12] =	ssyncset.done $0x0  }
0x28: {  	s0 =	simm.s32 $0x0;
	s30 =	simm.s32 $0x0;
	[sflag:s12] =	ssyncadd.s32 $0xFFFFE000  }
.LBB2_10:
0x29: {  	s31 =	sand.u32 $0x70, s30;
	s3 =	sand.u32 $0xC00, s0  }
0x2a: {  	s3 =	sor.u32 s31, s3  }
0x2b: {  	v20 =	vld [tilespmem:s3+$0x9000];
	_ =	sdelay $0x4  }
0x2c: {  	[tilespmem:v1+s13+$0x0] =	vst.idx.msk $0xffff, v20  }
0x2d: {  	v20 =	vld [tilespmem:s3+$0x9080];
	_ =	sdelay $0x4  }
0x2e: {  	[tilespmem:v4+s13+$0x0] =	vst.idx.msk $0xffff, v20  }
0x2f: {  	v20 =	vld [tilespmem:s3+$0x9100];
	_ =	sdelay $0x4  }
0x30: {  	[tilespmem:v5+s13+$0x0] =	vst.idx.msk $0xffff, v20  }
0x31: {  	v20 =	vld [tilespmem:s3+$0x9180];
	_ =	sdelay $0x4  }
0x32: {  	[tilespmem:v6+s13+$0x0] =	vst.idx.msk $0xffff, v20  }
0x33: {  	v20 =	vld [tilespmem:s3+$0x9200];
	_ =	sdelay $0x4  }
0x34: {  	[tilespmem:v7+s13+$0x0] =	vst.idx.msk $0xffff, v20  }
0x35: {  	v20 =	vld [tilespmem:s3+$0x9280];
	_ =	sdelay $0x4  }
0x36: {  	[tilespmem:v8+s13+$0x0] =	vst.idx.msk $0xffff, v20  }
0x37: {  	v20 =	vld [tilespmem:s3+$0x9300];
	_ =	sdelay $0x3  }
0x38: {  	s7 =	sor.u32 s0, s30  }
0x39: {  	s31 =	sor.u32 $0x380, s7;
	[tilespmem:v9+s13+$0x0] =	vst.idx.msk $0xffff, v20  }
0x3a: {  	v20 =	vld [tilespmem:s31+$0x9000];
	_ =	sdelay $0x4  }
0x3b: {  	[tilespmem:v10+s13+$0x0] =	vst.idx.msk $0xffff, v20  }
0x3c: {  	v20 =	vld [tilespmem:s3+$0xA000];
	_ =	sdelay $0x4  }
0x3d: {  	[tilespmem:v11+s13+$0x0] =	vst.idx.msk $0xffff, v20  }
0x3e: {  	v20 =	vld [tilespmem:s3+$0xA080];
	_ =	sdelay $0x4  }
0x3f: {  	[tilespmem:v12+s13+$0x0] =	vst.idx.msk $0xffff, v20  }
0x40: {  	v20 =	vld [tilespmem:s3+$0xA100];
	_ =	sdelay $0x4  }
0x41: {  	[tilespmem:v13+s13+$0x0] =	vst.idx.msk $0xffff, v20  }
0x42: {  	v20 =	vld [tilespmem:s3+$0xA180];
	_ =	sdelay $0x4  }
0x43: {  	[tilespmem:v14+s13+$0x0] =	vst.idx.msk $0xffff, v20  }
0x44: {  	v20 =	vld [tilespmem:s3+$0xA200];
	_ =	sdelay $0x4  }
0x45: {  	[tilespmem:v15+s13+$0x0] =	vst.idx.msk $0xffff, v20  }
0x46: {  	v20 =	vld [tilespmem:s3+$0xA280];
	_ =	sdelay $0x4  }
0x47: {  	[tilespmem:v16+s13+$0x0] =	vst.idx.msk $0xffff, v20  }
0x48: {  	v20 =	vld [tilespmem:s3+$0xA300];
	_ =	sdelay $0x4  }
0x49: {  	[tilespmem:v17+s13+$0x0] =	vst.idx.msk $0xffff, v20  }
0x4a: {  	v20 =	vld [tilespmem:s3+$0xA380];
	_ =	sdelay $0x4  }
0x4b: {  	[tilespmem:v18+s13+$0x0] =	vst.idx.msk $0xffff, v20  }
0x4c: {  	v20 =	vld [tilespmem:$0xD000];
	_ =	sdelay $0x4  }
0x4d: {  	v20 =	vshrl.u32 v20, $0x11  }
0x4e: {  	v20 =	vand.u32 $0x7FF0, v20  }
0x4f: {  	v20 =	vor.u32 v0, v20;
	_ =	sdelay $0x4  }
0x50: {  	[tilespmem:v20+s2+$0x0] =	vst.idx.add.s32.msk $0xffff, v19  }
0x51: {  	v20 =	vld [tilespmem:$0xD010];
	_ =	sdelay $0x4  }
0x52: {  	v20 =	vshrl.u32 v20, $0x11  }
0x53: {  	v20 =	vand.u32 $0x7FF0, v20  }
0x54: {  	v20 =	vor.u32 v0, v20;
	_ =	sdelay $0x4  }
0x55: {  	[tilespmem:v20+s2+$0x0] =	vst.idx.add.s32.msk $0xffff, v19  }
0x56: {  	v20 =	vld [tilespmem:$0xD020];
	_ =	sdelay $0x4  }
0x57: {  	v20 =	vshrl.u32 v20, $0x11  }
0x58: {  	v20 =	vand.u32 $0x7FF0, v20  }
0x59: {  	v20 =	vor.u32 v0, v20;
	_ =	sdelay $0x4  }
0x5a: {  	[tilespmem:v20+s2+$0x0] =	vst.idx.add.s32.msk $0xffff, v19  }
0x5b: {  	v20 =	vld [tilespmem:$0xD030];
	_ =	sdelay $0x4  }
0x5c: {  	v20 =	vshrl.u32 v20, $0x11  }
0x5d: {  	v20 =	vand.u32 $0x7FF0, v20  }
0x5e: {  	v20 =	vor.u32 v0, v20;
	_ =	sdelay $0x4  }
0x5f: {  	[tilespmem:v20+s2+$0x0] =	vst.idx.add.s32.msk $0xffff, v19  }
0x60: {  	v20 =	vld [tilespmem:$0xD040];
	_ =	sdelay $0x4  }
0x61: {  	v20 =	vshrl.u32 v20, $0x11  }
0x62: {  	v20 =	vand.u32 $0x7FF0, v20  }
0x63: {  	v20 =	vor.u32 v0, v20;
	_ =	sdelay $0x4  }
0x64: {  	[tilespmem:v20+s2+$0x0] =	vst.idx.add.s32.msk $0xffff, v19  }
0x65: {  	v20 =	vld [tilespmem:$0xD050];
	_ =	sdelay $0x4  }
0x66: {  	v20 =	vshrl.u32 v20, $0x11  }
0x67: {  	v20 =	vand.u32 $0x7FF0, v20  }
0x68: {  	v20 =	vor.u32 v0, v20;
	_ =	sdelay $0x4  }
0x69: {  	[tilespmem:v20+s2+$0x0] =	vst.idx.add.s32.msk $0xffff, v19  }
0x6a: {  	v20 =	vld [tilespmem:$0xD060];
	_ =	sdelay $0x4  }
0x6b: {  	v20 =	vshrl.u32 v20, $0x11  }
0x6c: {  	v20 =	vand.u32 $0x7FF0, v20  }
0x6d: {  	v20 =	vor.u32 v0, v20;
	_ =	sdelay $0x4  }
0x6e: {  	[tilespmem:v20+s2+$0x0] =	vst.idx.add.s32.msk $0xffff, v19  }
0x6f: {  	v20 =	vld [tilespmem:$0xD070];
	_ =	sdelay $0x4  }
0x70: {  	v20 =	vshrl.u32 v20, $0x11  }
0x71: {  	v20 =	vand.u32 $0x7FF0, v20  }
0x72: {  	v20 =	vor.u32 v0, v20;
	_ =	sdelay $0x4  }
0x73: {  	[tilespmem:v20+s2+$0x0] =	vst.idx.add.s32.msk $0xffff, v19  }
0x74: {  	v20 =	vld [tilespmem:$0xD080];
	_ =	sdelay $0x4  }
0x75: {  	v20 =	vshrl.u32 v20, $0x11  }
0x76: {  	v20 =	vand.u32 $0x7FF0, v20  }
0x77: {  	v20 =	vor.u32 v0, v20;
	_ =	sdelay $0x4  }
0x78: {  	[tilespmem:v20+s2+$0x0] =	vst.idx.add.s32.msk $0xffff, v19  }
0x79: {  	v20 =	vld [tilespmem:$0xD090];
	_ =	sdelay $0x4  }
0x7a: {  	v20 =	vshrl.u32 v20, $0x11  }
0x7b: {  	v20 =	vand.u32 $0x7FF0, v20  }
0x7c: {  	v20 =	vor.u32 v0, v20;
	_ =	sdelay $0x4  }
0x7d: {  	[tilespmem:v20+s2+$0x0] =	vst.idx.add.s32.msk $0xffff, v19  }
0x7e: {  	v20 =	vld [tilespmem:$0xD0A0];
	_ =	sdelay $0x4  }
0x7f: {  	v20 =	vshrl.u32 v20, $0x11  }
0x80: {  	v20 =	vand.u32 $0x7FF0, v20  }
0x81: {  	v20 =	vor.u32 v0, v20;
	_ =	sdelay $0x4  }
0x82: {  	[tilespmem:v20+s2+$0x0] =	vst.idx.add.s32.msk $0xffff, v19  }
0x83: {  	v20 =	vld [tilespmem:$0xD0B0];
	_ =	sdelay $0x4  }
0x84: {  	v20 =	vshrl.u32 v20, $0x11  }
0x85: {  	v20 =	vand.u32 $0x7FF0, v20  }
0x86: {  	v20 =	vor.u32 v0, v20;
	_ =	sdelay $0x4  }
0x87: {  	[tilespmem:v20+s2+$0x0] =	vst.idx.add.s32.msk $0xffff, v19  }
0x88: {  	v20 =	vld [tilespmem:$0xD0C0];
	_ =	sdelay $0x4  }
0x89: {  	v20 =	vshrl.u32 v20, $0x11  }
0x8a: {  	v20 =	vand.u32 $0x7FF0, v20  }
0x8b: {  	v20 =	vor.u32 v0, v20;
	_ =	sdelay $0x4  }
0x8c: {  	[tilespmem:v20+s2+$0x0] =	vst.idx.add.s32.msk $0xffff, v19  }
0x8d: {  	v20 =	vld [tilespmem:$0xD0D0];
	_ =	sdelay $0x4  }
0x8e: {  	v20 =	vshrl.u32 v20, $0x11  }
0x8f: {  	v20 =	vand.u32 $0x7FF0, v20  }
0x90: {  	v20 =	vor.u32 v0, v20;
	_ =	sdelay $0x4  }
0x91: {  	[tilespmem:v20+s2+$0x0] =	vst.idx.add.s32.msk $0xffff, v19  }
0x92: {  	v20 =	vld [tilespmem:$0xD0E0];
	_ =	sdelay $0x4  }
0x93: {  	v20 =	vshrl.u32 v20, $0x11  }
0x94: {  	v20 =	vand.u32 $0x7FF0, v20  }
0x95: {  	v20 =	vor.u32 v0, v20;
	_ =	sdelay $0x4  }
0x96: {  	[tilespmem:v20+s2+$0x0] =	vst.idx.add.s32.msk $0xffff, v19  }
0x97: {  	v20 =	vld [tilespmem:$0xD0F0];
	_ =	sdelay $0x4  }
0x98: {  	v20 =	vshrl.u32 v20, $0x11  }
0x99: {  	v20 =	vand.u32 $0x7FF0, v20  }
0x9a: {  	p1 =	sne.s32 s30, $0x1F0;
	v20 =	vor.u32 v0, v20  }
.Ltmp3:
0x9b: {  	_ = 	snop;
	(pc) =	sbr.rel @p1 .LBB2_10-.Ltmp3, $2  }
0x9c: {  	_ =	sdelay $0x2  }
0x9d: {  	s0 =	sadd.s32 $0x80, s0;
	s30 =	sadd.s32 $0x10, s30;
	[tilespmem:v20+s2+$0x0] =	vst.idx.add.s32.msk $0xffff, v19  }
0x9e: {  	s0 =	sshll.u32 s29, $0xD;
	p1 =	seq.s32 s29, $0x17  }
0x9f: {  	s3 =	sadd.s32 @!p1 s0, s24  }
0xa0: {  	s30 =	simm.s32 @!p1 $0x1000;
	s3 =	sshrl.u32 @!p1 s3, $0x3  }
0xa1: {  	s31 =	simm.s32 @!p1 $0x30000;
	s7 =	simm.s32 @!p1 $0x9000;
	s3 =	sadd.s32 @!p1 s1, s3  }
0xa2: {  	[tilespmem:s7], [sflag:$0x1] =	stream.strided.gather @!p1 [hbm4b:s3+s30], $0x2000, s31, s30, $0x38;
	[tilespmem:$0x1B900] =	vst v63  }
0xa3: {  	_ =	swait.ge [sflag:s14], $0x2000  }
0xa4: {  	[sflag:s14] =	ssyncset.done $0x0  }
0xa5: {  	s30 =	simm.s32 $0x0;
	s31 =	simm.s32 $0x0;
	[sflag:s14] =	ssyncadd.s32 $0xFFFFE000  }
.LBB2_12:
0xa6: {  	s3 =	sand.u32 $0x70, s31;
	s7 =	sand.u32 $0xC00, s30  }
0xa7: {  	s3 =	sor.u32 s3, s7  }
0xa8: {  	v20 =	vld [tilespmem:s3+$0xB000];
	_ =	sdelay $0x4  }
0xa9: {  	[tilespmem:v1+s13+$0x0] =	vst.idx.msk $0xffff, v20  }
0xaa: {  	v20 =	vld [tilespmem:s3+$0xB080];
	_ =	sdelay $0x4  }
0xab: {  	[tilespmem:v4+s13+$0x0] =	vst.idx.msk $0xffff, v20  }
0xac: {  	v20 =	vld [tilespmem:s3+$0xB100];
	_ =	sdelay $0x4  }
0xad: {  	[tilespmem:v5+s13+$0x0] =	vst.idx.msk $0xffff, v20  }
0xae: {  	v20 =	vld [tilespmem:s3+$0xB180];
	_ =	sdelay $0x4  }
0xaf: {  	[tilespmem:v6+s13+$0x0] =	vst.idx.msk $0xffff, v20  }
0xb0: {  	v20 =	vld [tilespmem:s3+$0xB200];
	_ =	sdelay $0x4  }
0xb1: {  	[tilespmem:v7+s13+$0x0] =	vst.idx.msk $0xffff, v20  }
0xb2: {  	v20 =	vld [tilespmem:s3+$0xB280];
	_ =	sdelay $0x4  }
0xb3: {  	[tilespmem:v8+s13+$0x0] =	vst.idx.msk $0xffff, v20  }
0xb4: {  	v20 =	vld [tilespmem:s3+$0xB300];
	_ =	sdelay $0x3  }
0xb5: {  	s7 =	sor.u32 s30, s31  }
0xb6: {  	s7 =	sor.u32 $0x380, s7;
	[tilespmem:v9+s13+$0x0] =	vst.idx.msk $0xffff, v20  }
0xb7: {  	v20 =	vld [tilespmem:s7+$0xB000];
	_ =	sdelay $0x4  }
0xb8: {  	[tilespmem:v10+s13+$0x0] =	vst.idx.msk $0xffff, v20  }
0xb9: {  	v20 =	vld [tilespmem:s3+$0xC000];
	_ =	sdelay $0x4  }
0xba: {  	[tilespmem:v11+s13+$0x0] =	vst.idx.msk $0xffff, v20  }
0xbb: {  	v20 =	vld [tilespmem:s3+$0xC080];
	_ =	sdelay $0x4  }
0xbc: {  	[tilespmem:v12+s13+$0x0] =	vst.idx.msk $0xffff, v20  }
0xbd: {  	v20 =	vld [tilespmem:s3+$0xC100];
	_ =	sdelay $0x4  }
0xbe: {  	[tilespmem:v13+s13+$0x0] =	vst.idx.msk $0xffff, v20  }
0xbf: {  	v20 =	vld [tilespmem:s3+$0xC180];
	_ =	sdelay $0x4  }
0xc0: {  	[tilespmem:v14+s13+$0x0] =	vst.idx.msk $0xffff, v20  }
0xc1: {  	v20 =	vld [tilespmem:s3+$0xC200];
	_ =	sdelay $0x4  }
0xc2: {  	[tilespmem:v15+s13+$0x0] =	vst.idx.msk $0xffff, v20  }
0xc3: {  	v20 =	vld [tilespmem:s3+$0xC280];
	_ =	sdelay $0x4  }
0xc4: {  	[tilespmem:v16+s13+$0x0] =	vst.idx.msk $0xffff, v20  }
0xc5: {  	v20 =	vld [tilespmem:s3+$0xC300];
	_ =	sdelay $0x4  }
0xc6: {  	[tilespmem:v17+s13+$0x0] =	vst.idx.msk $0xffff, v20  }
0xc7: {  	v20 =	vld [tilespmem:s3+$0xC380];
	_ =	sdelay $0x4  }
0xc8: {  	[tilespmem:v18+s13+$0x0] =	vst.idx.msk $0xffff, v20  }
0xc9: {  	v20 =	vld [tilespmem:$0xD000];
	_ =	sdelay $0x4  }
0xca: {  	v20 =	vshrl.u32 v20, $0x11  }
0xcb: {  	v20 =	vand.u32 $0x7FF0, v20  }
0xcc: {  	v20 =	vor.u32 v0, v20;
	_ =	sdelay $0x4  }
0xcd: {  	[tilespmem:v20+s2+$0x0] =	vst.idx.add.s32.msk $0xffff, v19  }
0xce: {  	v20 =	vld [tilespmem:$0xD010];
	_ =	sdelay $0x4  }
0xcf: {  	v20 =	vshrl.u32 v20, $0x11  }
0xd0: {  	v20 =	vand.u32 $0x7FF0, v20  }
0xd1: {  	v20 =	vor.u32 v0, v20;
	_ =	sdelay $0x4  }
0xd2: {  	[tilespmem:v20+s2+$0x0] =	vst.idx.add.s32.msk $0xffff, v19  }
0xd3: {  	v20 =	vld [tilespmem:$0xD020];
	_ =	sdelay $0x4  }
0xd4: {  	v20 =	vshrl.u32 v20, $0x11  }
0xd5: {  	v20 =	vand.u32 $0x7FF0, v20  }
0xd6: {  	v20 =	vor.u32 v0, v20;
	_ =	sdelay $0x4  }
0xd7: {  	[tilespmem:v20+s2+$0x0] =	vst.idx.add.s32.msk $0xffff, v19  }
0xd8: {  	v20 =	vld [tilespmem:$0xD030];
	_ =	sdelay $0x4  }
0xd9: {  	v20 =	vshrl.u32 v20, $0x11  }
0xda: {  	v20 =	vand.u32 $0x7FF0, v20  }
0xdb: {  	v20 =	vor.u32 v0, v20;
	_ =	sdelay $0x4  }
0xdc: {  	[tilespmem:v20+s2+$0x0] =	vst.idx.add.s32.msk $0xffff, v19  }
0xdd: {  	v20 =	vld [tilespmem:$0xD040];
	_ =	sdelay $0x4  }
0xde: {  	v20 =	vshrl.u32 v20, $0x11  }
0xdf: {  	v20 =	vand.u32 $0x7FF0, v20  }
0xe0: {  	v20 =	vor.u32 v0, v20;
	_ =	sdelay $0x4  }
0xe1: {  	[tilespmem:v20+s2+$0x0] =	vst.idx.add.s32.msk $0xffff, v19  }
0xe2: {  	v20 =	vld [tilespmem:$0xD050];
	_ =	sdelay $0x4  }
0xe3: {  	v20 =	vshrl.u32 v20, $0x11  }
0xe4: {  	v20 =	vand.u32 $0x7FF0, v20  }
0xe5: {  	v20 =	vor.u32 v0, v20;
	_ =	sdelay $0x4  }
0xe6: {  	[tilespmem:v20+s2+$0x0] =	vst.idx.add.s32.msk $0xffff, v19  }
0xe7: {  	v20 =	vld [tilespmem:$0xD060];
	_ =	sdelay $0x4  }
0xe8: {  	v20 =	vshrl.u32 v20, $0x11  }
0xe9: {  	v20 =	vand.u32 $0x7FF0, v20  }
0xea: {  	v20 =	vor.u32 v0, v20;
	_ =	sdelay $0x4  }
0xeb: {  	[tilespmem:v20+s2+$0x0] =	vst.idx.add.s32.msk $0xffff, v19  }
0xec: {  	v20 =	vld [tilespmem:$0xD070];
	_ =	sdelay $0x4  }
0xed: {  	v20 =	vshrl.u32 v20, $0x11  }
0xee: {  	v20 =	vand.u32 $0x7FF0, v20  }
0xef: {  	v20 =	vor.u32 v0, v20;
	_ =	sdelay $0x4  }
0xf0: {  	[tilespmem:v20+s2+$0x0] =	vst.idx.add.s32.msk $0xffff, v19  }
0xf1: {  	v20 =	vld [tilespmem:$0xD080];
	_ =	sdelay $0x4  }
0xf2: {  	v20 =	vshrl.u32 v20, $0x11  }
0xf3: {  	v20 =	vand.u32 $0x7FF0, v20  }
0xf4: {  	v20 =	vor.u32 v0, v20;
	_ =	sdelay $0x4  }
0xf5: {  	[tilespmem:v20+s2+$0x0] =	vst.idx.add.s32.msk $0xffff, v19  }
0xf6: {  	v20 =	vld [tilespmem:$0xD090];
	_ =	sdelay $0x4  }
0xf7: {  	v20 =	vshrl.u32 v20, $0x11  }
0xf8: {  	v20 =	vand.u32 $0x7FF0, v20  }
0xf9: {  	v20 =	vor.u32 v0, v20;
	_ =	sdelay $0x4  }
0xfa: {  	[tilespmem:v20+s2+$0x0] =	vst.idx.add.s32.msk $0xffff, v19  }
0xfb: {  	v20 =	vld [tilespmem:$0xD0A0];
	_ =	sdelay $0x4  }
0xfc: {  	v20 =	vshrl.u32 v20, $0x11  }
0xfd: {  	v20 =	vand.u32 $0x7FF0, v20  }
0xfe: {  	v20 =	vor.u32 v0, v20;
	_ =	sdelay $0x4  }
0xff: {  	[tilespmem:v20+s2+$0x0] =	vst.idx.add.s32.msk $0xffff, v19  }
0x100: {  	v20 =	vld [tilespmem:$0xD0B0];
	_ =	sdelay $0x4  }
0x101: {  	v20 =	vshrl.u32 v20, $0x11  }
0x102: {  	v20 =	vand.u32 $0x7FF0, v20  }
0x103: {  	v20 =	vor.u32 v0, v20;
	_ =	sdelay $0x4  }
0x104: {  	[tilespmem:v20+s2+$0x0] =	vst.idx.add.s32.msk $0xffff, v19  }
0x105: {  	v20 =	vld [tilespmem:$0xD0C0];
	_ =	sdelay $0x4  }
0x106: {  	v20 =	vshrl.u32 v20, $0x11  }
0x107: {  	v20 =	vand.u32 $0x7FF0, v20  }
0x108: {  	v20 =	vor.u32 v0, v20;
	_ =	sdelay $0x4  }
0x109: {  	[tilespmem:v20+s2+$0x0] =	vst.idx.add.s32.msk $0xffff, v19  }
0x10a: {  	v20 =	vld [tilespmem:$0xD0D0];
	_ =	sdelay $0x4  }
0x10b: {  	v20 =	vshrl.u32 v20, $0x11  }
0x10c: {  	v20 =	vand.u32 $0x7FF0, v20  }
0x10d: {  	v20 =	vor.u32 v0, v20;
	_ =	sdelay $0x4  }
0x10e: {  	[tilespmem:v20+s2+$0x0] =	vst.idx.add.s32.msk $0xffff, v19  }
0x10f: {  	v20 =	vld [tilespmem:$0xD0E0];
	_ =	sdelay $0x4  }
0x110: {  	v20 =	vshrl.u32 v20, $0x11  }
0x111: {  	v20 =	vand.u32 $0x7FF0, v20  }
0x112: {  	v20 =	vor.u32 v0, v20;
	_ =	sdelay $0x4  }
0x113: {  	[tilespmem:v20+s2+$0x0] =	vst.idx.add.s32.msk $0xffff, v19  }
0x114: {  	v20 =	vld [tilespmem:$0xD0F0];
	_ =	sdelay $0x4  }
0x115: {  	v20 =	vshrl.u32 v20, $0x11  }
0x116: {  	v20 =	vand.u32 $0x7FF0, v20  }
0x117: {  	p2 =	sne.s32 s31, $0x1F0;
	v20 =	vor.u32 v0, v20  }
.Ltmp4:
0x118: {  	_ = 	snop;
	(pc) =	sbr.rel @p2 .LBB2_12-.Ltmp4, $2  }
0x119: {  	_ =	sdelay $0x2  }
0x11a: {  	s30 =	sadd.s32 $0x80, s30;
	s31 =	sadd.s32 $0x10, s31;
	[tilespmem:v20+s2+$0x0] =	vst.idx.add.s32.msk $0xffff, v19  }
.Ltmp5:
0x11b: {  	(pc) =	sbr.rel @p1 .LBB2_14-.Ltmp5, $1  }
0x11c: {  	_ =	sdelay $0x3  }
.Ltmp6:
0x11d: {  	(pc) =	sbr.rel .LBB2_9-.Ltmp6, $4  }
0x11e: {  	s0 =	sadd.s32 s0, s25  }
0x11f: {  	s0 =	sshrl.u32 s0, $0x3  }
0x120: {  	s29 =	sadd.s32 $0x1, s29;
	s0 =	sadd.s32 s1, s0  }
0x121: {  	[tilespmem:s11], [sflag:$0x2] =	stream.strided.gather [hbm4b:s0+s8], $0x2000, s9, s8, $0x38;
	[tilespmem:$0x1B900] =	vst v63  }
.LBB2_14:
0x122: {  	s29 =	simm.s32 $0x7FF0  }
0x123: {  	v21 =	vld [tilespmem:s29+$0x0];
	_ =	sdelay $0x3  }
0x124: {  	v20 =	vimm.s32 $0x0;
	vm1 =	vmmov vm0  }
0x125: {  	s0 =	simm.s32 $0x7FF;
	s30 =	simm.s32 $0x7FE0;
	v23 =	vimm.s32 $0x0;
	s29 =	simm.s32 $0x7FE;
	v22 =	vadd.s32 v20, v21;
	v21 =	vimm.s32 $0x0  }
.LBB2_15:
0x126: {  	v24 =	vld [tilespmem:s30+$0x0];
	p1 =	sne.s32 s29, $0x0;
	vm2 =	vmneg vm1;
	vm3 =	vgt.s32 v22, $0x3F;
	s3 =	smov.u32 s29;
	s29 =	sadd.s32 $0xFFFFFFFF, s29  }
.Ltmp7:
0x127: {  	vm2 =	vmand vm3, vm2;
	(pc) =	sbr.rel @p1 .LBB2_15-.Ltmp7, $2  }
0x128: {  	v20 =	vsel vm2, s0, v20;
	v23 =	vsel vm2, v21, v23;
	v21 =	vmov v22;
	s0 =	smov.u32 s3;
	_ =	sdelay $0x2  }
0x129: {  	s30 =	sadd.s32 $0xFFFFFFF0, s30;
	vm1 =	vmor vm1, vm3;
	v22 =	vadd.s32 v22, v24  }
0x12a: {  	[tilespmem:s10], [sflag:$0x1] =	stream.strided.gather [hbm4b:s28+s8], $0x2000, s9, s8, $0x38;
	[tilespmem:$0x1B900] =	vst v63  }
0x12b: {  	vm1 =	vmneg vm1;
	vm2 =	vgt.s32 v22, $0x3F  }
0x12c: {  	vm1 =	vmand vm2, vm1;
	[tilespmem:s11], [sflag:$0x2] =	stream.strided.gather [hbm4b:s26+s8], $0x2000, s9, s8, $0x38;
	[tilespmem:$0x1B900] =	vst v63  }
0x12d: {  	v22 =	vimm.s32 $0x0;
	s28 =	simm.s32 $0x0;
	v20 =	vsel vm1, s0, v20;
	v21 =	vsel vm1, v21, v23;
	s26 =	simm.s32 $0x0  }
.LBB2_17:
0x12e: {  	_ =	swait.ge [sflag:s12], $0x2000  }
0x12f: {  	[sflag:s12] =	ssyncset.done $0x0  }
0x130: {  	s29 =	simm.s32 $0x0;
	s30 =	simm.s32 $0x0;
	[sflag:s12] =	ssyncadd.s32 $0xFFFFE000  }
.LBB2_18:
0x131: {  	s0 =	sand.u32 $0x70, s30;
	s3 =	sand.u32 $0xC00, s29  }
0x132: {  	s0 =	sor.u32 s0, s3  }
0x133: {  	v23 =	vld [tilespmem:s0+$0x9000];
	_ =	sdelay $0x4  }
0x134: {  	[tilespmem:v1+s13+$0x0] =	vst.idx.msk $0xffff, v23  }
0x135: {  	v23 =	vld [tilespmem:s0+$0x9080];
	_ =	sdelay $0x4  }
0x136: {  	[tilespmem:v4+s13+$0x0] =	vst.idx.msk $0xffff, v23  }
0x137: {  	v23 =	vld [tilespmem:s0+$0x9100];
	_ =	sdelay $0x4  }
0x138: {  	[tilespmem:v5+s13+$0x0] =	vst.idx.msk $0xffff, v23  }
0x139: {  	v23 =	vld [tilespmem:s0+$0x9180];
	_ =	sdelay $0x4  }
0x13a: {  	[tilespmem:v6+s13+$0x0] =	vst.idx.msk $0xffff, v23  }
0x13b: {  	v23 =	vld [tilespmem:s0+$0x9200];
	_ =	sdelay $0x4  }
0x13c: {  	[tilespmem:v7+s13+$0x0] =	vst.idx.msk $0xffff, v23  }
0x13d: {  	v23 =	vld [tilespmem:s0+$0x9280];
	_ =	sdelay $0x4  }
0x13e: {  	[tilespmem:v8+s13+$0x0] =	vst.idx.msk $0xffff, v23  }
0x13f: {  	v23 =	vld [tilespmem:s0+$0x9300];
	_ =	sdelay $0x3  }
0x140: {  	s31 =	sor.u32 s29, s30  }
0x141: {  	s3 =	sor.u32 $0x380, s31;
	[tilespmem:v9+s13+$0x0] =	vst.idx.msk $0xffff, v23  }
0x142: {  	v23 =	vld [tilespmem:s3+$0x9000];
	_ =	sdelay $0x4  }
0x143: {  	[tilespmem:v10+s13+$0x0] =	vst.idx.msk $0xffff, v23  }
0x144: {  	v23 =	vld [tilespmem:s0+$0xA000];
	_ =	sdelay $0x4  }
0x145: {  	[tilespmem:v11+s13+$0x0] =	vst.idx.msk $0xffff, v23  }
0x146: {  	v23 =	vld [tilespmem:s0+$0xA080];
	_ =	sdelay $0x4  }
0x147: {  	[tilespmem:v12+s13+$0x0] =	vst.idx.msk $0xffff, v23  }
0x148: {  	v23 =	vld [tilespmem:s0+$0xA100];
	_ =	sdelay $0x4  }
0x149: {  	[tilespmem:v13+s13+$0x0] =	vst.idx.msk $0xffff, v23  }
0x14a: {  	v23 =	vld [tilespmem:s0+$0xA180];
	_ =	sdelay $0x4  }
0x14b: {  	[tilespmem:v14+s13+$0x0] =	vst.idx.msk $0xffff, v23  }
0x14c: {  	v23 =	vld [tilespmem:s0+$0xA200];
	_ =	sdelay $0x4  }
0x14d: {  	[tilespmem:v15+s13+$0x0] =	vst.idx.msk $0xffff, v23  }
0x14e: {  	v23 =	vld [tilespmem:s0+$0xA280];
	_ =	sdelay $0x4  }
0x14f: {  	[tilespmem:v16+s13+$0x0] =	vst.idx.msk $0xffff, v23  }
0x150: {  	v23 =	vld [tilespmem:s0+$0xA300];
	_ =	sdelay $0x4  }
0x151: {  	[tilespmem:v17+s13+$0x0] =	vst.idx.msk $0xffff, v23  }
0x152: {  	v23 =	vld [tilespmem:s0+$0xA380];
	_ =	sdelay $0x4  }
0x153: {  	[tilespmem:v18+s13+$0x0] =	vst.idx.msk $0xffff, v23  }
0x154: {  	v23 =	vld [tilespmem:$0xD000];
	_ =	sdelay $0x4  }
0x155: {  	v24 =	vshrl.u32 v23, $0x15  }
0x156: {  	vm2 =	vlt.s32 v22, $0x400;
	vm1 =	vge.s32 v24, v20  }
0x157: {  	v54 =	vshll.u32 v22, $0x4;
	vm1 =	vmand vm2, vm1  }
0x158: {  	v24 =	vor.u32 v0, v54;
	_ =	sdelay $0x3  }
0x159: {  	s0 =	sadd.s32 s30, s26  }
0x15a: {  	[tilespmem:v24+s15+$0x0] =	vst.idx.msk vm1, v23;
	v23 =	vmov s0  }
0x15b: {  	[tilespmem:v24+s16+$0x0] =	vst.idx.msk vm1, v23  }
0x15c: {  	v23 =	vld [tilespmem:$0xD010];
	_ =	sdelay $0x3  }
0x15d: {  	v55 =	vsel vm1, $0x1, v3  }
0x15e: {  	v22 =	vadd.s32 v55, v22;
	v56 =	vshrl.u32 v23, $0x15  }
0x15f: {  	vm2 =	vlt.s32 v22, $0x400;
	vm1 =	vge.s32 v56, v20  }
0x160: {  	v57 =	vshll.u32 v22, $0x4;
	vm1 =	vmand vm1, vm2  }
0x161: {  	v24 =	vor.u32 v0, v57;
	_ =	sdelay $0x3  }
0x162: {  	s7 =	sadd.s32 $0x1, s0  }
0x163: {  	[tilespmem:v24+s15+$0x0] =	vst.idx.msk vm1, v23;
	v23 =	vmov s7  }
0x164: {  	[tilespmem:v24+s16+$0x0] =	vst.idx.msk vm1, v23  }
0x165: {  	v23 =	vld [tilespmem:$0xD020];
	_ =	sdelay $0x3  }
0x166: {  	v58 =	vsel vm1, $0x1, v3  }
0x167: {  	v22 =	vadd.s32 v58, v22;
	v59 =	vshrl.u32 v23, $0x15  }
0x168: {  	vm2 =	vlt.s32 v22, $0x400;
	vm1 =	vge.s32 v59, v20  }
0x169: {  	v60 =	vshll.u32 v22, $0x4;
	vm1 =	vmand vm1, vm2  }
0x16a: {  	v24 =	vor.u32 v0, v60;
	_ =	sdelay $0x3  }
0x16b: {  	s31 =	sadd.s32 $0x2, s0  }
0x16c: {  	[tilespmem:v24+s15+$0x0] =	vst.idx.msk vm1, v23;
	v23 =	vmov s31  }
0x16d: {  	[tilespmem:v24+s16+$0x0] =	vst.idx.msk vm1, v23  }
0x16e: {  	v23 =	vld [tilespmem:$0xD030];
	_ =	sdelay $0x3  }
0x16f: {  	v61 =	vsel vm1, $0x1, v3  }
0x170: {  	v22 =	vadd.s32 v61, v22;
	v62 =	vshrl.u32 v23, $0x15  }
0x171: {  	vm2 =	vlt.s32 v22, $0x400;
	vm1 =	vge.s32 v62, v20  }
0x172: {  	v63 =	vshll.u32 v22, $0x4;
	vm1 =	vmand vm1, vm2  }
0x173: {  	v24 =	vor.u32 v0, v63;
	_ =	sdelay $0x3  }
0x174: {  	s7 =	sadd.s32 $0x3, s0  }
0x175: {  	[tilespmem:v24+s15+$0x0] =	vst.idx.msk vm1, v23;
	v23 =	vmov s7  }
0x176: {  	[tilespmem:v24+s16+$0x0] =	vst.idx.msk vm1, v23  }
0x177: {  	v23 =	vld [tilespmem:$0xD040];
	_ =	sdelay $0x3  }
0x178: {  	v28 =	vsel vm1, $0x1, v3  }
0x179: {  	v22 =	vadd.s32 v28, v22;
	v29 =	vshrl.u32 v23, $0x15  }
0x17a: {  	vm2 =	vlt.s32 v22, $0x400;
	vm1 =	vge.s32 v29, v20  }
0x17b: {  	v30 =	vshll.u32 v22, $0x4;
	vm1 =	vmand vm1, vm2  }
0x17c: {  	v24 =	vor.u32 v0, v30;
	_ =	sdelay $0x3  }
0x17d: {  	s31 =	sadd.s32 $0x4, s0  }
0x17e: {  	[tilespmem:v24+s15+$0x0] =	vst.idx.msk vm1, v23;
	v23 =	vmov s31  }
0x17f: {  	[tilespmem:v24+s16+$0x0] =	vst.idx.msk vm1, v23  }
0x180: {  	v23 =	vld [tilespmem:$0xD050];
	_ =	sdelay $0x3  }
0x181: {  	v31 =	vsel vm1, $0x1, v3  }
0x182: {  	v22 =	vadd.s32 v31, v22;
	v32 =	vshrl.u32 v23, $0x15  }
0x183: {  	vm2 =	vlt.s32 v22, $0x400;
	vm1 =	vge.s32 v32, v20  }
0x184: {  	v33 =	vshll.u32 v22, $0x4;
	vm1 =	vmand vm1, vm2  }
0x185: {  	v24 =	vor.u32 v0, v33;
	_ =	sdelay $0x3  }
0x186: {  	s7 =	sadd.s32 $0x5, s0  }
0x187: {  	[tilespmem:v24+s15+$0x0] =	vst.idx.msk vm1, v23;
	v23 =	vmov s7  }
0x188: {  	[tilespmem:v24+s16+$0x0] =	vst.idx.msk vm1, v23  }
0x189: {  	v23 =	vld [tilespmem:$0xD060];
	_ =	sdelay $0x3  }
0x18a: {  	v34 =	vsel vm1, $0x1, v3  }
0x18b: {  	v22 =	vadd.s32 v34, v22;
	v35 =	vshrl.u32 v23, $0x15  }
0x18c: {  	vm2 =	vlt.s32 v22, $0x400;
	vm1 =	vge.s32 v35, v20  }
0x18d: {  	v36 =	vshll.u32 v22, $0x4;
	vm1 =	vmand vm1, vm2  }
0x18e: {  	v24 =	vor.u32 v0, v36;
	_ =	sdelay $0x3  }
0x18f: {  	s31 =	sadd.s32 $0x6, s0  }
0x190: {  	[tilespmem:v24+s15+$0x0] =	vst.idx.msk vm1, v23;
	v23 =	vmov s31  }
0x191: {  	[tilespmem:v24+s16+$0x0] =	vst.idx.msk vm1, v23  }
0x192: {  	v23 =	vld [tilespmem:$0xD070];
	_ =	sdelay $0x3  }
0x193: {  	v37 =	vsel vm1, $0x1, v3  }
0x194: {  	v22 =	vadd.s32 v37, v22;
	v38 =	vshrl.u32 v23, $0x15  }
0x195: {  	vm2 =	vlt.s32 v22, $0x400;
	vm1 =	vge.s32 v38, v20  }
0x196: {  	v39 =	vshll.u32 v22, $0x4;
	vm1 =	vmand vm1, vm2  }
0x197: {  	v24 =	vor.u32 v0, v39;
	_ =	sdelay $0x3  }
0x198: {  	s7 =	sadd.s32 $0x7, s0  }
0x199: {  	[tilespmem:v24+s15+$0x0] =	vst.idx.msk vm1, v23;
	v23 =	vmov s7  }
0x19a: {  	[tilespmem:v24+s16+$0x0] =	vst.idx.msk vm1, v23  }
0x19b: {  	v23 =	vld [tilespmem:$0xD080];
	_ =	sdelay $0x3  }
0x19c: {  	v40 =	vsel vm1, $0x1, v3  }
0x19d: {  	v22 =	vadd.s32 v40, v22;
	v41 =	vshrl.u32 v23, $0x15  }
0x19e: {  	vm2 =	vlt.s32 v22, $0x400;
	vm1 =	vge.s32 v41, v20  }
0x19f: {  	v42 =	vshll.u32 v22, $0x4;
	vm1 =	vmand vm1, vm2  }
0x1a0: {  	v24 =	vor.u32 v0, v42;
	_ =	sdelay $0x3  }
0x1a1: {  	s31 =	sadd.s32 $0x8, s0  }
0x1a2: {  	[tilespmem:v24+s15+$0x0] =	vst.idx.msk vm1, v23;
	v23 =	vmov s31  }
0x1a3: {  	[tilespmem:v24+s16+$0x0] =	vst.idx.msk vm1, v23  }
0x1a4: {  	v23 =	vld [tilespmem:$0xD090];
	_ =	sdelay $0x3  }
0x1a5: {  	v43 =	vsel vm1, $0x1, v3  }
0x1a6: {  	v22 =	vadd.s32 v43, v22;
	v44 =	vshrl.u32 v23, $0x15  }
0x1a7: {  	vm2 =	vlt.s32 v22, $0x400;
	vm1 =	vge.s32 v44, v20  }
0x1a8: {  	v45 =	vshll.u32 v22, $0x4;
	vm1 =	vmand vm1, vm2  }
0x1a9: {  	v24 =	vor.u32 v0, v45;
	_ =	sdelay $0x3  }
0x1aa: {  	s7 =	sadd.s32 $0x9, s0  }
0x1ab: {  	[tilespmem:v24+s15+$0x0] =	vst.idx.msk vm1, v23;
	v23 =	vmov s7  }
0x1ac: {  	[tilespmem:v24+s16+$0x0] =	vst.idx.msk vm1, v23  }
0x1ad: {  	v23 =	vld [tilespmem:$0xD0A0];
	_ =	sdelay $0x3  }
0x1ae: {  	v46 =	vsel vm1, $0x1, v3  }
0x1af: {  	v22 =	vadd.s32 v46, v22;
	v47 =	vshrl.u32 v23, $0x15  }
0x1b0: {  	vm2 =	vlt.s32 v22, $0x400;
	vm1 =	vge.s32 v47, v20  }
0x1b1: {  	v48 =	vshll.u32 v22, $0x4;
	vm1 =	vmand vm1, vm2  }
0x1b2: {  	v24 =	vor.u32 v0, v48;
	_ =	sdelay $0x3  }
0x1b3: {  	s31 =	sadd.s32 $0xA, s0  }
0x1b4: {  	[tilespmem:v24+s15+$0x0] =	vst.idx.msk vm1, v23;
	v23 =	vmov s31  }
0x1b5: {  	[tilespmem:v24+s16+$0x0] =	vst.idx.msk vm1, v23  }
0x1b6: {  	v23 =	vld [tilespmem:$0xD0B0];
	_ =	sdelay $0x3  }
0x1b7: {  	v49 =	vsel vm1, $0x1, v3  }
0x1b8: {  	v22 =	vadd.s32 v49, v22;
	v50 =	vshrl.u32 v23, $0x15  }
0x1b9: {  	vm2 =	vlt.s32 v22, $0x400;
	vm1 =	vge.s32 v50, v20  }
0x1ba: {  	v51 =	vshll.u32 v22, $0x4;
	vm1 =	vmand vm1, vm2  }
0x1bb: {  	v24 =	vor.u32 v0, v51;
	_ =	sdelay $0x3  }
0x1bc: {  	s7 =	sadd.s32 $0xB, s0  }
0x1bd: {  	[tilespmem:v24+s15+$0x0] =	vst.idx.msk vm1, v23;
	v23 =	vmov s7  }
0x1be: {  	[tilespmem:v24+s16+$0x0] =	vst.idx.msk vm1, v23  }
0x1bf: {  	v23 =	vld [tilespmem:$0xD0C0];
	_ =	sdelay $0x3  }
0x1c0: {  	v52 =	vsel vm1, $0x1, v3  }
0x1c1: {  	v22 =	vadd.s32 v52, v22;
	v53 =	vshrl.u32 v23, $0x15  }
0x1c2: {  	vm2 =	vlt.s32 v22, $0x400;
	vm1 =	vge.s32 v53, v20  }
0x1c3: {  	v54 =	vshll.u32 v22, $0x4;
	vm1 =	vmand vm1, vm2  }
0x1c4: {  	v24 =	vor.u32 v0, v54;
	_ =	sdelay $0x3  }
0x1c5: {  	s31 =	sadd.s32 $0xC, s0  }
0x1c6: {  	[tilespmem:v24+s15+$0x0] =	vst.idx.msk vm1, v23;
	v23 =	vmov s31  }
0x1c7: {  	[tilespmem:v24+s16+$0x0] =	vst.idx.msk vm1, v23  }
0x1c8: {  	v23 =	vld [tilespmem:$0xD0D0];
	_ =	sdelay $0x3  }
0x1c9: {  	v55 =	vsel vm1, $0x1, v3  }
0x1ca: {  	v22 =	vadd.s32 v55, v22;
	v56 =	vshrl.u32 v23, $0x15  }
0x1cb: {  	vm2 =	vlt.s32 v22, $0x400;
	vm1 =	vge.s32 v56, v20  }
0x1cc: {  	v57 =	vshll.u32 v22, $0x4;
	vm1 =	vmand vm1, vm2  }
0x1cd: {  	v24 =	vor.u32 v0, v57;
	_ =	sdelay $0x3  }
0x1ce: {  	s7 =	sadd.s32 $0xD, s0  }
0x1cf: {  	[tilespmem:v24+s15+$0x0] =	vst.idx.msk vm1, v23;
	v23 =	vmov s7  }
0x1d0: {  	[tilespmem:v24+s16+$0x0] =	vst.idx.msk vm1, v23  }
0x1d1: {  	v23 =	vld [tilespmem:$0xD0E0];
	_ =	sdelay $0x3  }
0x1d2: {  	v58 =	vsel vm1, $0x1, v3  }
0x1d3: {  	v22 =	vadd.s32 v58, v22;
	v59 =	vshrl.u32 v23, $0x15  }
0x1d4: {  	vm2 =	vlt.s32 v22, $0x400;
	vm1 =	vge.s32 v59, v20  }
0x1d5: {  	v60 =	vshll.u32 v22, $0x4;
	vm1 =	vmand vm1, vm2  }
0x1d6: {  	v24 =	vor.u32 v0, v60;
	_ =	sdelay $0x3  }
0x1d7: {  	s31 =	sadd.s32 $0xE, s0  }
0x1d8: {  	[tilespmem:v24+s15+$0x0] =	vst.idx.msk vm1, v23;
	v23 =	vmov s31  }
0x1d9: {  	[tilespmem:v24+s16+$0x0] =	vst.idx.msk vm1, v23  }
0x1da: {  	v23 =	vld [tilespmem:$0xD0F0];
	_ =	sdelay $0x3  }
0x1db: {  	v61 =	vsel vm1, $0x1, v3  }
0x1dc: {  	v22 =	vadd.s32 v61, v22;
	v62 =	vshrl.u32 v23, $0x15  }
0x1dd: {  	vm2 =	vlt.s32 v22, $0x400;
	vm1 =	vge.s32 v62, v20  }
0x1de: {  	v63 =	vshll.u32 v22, $0x4;
	vm1 =	vmand vm1, vm2  }
0x1df: {  	v24 =	vor.u32 v0, v63  }
0x1e0: {  	p1 =	sne.s32 s30, $0x1F0  }
.Ltmp8:
0x1e1: {  	_ = 	snop;
	(pc) =	sbr.rel @p1 .LBB2_18-.Ltmp8, $4  }
0x1e2: {  	_ = 	snop  }
0x1e3: {  	s0 =	sadd.s32 $0xF, s0  }
0x1e4: {  	v25 =	vsel vm1, $0x1, v3;
	[tilespmem:v24+s15+$0x0] =	vst.idx.msk vm1, v23;
	v23 =	vmov s0  }
0x1e5: {  	s29 =	sadd.s32 $0x80, s29;
	s30 =	sadd.s32 $0x10, s30;
	v22 =	vadd.s32 v25, v22;
	[tilespmem:v24+s16+$0x0] =	vst.idx.msk vm1, v23  }
0x1e6: {  	s29 =	sshll.u32 s28, $0xD;
	p1 =	seq.s32 s28, $0x17  }
0x1e7: {  	s0 =	sadd.s32 @!p1 s29, s24  }
0x1e8: {  	s3 =	simm.s32 @!p1 $0x1000;
	s0 =	sshrl.u32 @!p1 s0, $0x3  }
0x1e9: {  	s7 =	simm.s32 @!p1 $0x30000;
	s30 =	simm.s32 @!p1 $0x9000;
	s0 =	sadd.s32 @!p1 s1, s0  }
0x1ea: {  	[tilespmem:s30], [sflag:$0x1] =	stream.strided.gather @!p1 [hbm4b:s0+s3], $0x2000, s7, s3, $0x38;
	[tilespmem:$0x1B900] =	vst v63  }
0x1eb: {  	_ =	swait.ge [sflag:s14], $0x2000  }
0x1ec: {  	[sflag:s14] =	ssyncset.done $0x0  }
0x1ed: {  	s31 =	simm.s32 $0x0;
	s30 =	simm.s32 $0x0;
	[sflag:s14] =	ssyncadd.s32 $0xFFFFE000  }
.LBB2_20:
0x1ee: {  	s0 =	sand.u32 $0x70, s31;
	s3 =	sand.u32 $0xC00, s30  }
0x1ef: {  	s0 =	sor.u32 s0, s3  }
0x1f0: {  	v23 =	vld [tilespmem:s0+$0xB000];
	_ =	sdelay $0x4  }
0x1f1: {  	[tilespmem:v1+s13+$0x0] =	vst.idx.msk $0xffff, v23  }
0x1f2: {  	v23 =	vld [tilespmem:s0+$0xB080];
	_ =	sdelay $0x4  }
0x1f3: {  	[tilespmem:v4+s13+$0x0] =	vst.idx.msk $0xffff, v23  }
0x1f4: {  	v23 =	vld [tilespmem:s0+$0xB100];
	_ =	sdelay $0x4  }
0x1f5: {  	[tilespmem:v5+s13+$0x0] =	vst.idx.msk $0xffff, v23  }
0x1f6: {  	v23 =	vld [tilespmem:s0+$0xB180];
	_ =	sdelay $0x4  }
0x1f7: {  	[tilespmem:v6+s13+$0x0] =	vst.idx.msk $0xffff, v23  }
0x1f8: {  	v23 =	vld [tilespmem:s0+$0xB200];
	_ =	sdelay $0x4  }
0x1f9: {  	[tilespmem:v7+s13+$0x0] =	vst.idx.msk $0xffff, v23  }
0x1fa: {  	v23 =	vld [tilespmem:s0+$0xB280];
	_ =	sdelay $0x4  }
0x1fb: {  	[tilespmem:v8+s13+$0x0] =	vst.idx.msk $0xffff, v23  }
0x1fc: {  	v23 =	vld [tilespmem:s0+$0xB300];
	_ =	sdelay $0x3  }
0x1fd: {  	s7 =	sor.u32 s30, s31  }
0x1fe: {  	s3 =	sor.u32 $0x380, s7;
	[tilespmem:v9+s13+$0x0] =	vst.idx.msk $0xffff, v23  }
0x1ff: {  	v23 =	vld [tilespmem:s3+$0xB000];
	_ =	sdelay $0x4  }
0x200: {  	[tilespmem:v10+s13+$0x0] =	vst.idx.msk $0xffff, v23  }
0x201: {  	v23 =	vld [tilespmem:s0+$0xC000];
	_ =	sdelay $0x4  }
0x202: {  	[tilespmem:v11+s13+$0x0] =	vst.idx.msk $0xffff, v23  }
0x203: {  	v23 =	vld [tilespmem:s0+$0xC080];
	_ =	sdelay $0x4  }
0x204: {  	[tilespmem:v12+s13+$0x0] =	vst.idx.msk $0xffff, v23  }
0x205: {  	v23 =	vld [tilespmem:s0+$0xC100];
	_ =	sdelay $0x4  }
0x206: {  	[tilespmem:v13+s13+$0x0] =	vst.idx.msk $0xffff, v23  }
0x207: {  	v23 =	vld [tilespmem:s0+$0xC180];
	_ =	sdelay $0x4  }
0x208: {  	[tilespmem:v14+s13+$0x0] =	vst.idx.msk $0xffff, v23  }
0x209: {  	v23 =	vld [tilespmem:s0+$0xC200];
	_ =	sdelay $0x4  }
0x20a: {  	[tilespmem:v15+s13+$0x0] =	vst.idx.msk $0xffff, v23  }
0x20b: {  	v23 =	vld [tilespmem:s0+$0xC280];
	_ =	sdelay $0x4  }
0x20c: {  	[tilespmem:v16+s13+$0x0] =	vst.idx.msk $0xffff, v23  }
0x20d: {  	v23 =	vld [tilespmem:s0+$0xC300];
	_ =	sdelay $0x4  }
0x20e: {  	[tilespmem:v17+s13+$0x0] =	vst.idx.msk $0xffff, v23  }
0x20f: {  	v23 =	vld [tilespmem:s0+$0xC380];
	_ =	sdelay $0x4  }
0x210: {  	[tilespmem:v18+s13+$0x0] =	vst.idx.msk $0xffff, v23  }
0x211: {  	v23 =	vld [tilespmem:$0xD000];
	_ =	sdelay $0x4  }
0x212: {  	v24 =	vshrl.u32 v23, $0x15  }
0x213: {  	vm2 =	vlt.s32 v22, $0x400;
	vm1 =	vge.s32 v24, v20  }
0x214: {  	v54 =	vshll.u32 v22, $0x4;
	vm1 =	vmand vm2, vm1  }
0x215: {  	v24 =	vor.u32 v0, v54;
	_ =	sdelay $0x2  }
0x216: {  	s0 =	sadd.s32 s31, s26  }
0x217: {  	s7 =	sadd.s32 $0x200, s0  }
0x218: {  	[tilespmem:v24+s15+$0x0] =	vst.idx.msk vm1, v23;
	v23 =	vmov s7  }
0x219: {  	[tilespmem:v24+s16+$0x0] =	vst.idx.msk vm1, v23  }
0x21a: {  	v23 =	vld [tilespmem:$0xD010];
	_ =	sdelay $0x3  }
0x21b: {  	v55 =	vsel vm1, $0x1, v3  }
0x21c: {  	v22 =	vadd.s32 v55, v22;
	v56 =	vshrl.u32 v23, $0x15  }
0x21d: {  	vm2 =	vlt.s32 v22, $0x400;
	vm1 =	vge.s32 v56, v20  }
0x21e: {  	v57 =	vshll.u32 v22, $0x4;
	vm1 =	vmand vm1, vm2  }
0x21f: {  	v24 =	vor.u32 v0, v57;
	_ =	sdelay $0x3  }
0x220: {  	s7 =	sadd.s32 $0x201, s0  }
0x221: {  	[tilespmem:v24+s15+$0x0] =	vst.idx.msk vm1, v23;
	v23 =	vmov s7  }
0x222: {  	[tilespmem:v24+s16+$0x0] =	vst.idx.msk vm1, v23  }
0x223: {  	v23 =	vld [tilespmem:$0xD020];
	_ =	sdelay $0x3  }
0x224: {  	v58 =	vsel vm1, $0x1, v3  }
0x225: {  	v22 =	vadd.s32 v58, v22;
	v59 =	vshrl.u32 v23, $0x15  }
0x226: {  	vm2 =	vlt.s32 v22, $0x400;
	vm1 =	vge.s32 v59, v20  }
0x227: {  	v60 =	vshll.u32 v22, $0x4;
	vm1 =	vmand vm1, vm2  }
0x228: {  	v24 =	vor.u32 v0, v60;
	_ =	sdelay $0x3  }
0x229: {  	s7 =	sadd.s32 $0x202, s0  }
0x22a: {  	[tilespmem:v24+s15+$0x0] =	vst.idx.msk vm1, v23;
	v23 =	vmov s7  }
0x22b: {  	[tilespmem:v24+s16+$0x0] =	vst.idx.msk vm1, v23  }
0x22c: {  	v23 =	vld [tilespmem:$0xD030];
	_ =	sdelay $0x3  }
0x22d: {  	v61 =	vsel vm1, $0x1, v3  }
0x22e: {  	v22 =	vadd.s32 v61, v22;
	v62 =	vshrl.u32 v23, $0x15  }
0x22f: {  	vm2 =	vlt.s32 v22, $0x400;
	vm1 =	vge.s32 v62, v20  }
0x230: {  	v63 =	vshll.u32 v22, $0x4;
	vm1 =	vmand vm1, vm2  }
0x231: {  	v24 =	vor.u32 v0, v63;
	_ =	sdelay $0x3  }
0x232: {  	s7 =	sadd.s32 $0x203, s0  }
0x233: {  	[tilespmem:v24+s15+$0x0] =	vst.idx.msk vm1, v23;
	v23 =	vmov s7  }
0x234: {  	[tilespmem:v24+s16+$0x0] =	vst.idx.msk vm1, v23  }
0x235: {  	v23 =	vld [tilespmem:$0xD040];
	_ =	sdelay $0x3  }
0x236: {  	v28 =	vsel vm1, $0x1, v3  }
0x237: {  	v22 =	vadd.s32 v28, v22;
	v29 =	vshrl.u32 v23, $0x15  }
0x238: {  	vm2 =	vlt.s32 v22, $0x400;
	vm1 =	vge.s32 v29, v20  }
0x239: {  	v30 =	vshll.u32 v22, $0x4;
	vm1 =	vmand vm1, vm2  }
0x23a: {  	v24 =	vor.u32 v0, v30;
	_ =	sdelay $0x3  }
0x23b: {  	s7 =	sadd.s32 $0x204, s0  }
0x23c: {  	[tilespmem:v24+s15+$0x0] =	vst.idx.msk vm1, v23;
	v23 =	vmov s7  }
0x23d: {  	[tilespmem:v24+s16+$0x0] =	vst.idx.msk vm1, v23  }
0x23e: {  	v23 =	vld [tilespmem:$0xD050];
	_ =	sdelay $0x3  }
0x23f: {  	v31 =	vsel vm1, $0x1, v3  }
0x240: {  	v22 =	vadd.s32 v31, v22;
	v32 =	vshrl.u32 v23, $0x15  }
0x241: {  	vm2 =	vlt.s32 v22, $0x400;
	vm1 =	vge.s32 v32, v20  }
0x242: {  	v33 =	vshll.u32 v22, $0x4;
	vm1 =	vmand vm1, vm2  }
0x243: {  	v24 =	vor.u32 v0, v33;
	_ =	sdelay $0x3  }
0x244: {  	s7 =	sadd.s32 $0x205, s0  }
0x245: {  	[tilespmem:v24+s15+$0x0] =	vst.idx.msk vm1, v23;
	v23 =	vmov s7  }
0x246: {  	[tilespmem:v24+s16+$0x0] =	vst.idx.msk vm1, v23  }
0x247: {  	v23 =	vld [tilespmem:$0xD060];
	_ =	sdelay $0x3  }
0x248: {  	v34 =	vsel vm1, $0x1, v3  }
0x249: {  	v22 =	vadd.s32 v34, v22;
	v35 =	vshrl.u32 v23, $0x15  }
0x24a: {  	vm2 =	vlt.s32 v22, $0x400;
	vm1 =	vge.s32 v35, v20  }
0x24b: {  	v36 =	vshll.u32 v22, $0x4;
	vm1 =	vmand vm1, vm2  }
0x24c: {  	v24 =	vor.u32 v0, v36;
	_ =	sdelay $0x3  }
0x24d: {  	s7 =	sadd.s32 $0x206, s0  }
0x24e: {  	[tilespmem:v24+s15+$0x0] =	vst.idx.msk vm1, v23;
	v23 =	vmov s7  }
0x24f: {  	[tilespmem:v24+s16+$0x0] =	vst.idx.msk vm1, v23  }
0x250: {  	v23 =	vld [tilespmem:$0xD070];
	_ =	sdelay $0x3  }
0x251: {  	v37 =	vsel vm1, $0x1, v3  }
0x252: {  	v22 =	vadd.s32 v37, v22;
	v38 =	vshrl.u32 v23, $0x15  }
0x253: {  	vm2 =	vlt.s32 v22, $0x400;
	vm1 =	vge.s32 v38, v20  }
0x254: {  	v39 =	vshll.u32 v22, $0x4;
	vm1 =	vmand vm1, vm2  }
0x255: {  	v24 =	vor.u32 v0, v39;
	_ =	sdelay $0x3  }
0x256: {  	s7 =	sadd.s32 $0x207, s0  }
0x257: {  	[tilespmem:v24+s15+$0x0] =	vst.idx.msk vm1, v23;
	v23 =	vmov s7  }
0x258: {  	[tilespmem:v24+s16+$0x0] =	vst.idx.msk vm1, v23  }
0x259: {  	v23 =	vld [tilespmem:$0xD080];
	_ =	sdelay $0x3  }
0x25a: {  	v40 =	vsel vm1, $0x1, v3  }
0x25b: {  	v22 =	vadd.s32 v40, v22;
	v41 =	vshrl.u32 v23, $0x15  }
0x25c: {  	vm2 =	vlt.s32 v22, $0x400;
	vm1 =	vge.s32 v41, v20  }
0x25d: {  	v42 =	vshll.u32 v22, $0x4;
	vm1 =	vmand vm1, vm2  }
0x25e: {  	v24 =	vor.u32 v0, v42;
	_ =	sdelay $0x3  }
0x25f: {  	s7 =	sadd.s32 $0x208, s0  }
0x260: {  	[tilespmem:v24+s15+$0x0] =	vst.idx.msk vm1, v23;
	v23 =	vmov s7  }
0x261: {  	[tilespmem:v24+s16+$0x0] =	vst.idx.msk vm1, v23  }
0x262: {  	v23 =	vld [tilespmem:$0xD090];
	_ =	sdelay $0x3  }
0x263: {  	v43 =	vsel vm1, $0x1, v3  }
0x264: {  	v22 =	vadd.s32 v43, v22;
	v44 =	vshrl.u32 v23, $0x15  }
0x265: {  	vm2 =	vlt.s32 v22, $0x400;
	vm1 =	vge.s32 v44, v20  }
0x266: {  	v45 =	vshll.u32 v22, $0x4;
	vm1 =	vmand vm1, vm2  }
0x267: {  	v24 =	vor.u32 v0, v45;
	_ =	sdelay $0x3  }
0x268: {  	s7 =	sadd.s32 $0x209, s0  }
0x269: {  	[tilespmem:v24+s15+$0x0] =	vst.idx.msk vm1, v23;
	v23 =	vmov s7  }
0x26a: {  	[tilespmem:v24+s16+$0x0] =	vst.idx.msk vm1, v23  }
0x26b: {  	v23 =	vld [tilespmem:$0xD0A0];
	_ =	sdelay $0x3  }
0x26c: {  	v46 =	vsel vm1, $0x1, v3  }
0x26d: {  	v22 =	vadd.s32 v46, v22;
	v47 =	vshrl.u32 v23, $0x15  }
0x26e: {  	vm2 =	vlt.s32 v22, $0x400;
	vm1 =	vge.s32 v47, v20  }
0x26f: {  	v48 =	vshll.u32 v22, $0x4;
	vm1 =	vmand vm1, vm2  }
0x270: {  	v24 =	vor.u32 v0, v48;
	_ =	sdelay $0x3  }
0x271: {  	s7 =	sadd.s32 $0x20A, s0  }
0x272: {  	[tilespmem:v24+s15+$0x0] =	vst.idx.msk vm1, v23;
	v23 =	vmov s7  }
0x273: {  	[tilespmem:v24+s16+$0x0] =	vst.idx.msk vm1, v23  }
0x274: {  	v23 =	vld [tilespmem:$0xD0B0];
	_ =	sdelay $0x3  }
0x275: {  	v49 =	vsel vm1, $0x1, v3  }
0x276: {  	v22 =	vadd.s32 v49, v22;
	v50 =	vshrl.u32 v23, $0x15  }
0x277: {  	vm2 =	vlt.s32 v22, $0x400;
	vm1 =	vge.s32 v50, v20  }
0x278: {  	v51 =	vshll.u32 v22, $0x4;
	vm1 =	vmand vm1, vm2  }
0x279: {  	v24 =	vor.u32 v0, v51;
	_ =	sdelay $0x3  }
0x27a: {  	s7 =	sadd.s32 $0x20B, s0  }
0x27b: {  	[tilespmem:v24+s15+$0x0] =	vst.idx.msk vm1, v23;
	v23 =	vmov s7  }
0x27c: {  	[tilespmem:v24+s16+$0x0] =	vst.idx.msk vm1, v23  }
0x27d: {  	v23 =	vld [tilespmem:$0xD0C0];
	_ =	sdelay $0x3  }
0x27e: {  	v52 =	vsel vm1, $0x1, v3  }
0x27f: {  	v22 =	vadd.s32 v52, v22;
	v53 =	vshrl.u32 v23, $0x15  }
0x280: {  	vm2 =	vlt.s32 v22, $0x400;
	vm1 =	vge.s32 v53, v20  }
0x281: {  	v54 =	vshll.u32 v22, $0x4;
	vm1 =	vmand vm1, vm2  }
0x282: {  	v24 =	vor.u32 v0, v54;
	_ =	sdelay $0x3  }
0x283: {  	s7 =	sadd.s32 $0x20C, s0  }
0x284: {  	[tilespmem:v24+s15+$0x0] =	vst.idx.msk vm1, v23;
	v23 =	vmov s7  }
0x285: {  	[tilespmem:v24+s16+$0x0] =	vst.idx.msk vm1, v23  }
0x286: {  	v23 =	vld [tilespmem:$0xD0D0];
	_ =	sdelay $0x3  }
0x287: {  	v55 =	vsel vm1, $0x1, v3  }
0x288: {  	v22 =	vadd.s32 v55, v22;
	v56 =	vshrl.u32 v23, $0x15  }
0x289: {  	vm2 =	vlt.s32 v22, $0x400;
	vm1 =	vge.s32 v56, v20  }
0x28a: {  	v57 =	vshll.u32 v22, $0x4;
	vm1 =	vmand vm1, vm2  }
0x28b: {  	v24 =	vor.u32 v0, v57;
	_ =	sdelay $0x3  }
0x28c: {  	s7 =	sadd.s32 $0x20D, s0  }
0x28d: {  	[tilespmem:v24+s15+$0x0] =	vst.idx.msk vm1, v23;
	v23 =	vmov s7  }
0x28e: {  	[tilespmem:v24+s16+$0x0] =	vst.idx.msk vm1, v23  }
0x28f: {  	v23 =	vld [tilespmem:$0xD0E0];
	_ =	sdelay $0x3  }
0x290: {  	v58 =	vsel vm1, $0x1, v3  }
0x291: {  	v22 =	vadd.s32 v58, v22;
	v59 =	vshrl.u32 v23, $0x15  }
0x292: {  	vm2 =	vlt.s32 v22, $0x400;
	vm1 =	vge.s32 v59, v20  }
0x293: {  	v60 =	vshll.u32 v22, $0x4;
	vm1 =	vmand vm1, vm2  }
0x294: {  	v24 =	vor.u32 v0, v60;
	_ =	sdelay $0x3  }
0x295: {  	s7 =	sadd.s32 $0x20E, s0  }
0x296: {  	[tilespmem:v24+s15+$0x0] =	vst.idx.msk vm1, v23;
	v23 =	vmov s7  }
0x297: {  	[tilespmem:v24+s16+$0x0] =	vst.idx.msk vm1, v23  }
0x298: {  	v23 =	vld [tilespmem:$0xD0F0];
	_ =	sdelay $0x3  }
0x299: {  	v61 =	vsel vm1, $0x1, v3  }
0x29a: {  	v22 =	vadd.s32 v61, v22;
	v62 =	vshrl.u32 v23, $0x15  }
0x29b: {  	vm2 =	vlt.s32 v22, $0x400;
	vm1 =	vge.s32 v62, v20  }
0x29c: {  	v63 =	vshll.u32 v22, $0x4;
	vm1 =	vmand vm1, vm2  }
0x29d: {  	v24 =	vor.u32 v0, v63  }
0x29e: {  	p2 =	sne.s32 s31, $0x1F0  }
.Ltmp9:
0x29f: {  	_ = 	snop;
	(pc) =	sbr.rel @p2 .LBB2_20-.Ltmp9, $4  }
0x2a0: {  	_ = 	snop  }
0x2a1: {  	s0 =	sadd.s32 $0x20F, s0  }
0x2a2: {  	v25 =	vsel vm1, $0x1, v3;
	[tilespmem:v24+s15+$0x0] =	vst.idx.msk vm1, v23;
	v23 =	vmov s0  }
0x2a3: {  	s30 =	sadd.s32 $0x80, s30;
	s31 =	sadd.s32 $0x10, s31;
	v22 =	vadd.s32 v25, v22;
	[tilespmem:v24+s16+$0x0] =	vst.idx.msk vm1, v23  }
.Ltmp10:
0x2a4: {  	(pc) =	sbr.rel @p1 .LBB2_51-.Ltmp10, $1  }
0x2a5: {  	_ =	sdelay $0x3  }
.Ltmp11:
0x2a6: {  	(pc) =	sbr.rel .LBB2_17-.Ltmp11, $4  }
0x2a7: {  	s0 =	sadd.s32 s29, s25  }
0x2a8: {  	s0 =	sshrl.u32 s0, $0x3  }
0x2a9: {  	s28 =	sadd.s32 $0x1, s28;
	s26 =	sadd.s32 $0x400, s26;
	s0 =	sadd.s32 s1, s0  }
0x2aa: {  	[tilespmem:s11], [sflag:$0x2] =	stream.strided.gather [hbm4b:s0+s8], $0x2000, s9, s8, $0x38;
	[tilespmem:$0x1B900] =	vst v63  }
.LBB2_51:
0x2ab: {  	s0 =	simm.s32 $0x40;
	s24 =	simm.s32 $0x0  }
.LBB2_52:
0x2ac: {  	p1 =	seq.s32 s0, $0x3FC0;
	[tilespmem:s24+$0x8000] =	vst v3;
	s3 =	smov.u32 s0;
	s0 =	sadd.s32 $0x40, s0  }
.Ltmp12:
0x2ad: {  	(pc) =	sbr.rel @!p1 .LBB2_52-.Ltmp12, $2  }
0x2ae: {  	_ =	sdelay $0x2  }
0x2af: {  	s24 =	sshra.s32 s3, $0x2  }
0x2b0: {  	[tilespmem:s24+$0x8000] =	vst v3  }
0x2b1: {  	v23 =	vxor.u32 $0x80000000, v22  }
0x2b2: {  	(xrf0) =	vmax.scan.msk.u32 $0xffff, v23;
	_ =	sdelay $0x5  }
0x2b3: {  	v23, _, _ =	vpop (xrf0)  }
0x2b4: {  	(v2sf) =	vpush v23, $0xF;
	_ =	sdelay $0xe  }
0x2b5: {  	s0 =	spop (v2sf)  }
0x2b6: {  	s25 =	sxor.u32 $0x80000000, s0  }
0x2b7: {  	p1 =	sgt.s32 s25, $0x0  }
.Ltmp13:
0x2b8: {  	_ = 	snop;
	(pc) =	sbr.rel @!p1 .LBB2_27-.Ltmp13, $3  }
0x2b9: {  	_ =	sdelay $0x1  }
0x2ba: {  	p2 =	slt.s32 s25, $0x400;
	s24 =	smov.u32 s25  }
0x2bb: {  	s24 =	simm.s32 @!p2 $0x400  }
0x2bc: {  	s0 =	simm.s32 $0xD100  }
0x2bd: {  	v23 =	vld [tilespmem:s0+$0x0];
	_ =	sdelay $0x2  }
0x2be: {  	p2 =	sne.s32 s24, $0x1  }
.Ltmp14:
0x2bf: {  	s26 =	simm.s32 $0x0;
	(pc) =	sbr.rel @!p2 .LBB2_26-.Ltmp14, $4  }
0x2c0: {  	v24 =	vmov s26;
	v25 =	vshrl.u32 v23, $0x15  }
0x2c1: {  	vm1 =	vlt.s32 v24, v22;
	v23 =	vshrl.u32 v23, $0x9;
	vm2 =	veq.s32 v25, v20  }
0x2c2: {  	v23 =	vand.u32 $0xFF0, v23;
	vm1 =	vmand vm1, vm2  }
0x2c3: {  	s26 =	simm.s32 $0x1;
	v23 =	vor.u32 v0, v23  }
.LBB2_25:
0x2c4: {  	_ =	sdelay $0x3  }
0x2c5: {  	[tilespmem:v23+s17+$0x0] =	vst.idx.add.s32.msk vm1, v19;
	s0 =	sadd.s32 $0x10, s0;
	s3 =	smov.u32 s26;
	s26 =	sadd.s32 $0x1, s26  }
0x2c6: {  	v23 =	vld [tilespmem:s0+$0x0];
	p2 =	sne.s32 s24, s26;
	_ =	sdelay $0x3  }
.Ltmp15:
0x2c7: {  	(pc) =	sbr.rel @p2 .LBB2_25-.Ltmp15, $4  }
0x2c8: {  	v24 =	vmov s3;
	v25 =	vshrl.u32 v23, $0x15;
	v23 =	vshrl.u32 v23, $0x9  }
0x2c9: {  	vm1 =	vlt.s32 v24, v22;
	vm2 =	veq.s32 v25, v20;
	v23 =	vand.u32 $0xFF0, v23  }
0x2ca: {  	vm1 =	vmand vm1, vm2  }
0x2cb: {  	v23 =	vor.u32 v0, v23  }
.LBB2_26:
0x2cc: {  	_ =	sdelay $0x4  }
0x2cd: {  	[tilespmem:v23+s17+$0x0] =	vst.idx.add.s32.msk vm1, v19  }
.LBB2_27:
0x2ce: {  	s0 =	simm.s32 $0x8FF0  }
0x2cf: {  	p2 =	por $0x0, $0x0;
	v24 =	vld [tilespmem:s0+$0x0]  }
.Ltmp16:
0x2d0: {  	_ = 	snop;
	(pc) =	sbr.rel @p2 .LBB2_29-.Ltmp16, $3  }
0x2d1: {  	_ =	sdelay $0x1  }
0x2d2: {  	v23 =	vsub.s32 $0x40, v21;
	v21 =	vimm.s32 $0x0;
	vm1 =	vmmov vm0  }
0x2d3: {  	s26 =	simm.s32 $0xFE;
	s28 =	simm.s32 $0x8FE0;
	v25 =	vimm.s32 $0x0;
	v26 =	vimm.s32 $0x0;
	s0 =	simm.s32 $0xFF;
	v24 =	vadd.s32 v21, v24  }
.LBB2_28:
0x2d4: {  	v27 =	vld [tilespmem:s28+$0x0];
	p2 =	seq.s32 s26, $0x0;
	vm2 =	vmneg vm1;
	vm3 =	vge.s32 v24, v23;
	s3 =	smov.u32 s26;
	s26 =	sadd.s32 $0xFFFFFFFF, s26  }
.Ltmp17:
0x2d5: {  	vm2 =	vmand vm3, vm2;
	(pc) =	sbr.rel @!p2 .LBB2_28-.Ltmp17, $2  }
0x2d6: {  	v21 =	vsel vm2, s0, v21;
	v26 =	vsel vm2, v25, v26;
	v25 =	vmov v24;
	s0 =	smov.u32 s3;
	_ =	sdelay $0x2  }
0x2d7: {  	s28 =	sadd.s32 $0xFFFFFFF0, s28;
	vm1 =	vmor vm1, vm3;
	v24 =	vadd.s32 v24, v27  }
.LBB2_29:
0x2d8: {  	vm1 =	vmneg vm1;
	vm2 =	vge.s32 v24, v23  }
0x2d9: {  	vm1 =	vmand vm2, vm1  }
0x2da: {  	s26 =	simm.s32 $0x0;
	v21 =	vsel vm1, s0, v21;
	v24 =	vsel vm1, v25, v26;
	s0 =	simm.s32 $0x40  }
.LBB2_30:
0x2db: {  	p2 =	seq.s32 s0, $0x3FC0;
	[tilespmem:s26+$0x8000] =	vst v3;
	s3 =	smov.u32 s0;
	s0 =	sadd.s32 $0x40, s0  }
.Ltmp18:
0x2dc: {  	(pc) =	sbr.rel @!p2 .LBB2_30-.Ltmp18, $2  }
0x2dd: {  	_ =	sdelay $0x2  }
0x2de: {  	s26 =	sshra.s32 s3, $0x2  }
.Ltmp19:
0x2df: {  	(pc) =	sbr.rel @!p1 .LBB2_35-.Ltmp19, $3  }
0x2e0: {  	_ =	sdelay $0x1  }
0x2e1: {  	v20 =	vshll.u32 v20, $0x8  }
0x2e2: {  	[tilespmem:s26+$0x8000] =	vst v3;
	v21 =	vadd.s32 v20, v21  }
0x2e3: {  	s0 =	simm.s32 $0xD100  }
0x2e4: {  	v20 =	vld [tilespmem:s0+$0x0];
	_ =	sdelay $0x2  }
0x2e5: {  	p2 =	sne.s32 s24, $0x1  }
.Ltmp20:
0x2e6: {  	s26 =	simm.s32 $0x0;
	(pc) =	sbr.rel @!p2 .LBB2_34-.Ltmp20, $4  }
0x2e7: {  	v25 =	vmov s26;
	v26 =	vshrl.u32 v20, $0xD  }
0x2e8: {  	vm1 =	vlt.s32 v25, v22;
	v20 =	vshrl.u32 v20, $0x1;
	vm2 =	veq.s32 v26, v21  }
0x2e9: {  	v20 =	vand.u32 $0xFF0, v20;
	vm1 =	vmand vm1, vm2  }
0x2ea: {  	s26 =	simm.s32 $0x1;
	v20 =	vor.u32 v0, v20  }
.LBB2_33:
0x2eb: {  	_ =	sdelay $0x3  }
0x2ec: {  	[tilespmem:v20+s17+$0x0] =	vst.idx.add.s32.msk vm1, v19;
	s0 =	sadd.s32 $0x10, s0;
	s3 =	smov.u32 s26;
	s26 =	sadd.s32 $0x1, s26  }
0x2ed: {  	v20 =	vld [tilespmem:s0+$0x0];
	p2 =	sne.s32 s24, s26;
	_ =	sdelay $0x3  }
.Ltmp21:
0x2ee: {  	(pc) =	sbr.rel @p2 .LBB2_33-.Ltmp21, $4  }
0x2ef: {  	v25 =	vmov s3;
	v26 =	vshrl.u32 v20, $0xD;
	v20 =	vshrl.u32 v20, $0x1  }
0x2f0: {  	vm1 =	vlt.s32 v25, v22;
	vm2 =	veq.s32 v26, v21;
	v20 =	vand.u32 $0xFF0, v20  }
0x2f1: {  	vm1 =	vmand vm1, vm2  }
0x2f2: {  	v20 =	vor.u32 v0, v20  }
.LBB2_34:
0x2f3: {  	_ =	sdelay $0x4  }
0x2f4: {  	[tilespmem:v20+s17+$0x0] =	vst.idx.add.s32.msk vm1, v19  }
.LBB2_35:
0x2f5: {  	s0 =	simm.s32 $0x8FF0  }
0x2f6: {  	v25 =	vld [tilespmem:s0+$0x0];
	_ =	sdelay $0x3  }
0x2f7: {  	v20 =	vsub.s32 v23, v24;
	v23 =	vimm.s32 $0x0;
	vm1 =	vmmov vm0  }
0x2f8: {  	s26 =	simm.s32 $0xFE;
	s28 =	simm.s32 $0x8FE0;
	v24 =	vimm.s32 $0x0;
	s0 =	simm.s32 $0xFF;
	v26 =	vadd.s32 v23, v25;
	v25 =	vimm.s32 $0x0  }
.LBB2_36:
0x2f9: {  	v27 =	vld [tilespmem:s28+$0x0];
	p2 =	sne.s32 s26, $0x0;
	vm2 =	vmneg vm1;
	vm3 =	vge.s32 v26, v20;
	s3 =	smov.u32 s26;
	s26 =	sadd.s32 $0xFFFFFFFF, s26  }
.Ltmp22:
0x2fa: {  	vm2 =	vmand vm3, vm2;
	(pc) =	sbr.rel @p2 .LBB2_36-.Ltmp22, $2  }
0x2fb: {  	v23 =	vsel vm2, s0, v23;
	v25 =	vsel vm2, v24, v25;
	v24 =	vmov v26;
	s0 =	smov.u32 s3;
	_ =	sdelay $0x2  }
0x2fc: {  	s28 =	sadd.s32 $0xFFFFFFF0, s28;
	vm1 =	vmor vm1, vm3;
	v26 =	vadd.s32 v26, v27  }
0x2fd: {  	[tilespmem:$0x8000] =	vst v3  }
0x2fe: {  	[tilespmem:$0x8010] =	vst v3  }
0x2ff: {  	[tilespmem:$0x8020] =	vst v3  }
0x300: {  	[tilespmem:$0x8030] =	vst v3  }
0x301: {  	[tilespmem:$0x8040] =	vst v3  }
0x302: {  	[tilespmem:$0x8050] =	vst v3  }
0x303: {  	[tilespmem:$0x8060] =	vst v3  }
0x304: {  	[tilespmem:$0x8070] =	vst v3  }
0x305: {  	[tilespmem:$0x8080] =	vst v3  }
0x306: {  	[tilespmem:$0x8090] =	vst v3  }
0x307: {  	[tilespmem:$0x80A0] =	vst v3  }
0x308: {  	[tilespmem:$0x80B0] =	vst v3  }
0x309: {  	[tilespmem:$0x80C0] =	vst v3  }
0x30a: {  	[tilespmem:$0x80D0] =	vst v3  }
0x30b: {  	[tilespmem:$0x80E0] =	vst v3  }
0x30c: {  	[tilespmem:$0x80F0] =	vst v3  }
0x30d: {  	[tilespmem:$0x8100] =	vst v3  }
0x30e: {  	[tilespmem:$0x8110] =	vst v3  }
0x30f: {  	[tilespmem:$0x8120] =	vst v3  }
0x310: {  	[tilespmem:$0x8130] =	vst v3  }
0x311: {  	[tilespmem:$0x8140] =	vst v3  }
0x312: {  	[tilespmem:$0x8150] =	vst v3  }
0x313: {  	[tilespmem:$0x8160] =	vst v3  }
0x314: {  	[tilespmem:$0x8170] =	vst v3  }
0x315: {  	[tilespmem:$0x8180] =	vst v3  }
0x316: {  	[tilespmem:$0x8190] =	vst v3  }
0x317: {  	[tilespmem:$0x81A0] =	vst v3;
	p2 =	slt.s32 s25, $0x1  }
.Ltmp23:
0x318: {  	[tilespmem:$0x81B0] =	vst v3;
	(pc) =	sbr.rel @p2 .LBB2_41-.Ltmp23, $4  }
0x319: {  	vm1 =	vmneg vm1;
	vm2 =	vge.s32 v26, v20;
	[tilespmem:$0x81C0] =	vst v3  }
0x31a: {  	[tilespmem:$0x81D0] =	vst v3;
	vm1 =	vmand vm2, vm1  }
0x31b: {  	[tilespmem:$0x81E0] =	vst v3;
	v21 =	vshll.u32 v21, $0x8;
	v63 =	vsel vm1, s0, v23  }
0x31c: {  	[tilespmem:$0x81F0] =	vst v3;
	v23 =	vsel vm1, v24, v25;
	v21 =	vadd.s32 v21, v63  }
0x31d: {  	s0 =	simm.s32 $0xD100  }
0x31e: {  	v24 =	vld [tilespmem:s0+$0x0];
	_ =	sdelay $0x2  }
0x31f: {  	p2 =	sne.s32 s24, $0x1  }
.Ltmp24:
0x320: {  	s3 =	simm.s32 $0x0;
	(pc) =	sbr.rel @!p2 .LBB2_40-.Ltmp24, $4  }
0x321: {  	v25 =	vmov s3;
	v26 =	vshrl.u32 v24, $0x5  }
0x322: {  	vm1 =	vlt.s32 v25, v22;
	v24 =	vshll.u32 v24, $0x4;
	vm2 =	veq.s32 v26, v21  }
0x323: {  	v24 =	vor.u32 v0, v24;
	vm1 =	vmand vm1, vm2  }
0x324: {  	s25 =	simm.s32 $0x1;
	v24 =	vand.u32 $0x1FF, v24  }
.LBB2_39:
0x325: {  	_ =	sdelay $0x3  }
0x326: {  	[tilespmem:v24+s17+$0x0] =	vst.idx.add.s32.msk vm1, v19;
	s0 =	sadd.s32 $0x10, s0;
	s3 =	smov.u32 s25;
	s25 =	sadd.s32 $0x1, s25  }
0x327: {  	v24 =	vld [tilespmem:s0+$0x0];
	p2 =	sne.s32 s24, s25;
	_ =	sdelay $0x3  }
.Ltmp25:
0x328: {  	(pc) =	sbr.rel @p2 .LBB2_39-.Ltmp25, $4  }
0x329: {  	v25 =	vmov s3;
	v26 =	vshrl.u32 v24, $0x5;
	v24 =	vshll.u32 v24, $0x4  }
0x32a: {  	vm1 =	vlt.s32 v25, v22;
	vm2 =	veq.s32 v26, v21;
	v24 =	vor.u32 v0, v24  }
0x32b: {  	vm1 =	vmand vm1, vm2  }
0x32c: {  	v24 =	vand.u32 $0x1FF, v24  }
.LBB2_40:
0x32d: {  	_ =	sdelay $0x4  }
0x32e: {  	[tilespmem:v24+s17+$0x0] =	vst.idx.add.s32.msk vm1, v19  }
.LBB2_41:
0x32f: {  	s0 =	simm.s32 $0x81F0  }
0x330: {  	v24 =	vld [tilespmem:s0+$0x0];
	_ =	sdelay $0x3  }
0x331: {  	v23 =	vsub.s32 v20, v23;
	v20 =	vimm.s32 $0x0;
	vm1 =	vmmov vm0  }
0x332: {  	s25 =	simm.s32 $0x1E;
	s26 =	simm.s32 $0x81E0;
	v25 =	vimm.s32 $0x0;
	v26 =	vimm.s32 $0x0;
	s0 =	simm.s32 $0x1F;
	v24 =	vadd.s32 v20, v24  }
.LBB2_42:
0x333: {  	v27 =	vld [tilespmem:s26+$0x0];
	p2 =	sne.s32 s25, $0x0;
	vm2 =	vmneg vm1;
	vm3 =	vge.s32 v24, v23;
	s3 =	smov.u32 s25;
	s25 =	sadd.s32 $0xFFFFFFFF, s25  }
.Ltmp26:
0x334: {  	vm2 =	vmand vm3, vm2;
	(pc) =	sbr.rel @p2 .LBB2_42-.Ltmp26, $2  }
0x335: {  	v20 =	vsel vm2, s0, v20;
	v26 =	vsel vm2, v25, v26;
	v25 =	vmov v24;
	s0 =	smov.u32 s3;
	_ =	sdelay $0x2  }
0x336: {  	s26 =	sadd.s32 $0xFFFFFFF0, s26;
	vm1 =	vmor vm1, vm3;
	v24 =	vadd.s32 v24, v27  }
.Ltmp27:
0x337: {  	(pc) =	sbr.rel @!p1 .LBB2_46-.Ltmp27, $4  }
0x338: {  	_ = 	snop  }
0x339: {  	vm1 =	vmneg vm1;
	vm2 =	vge.s32 v24, v23  }
0x33a: {  	vm1 =	vmand vm2, vm1  }
0x33b: {  	v20 =	vsel vm1, s0, v20;
	v24 =	vsel vm1, v25, v26  }
0x33c: {  	v21 =	vshll.u32 v21, $0x5;
	s26 =	simm.s32 $0xD100  }
0x33d: {  	v20 =	vadd.s32 v21, v20;
	v21 =	vsub.s32 v23, v24;
	v23 =	vld [tilespmem:s26+$0x0];
	_ =	sdelay $0x3  }
0x33e: {  	v24 =	vimm.s32 $0x0  }
0x33f: {  	vm2 =	vlt.s32 v24, v21;
	vm1 =	veq.s32 v20, v23  }
0x340: {  	s25 =	simm.s32 $0x0;
	vm3 =	vlt.u32 v20, v23;
	vm1 =	vmand vm2, vm1  }
0x341: {  	v25 =	vmov s25;
	vm2 =	vmor vm3, vm1;
	vm3 =	vlt.s32 v24, $0x40  }
0x342: {  	vm4 =	vlt.s32 v25, v22;
	vm2 =	vmand vm3, vm2  }
0x343: {  	v25 =	vshll.u32 v24, $0x4;
	vm2 =	vmand vm4, vm2  }
0x344: {  	s0 =	simm.s32 $0x11100;
	v25 =	vor.u32 v0, v25  }
0x345: {  	p1 =	seq.s32 s24, $0x1;
	v26 =	vld [tilespmem:s0+$0x0]  }
.Ltmp28:
0x346: {  	_ = 	snop;
	(pc) =	sbr.rel @p1 .LBB2_46-.Ltmp28, $4  }
0x347: {  	_ = 	snop  }
0x348: {  	vm1 =	vmand vm4, vm1  }
0x349: {  	v27 =	vsel vm1, $0x1, v3;
	v28 =	vsel vm2, $0x1, v3;
	[tilespmem:v25+s18+$0x0] =	vst.idx.msk vm2, v23  }
0x34a: {  	s25 =	simm.s32 $0x1;
	s26 =	simm.s32 $0xD110;
	v23 =	vadd.s32 v27, v24;
	v24 =	vadd.s32 v28, v24;
	[tilespmem:v25+s19+$0x0] =	vst.idx.msk vm2, v26  }
.LBB2_45:
0x34b: {  	v25 =	vld [tilespmem:s26+$0x0];
	s3 =	smov.u32 s25  }
0x34c: {  	s25 =	sadd.s32 $0x1, s25  }
0x34d: {  	p1 =	seq.s32 s24, s25;
	_ =	sdelay $0x2  }
0x34e: {  	vm2 =	vlt.s32 v23, v21;
	v26 =	vmov s3;
	vm1 =	veq.s32 v20, v25  }
0x34f: {  	vm3 =	vlt.s32 v26, v22;
	vm4 =	vlt.u32 v20, v25;
	vm1 =	vmand vm2, vm1  }
0x350: {  	vm2 =	vmand vm3, vm1;
	vm1 =	vmor vm4, vm1;
	vm4 =	vlt.s32 v24, $0x40  }
0x351: {  	vm1 =	vmand vm4, vm1;
	v26 =	vsel vm2, $0x1, v3  }
0x352: {  	v27 =	vshll.u32 v24, $0x4;
	vm1 =	vmand vm3, vm1;
	v23 =	vadd.s32 v26, v23  }
0x353: {  	s0 =	sadd.s32 $0x10, s0;
	v26 =	vor.u32 v0, v27;
	v27 =	vsel vm1, $0x1, v3  }
0x354: {  	v28 =	vld [tilespmem:s0+$0x0];
	v24 =	vadd.s32 v27, v24  }
.Ltmp29:
0x355: {  	(pc) =	sbr.rel @!p1 .LBB2_45-.Ltmp29, $3  }
0x356: {  	_ =	sdelay $0x1  }
0x357: {  	[tilespmem:v26+s18+$0x0] =	vst.idx.msk vm1, v25  }
0x358: {  	s26 =	sadd.s32 $0x10, s26;
	[tilespmem:v26+s19+$0x0] =	vst.idx.msk vm1, v28  }
.LBB2_46:
0x359: {  	s0 =	sadd.s32 s23, s5  }
0x35a: {  	s0 =	smul.u32 $0xC000, s0;
	_ =	sdelay $0x1  }
0x35b: {  	s23 =	simm.s32 $0x0;
	s0 =	sadd.s32 s0, s4  }
.LBB2_47:
0x35c: {  	v20 =	vor.u32 s23, v1;
	_ =	sdelay $0x4  }
0x35d: {  	v21 =	vld.idx.msk [tilespmem:v20+s19+$0x0], $0xffff;
	_ =	sdelay $0x4  }
0x35e: {  	vm1 =	vgt.s32 v21, $0x0  }
0x35f: {  	v21 =	vnsel vm1, $0x0, v21  }
0x360: {  	v23 =	vor.u32 $0x100, v1;
	v22 =	vld.idx.msk [tilespmem:v20+s18+$0x0], $0xffff;
	v21 =	vmin.u32 v21, $0x5FFF  }
0x361: {  	v23 =	vor.u32 s23, v23;
	_ =	sdelay $0x3  }
0x362: {  	[tilespmem:v21+s20+$0x0] =	vst.idx.msk $0xffff, v22  }
0x363: {  	v21 =	vld.idx.msk [tilespmem:v23+s19+$0x0], $0xffff;
	_ =	sdelay $0x4  }
0x364: {  	vm1 =	vgt.s32 v21, $0x0  }
0x365: {  	v21 =	vnsel vm1, $0x0, v21  }
0x366: {  	v24 =	vor.u32 $0x200, v1;
	v22 =	vld.idx.msk [tilespmem:v23+s18+$0x0], $0xffff;
	v21 =	vmin.u32 v21, $0x5FFF  }
0x367: {  	v24 =	vor.u32 s23, v24;
	_ =	sdelay $0x3  }
0x368: {  	[tilespmem:v21+s20+$0x0] =	vst.idx.msk $0xffff, v22  }
0x369: {  	v21 =	vld.idx.msk [tilespmem:v24+s19+$0x0], $0xffff;
	_ =	sdelay $0x4  }
0x36a: {  	vm1 =	vgt.s32 v21, $0x0  }
0x36b: {  	v21 =	vnsel vm1, $0x0, v21  }
0x36c: {  	v25 =	vor.u32 $0x300, v1;
	v22 =	vld.idx.msk [tilespmem:v24+s18+$0x0], $0xffff;
	v21 =	vmin.u32 v21, $0x5FFF  }
0x36d: {  	v25 =	vor.u32 s23, v25;
	_ =	sdelay $0x3  }
0x36e: {  	[tilespmem:v21+s20+$0x0] =	vst.idx.msk $0xffff, v22  }
0x36f: {  	v21 =	vld.idx.msk [tilespmem:v25+s19+$0x0], $0xffff;
	_ =	sdelay $0x4  }
0x370: {  	vm1 =	vgt.s32 v21, $0x0  }
0x371: {  	v21 =	vnsel vm1, $0x0, v21  }
0x372: {  	v22 =	vld.idx.msk [tilespmem:v25+s18+$0x0], $0xffff;
	v21 =	vmin.u32 v21, $0x5FFF;
	_ =	sdelay $0x4  }
0x373: {  	[tilespmem:v21+s20+$0x0] =	vst.idx.msk $0xffff, v22  }
0x374: {  	[hbm4b:s0+s2] =	stream.linear.scatter [tilespmem:s20], [sflag:$0x3], $0x6000, $0x38;
	[tilespmem:$0x1B900] =	vst v63  }
0x375: {  	_ =	swait.ge [sflag:s21], $0x6000  }
0x376: {  	[sflag:s21] =	ssyncset.done $0x0  }
0x377: {  	[sflag:s21] =	ssyncadd.s32 $0xFFFFA000  }
0x378: {  	v20 =	vld.idx.msk [tilespmem:v20+s19+$0x0], $0xffff;
	_ =	sdelay $0x4  }
0x379: {  	vm1 =	vgt.s32 v20, $0x0  }
0x37a: {  	v20 =	vnsel vm1, $0x0, v20  }
0x37b: {  	v20 =	vmin.u32 v20, $0x5FFF;
	_ =	sdelay $0x4  }
0x37c: {  	[tilespmem:v20+s20+$0x0] =	vst.idx.msk $0xffff, v2  }
0x37d: {  	v20 =	vld.idx.msk [tilespmem:v23+s19+$0x0], $0xffff;
	_ =	sdelay $0x4  }
0x37e: {  	vm1 =	vgt.s32 v20, $0x0  }
0x37f: {  	v20 =	vnsel vm1, $0x0, v20  }
0x380: {  	v20 =	vmin.u32 v20, $0x5FFF;
	_ =	sdelay $0x4  }
0x381: {  	[tilespmem:v20+s20+$0x0] =	vst.idx.msk $0xffff, v2  }
0x382: {  	v20 =	vld.idx.msk [tilespmem:v24+s19+$0x0], $0xffff;
	_ =	sdelay $0x4  }
0x383: {  	vm1 =	vgt.s32 v20, $0x0  }
0x384: {  	v20 =	vnsel vm1, $0x0, v20  }
0x385: {  	v20 =	vmin.u32 v20, $0x5FFF;
	_ =	sdelay $0x4  }
0x386: {  	[tilespmem:v20+s20+$0x0] =	vst.idx.msk $0xffff, v2  }
0x387: {  	v20 =	vld.idx.msk [tilespmem:v25+s19+$0x0], $0xffff;
	_ =	sdelay $0x4  }
0x388: {  	vm1 =	vgt.s32 v20, $0x0  }
0x389: {  	v20 =	vnsel vm1, $0x0, v20  }
0x38a: {  	p1 =	sne.s32 s23, $0xF;
	v20 =	vmin.u32 v20, $0x5FFF  }
.Ltmp30:
0x38b: {  	_ = 	snop;
	(pc) =	sbr.rel @p1 .LBB2_47-.Ltmp30, $2  }
0x38c: {  	_ =	sdelay $0x2  }
0x38d: {  	s23 =	sadd.s32 $0x1, s23;
	s0 =	sadd.s32 $0xC00, s0;
	[tilespmem:v20+s20+$0x0] =	vst.idx.msk $0xffff, v2  }
.Ltmp31:
0x38e: {  	(pc) =	sbr.rel @p0 .LBB2_4-.Ltmp31, $2  }
0x38f: {  	_ =	sdelay $0x2  }
0x390: {  	s23 =	simm.s32 $0x1;
	p1 =	por $0x0, $0x0  }
0x391: {  	s22 =	sadd.s32 $0x1, s22;
	s0 =	rddreg [dreg:$0x3]  }
0x392: {  	p0 =	sne.s32 s22, s0  }
.Ltmp32:
0x393: {  	_ = 	snop;
	(pc) =	sbr.rel @p0 .LBB2_1-.Ltmp32, $1  }
0x394: {  	_ =	sdelay $0x3  }
0x395: {  	_ =	sfence.sel $0x180000  }
0x396: {  	[bflag:$0x0] =	sbarrier.arrive $0xFFFF  }
0x397: {  	_ =	strace $0x90000047  }
0x398: {  	s0 =	stileid.u32;
	[bflag:$0x2] =	sbarrier.arrive $0xFFFF  }
0x399: {  	p0 =	sne.s32 s0, $0x0;
	s0 =	rddreg [dreg:$0x2]  }
0x39a: {  	s0 =	sadd.s32 @!p0 $0x100000, s0  }
0x39b: {  	[sflag:s0] =	ssyncadd.tile.s32 @!p0 $0x1;
	_ =	shalt  }
.Lfunc_end2:
_tile_overlayer_lowered:
.L_overlay_start_2:
0x39c: {  	(tag) =	ssettag $0x2  }
0x39d: {  	s0 =	rddreg [dreg:$0x0];
	s2 =	stileid.u32  }
0x39e: {  	s1 =	rddreg [dreg:$0x1];
	p0 =	sne.s32 s2, $0x0  }
0x39f: {  	s3 =	rddreg [dreg:$0x2];
	[bflag:$0x3] =	sbarrier.arrive $0xFFFF;
	s2 =	simm.s32 @!p0 $0x1C03  }
0x3a0: {  	[timem:s3], [sflag:s2] =	dma.local @!p0 [hbm:s0], s1  }
0x3a1: {  	s0 =	simm.s32 @!p0 $0x3  }
0x3a2: {  	_ =	swait.ge @!p0 [sflag:s0], s1  }
0x3a3: {  	s1 =	ssub.s32 @!p0 $0x0, s1;
	[sflag:s0] =	ssyncset.done @!p0 $0x0  }
0x3a4: {  	[sflag:s0] =	ssyncadd.s32 @!p0 s1  }
0x3a5: {  	[bflag:$0x3] =	sbarrier.arrive $0xFFFF  }
0x3a6: {  	_ =	shalt  }

</sc_bundles>
